<compile_context>
chip_gen: v7x
topology: tpu7x:2x2x1
jax: 0.10.2.dev20260603
libtpu: 0.0.44.dev20260713+nightly
codegen_flags: <defaults>
</compile_context>

<pallas_src>
import functools

import jax
import jax.numpy as jnp
import numpy as np
from jax import lax
from jax.experimental import pallas as pl
from jax.experimental.pallas import tpu as pltpu
from jax.experimental.pallas import tpu_sc as plsc

_L = 16
_NS = 16
_NL = 100000
_NB = 16384
_LCH = 6256
_NPAD = _NS * _LCH
_TCH = _NB // _NS
_TC2 = _NB // (2 * _NS)
_KS = 9
_SIGMA = 1.0

_half = (_KS - 1) // 2
_x = np.arange(-_half, _half + 1, dtype=np.float64)
_kw = np.exp(-0.5 * (_x / _SIGMA) ** 2)
_KW = [float(v) for v in (_kw / _kw.max()).astype(np.float32)]


def _sc_body(labels_hbm, input_hbm, target_hbm, out_hbm,
             lab_v, inp_v, tgt_v, histflat_v, hist_v, histpad_v, sd_v,
             edges_v, stage_v, tmpa_v, tmpb_v, tmph_v, outrow_v,
             mm_min_sh, mm_max_sh, hist_sh):
    cid = lax.axis_index("c")
    sid = lax.axis_index("s")
    lanes = lax.broadcasted_iota(jnp.int32, (_L,), 0)

    def _xlane(v, op):
        s = v[0]
        for r in range(1, _L):
            s = op(s, v[r])
        return jnp.full((_L,), s)

    zeros = jnp.zeros((_L,), jnp.float32)
    ones = jnp.ones((_L,), jnp.float32)
    inf = jnp.full((_L,), jnp.inf, jnp.float32)
    ninf = jnp.full((_L,), -jnp.inf, jnp.float32)

    base = sid * _LCH
    pltpu.sync_copy(labels_hbm.at[pl.ds(base, _LCH)], lab_v)

    def mm_chunk(off, carry):
        mn, mx = carry
        v = lab_v[pl.ds(off, _L)]
        valid = (base + off + lanes) < _NL
        mn = jnp.minimum(mn, jnp.where(valid, v, inf))
        mx = jnp.maximum(mx, jnp.where(valid, v, ninf))
        return mn, mx

    _NCH = _LCH // _L
    _NC2 = _NCH // 2

    def mm_body(i, carry):
        carry = mm_chunk(2 * i * _L, carry)
        return mm_chunk((2 * i + 1) * _L, carry)

    mn, mx = lax.fori_loop(0, _NC2, mm_body, (inf, ninf))
    mn, mx = mm_chunk((_NCH - 1) * _L, (mn, mx))
    stage_v[0, :] = _xlane(mn, jnp.minimum)
    stage_v[1, :] = _xlane(mx, jnp.maximum)
    pltpu.sync_copy(stage_v.at[pl.ds(0, 1)], mm_min_sh.at[pl.ds(sid, 1)])
    pltpu.sync_copy(stage_v.at[pl.ds(1, 1)], mm_max_sh.at[pl.ds(sid, 1)])
    plsc.subcore_barrier()

    pltpu.sync_copy(mm_min_sh, tmpa_v)
    pltpu.sync_copy(mm_max_sh, tmpb_v)
    gmin = tmpa_v[0, :]
    gmax = tmpb_v[0, :]
    for r in range(1, _NS):
        gmin = jnp.minimum(gmin, tmpa_v[r, :])
        gmax = jnp.maximum(gmax, tmpb_v[r, :])

    nbi = ((gmax - gmin) / jnp.float32(0.1)).astype(jnp.int32)
    nbf = nbi.astype(jnp.float32)
    invr = nbf / (gmax - gmin)

    for j in range(9):
        jv = j * _L + lanes
        step = jv.astype(jnp.float32) / nbf
        e = gmin * (1.0 - step) + gmax * step
        e = jnp.where(jv == nbi, gmax, e)
        e = jnp.where(jv > nbi, inf, e)
        edges_v[pl.ds(j * _L, _L)] = e

    def bidx(v):
        c = jnp.clip(((v - gmin) * invr).astype(jnp.int32), 0, nbi - 1)
        e0 = plsc.load_gather(edges_v, [c])
        e1 = plsc.load_gather(edges_v, [c + 1])
        t = c - (e0 > v).astype(jnp.int32) + (e1 <= v).astype(jnp.int32)
        return jnp.where(t < 0, nbi - 1, jnp.minimum(t, nbi - 1))

    def zero_body(i, _):
        histflat_v[pl.ds(i * _L, _L)] = zeros
        return 0

    lax.fori_loop(0, (_NS * 128) // _L, zero_body, 0)

    def hist_chunk(off):
        v = lab_v[pl.ds(off, _L)]
        valid = (base + off + lanes) < _NL
        idx = bidx(v)
        plsc.addupdate_scatter(histflat_v, [lanes * 128 + idx], ones,
                               mask=valid)

    def hist_body(i, _):
        hist_chunk(2 * i * _L)
        hist_chunk((2 * i + 1) * _L)
        return 0

    lax.fori_loop(0, _NC2, hist_body, 0)
    hist_chunk((_NCH - 1) * _L)

    for j in range(8):
        acc = histflat_v[pl.ds(j * _L, _L)]
        for r in range(1, _NS):
            acc = acc + histflat_v[pl.ds(r * 128 + j * _L, _L)]
        hist_v[0, pl.ds(j * _L, _L)] = acc
    pltpu.sync_copy(hist_v, hist_sh.at[pl.ds(sid, 1)])
    plsc.subcore_barrier()

    pltpu.sync_copy(hist_sh, tmph_v)
    for j in range(10):
        histpad_v[pl.ds(j * _L, _L)] = zeros
    for j in range(8):
        acc = tmph_v[0, pl.ds(j * _L, _L)]
        for r in range(1, _NS):
            acc = acc + tmph_v[r, pl.ds(j * _L, _L)]
        histpad_v[pl.ds(_L + j * _L, _L)] = acc

    for j in range(8):
        s = zeros
        for k in range(_KS):
            tap = plsc.load_gather(
                histpad_v, [_L + j * _L + (k - _half) + lanes])
            s = s + jnp.float32(_KW[k]) * tap
        sd_v[pl.ds(j * _L, _L)] = s

    acc = zeros
    for j in range(8):
        h = histpad_v[pl.ds(_L + j * _L, _L)]
        s = sd_v[pl.ds(j * _L, _L)]
        acc = acc + jnp.where(h > 0.0, h / s, 0.0)
    scaling = jnp.float32(_NL) / _xlane(acc, jnp.add)

    tb = (cid * _NS + sid) * _TC2
    pltpu.sync_copy(input_hbm.at[pl.ds(tb, _TC2)], inp_v)
    pltpu.sync_copy(target_hbm.at[pl.ds(tb, _TC2)], tgt_v)

    def tgt_body(i, carry):
        acc_a, acc_b, acc_w = carry
        tv = tgt_v[pl.ds(i * _L, _L)]
        iv = inp_v[pl.ds(i * _L, _L)]
        kw = plsc.load_gather(sd_v, [bidx(tv)])
        isz = kw == 0.0
        w = jnp.where(isz, zeros, 1.0 / kw)
        d = iv - tv
        loss = d * d
        acc_a = acc_a + jnp.where(isz, zeros, loss * w)
        acc_b = acc_b + jnp.where(isz, loss, zeros)
        acc_w = jnp.maximum(acc_w, jnp.where(isz, ninf, w))
        return acc_a, acc_b, acc_w

    acc_a, acc_b, acc_w = lax.fori_loop(
        0, _TC2 // _L, tgt_body, (zeros, zeros, ninf))

    xa = _xlane(acc_a, jnp.add)
    xb = _xlane(acc_b, jnp.add)
    xw = _xlane(acc_w, jnp.maximum)
    vals = jnp.where(lanes == 0, xa,
                     jnp.where(lanes == 1, xb,
                               jnp.where(lanes == 2, xw,
                                         jnp.where(lanes == 3, scaling,
                                                   zeros))))
    outrow_v[0, :] = vals
    pltpu.sync_copy(outrow_v, out_hbm.at[pl.ds(cid * _NS + sid, 1)])


@jax.jit
def _ldsloss(labels_pad, inp, tgt):
    mesh = plsc.VectorSubcoreMesh(core_axis_name="c", subcore_axis_name="s",
                                  num_cores=2, num_subcores=_NS)
    f = pl.kernel(
        _sc_body,
        out_type=jax.ShapeDtypeStruct((2 * _NS, _L), jnp.float32),
        mesh=mesh,
        compiler_params=pltpu.CompilerParams(needs_layout_passes=False),
        scratch_types=[
            pltpu.VMEM((_LCH,), jnp.float32),
            pltpu.VMEM((_TC2,), jnp.float32),
            pltpu.VMEM((_TC2,), jnp.float32),
            pltpu.VMEM((_NS * 128,), jnp.float32),
            pltpu.VMEM((1, 128), jnp.float32),
            pltpu.VMEM((160,), jnp.float32),
            pltpu.VMEM((128,), jnp.float32),
            pltpu.VMEM((144,), jnp.float32),
            pltpu.VMEM((2, _L), jnp.float32),
            pltpu.VMEM((_NS, _L), jnp.float32),
            pltpu.VMEM((_NS, _L), jnp.float32),
            pltpu.VMEM((_NS, 128), jnp.float32),
            pltpu.VMEM((1, _L), jnp.float32),
            pltpu.VMEM_SHARED((_NS, _L), jnp.float32),
            pltpu.VMEM_SHARED((_NS, _L), jnp.float32),
            pltpu.VMEM_SHARED((_NS, 128), jnp.float32),
        ],
    )
    rows = f(labels_pad, inp, tgt)
    av = jnp.sum(rows[:, 0])
    bv = jnp.sum(rows[:, 1])
    wv = jnp.max(rows[:, 2])
    scaling = rows[0, 3]
    wsafe = jnp.where(bv > 0.0, wv, jnp.float32(0.0))
    return (av + wsafe * bv) * scaling / jnp.float32(_NB)


def kernel(input, target, labels):
    labs = jnp.concatenate(
        [labels[:, 0], jnp.zeros((_NPAD - _NL,), jnp.float32)])
    return _ldsloss(labs, input[:, 0], target[:, 0])

# --- scband reference (transcript-rebuilt; emitter-appended) ---
"""Pipeline reference for scband-ldsloss-5463198400818 (READ-ONLY COPY).

The authoritative reference and input builder live on the scoring server;
editing this copy changes nothing except your own understanding.
"""

import jax, jax.numpy as jnp
import numpy as np

KS = 9
SIGMA = 1.0
N_LABELS = 100000
B = 16384
NBINS_MAX = 128


def _kernel_window():
    half = (KS - 1) // 2
    x = np.arange(-half, half + 1, dtype=np.float64)
    kw = np.exp(-0.5 * (x / SIGMA) ** 2)
    return jnp.asarray(kw / kw.max(), dtype=jnp.float32)


def setup_inputs(seed: int = 0) -> dict:
    key = jax.random.key(seed)
    k1, k2 = jax.random.split(key)
    inp = {}
    inp["input"] = jax.random.normal(k1, (B, 1), dtype=jnp.float32)
    u = jax.random.uniform(k2, (B, 1), dtype=jnp.float32)
    inp["target"] = (u ** 2) * 10.0
    rng = np.random.default_rng(42)
    labels = (rng.uniform(size=(N_LABELS, 1)).astype(np.float32) ** 2) * 10.0
    inp["labels"] = jnp.asarray(labels)
    return inp


def _stats(labels):
    # mirrors __init__: bins = int((max-min)/0.1); histogramdd; gaussian smooth
    a = labels[:, 0]
    lmin = a.min()
    lmax = a.max()
    nbins = jnp.floor((lmax - lmin) / jnp.float32(0.1)).astype(jnp.int32)
    pos = jnp.arange(NBINS_MAX + 1)
    step = pos.astype(jnp.float32) / nbins.astype(jnp.float32)
    edges = lmin * (1.0 - step) + lmax * step
    edges = jnp.where(pos == nbins, lmax, edges)
    edges = jnp.where(pos > nbins, jnp.inf, edges)
    bin_idx = jnp.searchsorted(edges, a, side="right")
    bin_idx = jnp.where(a == lmax, nbins, bin_idx)
    hist = jnp.zeros(NBINS_MAX + 1, dtype=jnp.float32).at[bin_idx].add(jnp.ones_like(a))[1:]
    # scipy.ndimage.convolve1d(hist, kw, mode='constant') == zero-padded 'same' conv
    sd = jnp.convolve(hist.astype(jnp.float32), _kernel_window(), mode="same")
    return sd, edges, nbins


def _get_kernel_weights(vals, sd, edges, nbins):
    # torch: first idx where label < edges, minus 1; if none -> len(edges)-2
    ss = jnp.searchsorted(edges, vals[:, 0], side="right")
    idx = jnp.minimum(ss - 1, nbins - 1)
    idx = jnp.mod(idx, nbins)  # -1 wraps to last, matching torch negative indexing
    return sd[idx]


def reference(input, target, labels):
    sd, edges, nbins = _stats(labels)
    # scaling computed at init from training labels
    kw_l = _get_kernel_weights(labels, sd, edges, nbins)
    w_l = 1.0 / kw_l
    scaling = w_l.shape[0] / jnp.sum(w_l)
    # forward
    kw_t = _get_kernel_weights(target, sd, edges, nbins)
    w = 1.0 / kw_t
    mask = jnp.isinf(w)
    wmax = jnp.max(jnp.where(mask, -jnp.inf, w))
    w = jnp.where(mask, wmax, w)
    w = (w * scaling)[:, None]
    loss = (input - target) ** 2  # nn.MSELoss(reduction='none')
    return jnp.mean(loss * w)

if __name__ == "__main__":
    import jax
    _d = setup_inputs()
    print(jax.jit(kernel)(*tuple(_d.values())))

</pallas_src>

<mosaic_0001>
#map = affine_map<(d0, d1) -> (0)>
#map1 = affine_map<(d0, d1) -> (0, 0)>
module attributes {stable_mosaic.version = 14 : i64} {
  func.func @_sc_body(%arg0: i32, %arg1: i32, %arg2: memref<100096xf32, #tpu.memory_space<hbm>>, %arg3: memref<16384xf32, #tpu.memory_space<hbm>>, %arg4: memref<16384xf32, #tpu.memory_space<hbm>>, %arg5: memref<32x16xf32, #tpu.memory_space<hbm>>, %arg6: memref<6256xf32, #tpu.memory_space<vmem>>, %arg7: memref<512xf32, #tpu.memory_space<vmem>>, %arg8: memref<512xf32, #tpu.memory_space<vmem>>, %arg9: memref<2048xf32, #tpu.memory_space<vmem>>, %arg10: memref<1x128xf32, #tpu.memory_space<vmem>>, %arg11: memref<160xf32, #tpu.memory_space<vmem>>, %arg12: memref<128xf32, #tpu.memory_space<vmem>>, %arg13: memref<144xf32, #tpu.memory_space<vmem>>, %arg14: memref<2x16xf32, #tpu.memory_space<vmem>>, %arg15: memref<16x16xf32, #tpu.memory_space<vmem>>, %arg16: memref<16x16xf32, #tpu.memory_space<vmem>>, %arg17: memref<16x128xf32, #tpu.memory_space<vmem>>, %arg18: memref<1x16xf32, #tpu.memory_space<vmem>>, %arg19: memref<16x16xf32, #tpu.memory_space<vmem_shared>>, %arg20: memref<16x16xf32, #tpu.memory_space<vmem_shared>>, %arg21: memref<16x128xf32, #tpu.memory_space<vmem_shared>>) attributes {dimension_semantics = [#tpu.dimension_semantics<core_parallel>, #tpu.dimension_semantics<subcore_parallel>], iteration_bounds = array<i64: 2, 16>, scalar_prefetch = 0 : i64, scratch_operands = 16 : i64, tpu.core_type = #tpu.core_type<sc_vector_subcore>, window_params = [{transform_indices = #map}, {transform_indices = #map}, {transform_indices = #map}, {transform_indices = #map1}]} {
    %iota3A = tpu.iota {dimensions = array<i32: 0>} : vector<16xi32>
    %broadcast_in_dim3A = arith.constant 0.000000e+00 : f32
    %broadcast_in_dim3A_0 = vector.broadcast %broadcast_in_dim3A : f32 to vector<16xf32>
    %broadcast_in_dim3A_1 = arith.constant 1.000000e+00 : f32
    %broadcast_in_dim3A_2 = vector.broadcast %broadcast_in_dim3A_1 : f32 to vector<16xf32>
    %broadcast_in_dim3A_3 = arith.constant 0x7F800000 : f32
    %broadcast_in_dim3A_4 = vector.broadcast %broadcast_in_dim3A_3 : f32 to vector<16xf32>
    %broadcast_in_dim3A_5 = arith.constant 0xFF800000 : f32
    %broadcast_in_dim3A_6 = vector.broadcast %broadcast_in_dim3A_5 : f32 to vector<16xf32>
    %mul3A = arith.constant 6256 : i32
    %mul3A_7 = arith.muli %arg1, %mul3A : i32
    "tpu.region"() ({
      %run_scoped3A = tpu.sem_alloc : memref<!tpu.dma_semaphore, #tpu.memory_space<semaphore_mem>>
      %dma_start3A = tpu.memref_slice %arg2[%mul3A_7] : memref<100096xf32, #tpu.memory_space<hbm>> -> memref<6256xf32, #tpu.memory_space<hbm>>
      %dma_start3A_2485 = tpu.memref_slice %arg2[%mul3A_7] : memref<100096xf32, #tpu.memory_space<hbm>> -> memref<6256xf32, #tpu.memory_space<hbm>>
      tpu.enqueue_dma source(%dma_start3A_2485 : memref<6256xf32, #tpu.memory_space<hbm>>) target(%arg6 : memref<6256xf32, #tpu.memory_space<vmem>>) target_semaphore(%run_scoped3A : memref<!tpu.dma_semaphore, #tpu.memory_space<semaphore_mem>>)
      %dma_wait3A = tpu.memref_slice %arg2[%mul3A_7] : memref<100096xf32, #tpu.memory_space<hbm>> -> memref<6256xf32, #tpu.memory_space<hbm>>
      %dma_wait3A_2486 = tpu.memref_slice %arg2[%mul3A_7] : memref<100096xf32, #tpu.memory_space<hbm>> -> memref<6256xf32, #tpu.memory_space<hbm>>
      tpu.wait_dma2 semaphore(%run_scoped3A : memref<!tpu.dma_semaphore, #tpu.memory_space<semaphore_mem>>) src(%dma_wait3A_2486 : memref<6256xf32, #tpu.memory_space<hbm>>) dst(%arg6 : memref<6256xf32, #tpu.memory_space<vmem>>)
      tpu.yield
    }) : () -> ()
    %scan3A = arith.constant 0 : i32
    %scan3A_8 = arith.constant 195 : i32
    %scan3A_9 = arith.addi %scan3A, %scan3A_8 : i32
    %scan3A_10 = arith.constant 1 : i32
    %scan3A_11:2 = scf.for %scan3A_2485 = %scan3A to %scan3A_9 step %scan3A_10 iter_args(%scan3A_2486 = %broadcast_in_dim3A_4, %scan3A_2487 = %broadcast_in_dim3A_6) -> (vector<16xf32>, vector<16xf32>)  : i32 {
      %mul3A_2488 = arith.constant 2 : i32
      %mul3A_2489 = arith.muli %mul3A_2488, %scan3A_2485 : i32
      %mul3A_2490 = arith.constant 16 : i32
      %mul3A_2491 = arith.muli %mul3A_2489, %mul3A_2490 : i32
      %get3A_2492 = arith.index_cast %mul3A_2491 : i32 to index
      %get3A_2493 = tpu.vector_load %arg6[%get3A_2492] {strides = array<i32>} : memref<6256xf32, #tpu.memory_space<vmem>>, vector<16xf32>,
      %add3A_2494 = arith.addi %mul3A_7, %mul3A_2491 : i32
      %add3A_2495 = vector.broadcast %add3A_2494 : i32 to vector<16xi32>
      %add3A_2496 = arith.addi %add3A_2495, %iota3A : vector<16xi32>
      %lt3A_2497 = arith.constant 100000 : i32
      %lt3A_2498 = vector.broadcast %lt3A_2497 : i32 to vector<16xi32>
      %lt3A_2499 = arith.cmpi slt, %add3A_2496, %lt3A_2498 : vector<16xi32>
      %select_n3A_2500 = arith.select %lt3A_2499, %get3A_2493, %broadcast_in_dim3A_4 : vector<16xi1>, vector<16xf32>
      %min3A_2501 = arith.minimumf %scan3A_2486, %select_n3A_2500 : vector<16xf32>
      %select_n3A_2502 = arith.select %lt3A_2499, %get3A_2493, %broadcast_in_dim3A_6 : vector<16xi1>, vector<16xf32>
      %max3A_2503 = arith.maximumf %scan3A_2487, %select_n3A_2502 : vector<16xf32>
      %mul3A_2504 = arith.constant 2 : i32
      %mul3A_2505 = arith.muli %mul3A_2504, %scan3A_2485 : i32
      %add3A_2506 = arith.constant 1 : i32
      %add3A_2507 = arith.addi %mul3A_2505, %add3A_2506 : i32
      %mul3A_2508 = arith.constant 16 : i32
      %mul3A_2509 = arith.muli %add3A_2507, %mul3A_2508 : i32
      %get3A_2510 = arith.index_cast %mul3A_2509 : i32 to index
      %get3A_2511 = tpu.vector_load %arg6[%get3A_2510] {strides = array<i32>} : memref<6256xf32, #tpu.memory_space<vmem>>, vector<16xf32>,
      %add3A_2512 = arith.addi %mul3A_7, %mul3A_2509 : i32
      %add3A_2513 = vector.broadcast %add3A_2512 : i32 to vector<16xi32>
      %add3A_2514 = arith.addi %add3A_2513, %iota3A : vector<16xi32>
      %lt3A_2515 = arith.constant 100000 : i32
      %lt3A_2516 = vector.broadcast %lt3A_2515 : i32 to vector<16xi32>
      %lt3A_2517 = arith.cmpi slt, %add3A_2514, %lt3A_2516 : vector<16xi32>
      %select_n3A_2518 = arith.select %lt3A_2517, %get3A_2511, %broadcast_in_dim3A_4 : vector<16xi1>, vector<16xf32>
      %min3A_2519 = arith.minimumf %min3A_2501, %select_n3A_2518 : vector<16xf32>
      %select_n3A_2520 = arith.select %lt3A_2517, %get3A_2511, %broadcast_in_dim3A_6 : vector<16xi1>, vector<16xf32>
      %max3A_2521 = arith.maximumf %max3A_2503, %select_n3A_2520 : vector<16xf32>
      scf.yield %min3A_2519, %max3A_2521 : vector<16xf32>, vector<16xf32>
    }
    %scan3A_12 = arith.constant 195 : i32
    %get3A = arith.constant 6240 : index
    %get3A_13 = tpu.vector_load %arg6[%get3A] {strides = array<i32>} : memref<6256xf32, #tpu.memory_space<vmem>>, vector<16xf32>,
    %add3A = arith.constant 6240 : i32
    %add3A_14 = arith.addi %mul3A_7, %add3A : i32
    %add3A_15 = vector.broadcast %add3A_14 : i32 to vector<16xi32>
    %add3A_16 = arith.addi %add3A_15, %iota3A : vector<16xi32>
    %lt3A = arith.constant 100000 : i32
    %lt3A_17 = vector.broadcast %lt3A : i32 to vector<16xi32>
    %lt3A_18 = arith.cmpi slt, %add3A_16, %lt3A_17 : vector<16xi32>
    %select_n3A = arith.select %lt3A_18, %get3A_13, %broadcast_in_dim3A_4 : vector<16xi1>, vector<16xf32>
    %min3A = arith.minimumf %scan3A_11#0, %select_n3A : vector<16xf32>
    %select_n3A_19 = arith.select %lt3A_18, %get3A_13, %broadcast_in_dim3A_6 : vector<16xi1>, vector<16xf32>
    %max3A = arith.maximumf %scan3A_11#1, %select_n3A_19 : vector<16xf32>
    %slice3A = vector.extract_strided_slice %min3A {offsets = [0], sizes = [1], strides = [1]} : vector<16xf32> to vector<1xf32>
    %squeeze3A = vector.extract %slice3A[0] : f32 from vector<1xf32>
    %slice3A_20 = vector.extract_strided_slice %min3A {offsets = [1], sizes = [1], strides = [1]} : vector<16xf32> to vector<1xf32>
    %squeeze3A_21 = vector.extract %slice3A_20[0] : f32 from vector<1xf32>
    %min3A_22 = arith.minimumf %squeeze3A, %squeeze3A_21 : f32
    %slice3A_23 = vector.extract_strided_slice %min3A {offsets = [2], sizes = [1], strides = [1]} : vector<16xf32> to vector<1xf32>
    %squeeze3A_24 = vector.extract %slice3A_23[0] : f32 from vector<1xf32>
    %min3A_25 = arith.minimumf %min3A_22, %squeeze3A_24 : f32
    %slice3A_26 = vector.extract_strided_slice %min3A {offsets = [3], sizes = [1], strides = [1]} : vector<16xf32> to vector<1xf32>
    %squeeze3A_27 = vector.extract %slice3A_26[0] : f32 from vector<1xf32>
    %min3A_28 = arith.minimumf %min3A_25, %squeeze3A_27 : f32
    %slice3A_29 = vector.extract_strided_slice %min3A {offsets = [4], sizes = [1], strides = [1]} : vector<16xf32> to vector<1xf32>
    %squeeze3A_30 = vector.extract %slice3A_29[0] : f32 from vector<1xf32>
    %min3A_31 = arith.minimumf %min3A_28, %squeeze3A_30 : f32
    %slice3A_32 = vector.extract_strided_slice %min3A {offsets = [5], sizes = [1], strides = [1]} : vector<16xf32> to vector<1xf32>
    %squeeze3A_33 = vector.extract %slice3A_32[0] : f32 from vector<1xf32>
    %min3A_34 = arith.minimumf %min3A_31, %squeeze3A_33 : f32
    %slice3A_35 = vector.extract_strided_slice %min3A {offsets = [6], sizes = [1], strides = [1]} : vector<16xf32> to vector<1xf32>
    %squeeze3A_36 = vector.extract %slice3A_35[0] : f32 from vector<1xf32>
    %min3A_37 = arith.minimumf %min3A_34, %squeeze3A_36 : f32
    %slice3A_38 = vector.extract_strided_slice %min3A {offsets = [7], sizes = [1], strides = [1]} : vector<16xf32> to vector<1xf32>
    %squeeze3A_39 = vector.extract %slice3A_38[0] : f32 from vector<1xf32>
    %min3A_40 = arith.minimumf %min3A_37, %squeeze3A_39 : f32
    %slice3A_41 = vector.extract_strided_slice %min3A {offsets = [8], sizes = [1], strides = [1]} : vector<16xf32> to vector<1xf32>
    %squeeze3A_42 = vector.extract %slice3A_41[0] : f32 from vector<1xf32>
    %min3A_43 = arith.minimumf %min3A_40, %squeeze3A_42 : f32
    %slice3A_44 = vector.extract_strided_slice %min3A {offsets = [9], sizes = [1], strides = [1]} : vector<16xf32> to vector<1xf32>
    %squeeze3A_45 = vector.extract %slice3A_44[0] : f32 from vector<1xf32>
    %min3A_46 = arith.minimumf %min3A_43, %squeeze3A_45 : f32
    %slice3A_47 = vector.extract_strided_slice %min3A {offsets = [10], sizes = [1], strides = [1]} : vector<16xf32> to vector<1xf32>
    %squeeze3A_48 = vector.extract %slice3A_47[0] : f32 from vector<1xf32>
    %min3A_49 = arith.minimumf %min3A_46, %squeeze3A_48 : f32
    %slice3A_50 = vector.extract_strided_slice %min3A {offsets = [11], sizes = [1], strides = [1]} : vector<16xf32> to vector<1xf32>
    %squeeze3A_51 = vector.extract %slice3A_50[0] : f32 from vector<1xf32>
    %min3A_52 = arith.minimumf %min3A_49, %squeeze3A_51 : f32
    %slice3A_53 = vector.extract_strided_slice %min3A {offsets = [12], sizes = [1], strides = [1]} : vector<16xf32> to vector<1xf32>
    %squeeze3A_54 = vector.extract %slice3A_53[0] : f32 from vector<1xf32>
    %min3A_55 = arith.minimumf %min3A_52, %squeeze3A_54 : f32
    %slice3A_56 = vector.extract_strided_slice %min3A {offsets = [13], sizes = [1], strides = [1]} : vector<16xf32> to vector<1xf32>
    %squeeze3A_57 = vector.extract %slice3A_56[0] : f32 from vector<1xf32>
    %min3A_58 = arith.minimumf %min3A_55, %squeeze3A_57 : f32
    %slice3A_59 = vector.extract_strided_slice %min3A {offsets = [14], sizes = [1], strides = [1]} : vector<16xf32> to vector<1xf32>
    %squeeze3A_60 = vector.extract %slice3A_59[0] : f32 from vector<1xf32>
    %min3A_61 = arith.minimumf %min3A_58, %squeeze3A_60 : f32
    %slice3A_62 = vector.extract_strided_slice %min3A {offsets = [15], sizes = [1], strides = [1]} : vector<16xf32> to vector<1xf32>
    %squeeze3A_63 = vector.extract %slice3A_62[0] : f32 from vector<1xf32>
    %min3A_64 = arith.minimumf %min3A_61, %squeeze3A_63 : f32
    %broadcast_in_dim3A_65 = vector.broadcast %min3A_64 : f32 to vector<16xf32>
    %swap3A = arith.constant 0 : i32
    %swap3A_66 = arith.index_cast %swap3A : i32 to index
    %swap3A_67 = arith.constant 0 : index
    %swap3A_68 = tpu.vector_load %arg14[%swap3A_66, %swap3A_67] {strides = array<i32>} : memref<2x16xf32, #tpu.memory_space<vmem>>, vector<16xf32>,
    tpu.vector_store %arg14[%swap3A_66, %swap3A_67], %broadcast_in_dim3A_65 {strides = array<i32>} : memref<2x16xf32, #tpu.memory_space<vmem>>, vector<16xf32>,
    %slice3A_69 = vector.extract_strided_slice %max3A {offsets = [0], sizes = [1], strides = [1]} : vector<16xf32> to vector<1xf32>
    %squeeze3A_70 = vector.extract %slice3A_69[0] : f32 from vector<1xf32>
    %slice3A_71 = vector.extract_strided_slice %max3A {offsets = [1], sizes = [1], strides = [1]} : vector<16xf32> to vector<1xf32>
    %squeeze3A_72 = vector.extract %slice3A_71[0] : f32 from vector<1xf32>
    %max3A_73 = arith.maximumf %squeeze3A_70, %squeeze3A_72 : f32
    %slice3A_74 = vector.extract_strided_slice %max3A {offsets = [2], sizes = [1], strides = [1]} : vector<16xf32> to vector<1xf32>
    %squeeze3A_75 = vector.extract %slice3A_74[0] : f32 from vector<1xf32>
    %max3A_76 = arith.maximumf %max3A_73, %squeeze3A_75 : f32
    %slice3A_77 = vector.extract_strided_slice %max3A {offsets = [3], sizes = [1], strides = [1]} : vector<16xf32> to vector<1xf32>
    %squeeze3A_78 = vector.extract %slice3A_77[0] : f32 from vector<1xf32>
    %max3A_79 = arith.maximumf %max3A_76, %squeeze3A_78 : f32
    %slice3A_80 = vector.extract_strided_slice %max3A {offsets = [4], sizes = [1], strides = [1]} : vector<16xf32> to vector<1xf32>
    %squeeze3A_81 = vector.extract %slice3A_80[0] : f32 from vector<1xf32>
    %max3A_82 = arith.maximumf %max3A_79, %squeeze3A_81 : f32
    %slice3A_83 = vector.extract_strided_slice %max3A {offsets = [5], sizes = [1], strides = [1]} : vector<16xf32> to vector<1xf32>
    %squeeze3A_84 = vector.extract %slice3A_83[0] : f32 from vector<1xf32>
    %max3A_85 = arith.maximumf %max3A_82, %squeeze3A_84 : f32
    %slice3A_86 = vector.extract_strided_slice %max3A {offsets = [6], sizes = [1], strides = [1]} : vector<16xf32> to vector<1xf32>
    %squeeze3A_87 = vector.extract %slice3A_86[0] : f32 from vector<1xf32>
    %max3A_88 = arith.maximumf %max3A_85, %squeeze3A_87 : f32
    %slice3A_89 = vector.extract_strided_slice %max3A {offsets = [7], sizes = [1], strides = [1]} : vector<16xf32> to vector<1xf32>
    %squeeze3A_90 = vector.extract %slice3A_89[0] : f32 from vector<1xf32>
    %max3A_91 = arith.maximumf %max3A_88, %squeeze3A_90 : f32
    %slice3A_92 = vector.extract_strided_slice %max3A {offsets = [8], sizes = [1], strides = [1]} : vector<16xf32> to vector<1xf32>
    %squeeze3A_93 = vector.extract %slice3A_92[0] : f32 from vector<1xf32>
    %max3A_94 = arith.maximumf %max3A_91, %squeeze3A_93 : f32
    %slice3A_95 = vector.extract_strided_slice %max3A {offsets = [9], sizes = [1], strides = [1]} : vector<16xf32> to vector<1xf32>
    %squeeze3A_96 = vector.extract %slice3A_95[0] : f32 from vector<1xf32>
    %max3A_97 = arith.maximumf %max3A_94, %squeeze3A_96 : f32
    %slice3A_98 = vector.extract_strided_slice %max3A {offsets = [10], sizes = [1], strides = [1]} : vector<16xf32> to vector<1xf32>
    %squeeze3A_99 = vector.extract %slice3A_98[0] : f32 from vector<1xf32>
    %max3A_100 = arith.maximumf %max3A_97, %squeeze3A_99 : f32
    %slice3A_101 = vector.extract_strided_slice %max3A {offsets = [11], sizes = [1], strides = [1]} : vector<16xf32> to vector<1xf32>
    %squeeze3A_102 = vector.extract %slice3A_101[0] : f32 from vector<1xf32>
    %max3A_103 = arith.maximumf %max3A_100, %squeeze3A_102 : f32
    %slice3A_104 = vector.extract_strided_slice %max3A {offsets = [12], sizes = [1], strides = [1]} : vector<16xf32> to vector<1xf32>
    %squeeze3A_105 = vector.extract %slice3A_104[0] : f32 from vector<1xf32>
    %max3A_106 = arith.maximumf %max3A_103, %squeeze3A_105 : f32
    %slice3A_107 = vector.extract_strided_slice %max3A {offsets = [13], sizes = [1], strides = [1]} : vector<16xf32> to vector<1xf32>
    %squeeze3A_108 = vector.extract %slice3A_107[0] : f32 from vector<1xf32>
    %max3A_109 = arith.maximumf %max3A_106, %squeeze3A_108 : f32
    %slice3A_110 = vector.extract_strided_slice %max3A {offsets = [14], sizes = [1], strides = [1]} : vector<16xf32> to vector<1xf32>
    %squeeze3A_111 = vector.extract %slice3A_110[0] : f32 from vector<1xf32>
    %max3A_112 = arith.maximumf %max3A_109, %squeeze3A_111 : f32
    %slice3A_113 = vector.extract_strided_slice %max3A {offsets = [15], sizes = [1], strides = [1]} : vector<16xf32> to vector<1xf32>
    %squeeze3A_114 = vector.extract %slice3A_113[0] : f32 from vector<1xf32>
    %max3A_115 = arith.maximumf %max3A_112, %squeeze3A_114 : f32
    %broadcast_in_dim3A_116 = vector.broadcast %max3A_115 : f32 to vector<16xf32>
    %swap3A_117 = arith.constant 1 : i32
    %swap3A_118 = arith.index_cast %swap3A_117 : i32 to index
    %swap3A_119 = arith.constant 0 : index
    %swap3A_120 = tpu.vector_load %arg14[%swap3A_118, %swap3A_119] {strides = array<i32>} : memref<2x16xf32, #tpu.memory_space<vmem>>, vector<16xf32>,
    tpu.vector_store %arg14[%swap3A_118, %swap3A_119], %broadcast_in_dim3A_116 {strides = array<i32>} : memref<2x16xf32, #tpu.memory_space<vmem>>, vector<16xf32>,
    "tpu.region"() ({
      %run_scoped3A = tpu.sem_alloc : memref<!tpu.dma_semaphore, #tpu.memory_space<semaphore_mem>>
      %dma_start3A = arith.constant 0 : i32
      %dma_start3A_2485 = arith.constant 0 : i32
      %dma_start3A_2486 = tpu.memref_slice %arg14[%dma_start3A, %dma_start3A_2485] : memref<2x16xf32, #tpu.memory_space<vmem>> -> memref<1x16xf32, #tpu.memory_space<vmem>>
      %dma_start3A_2487 = arith.constant 0 : i32
      %dma_start3A_2488 = tpu.memref_slice %arg19[%arg1, %dma_start3A_2487] : memref<16x16xf32, #tpu.memory_space<vmem_shared>> -> memref<1x16xf32, #tpu.memory_space<vmem_shared>>
      %dma_start3A_2489 = arith.constant 0 : i32
      %dma_start3A_2490 = tpu.memref_slice %arg19[%arg1, %dma_start3A_2489] : memref<16x16xf32, #tpu.memory_space<vmem_shared>> -> memref<1x16xf32, #tpu.memory_space<vmem_shared>>
      %dma_start3A_2491 = arith.constant 0 : i32
      %dma_start3A_2492 = arith.constant 0 : i32
      %dma_start3A_2493 = tpu.memref_slice %arg14[%dma_start3A_2491, %dma_start3A_2492] : memref<2x16xf32, #tpu.memory_space<vmem>> -> memref<1x16xf32, #tpu.memory_space<vmem>>
      tpu.enqueue_dma source(%dma_start3A_2493 : memref<1x16xf32, #tpu.memory_space<vmem>>) target(%dma_start3A_2490 : memref<1x16xf32, #tpu.memory_space<vmem_shared>>) target_semaphore(%run_scoped3A : memref<!tpu.dma_semaphore, #tpu.memory_space<semaphore_mem>>)
      %dma_wait3A = arith.constant 0 : i32
      %dma_wait3A_2494 = arith.constant 0 : i32
      %dma_wait3A_2495 = tpu.memref_slice %arg14[%dma_wait3A, %dma_wait3A_2494] : memref<2x16xf32, #tpu.memory_space<vmem>> -> memref<1x16xf32, #tpu.memory_space<vmem>>
      %dma_wait3A_2496 = arith.constant 0 : i32
      %dma_wait3A_2497 = tpu.memref_slice %arg19[%arg1, %dma_wait3A_2496] : memref<16x16xf32, #tpu.memory_space<vmem_shared>> -> memref<1x16xf32, #tpu.memory_space<vmem_shared>>
      %dma_wait3A_2498 = arith.constant 0 : i32
      %dma_wait3A_2499 = tpu.memref_slice %arg19[%arg1, %dma_wait3A_2498] : memref<16x16xf32, #tpu.memory_space<vmem_shared>> -> memref<1x16xf32, #tpu.memory_space<vmem_shared>>
      %dma_wait3A_2500 = arith.constant 0 : i32
      %dma_wait3A_2501 = arith.constant 0 : i32
      %dma_wait3A_2502 = tpu.memref_slice %arg14[%dma_wait3A_2500, %dma_wait3A_2501] : memref<2x16xf32, #tpu.memory_space<vmem>> -> memref<1x16xf32, #tpu.memory_space<vmem>>
      tpu.wait_dma2 semaphore(%run_scoped3A : memref<!tpu.dma_semaphore, #tpu.memory_space<semaphore_mem>>) src(%dma_wait3A_2502 : memref<1x16xf32, #tpu.memory_space<vmem>>) dst(%dma_wait3A_2499 : memref<1x16xf32, #tpu.memory_space<vmem_shared>>)
      tpu.yield
    }) : () -> ()
    "tpu.region"() ({
      %run_scoped3A = tpu.sem_alloc : memref<!tpu.dma_semaphore, #tpu.memory_space<semaphore_mem>>
      %dma_start3A = arith.constant 1 : i32
      %dma_start3A_2485 = arith.constant 0 : i32
      %dma_start3A_2486 = tpu.memref_slice %arg14[%dma_start3A, %dma_start3A_2485] : memref<2x16xf32, #tpu.memory_space<vmem>> -> memref<1x16xf32, #tpu.memory_space<vmem>>
      %dma_start3A_2487 = arith.constant 0 : i32
      %dma_start3A_2488 = tpu.memref_slice %arg20[%arg1, %dma_start3A_2487] : memref<16x16xf32, #tpu.memory_space<vmem_shared>> -> memref<1x16xf32, #tpu.memory_space<vmem_shared>>
      %dma_start3A_2489 = arith.constant 0 : i32
      %dma_start3A_2490 = tpu.memref_slice %arg20[%arg1, %dma_start3A_2489] : memref<16x16xf32, #tpu.memory_space<vmem_shared>> -> memref<1x16xf32, #tpu.memory_space<vmem_shared>>
      %dma_start3A_2491 = arith.constant 1 : i32
      %dma_start3A_2492 = arith.constant 0 : i32
      %dma_start3A_2493 = tpu.memref_slice %arg14[%dma_start3A_2491, %dma_start3A_2492] : memref<2x16xf32, #tpu.memory_space<vmem>> -> memref<1x16xf32, #tpu.memory_space<vmem>>
      tpu.enqueue_dma source(%dma_start3A_2493 : memref<1x16xf32, #tpu.memory_space<vmem>>) target(%dma_start3A_2490 : memref<1x16xf32, #tpu.memory_space<vmem_shared>>) target_semaphore(%run_scoped3A : memref<!tpu.dma_semaphore, #tpu.memory_space<semaphore_mem>>)
      %dma_wait3A = arith.constant 1 : i32
      %dma_wait3A_2494 = arith.constant 0 : i32
      %dma_wait3A_2495 = tpu.memref_slice %arg14[%dma_wait3A, %dma_wait3A_2494] : memref<2x16xf32, #tpu.memory_space<vmem>> -> memref<1x16xf32, #tpu.memory_space<vmem>>
      %dma_wait3A_2496 = arith.constant 0 : i32
      %dma_wait3A_2497 = tpu.memref_slice %arg20[%arg1, %dma_wait3A_2496] : memref<16x16xf32, #tpu.memory_space<vmem_shared>> -> memref<1x16xf32, #tpu.memory_space<vmem_shared>>
      %dma_wait3A_2498 = arith.constant 0 : i32
      %dma_wait3A_2499 = tpu.memref_slice %arg20[%arg1, %dma_wait3A_2498] : memref<16x16xf32, #tpu.memory_space<vmem_shared>> -> memref<1x16xf32, #tpu.memory_space<vmem_shared>>
      %dma_wait3A_2500 = arith.constant 1 : i32
      %dma_wait3A_2501 = arith.constant 0 : i32
      %dma_wait3A_2502 = tpu.memref_slice %arg14[%dma_wait3A_2500, %dma_wait3A_2501] : memref<2x16xf32, #tpu.memory_space<vmem>> -> memref<1x16xf32, #tpu.memory_space<vmem>>
      tpu.wait_dma2 semaphore(%run_scoped3A : memref<!tpu.dma_semaphore, #tpu.memory_space<semaphore_mem>>) src(%dma_wait3A_2502 : memref<1x16xf32, #tpu.memory_space<vmem>>) dst(%dma_wait3A_2499 : memref<1x16xf32, #tpu.memory_space<vmem_shared>>)
      tpu.yield
    }) : () -> ()
    %barrier3A = arith.constant 0 : index
    tpu.barrier barrier_id(%barrier3A)
    "tpu.region"() ({
      %run_scoped3A = tpu.sem_alloc : memref<!tpu.dma_semaphore, #tpu.memory_space<semaphore_mem>>
      tpu.enqueue_dma source(%arg19 : memref<16x16xf32, #tpu.memory_space<vmem_shared>>) target(%arg15 : memref<16x16xf32, #tpu.memory_space<vmem>>) target_semaphore(%run_scoped3A : memref<!tpu.dma_semaphore, #tpu.memory_space<semaphore_mem>>)
      tpu.wait_dma2 semaphore(%run_scoped3A : memref<!tpu.dma_semaphore, #tpu.memory_space<semaphore_mem>>) src(%arg19 : memref<16x16xf32, #tpu.memory_space<vmem_shared>>) dst(%arg15 : memref<16x16xf32, #tpu.memory_space<vmem>>)
      tpu.yield
    }) : () -> ()
    "tpu.region"() ({
      %run_scoped3A = tpu.sem_alloc : memref<!tpu.dma_semaphore, #tpu.memory_space<semaphore_mem>>
      tpu.enqueue_dma source(%arg20 : memref<16x16xf32, #tpu.memory_space<vmem_shared>>) target(%arg16 : memref<16x16xf32, #tpu.memory_space<vmem>>) target_semaphore(%run_scoped3A : memref<!tpu.dma_semaphore, #tpu.memory_space<semaphore_mem>>)
      tpu.wait_dma2 semaphore(%run_scoped3A : memref<!tpu.dma_semaphore, #tpu.memory_space<semaphore_mem>>) src(%arg20 : memref<16x16xf32, #tpu.memory_space<vmem_shared>>) dst(%arg16 : memref<16x16xf32, #tpu.memory_space<vmem>>)
      tpu.yield
    }) : () -> ()
    %get3A_121 = arith.constant 0 : i32
    %get3A_122 = arith.index_cast %get3A_121 : i32 to index
    %get3A_123 = arith.constant 0 : index
    %get3A_124 = tpu.vector_load %arg15[%get3A_122, %get3A_123] {strides = array<i32>} : memref<16x16xf32, #tpu.memory_space<vmem>>, vector<16xf32>,
    %get3A_125 = arith.constant 0 : i32
    %get3A_126 = arith.index_cast %get3A_125 : i32 to index
    %get3A_127 = arith.constant 0 : index
    %get3A_128 = tpu.vector_load %arg16[%get3A_126, %get3A_127] {strides = array<i32>} : memref<16x16xf32, #tpu.memory_space<vmem>>, vector<16xf32>,
    %get3A_129 = arith.constant 1 : i32
    %get3A_130 = arith.index_cast %get3A_129 : i32 to index
    %get3A_131 = arith.constant 0 : index
    %get3A_132 = tpu.vector_load %arg15[%get3A_130, %get3A_131] {strides = array<i32>} : memref<16x16xf32, #tpu.memory_space<vmem>>, vector<16xf32>,
    %min3A_133 = arith.minimumf %get3A_124, %get3A_132 : vector<16xf32>
    %get3A_134 = arith.constant 1 : i32
    %get3A_135 = arith.index_cast %get3A_134 : i32 to index
    %get3A_136 = arith.constant 0 : index
    %get3A_137 = tpu.vector_load %arg16[%get3A_135, %get3A_136] {strides = array<i32>} : memref<16x16xf32, #tpu.memory_space<vmem>>, vector<16xf32>,
    %max3A_138 = arith.maximumf %get3A_128, %get3A_137 : vector<16xf32>
    %get3A_139 = arith.constant 2 : i32
    %get3A_140 = arith.index_cast %get3A_139 : i32 to index
    %get3A_141 = arith.constant 0 : index
    %get3A_142 = tpu.vector_load %arg15[%get3A_140, %get3A_141] {strides = array<i32>} : memref<16x16xf32, #tpu.memory_space<vmem>>, vector<16xf32>,
    %min3A_143 = arith.minimumf %min3A_133, %get3A_142 : vector<16xf32>
    %get3A_144 = arith.constant 2 : i32
    %get3A_145 = arith.index_cast %get3A_144 : i32 to index
    %get3A_146 = arith.constant 0 : index
    %get3A_147 = tpu.vector_load %arg16[%get3A_145, %get3A_146] {strides = array<i32>} : memref<16x16xf32, #tpu.memory_space<vmem>>, vector<16xf32>,
    %max3A_148 = arith.maximumf %max3A_138, %get3A_147 : vector<16xf32>
    %get3A_149 = arith.constant 3 : i32
    %get3A_150 = arith.index_cast %get3A_149 : i32 to index
    %get3A_151 = arith.constant 0 : index
    %get3A_152 = tpu.vector_load %arg15[%get3A_150, %get3A_151] {strides = array<i32>} : memref<16x16xf32, #tpu.memory_space<vmem>>, vector<16xf32>,
    %min3A_153 = arith.minimumf %min3A_143, %get3A_152 : vector<16xf32>
    %get3A_154 = arith.constant 3 : i32
    %get3A_155 = arith.index_cast %get3A_154 : i32 to index
    %get3A_156 = arith.constant 0 : index
    %get3A_157 = tpu.vector_load %arg16[%get3A_155, %get3A_156] {strides = array<i32>} : memref<16x16xf32, #tpu.memory_space<vmem>>, vector<16xf32>,
    %max3A_158 = arith.maximumf %max3A_148, %get3A_157 : vector<16xf32>
    %get3A_159 = arith.constant 4 : i32
    %get3A_160 = arith.index_cast %get3A_159 : i32 to index
    %get3A_161 = arith.constant 0 : index
    %get3A_162 = tpu.vector_load %arg15[%get3A_160, %get3A_161] {strides = array<i32>} : memref<16x16xf32, #tpu.memory_space<vmem>>, vector<16xf32>,
    %min3A_163 = arith.minimumf %min3A_153, %get3A_162 : vector<16xf32>
    %get3A_164 = arith.constant 4 : i32
    %get3A_165 = arith.index_cast %get3A_164 : i32 to index
    %get3A_166 = arith.constant 0 : index
    %get3A_167 = tpu.vector_load %arg16[%get3A_165, %get3A_166] {strides = array<i32>} : memref<16x16xf32, #tpu.memory_space<vmem>>, vector<16xf32>,
    %max3A_168 = arith.maximumf %max3A_158, %get3A_167 : vector<16xf32>
    %get3A_169 = arith.constant 5 : i32
    %get3A_170 = arith.index_cast %get3A_169 : i32 to index
    %get3A_171 = arith.constant 0 : index
    %get3A_172 = tpu.vector_load %arg15[%get3A_170, %get3A_171] {strides = array<i32>} : memref<16x16xf32, #tpu.memory_space<vmem>>, vector<16xf32>,
    %min3A_173 = arith.minimumf %min3A_163, %get3A_172 : vector<16xf32>
    %get3A_174 = arith.constant 5 : i32
    %get3A_175 = arith.index_cast %get3A_174 : i32 to index
    %get3A_176 = arith.constant 0 : index
    %get3A_177 = tpu.vector_load %arg16[%get3A_175, %get3A_176] {strides = array<i32>} : memref<16x16xf32, #tpu.memory_space<vmem>>, vector<16xf32>,
    %max3A_178 = arith.maximumf %max3A_168, %get3A_177 : vector<16xf32>
    %get3A_179 = arith.constant 6 : i32
    %get3A_180 = arith.index_cast %get3A_179 : i32 to index
    %get3A_181 = arith.constant 0 : index
    %get3A_182 = tpu.vector_load %arg15[%get3A_180, %get3A_181] {strides = array<i32>} : memref<16x16xf32, #tpu.memory_space<vmem>>, vector<16xf32>,
    %min3A_183 = arith.minimumf %min3A_173, %get3A_182 : vector<16xf32>
    %get3A_184 = arith.constant 6 : i32
    %get3A_185 = arith.index_cast %get3A_184 : i32 to index
    %get3A_186 = arith.constant 0 : index
    %get3A_187 = tpu.vector_load %arg16[%get3A_185, %get3A_186] {strides = array<i32>} : memref<16x16xf32, #tpu.memory_space<vmem>>, vector<16xf32>,
    %max3A_188 = arith.maximumf %max3A_178, %get3A_187 : vector<16xf32>
    %get3A_189 = arith.constant 7 : i32
    %get3A_190 = arith.index_cast %get3A_189 : i32 to index
    %get3A_191 = arith.constant 0 : index
    %get3A_192 = tpu.vector_load %arg15[%get3A_190, %get3A_191] {strides = array<i32>} : memref<16x16xf32, #tpu.memory_space<vmem>>, vector<16xf32>,
    %min3A_193 = arith.minimumf %min3A_183, %get3A_192 : vector<16xf32>
    %get3A_194 = arith.constant 7 : i32
    %get3A_195 = arith.index_cast %get3A_194 : i32 to index
    %get3A_196 = arith.constant 0 : index
    %get3A_197 = tpu.vector_load %arg16[%get3A_195, %get3A_196] {strides = array<i32>} : memref<16x16xf32, #tpu.memory_space<vmem>>, vector<16xf32>,
    %max3A_198 = arith.maximumf %max3A_188, %get3A_197 : vector<16xf32>
    %get3A_199 = arith.constant 8 : i32
    %get3A_200 = arith.index_cast %get3A_199 : i32 to index
    %get3A_201 = arith.constant 0 : index
    %get3A_202 = tpu.vector_load %arg15[%get3A_200, %get3A_201] {strides = array<i32>} : memref<16x16xf32, #tpu.memory_space<vmem>>, vector<16xf32>,
    %min3A_203 = arith.minimumf %min3A_193, %get3A_202 : vector<16xf32>
    %get3A_204 = arith.constant 8 : i32
    %get3A_205 = arith.index_cast %get3A_204 : i32 to index
    %get3A_206 = arith.constant 0 : index
    %get3A_207 = tpu.vector_load %arg16[%get3A_205, %get3A_206] {strides = array<i32>} : memref<16x16xf32, #tpu.memory_space<vmem>>, vector<16xf32>,
    %max3A_208 = arith.maximumf %max3A_198, %get3A_207 : vector<16xf32>
    %get3A_209 = arith.constant 9 : i32
    %get3A_210 = arith.index_cast %get3A_209 : i32 to index
    %get3A_211 = arith.constant 0 : index
    %get3A_212 = tpu.vector_load %arg15[%get3A_210, %get3A_211] {strides = array<i32>} : memref<16x16xf32, #tpu.memory_space<vmem>>, vector<16xf32>,
    %min3A_213 = arith.minimumf %min3A_203, %get3A_212 : vector<16xf32>
    %get3A_214 = arith.constant 9 : i32
    %get3A_215 = arith.index_cast %get3A_214 : i32 to index
    %get3A_216 = arith.constant 0 : index
    %get3A_217 = tpu.vector_load %arg16[%get3A_215, %get3A_216] {strides = array<i32>} : memref<16x16xf32, #tpu.memory_space<vmem>>, vector<16xf32>,
    %max3A_218 = arith.maximumf %max3A_208, %get3A_217 : vector<16xf32>
    %get3A_219 = arith.constant 10 : i32
    %get3A_220 = arith.index_cast %get3A_219 : i32 to index
    %get3A_221 = arith.constant 0 : index
    %get3A_222 = tpu.vector_load %arg15[%get3A_220, %get3A_221] {strides = array<i32>} : memref<16x16xf32, #tpu.memory_space<vmem>>, vector<16xf32>,
    %min3A_223 = arith.minimumf %min3A_213, %get3A_222 : vector<16xf32>
    %get3A_224 = arith.constant 10 : i32
    %get3A_225 = arith.index_cast %get3A_224 : i32 to index
    %get3A_226 = arith.constant 0 : index
    %get3A_227 = tpu.vector_load %arg16[%get3A_225, %get3A_226] {strides = array<i32>} : memref<16x16xf32, #tpu.memory_space<vmem>>, vector<16xf32>,
    %max3A_228 = arith.maximumf %max3A_218, %get3A_227 : vector<16xf32>
    %get3A_229 = arith.constant 11 : i32
    %get3A_230 = arith.index_cast %get3A_229 : i32 to index
    %get3A_231 = arith.constant 0 : index
    %get3A_232 = tpu.vector_load %arg15[%get3A_230, %get3A_231] {strides = array<i32>} : memref<16x16xf32, #tpu.memory_space<vmem>>, vector<16xf32>,
    %min3A_233 = arith.minimumf %min3A_223, %get3A_232 : vector<16xf32>
    %get3A_234 = arith.constant 11 : i32
    %get3A_235 = arith.index_cast %get3A_234 : i32 to index
    %get3A_236 = arith.constant 0 : index
    %get3A_237 = tpu.vector_load %arg16[%get3A_235, %get3A_236] {strides = array<i32>} : memref<16x16xf32, #tpu.memory_space<vmem>>, vector<16xf32>,
    %max3A_238 = arith.maximumf %max3A_228, %get3A_237 : vector<16xf32>
    %get3A_239 = arith.constant 12 : i32
    %get3A_240 = arith.index_cast %get3A_239 : i32 to index
    %get3A_241 = arith.constant 0 : index
    %get3A_242 = tpu.vector_load %arg15[%get3A_240, %get3A_241] {strides = array<i32>} : memref<16x16xf32, #tpu.memory_space<vmem>>, vector<16xf32>,
    %min3A_243 = arith.minimumf %min3A_233, %get3A_242 : vector<16xf32>
    %get3A_244 = arith.constant 12 : i32
    %get3A_245 = arith.index_cast %get3A_244 : i32 to index
    %get3A_246 = arith.constant 0 : index
    %get3A_247 = tpu.vector_load %arg16[%get3A_245, %get3A_246] {strides = array<i32>} : memref<16x16xf32, #tpu.memory_space<vmem>>, vector<16xf32>,
    %max3A_248 = arith.maximumf %max3A_238, %get3A_247 : vector<16xf32>
    %get3A_249 = arith.constant 13 : i32
    %get3A_250 = arith.index_cast %get3A_249 : i32 to index
    %get3A_251 = arith.constant 0 : index
    %get3A_252 = tpu.vector_load %arg15[%get3A_250, %get3A_251] {strides = array<i32>} : memref<16x16xf32, #tpu.memory_space<vmem>>, vector<16xf32>,
    %min3A_253 = arith.minimumf %min3A_243, %get3A_252 : vector<16xf32>
    %get3A_254 = arith.constant 13 : i32
    %get3A_255 = arith.index_cast %get3A_254 : i32 to index
    %get3A_256 = arith.constant 0 : index
    %get3A_257 = tpu.vector_load %arg16[%get3A_255, %get3A_256] {strides = array<i32>} : memref<16x16xf32, #tpu.memory_space<vmem>>, vector<16xf32>,
    %max3A_258 = arith.maximumf %max3A_248, %get3A_257 : vector<16xf32>
    %get3A_259 = arith.constant 14 : i32
    %get3A_260 = arith.index_cast %get3A_259 : i32 to index
    %get3A_261 = arith.constant 0 : index
    %get3A_262 = tpu.vector_load %arg15[%get3A_260, %get3A_261] {strides = array<i32>} : memref<16x16xf32, #tpu.memory_space<vmem>>, vector<16xf32>,
    %min3A_263 = arith.minimumf %min3A_253, %get3A_262 : vector<16xf32>
    %get3A_264 = arith.constant 14 : i32
    %get3A_265 = arith.index_cast %get3A_264 : i32 to index
    %get3A_266 = arith.constant 0 : index
    %get3A_267 = tpu.vector_load %arg16[%get3A_265, %get3A_266] {strides = array<i32>} : memref<16x16xf32, #tpu.memory_space<vmem>>, vector<16xf32>,
    %max3A_268 = arith.maximumf %max3A_258, %get3A_267 : vector<16xf32>
    %get3A_269 = arith.constant 15 : i32
    %get3A_270 = arith.index_cast %get3A_269 : i32 to index
    %get3A_271 = arith.constant 0 : index
    %get3A_272 = tpu.vector_load %arg15[%get3A_270, %get3A_271] {strides = array<i32>} : memref<16x16xf32, #tpu.memory_space<vmem>>, vector<16xf32>,
    %min3A_273 = arith.minimumf %min3A_263, %get3A_272 : vector<16xf32>
    %get3A_274 = arith.constant 15 : i32
    %get3A_275 = arith.index_cast %get3A_274 : i32 to index
    %get3A_276 = arith.constant 0 : index
    %get3A_277 = tpu.vector_load %arg16[%get3A_275, %get3A_276] {strides = array<i32>} : memref<16x16xf32, #tpu.memory_space<vmem>>, vector<16xf32>,
    %max3A_278 = arith.maximumf %max3A_268, %get3A_277 : vector<16xf32>
    %sub3A = arith.subf %max3A_278, %min3A_273 : vector<16xf32>
    %div3A = arith.constant 1.000000e-01 : f32
    %div3A_279 = vector.broadcast %div3A : f32 to vector<16xf32>
    %div3A_280 = arith.divf %sub3A, %div3A_279 : vector<16xf32>
    %convert_element_type3A = arith.fptosi %div3A_280 : vector<16xf32> to vector<16xi32>
    %convert_element_type3A_281 = arith.sitofp %convert_element_type3A : vector<16xi32> to vector<16xf32>
    %sub3A_282 = arith.subf %max3A_278, %min3A_273 : vector<16xf32>
    %div3A_283 = arith.divf %convert_element_type3A_281, %sub3A_282 : vector<16xf32>
    %add3A_284 = arith.constant 0 : i32
    %add3A_285 = vector.broadcast %add3A_284 : i32 to vector<16xi32>
    %add3A_286 = arith.addi %add3A_285, %iota3A : vector<16xi32>
    %convert_element_type3A_287 = arith.sitofp %add3A_286 : vector<16xi32> to vector<16xf32>
    %div3A_288 = arith.divf %convert_element_type3A_287, %convert_element_type3A_281 : vector<16xf32>
    %sub3A_289 = arith.constant 1.000000e+00 : f32
    %sub3A_290 = vector.broadcast %sub3A_289 : f32 to vector<16xf32>
    %sub3A_291 = arith.subf %sub3A_290, %div3A_288 : vector<16xf32>
    %mul3A_292 = arith.mulf %min3A_273, %sub3A_291 : vector<16xf32>
    %mul3A_293 = arith.mulf %max3A_278, %div3A_288 : vector<16xf32>
    %add3A_294 = arith.addf %mul3A_292, %mul3A_293 : vector<16xf32>
    %eq3A = arith.cmpi eq, %add3A_286, %convert_element_type3A : vector<16xi32>
    %select_n3A_295 = arith.select %eq3A, %max3A_278, %add3A_294 : vector<16xi1>, vector<16xf32>
    %gt3A = arith.cmpi sgt, %add3A_286, %convert_element_type3A : vector<16xi32>
    %select_n3A_296 = arith.select %gt3A, %broadcast_in_dim3A_4, %select_n3A_295 : vector<16xi1>, vector<16xf32>
    %swap3A_297 = arith.constant 0 : index
    %swap3A_298 = tpu.vector_load %arg13[%swap3A_297] {strides = array<i32>} : memref<144xf32, #tpu.memory_space<vmem>>, vector<16xf32>,
    tpu.vector_store %arg13[%swap3A_297], %select_n3A_296 {strides = array<i32>} : memref<144xf32, #tpu.memory_space<vmem>>, vector<16xf32>,
    %add3A_299 = arith.constant 16 : i32
    %add3A_300 = vector.broadcast %add3A_299 : i32 to vector<16xi32>
    %add3A_301 = arith.addi %add3A_300, %iota3A : vector<16xi32>
    %convert_element_type3A_302 = arith.sitofp %add3A_301 : vector<16xi32> to vector<16xf32>
    %div3A_303 = arith.divf %convert_element_type3A_302, %convert_element_type3A_281 : vector<16xf32>
    %sub3A_304 = arith.constant 1.000000e+00 : f32
    %sub3A_305 = vector.broadcast %sub3A_304 : f32 to vector<16xf32>
    %sub3A_306 = arith.subf %sub3A_305, %div3A_303 : vector<16xf32>
    %mul3A_307 = arith.mulf %min3A_273, %sub3A_306 : vector<16xf32>
    %mul3A_308 = arith.mulf %max3A_278, %div3A_303 : vector<16xf32>
    %add3A_309 = arith.addf %mul3A_307, %mul3A_308 : vector<16xf32>
    %eq3A_310 = arith.cmpi eq, %add3A_301, %convert_element_type3A : vector<16xi32>
    %select_n3A_311 = arith.select %eq3A_310, %max3A_278, %add3A_309 : vector<16xi1>, vector<16xf32>
    %gt3A_312 = arith.cmpi sgt, %add3A_301, %convert_element_type3A : vector<16xi32>
    %select_n3A_313 = arith.select %gt3A_312, %broadcast_in_dim3A_4, %select_n3A_311 : vector<16xi1>, vector<16xf32>
    %swap3A_314 = arith.constant 16 : index
    %swap3A_315 = tpu.vector_load %arg13[%swap3A_314] {strides = array<i32>} : memref<144xf32, #tpu.memory_space<vmem>>, vector<16xf32>,
    tpu.vector_store %arg13[%swap3A_314], %select_n3A_313 {strides = array<i32>} : memref<144xf32, #tpu.memory_space<vmem>>, vector<16xf32>,
    %add3A_316 = arith.constant 32 : i32
    %add3A_317 = vector.broadcast %add3A_316 : i32 to vector<16xi32>
    %add3A_318 = arith.addi %add3A_317, %iota3A : vector<16xi32>
    %convert_element_type3A_319 = arith.sitofp %add3A_318 : vector<16xi32> to vector<16xf32>
    %div3A_320 = arith.divf %convert_element_type3A_319, %convert_element_type3A_281 : vector<16xf32>
    %sub3A_321 = arith.constant 1.000000e+00 : f32
    %sub3A_322 = vector.broadcast %sub3A_321 : f32 to vector<16xf32>
    %sub3A_323 = arith.subf %sub3A_322, %div3A_320 : vector<16xf32>
    %mul3A_324 = arith.mulf %min3A_273, %sub3A_323 : vector<16xf32>
    %mul3A_325 = arith.mulf %max3A_278, %div3A_320 : vector<16xf32>
    %add3A_326 = arith.addf %mul3A_324, %mul3A_325 : vector<16xf32>
    %eq3A_327 = arith.cmpi eq, %add3A_318, %convert_element_type3A : vector<16xi32>
    %select_n3A_328 = arith.select %eq3A_327, %max3A_278, %add3A_326 : vector<16xi1>, vector<16xf32>
    %gt3A_329 = arith.cmpi sgt, %add3A_318, %convert_element_type3A : vector<16xi32>
    %select_n3A_330 = arith.select %gt3A_329, %broadcast_in_dim3A_4, %select_n3A_328 : vector<16xi1>, vector<16xf32>
    %swap3A_331 = arith.constant 32 : index
    %swap3A_332 = tpu.vector_load %arg13[%swap3A_331] {strides = array<i32>} : memref<144xf32, #tpu.memory_space<vmem>>, vector<16xf32>,
    tpu.vector_store %arg13[%swap3A_331], %select_n3A_330 {strides = array<i32>} : memref<144xf32, #tpu.memory_space<vmem>>, vector<16xf32>,
    %add3A_333 = arith.constant 48 : i32
    %add3A_334 = vector.broadcast %add3A_333 : i32 to vector<16xi32>
    %add3A_335 = arith.addi %add3A_334, %iota3A : vector<16xi32>
    %convert_element_type3A_336 = arith.sitofp %add3A_335 : vector<16xi32> to vector<16xf32>
    %div3A_337 = arith.divf %convert_element_type3A_336, %convert_element_type3A_281 : vector<16xf32>
    %sub3A_338 = arith.constant 1.000000e+00 : f32
    %sub3A_339 = vector.broadcast %sub3A_338 : f32 to vector<16xf32>
    %sub3A_340 = arith.subf %sub3A_339, %div3A_337 : vector<16xf32>
    %mul3A_341 = arith.mulf %min3A_273, %sub3A_340 : vector<16xf32>
    %mul3A_342 = arith.mulf %max3A_278, %div3A_337 : vector<16xf32>
    %add3A_343 = arith.addf %mul3A_341, %mul3A_342 : vector<16xf32>
    %eq3A_344 = arith.cmpi eq, %add3A_335, %convert_element_type3A : vector<16xi32>
    %select_n3A_345 = arith.select %eq3A_344, %max3A_278, %add3A_343 : vector<16xi1>, vector<16xf32>
    %gt3A_346 = arith.cmpi sgt, %add3A_335, %convert_element_type3A : vector<16xi32>
    %select_n3A_347 = arith.select %gt3A_346, %broadcast_in_dim3A_4, %select_n3A_345 : vector<16xi1>, vector<16xf32>
    %swap3A_348 = arith.constant 48 : index
    %swap3A_349 = tpu.vector_load %arg13[%swap3A_348] {strides = array<i32>} : memref<144xf32, #tpu.memory_space<vmem>>, vector<16xf32>,
    tpu.vector_store %arg13[%swap3A_348], %select_n3A_347 {strides = array<i32>} : memref<144xf32, #tpu.memory_space<vmem>>, vector<16xf32>,
    %add3A_350 = arith.constant 64 : i32
    %add3A_351 = vector.broadcast %add3A_350 : i32 to vector<16xi32>
    %add3A_352 = arith.addi %add3A_351, %iota3A : vector<16xi32>
    %convert_element_type3A_353 = arith.sitofp %add3A_352 : vector<16xi32> to vector<16xf32>
    %div3A_354 = arith.divf %convert_element_type3A_353, %convert_element_type3A_281 : vector<16xf32>
    %sub3A_355 = arith.constant 1.000000e+00 : f32
    %sub3A_356 = vector.broadcast %sub3A_355 : f32 to vector<16xf32>
    %sub3A_357 = arith.subf %sub3A_356, %div3A_354 : vector<16xf32>
    %mul3A_358 = arith.mulf %min3A_273, %sub3A_357 : vector<16xf32>
    %mul3A_359 = arith.mulf %max3A_278, %div3A_354 : vector<16xf32>
    %add3A_360 = arith.addf %mul3A_358, %mul3A_359 : vector<16xf32>
    %eq3A_361 = arith.cmpi eq, %add3A_352, %convert_element_type3A : vector<16xi32>
    %select_n3A_362 = arith.select %eq3A_361, %max3A_278, %add3A_360 : vector<16xi1>, vector<16xf32>
    %gt3A_363 = arith.cmpi sgt, %add3A_352, %convert_element_type3A : vector<16xi32>
    %select_n3A_364 = arith.select %gt3A_363, %broadcast_in_dim3A_4, %select_n3A_362 : vector<16xi1>, vector<16xf32>
    %swap3A_365 = arith.constant 64 : index
    %swap3A_366 = tpu.vector_load %arg13[%swap3A_365] {strides = array<i32>} : memref<144xf32, #tpu.memory_space<vmem>>, vector<16xf32>,
    tpu.vector_store %arg13[%swap3A_365], %select_n3A_364 {strides = array<i32>} : memref<144xf32, #tpu.memory_space<vmem>>, vector<16xf32>,
    %add3A_367 = arith.constant 80 : i32
    %add3A_368 = vector.broadcast %add3A_367 : i32 to vector<16xi32>
    %add3A_369 = arith.addi %add3A_368, %iota3A : vector<16xi32>
    %convert_element_type3A_370 = arith.sitofp %add3A_369 : vector<16xi32> to vector<16xf32>
    %div3A_371 = arith.divf %convert_element_type3A_370, %convert_element_type3A_281 : vector<16xf32>
    %sub3A_372 = arith.constant 1.000000e+00 : f32
    %sub3A_373 = vector.broadcast %sub3A_372 : f32 to vector<16xf32>
    %sub3A_374 = arith.subf %sub3A_373, %div3A_371 : vector<16xf32>
    %mul3A_375 = arith.mulf %min3A_273, %sub3A_374 : vector<16xf32>
    %mul3A_376 = arith.mulf %max3A_278, %div3A_371 : vector<16xf32>
    %add3A_377 = arith.addf %mul3A_375, %mul3A_376 : vector<16xf32>
    %eq3A_378 = arith.cmpi eq, %add3A_369, %convert_element_type3A : vector<16xi32>
    %select_n3A_379 = arith.select %eq3A_378, %max3A_278, %add3A_377 : vector<16xi1>, vector<16xf32>
    %gt3A_380 = arith.cmpi sgt, %add3A_369, %convert_element_type3A : vector<16xi32>
    %select_n3A_381 = arith.select %gt3A_380, %broadcast_in_dim3A_4, %select_n3A_379 : vector<16xi1>, vector<16xf32>
    %swap3A_382 = arith.constant 80 : index
    %swap3A_383 = tpu.vector_load %arg13[%swap3A_382] {strides = array<i32>} : memref<144xf32, #tpu.memory_space<vmem>>, vector<16xf32>,
    tpu.vector_store %arg13[%swap3A_382], %select_n3A_381 {strides = array<i32>} : memref<144xf32, #tpu.memory_space<vmem>>, vector<16xf32>,
    %add3A_384 = arith.constant 96 : i32
    %add3A_385 = vector.broadcast %add3A_384 : i32 to vector<16xi32>
    %add3A_386 = arith.addi %add3A_385, %iota3A : vector<16xi32>
    %convert_element_type3A_387 = arith.sitofp %add3A_386 : vector<16xi32> to vector<16xf32>
    %div3A_388 = arith.divf %convert_element_type3A_387, %convert_element_type3A_281 : vector<16xf32>
    %sub3A_389 = arith.constant 1.000000e+00 : f32
    %sub3A_390 = vector.broadcast %sub3A_389 : f32 to vector<16xf32>
    %sub3A_391 = arith.subf %sub3A_390, %div3A_388 : vector<16xf32>
    %mul3A_392 = arith.mulf %min3A_273, %sub3A_391 : vector<16xf32>
    %mul3A_393 = arith.mulf %max3A_278, %div3A_388 : vector<16xf32>
    %add3A_394 = arith.addf %mul3A_392, %mul3A_393 : vector<16xf32>
    %eq3A_395 = arith.cmpi eq, %add3A_386, %convert_element_type3A : vector<16xi32>
    %select_n3A_396 = arith.select %eq3A_395, %max3A_278, %add3A_394 : vector<16xi1>, vector<16xf32>
    %gt3A_397 = arith.cmpi sgt, %add3A_386, %convert_element_type3A : vector<16xi32>
    %select_n3A_398 = arith.select %gt3A_397, %broadcast_in_dim3A_4, %select_n3A_396 : vector<16xi1>, vector<16xf32>
    %swap3A_399 = arith.constant 96 : index
    %swap3A_400 = tpu.vector_load %arg13[%swap3A_399] {strides = array<i32>} : memref<144xf32, #tpu.memory_space<vmem>>, vector<16xf32>,
    tpu.vector_store %arg13[%swap3A_399], %select_n3A_398 {strides = array<i32>} : memref<144xf32, #tpu.memory_space<vmem>>, vector<16xf32>,
    %add3A_401 = arith.constant 112 : i32
    %add3A_402 = vector.broadcast %add3A_401 : i32 to vector<16xi32>
    %add3A_403 = arith.addi %add3A_402, %iota3A : vector<16xi32>
    %convert_element_type3A_404 = arith.sitofp %add3A_403 : vector<16xi32> to vector<16xf32>
    %div3A_405 = arith.divf %convert_element_type3A_404, %convert_element_type3A_281 : vector<16xf32>
    %sub3A_406 = arith.constant 1.000000e+00 : f32
    %sub3A_407 = vector.broadcast %sub3A_406 : f32 to vector<16xf32>
    %sub3A_408 = arith.subf %sub3A_407, %div3A_405 : vector<16xf32>
    %mul3A_409 = arith.mulf %min3A_273, %sub3A_408 : vector<16xf32>
    %mul3A_410 = arith.mulf %max3A_278, %div3A_405 : vector<16xf32>
    %add3A_411 = arith.addf %mul3A_409, %mul3A_410 : vector<16xf32>
    %eq3A_412 = arith.cmpi eq, %add3A_403, %convert_element_type3A : vector<16xi32>
    %select_n3A_413 = arith.select %eq3A_412, %max3A_278, %add3A_411 : vector<16xi1>, vector<16xf32>
    %gt3A_414 = arith.cmpi sgt, %add3A_403, %convert_element_type3A : vector<16xi32>
    %select_n3A_415 = arith.select %gt3A_414, %broadcast_in_dim3A_4, %select_n3A_413 : vector<16xi1>, vector<16xf32>
    %swap3A_416 = arith.constant 112 : index
    %swap3A_417 = tpu.vector_load %arg13[%swap3A_416] {strides = array<i32>} : memref<144xf32, #tpu.memory_space<vmem>>, vector<16xf32>,
    tpu.vector_store %arg13[%swap3A_416], %select_n3A_415 {strides = array<i32>} : memref<144xf32, #tpu.memory_space<vmem>>, vector<16xf32>,
    %add3A_418 = arith.constant 128 : i32
    %add3A_419 = vector.broadcast %add3A_418 : i32 to vector<16xi32>
    %add3A_420 = arith.addi %add3A_419, %iota3A : vector<16xi32>
    %convert_element_type3A_421 = arith.sitofp %add3A_420 : vector<16xi32> to vector<16xf32>
    %div3A_422 = arith.divf %convert_element_type3A_421, %convert_element_type3A_281 : vector<16xf32>
    %sub3A_423 = arith.constant 1.000000e+00 : f32
    %sub3A_424 = vector.broadcast %sub3A_423 : f32 to vector<16xf32>
    %sub3A_425 = arith.subf %sub3A_424, %div3A_422 : vector<16xf32>
    %mul3A_426 = arith.mulf %min3A_273, %sub3A_425 : vector<16xf32>
    %mul3A_427 = arith.mulf %max3A_278, %div3A_422 : vector<16xf32>
    %add3A_428 = arith.addf %mul3A_426, %mul3A_427 : vector<16xf32>
    %eq3A_429 = arith.cmpi eq, %add3A_420, %convert_element_type3A : vector<16xi32>
    %select_n3A_430 = arith.select %eq3A_429, %max3A_278, %add3A_428 : vector<16xi1>, vector<16xf32>
    %gt3A_431 = arith.cmpi sgt, %add3A_420, %convert_element_type3A : vector<16xi32>
    %select_n3A_432 = arith.select %gt3A_431, %broadcast_in_dim3A_4, %select_n3A_430 : vector<16xi1>, vector<16xf32>
    %swap3A_433 = arith.constant 128 : index
    %swap3A_434 = tpu.vector_load %arg13[%swap3A_433] {strides = array<i32>} : memref<144xf32, #tpu.memory_space<vmem>>, vector<16xf32>,
    tpu.vector_store %arg13[%swap3A_433], %select_n3A_432 {strides = array<i32>} : memref<144xf32, #tpu.memory_space<vmem>>, vector<16xf32>,
    %scan3A_435 = arith.constant 0 : i32
    %scan3A_436 = arith.constant 0 : i32
    %scan3A_437 = arith.constant 128 : i32
    %scan3A_438 = arith.addi %scan3A_436, %scan3A_437 : i32
    %scan3A_439 = arith.constant 1 : i32
    %scan3A_440 = scf.for %scan3A_2485 = %scan3A_436 to %scan3A_438 step %scan3A_439 iter_args(%scan3A_2486 = %scan3A_435) -> (i32)  : i32 {
      %mul3A_2487 = arith.constant 16 : i32
      %mul3A_2488 = arith.muli %scan3A_2485, %mul3A_2487 : i32
      %swap3A_2489 = arith.index_cast %mul3A_2488 : i32 to index
      %swap3A_2490 = tpu.vector_load %arg9[%swap3A_2489] {strides = array<i32>} : memref<2048xf32, #tpu.memory_space<vmem>>, vector<16xf32>,
      tpu.vector_store %arg9[%swap3A_2489], %broadcast_in_dim3A_0 {strides = array<i32>} : memref<2048xf32, #tpu.memory_space<vmem>>, vector<16xf32>,
      %scan3A_2491 = arith.constant 0 : i32
      scf.yield %scan3A_2491 : i32
    }
    %scan3A_441 = arith.constant 128 : i32
    %scan3A_442 = arith.constant 0 : i32
    %scan3A_443 = arith.constant 0 : i32
    %scan3A_444 = arith.constant 195 : i32
    %scan3A_445 = arith.addi %scan3A_443, %scan3A_444 : i32
    %scan3A_446 = arith.constant 1 : i32
    %scan3A_447 = scf.for %scan3A_2485 = %scan3A_443 to %scan3A_445 step %scan3A_446 iter_args(%scan3A_2486 = %scan3A_442) -> (i32)  : i32 {
      %mul3A_2487 = arith.constant 2 : i32
      %mul3A_2488 = arith.muli %mul3A_2487, %scan3A_2485 : i32
      %mul3A_2489 = arith.constant 16 : i32
      %mul3A_2490 = arith.muli %mul3A_2488, %mul3A_2489 : i32
      %get3A_2491 = arith.index_cast %mul3A_2490 : i32 to index
      %get3A_2492 = tpu.vector_load %arg6[%get3A_2491] {strides = array<i32>} : memref<6256xf32, #tpu.memory_space<vmem>>, vector<16xf32>,
      %add3A_2493 = arith.addi %mul3A_7, %mul3A_2490 : i32
      %add3A_2494 = vector.broadcast %add3A_2493 : i32 to vector<16xi32>
      %add3A_2495 = arith.addi %add3A_2494, %iota3A : vector<16xi32>
      %lt3A_2496 = arith.constant 100000 : i32
      %lt3A_2497 = vector.broadcast %lt3A_2496 : i32 to vector<16xi32>
      %lt3A_2498 = arith.cmpi slt, %add3A_2495, %lt3A_2497 : vector<16xi32>
      %sub3A_2499 = arith.subf %get3A_2492, %min3A_273 : vector<16xf32>
      %mul3A_2500 = arith.mulf %sub3A_2499, %div3A_283 : vector<16xf32>
      %convert_element_type3A_2501 = arith.fptosi %mul3A_2500 : vector<16xf32> to vector<16xi32>
      %sub3A_2502 = arith.constant 1 : i32
      %sub3A_2503 = vector.broadcast %sub3A_2502 : i32 to vector<16xi32>
      %sub3A_2504 = arith.subi %convert_element_type3A, %sub3A_2503 : vector<16xi32>
      %jit3A_2505 = arith.constant 0 : i32
      %max3A_2506 = vector.broadcast %jit3A_2505 : i32 to vector<16xi32>
      %max3A_2507 = arith.maxsi %max3A_2506, %convert_element_type3A_2501 : vector<16xi32>
      %min3A_2508 = arith.minsi %sub3A_2504, %max3A_2507 : vector<16xi32>
      %gather3A_2509 = tpu.vector_load_idx %arg13[%min3A_2508] : memref<144xf32, #tpu.memory_space<vmem>>[vector<16xi32>], vector<16xf32>,
      %add3A_2510 = arith.constant 1 : i32
      %add3A_2511 = vector.broadcast %add3A_2510 : i32 to vector<16xi32>
      %add3A_2512 = arith.addi %min3A_2508, %add3A_2511 : vector<16xi32>
      %gather3A_2513 = tpu.vector_load_idx %arg13[%add3A_2512] : memref<144xf32, #tpu.memory_space<vmem>>[vector<16xi32>], vector<16xf32>,
      %gt3A_2514 = arith.cmpf ogt, %gather3A_2509, %get3A_2492 : vector<16xf32>
      %convert_element_type3A_2515 = arith.extui %gt3A_2514 : vector<16xi1> to vector<16xi32>
      %sub3A_2516 = arith.subi %min3A_2508, %convert_element_type3A_2515 : vector<16xi32>
      %le3A_2517 = arith.cmpf ole, %gather3A_2513, %get3A_2492 : vector<16xf32>
      %convert_element_type3A_2518 = arith.extui %le3A_2517 : vector<16xi1> to vector<16xi32>
      %add3A_2519 = arith.addi %sub3A_2516, %convert_element_type3A_2518 : vector<16xi32>
      %lt3A_2520 = arith.constant 0 : i32
      %lt3A_2521 = vector.broadcast %lt3A_2520 : i32 to vector<16xi32>
      %lt3A_2522 = arith.cmpi slt, %add3A_2519, %lt3A_2521 : vector<16xi32>
      %sub3A_2523 = arith.constant 1 : i32
      %sub3A_2524 = vector.broadcast %sub3A_2523 : i32 to vector<16xi32>
      %sub3A_2525 = arith.subi %convert_element_type3A, %sub3A_2524 : vector<16xi32>
      %sub3A_2526 = arith.constant 1 : i32
      %sub3A_2527 = vector.broadcast %sub3A_2526 : i32 to vector<16xi32>
      %sub3A_2528 = arith.subi %convert_element_type3A, %sub3A_2527 : vector<16xi32>
      %min3A_2529 = arith.minsi %add3A_2519, %sub3A_2528 : vector<16xi32>
      %select_n3A_2530 = arith.select %lt3A_2522, %sub3A_2525, %min3A_2529 : vector<16xi1>, vector<16xi32>
      %mul3A_2531 = arith.constant 128 : i32
      %mul3A_2532 = vector.broadcast %mul3A_2531 : i32 to vector<16xi32>
      %mul3A_2533 = arith.muli %iota3A, %mul3A_2532 : vector<16xi32>
      %add3A_2534 = arith.addi %mul3A_2533, %select_n3A_2530 : vector<16xi32>
      tpu.vector_store_idx %arg9[%add3A_2534], %broadcast_in_dim3A_2 masked %lt3A_2498 {add = true} : memref<2048xf32, #tpu.memory_space<vmem>>[vector<16xi32>], vector<16xf32>, vector<16xi1>
      %mul3A_2535 = arith.constant 2 : i32
      %mul3A_2536 = arith.muli %mul3A_2535, %scan3A_2485 : i32
      %add3A_2537 = arith.constant 1 : i32
      %add3A_2538 = arith.addi %mul3A_2536, %add3A_2537 : i32
      %mul3A_2539 = arith.constant 16 : i32
      %mul3A_2540 = arith.muli %add3A_2538, %mul3A_2539 : i32
      %get3A_2541 = arith.index_cast %mul3A_2540 : i32 to index
      %get3A_2542 = tpu.vector_load %arg6[%get3A_2541] {strides = array<i32>} : memref<6256xf32, #tpu.memory_space<vmem>>, vector<16xf32>,
      %add3A_2543 = arith.addi %mul3A_7, %mul3A_2540 : i32
      %add3A_2544 = vector.broadcast %add3A_2543 : i32 to vector<16xi32>
      %add3A_2545 = arith.addi %add3A_2544, %iota3A : vector<16xi32>
      %lt3A_2546 = arith.constant 100000 : i32
      %lt3A_2547 = vector.broadcast %lt3A_2546 : i32 to vector<16xi32>
      %lt3A_2548 = arith.cmpi slt, %add3A_2545, %lt3A_2547 : vector<16xi32>
      %sub3A_2549 = arith.subf %get3A_2542, %min3A_273 : vector<16xf32>
      %mul3A_2550 = arith.mulf %sub3A_2549, %div3A_283 : vector<16xf32>
      %convert_element_type3A_2551 = arith.fptosi %mul3A_2550 : vector<16xf32> to vector<16xi32>
      %sub3A_2552 = arith.constant 1 : i32
      %sub3A_2553 = vector.broadcast %sub3A_2552 : i32 to vector<16xi32>
      %sub3A_2554 = arith.subi %convert_element_type3A, %sub3A_2553 : vector<16xi32>
      %jit3A_2555 = arith.constant 0 : i32
      %max3A_2556 = vector.broadcast %jit3A_2555 : i32 to vector<16xi32>
      %max3A_2557 = arith.maxsi %max3A_2556, %convert_element_type3A_2551 : vector<16xi32>
      %min3A_2558 = arith.minsi %sub3A_2554, %max3A_2557 : vector<16xi32>
      %gather3A_2559 = tpu.vector_load_idx %arg13[%min3A_2558] : memref<144xf32, #tpu.memory_space<vmem>>[vector<16xi32>], vector<16xf32>,
      %add3A_2560 = arith.constant 1 : i32
      %add3A_2561 = vector.broadcast %add3A_2560 : i32 to vector<16xi32>
      %add3A_2562 = arith.addi %min3A_2558, %add3A_2561 : vector<16xi32>
      %gather3A_2563 = tpu.vector_load_idx %arg13[%add3A_2562] : memref<144xf32, #tpu.memory_space<vmem>>[vector<16xi32>], vector<16xf32>,
      %gt3A_2564 = arith.cmpf ogt, %gather3A_2559, %get3A_2542 : vector<16xf32>
      %convert_element_type3A_2565 = arith.extui %gt3A_2564 : vector<16xi1> to vector<16xi32>
      %sub3A_2566 = arith.subi %min3A_2558, %convert_element_type3A_2565 : vector<16xi32>
      %le3A_2567 = arith.cmpf ole, %gather3A_2563, %get3A_2542 : vector<16xf32>
      %convert_element_type3A_2568 = arith.extui %le3A_2567 : vector<16xi1> to vector<16xi32>
      %add3A_2569 = arith.addi %sub3A_2566, %convert_element_type3A_2568 : vector<16xi32>
      %lt3A_2570 = arith.constant 0 : i32
      %lt3A_2571 = vector.broadcast %lt3A_2570 : i32 to vector<16xi32>
      %lt3A_2572 = arith.cmpi slt, %add3A_2569, %lt3A_2571 : vector<16xi32>
      %sub3A_2573 = arith.constant 1 : i32
      %sub3A_2574 = vector.broadcast %sub3A_2573 : i32 to vector<16xi32>
      %sub3A_2575 = arith.subi %convert_element_type3A, %sub3A_2574 : vector<16xi32>
      %sub3A_2576 = arith.constant 1 : i32
      %sub3A_2577 = vector.broadcast %sub3A_2576 : i32 to vector<16xi32>
      %sub3A_2578 = arith.subi %convert_element_type3A, %sub3A_2577 : vector<16xi32>
      %min3A_2579 = arith.minsi %add3A_2569, %sub3A_2578 : vector<16xi32>
      %select_n3A_2580 = arith.select %lt3A_2572, %sub3A_2575, %min3A_2579 : vector<16xi1>, vector<16xi32>
      %mul3A_2581 = arith.constant 128 : i32
      %mul3A_2582 = vector.broadcast %mul3A_2581 : i32 to vector<16xi32>
      %mul3A_2583 = arith.muli %iota3A, %mul3A_2582 : vector<16xi32>
      %add3A_2584 = arith.addi %mul3A_2583, %select_n3A_2580 : vector<16xi32>
      tpu.vector_store_idx %arg9[%add3A_2584], %broadcast_in_dim3A_2 masked %lt3A_2548 {add = true} : memref<2048xf32, #tpu.memory_space<vmem>>[vector<16xi32>], vector<16xf32>, vector<16xi1>
      %scan3A_2585 = arith.constant 0 : i32
      scf.yield %scan3A_2585 : i32
    }
    %scan3A_448 = arith.constant 195 : i32
    %get3A_449 = arith.constant 6240 : index
    %get3A_450 = tpu.vector_load %arg6[%get3A_449] {strides = array<i32>} : memref<6256xf32, #tpu.memory_space<vmem>>, vector<16xf32>,
    %add3A_451 = arith.constant 6240 : i32
    %add3A_452 = arith.addi %mul3A_7, %add3A_451 : i32
    %add3A_453 = vector.broadcast %add3A_452 : i32 to vector<16xi32>
    %add3A_454 = arith.addi %add3A_453, %iota3A : vector<16xi32>
    %lt3A_455 = arith.constant 100000 : i32
    %lt3A_456 = vector.broadcast %lt3A_455 : i32 to vector<16xi32>
    %lt3A_457 = arith.cmpi slt, %add3A_454, %lt3A_456 : vector<16xi32>
    %sub3A_458 = arith.subf %get3A_450, %min3A_273 : vector<16xf32>
    %mul3A_459 = arith.mulf %sub3A_458, %div3A_283 : vector<16xf32>
    %convert_element_type3A_460 = arith.fptosi %mul3A_459 : vector<16xf32> to vector<16xi32>
    %sub3A_461 = arith.constant 1 : i32
    %sub3A_462 = vector.broadcast %sub3A_461 : i32 to vector<16xi32>
    %sub3A_463 = arith.subi %convert_element_type3A, %sub3A_462 : vector<16xi32>
    %jit3A = arith.constant 0 : i32
    %max3A_464 = vector.broadcast %jit3A : i32 to vector<16xi32>
    %max3A_465 = arith.maxsi %max3A_464, %convert_element_type3A_460 : vector<16xi32>
    %min3A_466 = arith.minsi %sub3A_463, %max3A_465 : vector<16xi32>
    %gather3A = tpu.vector_load_idx %arg13[%min3A_466] : memref<144xf32, #tpu.memory_space<vmem>>[vector<16xi32>], vector<16xf32>,
    %add3A_467 = arith.constant 1 : i32
    %add3A_468 = vector.broadcast %add3A_467 : i32 to vector<16xi32>
    %add3A_469 = arith.addi %min3A_466, %add3A_468 : vector<16xi32>
    %gather3A_470 = tpu.vector_load_idx %arg13[%add3A_469] : memref<144xf32, #tpu.memory_space<vmem>>[vector<16xi32>], vector<16xf32>,
    %gt3A_471 = arith.cmpf ogt, %gather3A, %get3A_450 : vector<16xf32>
    %convert_element_type3A_472 = arith.extui %gt3A_471 : vector<16xi1> to vector<16xi32>
    %sub3A_473 = arith.subi %min3A_466, %convert_element_type3A_472 : vector<16xi32>
    %le3A = arith.cmpf ole, %gather3A_470, %get3A_450 : vector<16xf32>
    %convert_element_type3A_474 = arith.extui %le3A : vector<16xi1> to vector<16xi32>
    %add3A_475 = arith.addi %sub3A_473, %convert_element_type3A_474 : vector<16xi32>
    %lt3A_476 = arith.constant 0 : i32
    %lt3A_477 = vector.broadcast %lt3A_476 : i32 to vector<16xi32>
    %lt3A_478 = arith.cmpi slt, %add3A_475, %lt3A_477 : vector<16xi32>
    %sub3A_479 = arith.constant 1 : i32
    %sub3A_480 = vector.broadcast %sub3A_479 : i32 to vector<16xi32>
    %sub3A_481 = arith.subi %convert_element_type3A, %sub3A_480 : vector<16xi32>
    %sub3A_482 = arith.constant 1 : i32
    %sub3A_483 = vector.broadcast %sub3A_482 : i32 to vector<16xi32>
    %sub3A_484 = arith.subi %convert_element_type3A, %sub3A_483 : vector<16xi32>
    %min3A_485 = arith.minsi %add3A_475, %sub3A_484 : vector<16xi32>
    %select_n3A_486 = arith.select %lt3A_478, %sub3A_481, %min3A_485 : vector<16xi1>, vector<16xi32>
    %mul3A_487 = arith.constant 128 : i32
    %mul3A_488 = vector.broadcast %mul3A_487 : i32 to vector<16xi32>
    %mul3A_489 = arith.muli %iota3A, %mul3A_488 : vector<16xi32>
    %add3A_490 = arith.addi %mul3A_489, %select_n3A_486 : vector<16xi32>
    tpu.vector_store_idx %arg9[%add3A_490], %broadcast_in_dim3A_2 masked %lt3A_457 {add = true} : memref<2048xf32, #tpu.memory_space<vmem>>[vector<16xi32>], vector<16xf32>, vector<16xi1>
    %get3A_491 = arith.constant 0 : index
    %get3A_492 = tpu.vector_load %arg9[%get3A_491] {strides = array<i32>} : memref<2048xf32, #tpu.memory_space<vmem>>, vector<16xf32>,
    %get3A_493 = arith.constant 128 : index
    %get3A_494 = tpu.vector_load %arg9[%get3A_493] {strides = array<i32>} : memref<2048xf32, #tpu.memory_space<vmem>>, vector<16xf32>,
    %add3A_495 = arith.addf %get3A_492, %get3A_494 : vector<16xf32>
    %get3A_496 = arith.constant 256 : index
    %get3A_497 = tpu.vector_load %arg9[%get3A_496] {strides = array<i32>} : memref<2048xf32, #tpu.memory_space<vmem>>, vector<16xf32>,
    %add3A_498 = arith.addf %add3A_495, %get3A_497 : vector<16xf32>
    %get3A_499 = arith.constant 384 : index
    %get3A_500 = tpu.vector_load %arg9[%get3A_499] {strides = array<i32>} : memref<2048xf32, #tpu.memory_space<vmem>>, vector<16xf32>,
    %add3A_501 = arith.addf %add3A_498, %get3A_500 : vector<16xf32>
    %get3A_502 = arith.constant 512 : index
    %get3A_503 = tpu.vector_load %arg9[%get3A_502] {strides = array<i32>} : memref<2048xf32, #tpu.memory_space<vmem>>, vector<16xf32>,
    %add3A_504 = arith.addf %add3A_501, %get3A_503 : vector<16xf32>
    %get3A_505 = arith.constant 640 : index
    %get3A_506 = tpu.vector_load %arg9[%get3A_505] {strides = array<i32>} : memref<2048xf32, #tpu.memory_space<vmem>>, vector<16xf32>,
    %add3A_507 = arith.addf %add3A_504, %get3A_506 : vector<16xf32>
    %get3A_508 = arith.constant 768 : index
    %get3A_509 = tpu.vector_load %arg9[%get3A_508] {strides = array<i32>} : memref<2048xf32, #tpu.memory_space<vmem>>, vector<16xf32>,
    %add3A_510 = arith.addf %add3A_507, %get3A_509 : vector<16xf32>
    %get3A_511 = arith.constant 896 : index
    %get3A_512 = tpu.vector_load %arg9[%get3A_511] {strides = array<i32>} : memref<2048xf32, #tpu.memory_space<vmem>>, vector<16xf32>,
    %add3A_513 = arith.addf %add3A_510, %get3A_512 : vector<16xf32>
    %get3A_514 = arith.constant 1024 : index
    %get3A_515 = tpu.vector_load %arg9[%get3A_514] {strides = array<i32>} : memref<2048xf32, #tpu.memory_space<vmem>>, vector<16xf32>,
    %add3A_516 = arith.addf %add3A_513, %get3A_515 : vector<16xf32>
    %get3A_517 = arith.constant 1152 : index
    %get3A_518 = tpu.vector_load %arg9[%get3A_517] {strides = array<i32>} : memref<2048xf32, #tpu.memory_space<vmem>>, vector<16xf32>,
    %add3A_519 = arith.addf %add3A_516, %get3A_518 : vector<16xf32>
    %get3A_520 = arith.constant 1280 : index
    %get3A_521 = tpu.vector_load %arg9[%get3A_520] {strides = array<i32>} : memref<2048xf32, #tpu.memory_space<vmem>>, vector<16xf32>,
    %add3A_522 = arith.addf %add3A_519, %get3A_521 : vector<16xf32>
    %get3A_523 = arith.constant 1408 : index
    %get3A_524 = tpu.vector_load %arg9[%get3A_523] {strides = array<i32>} : memref<2048xf32, #tpu.memory_space<vmem>>, vector<16xf32>,
    %add3A_525 = arith.addf %add3A_522, %get3A_524 : vector<16xf32>
    %get3A_526 = arith.constant 1536 : index
    %get3A_527 = tpu.vector_load %arg9[%get3A_526] {strides = array<i32>} : memref<2048xf32, #tpu.memory_space<vmem>>, vector<16xf32>,
    %add3A_528 = arith.addf %add3A_525, %get3A_527 : vector<16xf32>
    %get3A_529 = arith.constant 1664 : index
    %get3A_530 = tpu.vector_load %arg9[%get3A_529] {strides = array<i32>} : memref<2048xf32, #tpu.memory_space<vmem>>, vector<16xf32>,
    %add3A_531 = arith.addf %add3A_528, %get3A_530 : vector<16xf32>
    %get3A_532 = arith.constant 1792 : index
    %get3A_533 = tpu.vector_load %arg9[%get3A_532] {strides = array<i32>} : memref<2048xf32, #tpu.memory_space<vmem>>, vector<16xf32>,
    %add3A_534 = arith.addf %add3A_531, %get3A_533 : vector<16xf32>
    %get3A_535 = arith.constant 1920 : index
    %get3A_536 = tpu.vector_load %arg9[%get3A_535] {strides = array<i32>} : memref<2048xf32, #tpu.memory_space<vmem>>, vector<16xf32>,
    %add3A_537 = arith.addf %add3A_534, %get3A_536 : vector<16xf32>
    %swap3A_538 = arith.constant 0 : i32
    %swap3A_539 = arith.index_cast %swap3A_538 : i32 to index
    %swap3A_540 = arith.constant 0 : index
    %swap3A_541 = tpu.vector_load %arg10[%swap3A_539, %swap3A_540] {strides = array<i32>} : memref<1x128xf32, #tpu.memory_space<vmem>>, vector<16xf32>,
    tpu.vector_store %arg10[%swap3A_539, %swap3A_540], %add3A_537 {strides = array<i32>} : memref<1x128xf32, #tpu.memory_space<vmem>>, vector<16xf32>,
    %get3A_542 = arith.constant 16 : index
    %get3A_543 = tpu.vector_load %arg9[%get3A_542] {strides = array<i32>} : memref<2048xf32, #tpu.memory_space<vmem>>, vector<16xf32>,
    %get3A_544 = arith.constant 144 : index
    %get3A_545 = tpu.vector_load %arg9[%get3A_544] {strides = array<i32>} : memref<2048xf32, #tpu.memory_space<vmem>>, vector<16xf32>,
    %add3A_546 = arith.addf %get3A_543, %get3A_545 : vector<16xf32>
    %get3A_547 = arith.constant 272 : index
    %get3A_548 = tpu.vector_load %arg9[%get3A_547] {strides = array<i32>} : memref<2048xf32, #tpu.memory_space<vmem>>, vector<16xf32>,
    %add3A_549 = arith.addf %add3A_546, %get3A_548 : vector<16xf32>
    %get3A_550 = arith.constant 400 : index
    %get3A_551 = tpu.vector_load %arg9[%get3A_550] {strides = array<i32>} : memref<2048xf32, #tpu.memory_space<vmem>>, vector<16xf32>,
    %add3A_552 = arith.addf %add3A_549, %get3A_551 : vector<16xf32>
    %get3A_553 = arith.constant 528 : index
    %get3A_554 = tpu.vector_load %arg9[%get3A_553] {strides = array<i32>} : memref<2048xf32, #tpu.memory_space<vmem>>, vector<16xf32>,
    %add3A_555 = arith.addf %add3A_552, %get3A_554 : vector<16xf32>
    %get3A_556 = arith.constant 656 : index
    %get3A_557 = tpu.vector_load %arg9[%get3A_556] {strides = array<i32>} : memref<2048xf32, #tpu.memory_space<vmem>>, vector<16xf32>,
    %add3A_558 = arith.addf %add3A_555, %get3A_557 : vector<16xf32>
    %get3A_559 = arith.constant 784 : index
    %get3A_560 = tpu.vector_load %arg9[%get3A_559] {strides = array<i32>} : memref<2048xf32, #tpu.memory_space<vmem>>, vector<16xf32>,
    %add3A_561 = arith.addf %add3A_558, %get3A_560 : vector<16xf32>
    %get3A_562 = arith.constant 912 : index
    %get3A_563 = tpu.vector_load %arg9[%get3A_562] {strides = array<i32>} : memref<2048xf32, #tpu.memory_space<vmem>>, vector<16xf32>,
    %add3A_564 = arith.addf %add3A_561, %get3A_563 : vector<16xf32>
    %get3A_565 = arith.constant 1040 : index
    %get3A_566 = tpu.vector_load %arg9[%get3A_565] {strides = array<i32>} : memref<2048xf32, #tpu.memory_space<vmem>>, vector<16xf32>,
    %add3A_567 = arith.addf %add3A_564, %get3A_566 : vector<16xf32>
    %get3A_568 = arith.constant 1168 : index
    %get3A_569 = tpu.vector_load %arg9[%get3A_568] {strides = array<i32>} : memref<2048xf32, #tpu.memory_space<vmem>>, vector<16xf32>,
    %add3A_570 = arith.addf %add3A_567, %get3A_569 : vector<16xf32>
    %get3A_571 = arith.constant 1296 : index
    %get3A_572 = tpu.vector_load %arg9[%get3A_571] {strides = array<i32>} : memref<2048xf32, #tpu.memory_space<vmem>>, vector<16xf32>,
    %add3A_573 = arith.addf %add3A_570, %get3A_572 : vector<16xf32>
    %get3A_574 = arith.constant 1424 : index
    %get3A_575 = tpu.vector_load %arg9[%get3A_574] {strides = array<i32>} : memref<2048xf32, #tpu.memory_space<vmem>>, vector<16xf32>,
    %add3A_576 = arith.addf %add3A_573, %get3A_575 : vector<16xf32>
    %get3A_577 = arith.constant 1552 : index
    %get3A_578 = tpu.vector_load %arg9[%get3A_577] {strides = array<i32>} : memref<2048xf32, #tpu.memory_space<vmem>>, vector<16xf32>,
    %add3A_579 = arith.addf %add3A_576, %get3A_578 : vector<16xf32>
    %get3A_580 = arith.constant 1680 : index
    %get3A_581 = tpu.vector_load %arg9[%get3A_580] {strides = array<i32>} : memref<2048xf32, #tpu.memory_space<vmem>>, vector<16xf32>,
    %add3A_582 = arith.addf %add3A_579, %get3A_581 : vector<16xf32>
    %get3A_583 = arith.constant 1808 : index
    %get3A_584 = tpu.vector_load %arg9[%get3A_583] {strides = array<i32>} : memref<2048xf32, #tpu.memory_space<vmem>>, vector<16xf32>,
    %add3A_585 = arith.addf %add3A_582, %get3A_584 : vector<16xf32>
    %get3A_586 = arith.constant 1936 : index
    %get3A_587 = tpu.vector_load %arg9[%get3A_586] {strides = array<i32>} : memref<2048xf32, #tpu.memory_space<vmem>>, vector<16xf32>,
    %add3A_588 = arith.addf %add3A_585, %get3A_587 : vector<16xf32>
    %swap3A_589 = arith.constant 0 : i32
    %swap3A_590 = arith.index_cast %swap3A_589 : i32 to index
    %swap3A_591 = arith.constant 16 : index
    %swap3A_592 = tpu.vector_load %arg10[%swap3A_590, %swap3A_591] {strides = array<i32>} : memref<1x128xf32, #tpu.memory_space<vmem>>, vector<16xf32>,
    tpu.vector_store %arg10[%swap3A_590, %swap3A_591], %add3A_588 {strides = array<i32>} : memref<1x128xf32, #tpu.memory_space<vmem>>, vector<16xf32>,
    %get3A_593 = arith.constant 32 : index
    %get3A_594 = tpu.vector_load %arg9[%get3A_593] {strides = array<i32>} : memref<2048xf32, #tpu.memory_space<vmem>>, vector<16xf32>,
    %get3A_595 = arith.constant 160 : index
    %get3A_596 = tpu.vector_load %arg9[%get3A_595] {strides = array<i32>} : memref<2048xf32, #tpu.memory_space<vmem>>, vector<16xf32>,
    %add3A_597 = arith.addf %get3A_594, %get3A_596 : vector<16xf32>
    %get3A_598 = arith.constant 288 : index
    %get3A_599 = tpu.vector_load %arg9[%get3A_598] {strides = array<i32>} : memref<2048xf32, #tpu.memory_space<vmem>>, vector<16xf32>,
    %add3A_600 = arith.addf %add3A_597, %get3A_599 : vector<16xf32>
    %get3A_601 = arith.constant 416 : index
    %get3A_602 = tpu.vector_load %arg9[%get3A_601] {strides = array<i32>} : memref<2048xf32, #tpu.memory_space<vmem>>, vector<16xf32>,
    %add3A_603 = arith.addf %add3A_600, %get3A_602 : vector<16xf32>
    %get3A_604 = arith.constant 544 : index
    %get3A_605 = tpu.vector_load %arg9[%get3A_604] {strides = array<i32>} : memref<2048xf32, #tpu.memory_space<vmem>>, vector<16xf32>,
    %add3A_606 = arith.addf %add3A_603, %get3A_605 : vector<16xf32>
    %get3A_607 = arith.constant 672 : index
    %get3A_608 = tpu.vector_load %arg9[%get3A_607] {strides = array<i32>} : memref<2048xf32, #tpu.memory_space<vmem>>, vector<16xf32>,
    %add3A_609 = arith.addf %add3A_606, %get3A_608 : vector<16xf32>
    %get3A_610 = arith.constant 800 : index
    %get3A_611 = tpu.vector_load %arg9[%get3A_610] {strides = array<i32>} : memref<2048xf32, #tpu.memory_space<vmem>>, vector<16xf32>,
    %add3A_612 = arith.addf %add3A_609, %get3A_611 : vector<16xf32>
    %get3A_613 = arith.constant 928 : index
    %get3A_614 = tpu.vector_load %arg9[%get3A_613] {strides = array<i32>} : memref<2048xf32, #tpu.memory_space<vmem>>, vector<16xf32>,
    %add3A_615 = arith.addf %add3A_612, %get3A_614 : vector<16xf32>
    %get3A_616 = arith.constant 1056 : index
    %get3A_617 = tpu.vector_load %arg9[%get3A_616] {strides = array<i32>} : memref<2048xf32, #tpu.memory_space<vmem>>, vector<16xf32>,
    %add3A_618 = arith.addf %add3A_615, %get3A_617 : vector<16xf32>
    %get3A_619 = arith.constant 1184 : index
    %get3A_620 = tpu.vector_load %arg9[%get3A_619] {strides = array<i32>} : memref<2048xf32, #tpu.memory_space<vmem>>, vector<16xf32>,
    %add3A_621 = arith.addf %add3A_618, %get3A_620 : vector<16xf32>
    %get3A_622 = arith.constant 1312 : index
    %get3A_623 = tpu.vector_load %arg9[%get3A_622] {strides = array<i32>} : memref<2048xf32, #tpu.memory_space<vmem>>, vector<16xf32>,
    %add3A_624 = arith.addf %add3A_621, %get3A_623 : vector<16xf32>
    %get3A_625 = arith.constant 1440 : index
    %get3A_626 = tpu.vector_load %arg9[%get3A_625] {strides = array<i32>} : memref<2048xf32, #tpu.memory_space<vmem>>, vector<16xf32>,
    %add3A_627 = arith.addf %add3A_624, %get3A_626 : vector<16xf32>
    %get3A_628 = arith.constant 1568 : index
    %get3A_629 = tpu.vector_load %arg9[%get3A_628] {strides = array<i32>} : memref<2048xf32, #tpu.memory_space<vmem>>, vector<16xf32>,
    %add3A_630 = arith.addf %add3A_627, %get3A_629 : vector<16xf32>
    %get3A_631 = arith.constant 1696 : index
    %get3A_632 = tpu.vector_load %arg9[%get3A_631] {strides = array<i32>} : memref<2048xf32, #tpu.memory_space<vmem>>, vector<16xf32>,
    %add3A_633 = arith.addf %add3A_630, %get3A_632 : vector<16xf32>
    %get3A_634 = arith.constant 1824 : index
    %get3A_635 = tpu.vector_load %arg9[%get3A_634] {strides = array<i32>} : memref<2048xf32, #tpu.memory_space<vmem>>, vector<16xf32>,
    %add3A_636 = arith.addf %add3A_633, %get3A_635 : vector<16xf32>
    %get3A_637 = arith.constant 1952 : index
    %get3A_638 = tpu.vector_load %arg9[%get3A_637] {strides = array<i32>} : memref<2048xf32, #tpu.memory_space<vmem>>, vector<16xf32>,
    %add3A_639 = arith.addf %add3A_636, %get3A_638 : vector<16xf32>
    %swap3A_640 = arith.constant 0 : i32
    %swap3A_641 = arith.index_cast %swap3A_640 : i32 to index
    %swap3A_642 = arith.constant 32 : index
    %swap3A_643 = tpu.vector_load %arg10[%swap3A_641, %swap3A_642] {strides = array<i32>} : memref<1x128xf32, #tpu.memory_space<vmem>>, vector<16xf32>,
    tpu.vector_store %arg10[%swap3A_641, %swap3A_642], %add3A_639 {strides = array<i32>} : memref<1x128xf32, #tpu.memory_space<vmem>>, vector<16xf32>,
    %get3A_644 = arith.constant 48 : index
    %get3A_645 = tpu.vector_load %arg9[%get3A_644] {strides = array<i32>} : memref<2048xf32, #tpu.memory_space<vmem>>, vector<16xf32>,
    %get3A_646 = arith.constant 176 : index
    %get3A_647 = tpu.vector_load %arg9[%get3A_646] {strides = array<i32>} : memref<2048xf32, #tpu.memory_space<vmem>>, vector<16xf32>,
    %add3A_648 = arith.addf %get3A_645, %get3A_647 : vector<16xf32>
    %get3A_649 = arith.constant 304 : index
    %get3A_650 = tpu.vector_load %arg9[%get3A_649] {strides = array<i32>} : memref<2048xf32, #tpu.memory_space<vmem>>, vector<16xf32>,
    %add3A_651 = arith.addf %add3A_648, %get3A_650 : vector<16xf32>
    %get3A_652 = arith.constant 432 : index
    %get3A_653 = tpu.vector_load %arg9[%get3A_652] {strides = array<i32>} : memref<2048xf32, #tpu.memory_space<vmem>>, vector<16xf32>,
    %add3A_654 = arith.addf %add3A_651, %get3A_653 : vector<16xf32>
    %get3A_655 = arith.constant 560 : index
    %get3A_656 = tpu.vector_load %arg9[%get3A_655] {strides = array<i32>} : memref<2048xf32, #tpu.memory_space<vmem>>, vector<16xf32>,
    %add3A_657 = arith.addf %add3A_654, %get3A_656 : vector<16xf32>
    %get3A_658 = arith.constant 688 : index
    %get3A_659 = tpu.vector_load %arg9[%get3A_658] {strides = array<i32>} : memref<2048xf32, #tpu.memory_space<vmem>>, vector<16xf32>,
    %add3A_660 = arith.addf %add3A_657, %get3A_659 : vector<16xf32>
    %get3A_661 = arith.constant 816 : index
    %get3A_662 = tpu.vector_load %arg9[%get3A_661] {strides = array<i32>} : memref<2048xf32, #tpu.memory_space<vmem>>, vector<16xf32>,
    %add3A_663 = arith.addf %add3A_660, %get3A_662 : vector<16xf32>
    %get3A_664 = arith.constant 944 : index
    %get3A_665 = tpu.vector_load %arg9[%get3A_664] {strides = array<i32>} : memref<2048xf32, #tpu.memory_space<vmem>>, vector<16xf32>,
    %add3A_666 = arith.addf %add3A_663, %get3A_665 : vector<16xf32>
    %get3A_667 = arith.constant 1072 : index
    %get3A_668 = tpu.vector_load %arg9[%get3A_667] {strides = array<i32>} : memref<2048xf32, #tpu.memory_space<vmem>>, vector<16xf32>,
    %add3A_669 = arith.addf %add3A_666, %get3A_668 : vector<16xf32>
    %get3A_670 = arith.constant 1200 : index
    %get3A_671 = tpu.vector_load %arg9[%get3A_670] {strides = array<i32>} : memref<2048xf32, #tpu.memory_space<vmem>>, vector<16xf32>,
    %add3A_672 = arith.addf %add3A_669, %get3A_671 : vector<16xf32>
    %get3A_673 = arith.constant 1328 : index
    %get3A_674 = tpu.vector_load %arg9[%get3A_673] {strides = array<i32>} : memref<2048xf32, #tpu.memory_space<vmem>>, vector<16xf32>,
    %add3A_675 = arith.addf %add3A_672, %get3A_674 : vector<16xf32>
    %get3A_676 = arith.constant 1456 : index
    %get3A_677 = tpu.vector_load %arg9[%get3A_676] {strides = array<i32>} : memref<2048xf32, #tpu.memory_space<vmem>>, vector<16xf32>,
    %add3A_678 = arith.addf %add3A_675, %get3A_677 : vector<16xf32>
    %get3A_679 = arith.constant 1584 : index
    %get3A_680 = tpu.vector_load %arg9[%get3A_679] {strides = array<i32>} : memref<2048xf32, #tpu.memory_space<vmem>>, vector<16xf32>,
    %add3A_681 = arith.addf %add3A_678, %get3A_680 : vector<16xf32>
    %get3A_682 = arith.constant 1712 : index
    %get3A_683 = tpu.vector_load %arg9[%get3A_682] {strides = array<i32>} : memref<2048xf32, #tpu.memory_space<vmem>>, vector<16xf32>,
    %add3A_684 = arith.addf %add3A_681, %get3A_683 : vector<16xf32>
    %get3A_685 = arith.constant 1840 : index
    %get3A_686 = tpu.vector_load %arg9[%get3A_685] {strides = array<i32>} : memref<2048xf32, #tpu.memory_space<vmem>>, vector<16xf32>,
    %add3A_687 = arith.addf %add3A_684, %get3A_686 : vector<16xf32>
    %get3A_688 = arith.constant 1968 : index
    %get3A_689 = tpu.vector_load %arg9[%get3A_688] {strides = array<i32>} : memref<2048xf32, #tpu.memory_space<vmem>>, vector<16xf32>,
    %add3A_690 = arith.addf %add3A_687, %get3A_689 : vector<16xf32>
    %swap3A_691 = arith.constant 0 : i32
    %swap3A_692 = arith.index_cast %swap3A_691 : i32 to index
    %swap3A_693 = arith.constant 48 : index
    %swap3A_694 = tpu.vector_load %arg10[%swap3A_692, %swap3A_693] {strides = array<i32>} : memref<1x128xf32, #tpu.memory_space<vmem>>, vector<16xf32>,
    tpu.vector_store %arg10[%swap3A_692, %swap3A_693], %add3A_690 {strides = array<i32>} : memref<1x128xf32, #tpu.memory_space<vmem>>, vector<16xf32>,
    %get3A_695 = arith.constant 64 : index
    %get3A_696 = tpu.vector_load %arg9[%get3A_695] {strides = array<i32>} : memref<2048xf32, #tpu.memory_space<vmem>>, vector<16xf32>,
    %get3A_697 = arith.constant 192 : index
    %get3A_698 = tpu.vector_load %arg9[%get3A_697] {strides = array<i32>} : memref<2048xf32, #tpu.memory_space<vmem>>, vector<16xf32>,
    %add3A_699 = arith.addf %get3A_696, %get3A_698 : vector<16xf32>
    %get3A_700 = arith.constant 320 : index
    %get3A_701 = tpu.vector_load %arg9[%get3A_700] {strides = array<i32>} : memref<2048xf32, #tpu.memory_space<vmem>>, vector<16xf32>,
    %add3A_702 = arith.addf %add3A_699, %get3A_701 : vector<16xf32>
    %get3A_703 = arith.constant 448 : index
    %get3A_704 = tpu.vector_load %arg9[%get3A_703] {strides = array<i32>} : memref<2048xf32, #tpu.memory_space<vmem>>, vector<16xf32>,
    %add3A_705 = arith.addf %add3A_702, %get3A_704 : vector<16xf32>
    %get3A_706 = arith.constant 576 : index
    %get3A_707 = tpu.vector_load %arg9[%get3A_706] {strides = array<i32>} : memref<2048xf32, #tpu.memory_space<vmem>>, vector<16xf32>,
    %add3A_708 = arith.addf %add3A_705, %get3A_707 : vector<16xf32>
    %get3A_709 = arith.constant 704 : index
    %get3A_710 = tpu.vector_load %arg9[%get3A_709] {strides = array<i32>} : memref<2048xf32, #tpu.memory_space<vmem>>, vector<16xf32>,
    %add3A_711 = arith.addf %add3A_708, %get3A_710 : vector<16xf32>
    %get3A_712 = arith.constant 832 : index
    %get3A_713 = tpu.vector_load %arg9[%get3A_712] {strides = array<i32>} : memref<2048xf32, #tpu.memory_space<vmem>>, vector<16xf32>,
    %add3A_714 = arith.addf %add3A_711, %get3A_713 : vector<16xf32>
    %get3A_715 = arith.constant 960 : index
    %get3A_716 = tpu.vector_load %arg9[%get3A_715] {strides = array<i32>} : memref<2048xf32, #tpu.memory_space<vmem>>, vector<16xf32>,
    %add3A_717 = arith.addf %add3A_714, %get3A_716 : vector<16xf32>
    %get3A_718 = arith.constant 1088 : index
    %get3A_719 = tpu.vector_load %arg9[%get3A_718] {strides = array<i32>} : memref<2048xf32, #tpu.memory_space<vmem>>, vector<16xf32>,
    %add3A_720 = arith.addf %add3A_717, %get3A_719 : vector<16xf32>
    %get3A_721 = arith.constant 1216 : index
    %get3A_722 = tpu.vector_load %arg9[%get3A_721] {strides = array<i32>} : memref<2048xf32, #tpu.memory_space<vmem>>, vector<16xf32>,
    %add3A_723 = arith.addf %add3A_720, %get3A_722 : vector<16xf32>
    %get3A_724 = arith.constant 1344 : index
    %get3A_725 = tpu.vector_load %arg9[%get3A_724] {strides = array<i32>} : memref<2048xf32, #tpu.memory_space<vmem>>, vector<16xf32>,
    %add3A_726 = arith.addf %add3A_723, %get3A_725 : vector<16xf32>
    %get3A_727 = arith.constant 1472 : index
    %get3A_728 = tpu.vector_load %arg9[%get3A_727] {strides = array<i32>} : memref<2048xf32, #tpu.memory_space<vmem>>, vector<16xf32>,
    %add3A_729 = arith.addf %add3A_726, %get3A_728 : vector<16xf32>
    %get3A_730 = arith.constant 1600 : index
    %get3A_731 = tpu.vector_load %arg9[%get3A_730] {strides = array<i32>} : memref<2048xf32, #tpu.memory_space<vmem>>, vector<16xf32>,
    %add3A_732 = arith.addf %add3A_729, %get3A_731 : vector<16xf32>
    %get3A_733 = arith.constant 1728 : index
    %get3A_734 = tpu.vector_load %arg9[%get3A_733] {strides = array<i32>} : memref<2048xf32, #tpu.memory_space<vmem>>, vector<16xf32>,
    %add3A_735 = arith.addf %add3A_732, %get3A_734 : vector<16xf32>
    %get3A_736 = arith.constant 1856 : index
    %get3A_737 = tpu.vector_load %arg9[%get3A_736] {strides = array<i32>} : memref<2048xf32, #tpu.memory_space<vmem>>, vector<16xf32>,
    %add3A_738 = arith.addf %add3A_735, %get3A_737 : vector<16xf32>
    %get3A_739 = arith.constant 1984 : index
    %get3A_740 = tpu.vector_load %arg9[%get3A_739] {strides = array<i32>} : memref<2048xf32, #tpu.memory_space<vmem>>, vector<16xf32>,
    %add3A_741 = arith.addf %add3A_738, %get3A_740 : vector<16xf32>
    %swap3A_742 = arith.constant 0 : i32
    %swap3A_743 = arith.index_cast %swap3A_742 : i32 to index
    %swap3A_744 = arith.constant 64 : index
    %swap3A_745 = tpu.vector_load %arg10[%swap3A_743, %swap3A_744] {strides = array<i32>} : memref<1x128xf32, #tpu.memory_space<vmem>>, vector<16xf32>,
    tpu.vector_store %arg10[%swap3A_743, %swap3A_744], %add3A_741 {strides = array<i32>} : memref<1x128xf32, #tpu.memory_space<vmem>>, vector<16xf32>,
    %get3A_746 = arith.constant 80 : index
    %get3A_747 = tpu.vector_load %arg9[%get3A_746] {strides = array<i32>} : memref<2048xf32, #tpu.memory_space<vmem>>, vector<16xf32>,
    %get3A_748 = arith.constant 208 : index
    %get3A_749 = tpu.vector_load %arg9[%get3A_748] {strides = array<i32>} : memref<2048xf32, #tpu.memory_space<vmem>>, vector<16xf32>,
    %add3A_750 = arith.addf %get3A_747, %get3A_749 : vector<16xf32>
    %get3A_751 = arith.constant 336 : index
    %get3A_752 = tpu.vector_load %arg9[%get3A_751] {strides = array<i32>} : memref<2048xf32, #tpu.memory_space<vmem>>, vector<16xf32>,
    %add3A_753 = arith.addf %add3A_750, %get3A_752 : vector<16xf32>
    %get3A_754 = arith.constant 464 : index
    %get3A_755 = tpu.vector_load %arg9[%get3A_754] {strides = array<i32>} : memref<2048xf32, #tpu.memory_space<vmem>>, vector<16xf32>,
    %add3A_756 = arith.addf %add3A_753, %get3A_755 : vector<16xf32>
    %get3A_757 = arith.constant 592 : index
    %get3A_758 = tpu.vector_load %arg9[%get3A_757] {strides = array<i32>} : memref<2048xf32, #tpu.memory_space<vmem>>, vector<16xf32>,
    %add3A_759 = arith.addf %add3A_756, %get3A_758 : vector<16xf32>
    %get3A_760 = arith.constant 720 : index
    %get3A_761 = tpu.vector_load %arg9[%get3A_760] {strides = array<i32>} : memref<2048xf32, #tpu.memory_space<vmem>>, vector<16xf32>,
    %add3A_762 = arith.addf %add3A_759, %get3A_761 : vector<16xf32>
    %get3A_763 = arith.constant 848 : index
    %get3A_764 = tpu.vector_load %arg9[%get3A_763] {strides = array<i32>} : memref<2048xf32, #tpu.memory_space<vmem>>, vector<16xf32>,
    %add3A_765 = arith.addf %add3A_762, %get3A_764 : vector<16xf32>
    %get3A_766 = arith.constant 976 : index
    %get3A_767 = tpu.vector_load %arg9[%get3A_766] {strides = array<i32>} : memref<2048xf32, #tpu.memory_space<vmem>>, vector<16xf32>,
    %add3A_768 = arith.addf %add3A_765, %get3A_767 : vector<16xf32>
    %get3A_769 = arith.constant 1104 : index
    %get3A_770 = tpu.vector_load %arg9[%get3A_769] {strides = array<i32>} : memref<2048xf32, #tpu.memory_space<vmem>>, vector<16xf32>,
    %add3A_771 = arith.addf %add3A_768, %get3A_770 : vector<16xf32>
    %get3A_772 = arith.constant 1232 : index
    %get3A_773 = tpu.vector_load %arg9[%get3A_772] {strides = array<i32>} : memref<2048xf32, #tpu.memory_space<vmem>>, vector<16xf32>,
    %add3A_774 = arith.addf %add3A_771, %get3A_773 : vector<16xf32>
    %get3A_775 = arith.constant 1360 : index
    %get3A_776 = tpu.vector_load %arg9[%get3A_775] {strides = array<i32>} : memref<2048xf32, #tpu.memory_space<vmem>>, vector<16xf32>,
    %add3A_777 = arith.addf %add3A_774, %get3A_776 : vector<16xf32>
    %get3A_778 = arith.constant 1488 : index
    %get3A_779 = tpu.vector_load %arg9[%get3A_778] {strides = array<i32>} : memref<2048xf32, #tpu.memory_space<vmem>>, vector<16xf32>,
    %add3A_780 = arith.addf %add3A_777, %get3A_779 : vector<16xf32>
    %get3A_781 = arith.constant 1616 : index
    %get3A_782 = tpu.vector_load %arg9[%get3A_781] {strides = array<i32>} : memref<2048xf32, #tpu.memory_space<vmem>>, vector<16xf32>,
    %add3A_783 = arith.addf %add3A_780, %get3A_782 : vector<16xf32>
    %get3A_784 = arith.constant 1744 : index
    %get3A_785 = tpu.vector_load %arg9[%get3A_784] {strides = array<i32>} : memref<2048xf32, #tpu.memory_space<vmem>>, vector<16xf32>,
    %add3A_786 = arith.addf %add3A_783, %get3A_785 : vector<16xf32>
    %get3A_787 = arith.constant 1872 : index
    %get3A_788 = tpu.vector_load %arg9[%get3A_787] {strides = array<i32>} : memref<2048xf32, #tpu.memory_space<vmem>>, vector<16xf32>,
    %add3A_789 = arith.addf %add3A_786, %get3A_788 : vector<16xf32>
    %get3A_790 = arith.constant 2000 : index
    %get3A_791 = tpu.vector_load %arg9[%get3A_790] {strides = array<i32>} : memref<2048xf32, #tpu.memory_space<vmem>>, vector<16xf32>,
    %add3A_792 = arith.addf %add3A_789, %get3A_791 : vector<16xf32>
    %swap3A_793 = arith.constant 0 : i32
    %swap3A_794 = arith.index_cast %swap3A_793 : i32 to index
    %swap3A_795 = arith.constant 80 : index
    %swap3A_796 = tpu.vector_load %arg10[%swap3A_794, %swap3A_795] {strides = array<i32>} : memref<1x128xf32, #tpu.memory_space<vmem>>, vector<16xf32>,
    tpu.vector_store %arg10[%swap3A_794, %swap3A_795], %add3A_792 {strides = array<i32>} : memref<1x128xf32, #tpu.memory_space<vmem>>, vector<16xf32>,
    %get3A_797 = arith.constant 96 : index
    %get3A_798 = tpu.vector_load %arg9[%get3A_797] {strides = array<i32>} : memref<2048xf32, #tpu.memory_space<vmem>>, vector<16xf32>,
    %get3A_799 = arith.constant 224 : index
    %get3A_800 = tpu.vector_load %arg9[%get3A_799] {strides = array<i32>} : memref<2048xf32, #tpu.memory_space<vmem>>, vector<16xf32>,
    %add3A_801 = arith.addf %get3A_798, %get3A_800 : vector<16xf32>
    %get3A_802 = arith.constant 352 : index
    %get3A_803 = tpu.vector_load %arg9[%get3A_802] {strides = array<i32>} : memref<2048xf32, #tpu.memory_space<vmem>>, vector<16xf32>,
    %add3A_804 = arith.addf %add3A_801, %get3A_803 : vector<16xf32>
    %get3A_805 = arith.constant 480 : index
    %get3A_806 = tpu.vector_load %arg9[%get3A_805] {strides = array<i32>} : memref<2048xf32, #tpu.memory_space<vmem>>, vector<16xf32>,
    %add3A_807 = arith.addf %add3A_804, %get3A_806 : vector<16xf32>
    %get3A_808 = arith.constant 608 : index
    %get3A_809 = tpu.vector_load %arg9[%get3A_808] {strides = array<i32>} : memref<2048xf32, #tpu.memory_space<vmem>>, vector<16xf32>,
    %add3A_810 = arith.addf %add3A_807, %get3A_809 : vector<16xf32>
    %get3A_811 = arith.constant 736 : index
    %get3A_812 = tpu.vector_load %arg9[%get3A_811] {strides = array<i32>} : memref<2048xf32, #tpu.memory_space<vmem>>, vector<16xf32>,
    %add3A_813 = arith.addf %add3A_810, %get3A_812 : vector<16xf32>
    %get3A_814 = arith.constant 864 : index
    %get3A_815 = tpu.vector_load %arg9[%get3A_814] {strides = array<i32>} : memref<2048xf32, #tpu.memory_space<vmem>>, vector<16xf32>,
    %add3A_816 = arith.addf %add3A_813, %get3A_815 : vector<16xf32>
    %get3A_817 = arith.constant 992 : index
    %get3A_818 = tpu.vector_load %arg9[%get3A_817] {strides = array<i32>} : memref<2048xf32, #tpu.memory_space<vmem>>, vector<16xf32>,
    %add3A_819 = arith.addf %add3A_816, %get3A_818 : vector<16xf32>
    %get3A_820 = arith.constant 1120 : index
    %get3A_821 = tpu.vector_load %arg9[%get3A_820] {strides = array<i32>} : memref<2048xf32, #tpu.memory_space<vmem>>, vector<16xf32>,
    %add3A_822 = arith.addf %add3A_819, %get3A_821 : vector<16xf32>
    %get3A_823 = arith.constant 1248 : index
    %get3A_824 = tpu.vector_load %arg9[%get3A_823] {strides = array<i32>} : memref<2048xf32, #tpu.memory_space<vmem>>, vector<16xf32>,
    %add3A_825 = arith.addf %add3A_822, %get3A_824 : vector<16xf32>
    %get3A_826 = arith.constant 1376 : index
    %get3A_827 = tpu.vector_load %arg9[%get3A_826] {strides = array<i32>} : memref<2048xf32, #tpu.memory_space<vmem>>, vector<16xf32>,
    %add3A_828 = arith.addf %add3A_825, %get3A_827 : vector<16xf32>
    %get3A_829 = arith.constant 1504 : index
    %get3A_830 = tpu.vector_load %arg9[%get3A_829] {strides = array<i32>} : memref<2048xf32, #tpu.memory_space<vmem>>, vector<16xf32>,
    %add3A_831 = arith.addf %add3A_828, %get3A_830 : vector<16xf32>
    %get3A_832 = arith.constant 1632 : index
    %get3A_833 = tpu.vector_load %arg9[%get3A_832] {strides = array<i32>} : memref<2048xf32, #tpu.memory_space<vmem>>, vector<16xf32>,
    %add3A_834 = arith.addf %add3A_831, %get3A_833 : vector<16xf32>
    %get3A_835 = arith.constant 1760 : index
    %get3A_836 = tpu.vector_load %arg9[%get3A_835] {strides = array<i32>} : memref<2048xf32, #tpu.memory_space<vmem>>, vector<16xf32>,
    %add3A_837 = arith.addf %add3A_834, %get3A_836 : vector<16xf32>
    %get3A_838 = arith.constant 1888 : index
    %get3A_839 = tpu.vector_load %arg9[%get3A_838] {strides = array<i32>} : memref<2048xf32, #tpu.memory_space<vmem>>, vector<16xf32>,
    %add3A_840 = arith.addf %add3A_837, %get3A_839 : vector<16xf32>
    %get3A_841 = arith.constant 2016 : index
    %get3A_842 = tpu.vector_load %arg9[%get3A_841] {strides = array<i32>} : memref<2048xf32, #tpu.memory_space<vmem>>, vector<16xf32>,
    %add3A_843 = arith.addf %add3A_840, %get3A_842 : vector<16xf32>
    %swap3A_844 = arith.constant 0 : i32
    %swap3A_845 = arith.index_cast %swap3A_844 : i32 to index
    %swap3A_846 = arith.constant 96 : index
    %swap3A_847 = tpu.vector_load %arg10[%swap3A_845, %swap3A_846] {strides = array<i32>} : memref<1x128xf32, #tpu.memory_space<vmem>>, vector<16xf32>,
    tpu.vector_store %arg10[%swap3A_845, %swap3A_846], %add3A_843 {strides = array<i32>} : memref<1x128xf32, #tpu.memory_space<vmem>>, vector<16xf32>,
    %get3A_848 = arith.constant 112 : index
    %get3A_849 = tpu.vector_load %arg9[%get3A_848] {strides = array<i32>} : memref<2048xf32, #tpu.memory_space<vmem>>, vector<16xf32>,
    %get3A_850 = arith.constant 240 : index
    %get3A_851 = tpu.vector_load %arg9[%get3A_850] {strides = array<i32>} : memref<2048xf32, #tpu.memory_space<vmem>>, vector<16xf32>,
    %add3A_852 = arith.addf %get3A_849, %get3A_851 : vector<16xf32>
    %get3A_853 = arith.constant 368 : index
    %get3A_854 = tpu.vector_load %arg9[%get3A_853] {strides = array<i32>} : memref<2048xf32, #tpu.memory_space<vmem>>, vector<16xf32>,
    %add3A_855 = arith.addf %add3A_852, %get3A_854 : vector<16xf32>
    %get3A_856 = arith.constant 496 : index
    %get3A_857 = tpu.vector_load %arg9[%get3A_856] {strides = array<i32>} : memref<2048xf32, #tpu.memory_space<vmem>>, vector<16xf32>,
    %add3A_858 = arith.addf %add3A_855, %get3A_857 : vector<16xf32>
    %get3A_859 = arith.constant 624 : index
    %get3A_860 = tpu.vector_load %arg9[%get3A_859] {strides = array<i32>} : memref<2048xf32, #tpu.memory_space<vmem>>, vector<16xf32>,
    %add3A_861 = arith.addf %add3A_858, %get3A_860 : vector<16xf32>
    %get3A_862 = arith.constant 752 : index
    %get3A_863 = tpu.vector_load %arg9[%get3A_862] {strides = array<i32>} : memref<2048xf32, #tpu.memory_space<vmem>>, vector<16xf32>,
    %add3A_864 = arith.addf %add3A_861, %get3A_863 : vector<16xf32>
    %get3A_865 = arith.constant 880 : index
    %get3A_866 = tpu.vector_load %arg9[%get3A_865] {strides = array<i32>} : memref<2048xf32, #tpu.memory_space<vmem>>, vector<16xf32>,
    %add3A_867 = arith.addf %add3A_864, %get3A_866 : vector<16xf32>
    %get3A_868 = arith.constant 1008 : index
    %get3A_869 = tpu.vector_load %arg9[%get3A_868] {strides = array<i32>} : memref<2048xf32, #tpu.memory_space<vmem>>, vector<16xf32>,
    %add3A_870 = arith.addf %add3A_867, %get3A_869 : vector<16xf32>
    %get3A_871 = arith.constant 1136 : index
    %get3A_872 = tpu.vector_load %arg9[%get3A_871] {strides = array<i32>} : memref<2048xf32, #tpu.memory_space<vmem>>, vector<16xf32>,
    %add3A_873 = arith.addf %add3A_870, %get3A_872 : vector<16xf32>
    %get3A_874 = arith.constant 1264 : index
    %get3A_875 = tpu.vector_load %arg9[%get3A_874] {strides = array<i32>} : memref<2048xf32, #tpu.memory_space<vmem>>, vector<16xf32>,
    %add3A_876 = arith.addf %add3A_873, %get3A_875 : vector<16xf32>
    %get3A_877 = arith.constant 1392 : index
    %get3A_878 = tpu.vector_load %arg9[%get3A_877] {strides = array<i32>} : memref<2048xf32, #tpu.memory_space<vmem>>, vector<16xf32>,
    %add3A_879 = arith.addf %add3A_876, %get3A_878 : vector<16xf32>
    %get3A_880 = arith.constant 1520 : index
    %get3A_881 = tpu.vector_load %arg9[%get3A_880] {strides = array<i32>} : memref<2048xf32, #tpu.memory_space<vmem>>, vector<16xf32>,
    %add3A_882 = arith.addf %add3A_879, %get3A_881 : vector<16xf32>
    %get3A_883 = arith.constant 1648 : index
    %get3A_884 = tpu.vector_load %arg9[%get3A_883] {strides = array<i32>} : memref<2048xf32, #tpu.memory_space<vmem>>, vector<16xf32>,
    %add3A_885 = arith.addf %add3A_882, %get3A_884 : vector<16xf32>
    %get3A_886 = arith.constant 1776 : index
    %get3A_887 = tpu.vector_load %arg9[%get3A_886] {strides = array<i32>} : memref<2048xf32, #tpu.memory_space<vmem>>, vector<16xf32>,
    %add3A_888 = arith.addf %add3A_885, %get3A_887 : vector<16xf32>
    %get3A_889 = arith.constant 1904 : index
    %get3A_890 = tpu.vector_load %arg9[%get3A_889] {strides = array<i32>} : memref<2048xf32, #tpu.memory_space<vmem>>, vector<16xf32>,
    %add3A_891 = arith.addf %add3A_888, %get3A_890 : vector<16xf32>
    %get3A_892 = arith.constant 2032 : index
    %get3A_893 = tpu.vector_load %arg9[%get3A_892] {strides = array<i32>} : memref<2048xf32, #tpu.memory_space<vmem>>, vector<16xf32>,
    %add3A_894 = arith.addf %add3A_891, %get3A_893 : vector<16xf32>
    %swap3A_895 = arith.constant 0 : i32
    %swap3A_896 = arith.index_cast %swap3A_895 : i32 to index
    %swap3A_897 = arith.constant 112 : index
    %swap3A_898 = tpu.vector_load %arg10[%swap3A_896, %swap3A_897] {strides = array<i32>} : memref<1x128xf32, #tpu.memory_space<vmem>>, vector<16xf32>,
    tpu.vector_store %arg10[%swap3A_896, %swap3A_897], %add3A_894 {strides = array<i32>} : memref<1x128xf32, #tpu.memory_space<vmem>>, vector<16xf32>,
    "tpu.region"() ({
      %run_scoped3A = tpu.sem_alloc : memref<!tpu.dma_semaphore, #tpu.memory_space<semaphore_mem>>
      %dma_start3A = arith.constant 0 : i32
      %dma_start3A_2485 = tpu.memref_slice %arg21[%arg1, %dma_start3A] : memref<16x128xf32, #tpu.memory_space<vmem_shared>> -> memref<1x128xf32, #tpu.memory_space<vmem_shared>>
      %dma_start3A_2486 = arith.constant 0 : i32
      %dma_start3A_2487 = tpu.memref_slice %arg21[%arg1, %dma_start3A_2486] : memref<16x128xf32, #tpu.memory_space<vmem_shared>> -> memref<1x128xf32, #tpu.memory_space<vmem_shared>>
      tpu.enqueue_dma source(%arg10 : memref<1x128xf32, #tpu.memory_space<vmem>>) target(%dma_start3A_2487 : memref<1x128xf32, #tpu.memory_space<vmem_shared>>) target_semaphore(%run_scoped3A : memref<!tpu.dma_semaphore, #tpu.memory_space<semaphore_mem>>)
      %dma_wait3A = arith.constant 0 : i32
      %dma_wait3A_2488 = tpu.memref_slice %arg21[%arg1, %dma_wait3A] : memref<16x128xf32, #tpu.memory_space<vmem_shared>> -> memref<1x128xf32, #tpu.memory_space<vmem_shared>>
      %dma_wait3A_2489 = arith.constant 0 : i32
      %dma_wait3A_2490 = tpu.memref_slice %arg21[%arg1, %dma_wait3A_2489] : memref<16x128xf32, #tpu.memory_space<vmem_shared>> -> memref<1x128xf32, #tpu.memory_space<vmem_shared>>
      tpu.wait_dma2 semaphore(%run_scoped3A : memref<!tpu.dma_semaphore, #tpu.memory_space<semaphore_mem>>) src(%arg10 : memref<1x128xf32, #tpu.memory_space<vmem>>) dst(%dma_wait3A_2490 : memref<1x128xf32, #tpu.memory_space<vmem_shared>>)
      tpu.yield
    }) : () -> ()
    %barrier3A_899 = arith.constant 0 : index
    tpu.barrier barrier_id(%barrier3A_899)
    "tpu.region"() ({
      %run_scoped3A = tpu.sem_alloc : memref<!tpu.dma_semaphore, #tpu.memory_space<semaphore_mem>>
      tpu.enqueue_dma source(%arg21 : memref<16x128xf32, #tpu.memory_space<vmem_shared>>) target(%arg17 : memref<16x128xf32, #tpu.memory_space<vmem>>) target_semaphore(%run_scoped3A : memref<!tpu.dma_semaphore, #tpu.memory_space<semaphore_mem>>)
      tpu.wait_dma2 semaphore(%run_scoped3A : memref<!tpu.dma_semaphore, #tpu.memory_space<semaphore_mem>>) src(%arg21 : memref<16x128xf32, #tpu.memory_space<vmem_shared>>) dst(%arg17 : memref<16x128xf32, #tpu.memory_space<vmem>>)
      tpu.yield
    }) : () -> ()
    %swap3A_900 = arith.constant 0 : index
    %swap3A_901 = tpu.vector_load %arg11[%swap3A_900] {strides = array<i32>} : memref<160xf32, #tpu.memory_space<vmem>>, vector<16xf32>,
    tpu.vector_store %arg11[%swap3A_900], %broadcast_in_dim3A_0 {strides = array<i32>} : memref<160xf32, #tpu.memory_space<vmem>>, vector<16xf32>,
    %swap3A_902 = arith.constant 16 : index
    %swap3A_903 = tpu.vector_load %arg11[%swap3A_902] {strides = array<i32>} : memref<160xf32, #tpu.memory_space<vmem>>, vector<16xf32>,
    tpu.vector_store %arg11[%swap3A_902], %broadcast_in_dim3A_0 {strides = array<i32>} : memref<160xf32, #tpu.memory_space<vmem>>, vector<16xf32>,
    %swap3A_904 = arith.constant 32 : index
    %swap3A_905 = tpu.vector_load %arg11[%swap3A_904] {strides = array<i32>} : memref<160xf32, #tpu.memory_space<vmem>>, vector<16xf32>,
    tpu.vector_store %arg11[%swap3A_904], %broadcast_in_dim3A_0 {strides = array<i32>} : memref<160xf32, #tpu.memory_space<vmem>>, vector<16xf32>,
    %swap3A_906 = arith.constant 48 : index
    %swap3A_907 = tpu.vector_load %arg11[%swap3A_906] {strides = array<i32>} : memref<160xf32, #tpu.memory_space<vmem>>, vector<16xf32>,
    tpu.vector_store %arg11[%swap3A_906], %broadcast_in_dim3A_0 {strides = array<i32>} : memref<160xf32, #tpu.memory_space<vmem>>, vector<16xf32>,
    %swap3A_908 = arith.constant 64 : index
    %swap3A_909 = tpu.vector_load %arg11[%swap3A_908] {strides = array<i32>} : memref<160xf32, #tpu.memory_space<vmem>>, vector<16xf32>,
    tpu.vector_store %arg11[%swap3A_908], %broadcast_in_dim3A_0 {strides = array<i32>} : memref<160xf32, #tpu.memory_space<vmem>>, vector<16xf32>,
    %swap3A_910 = arith.constant 80 : index
    %swap3A_911 = tpu.vector_load %arg11[%swap3A_910] {strides = array<i32>} : memref<160xf32, #tpu.memory_space<vmem>>, vector<16xf32>,
    tpu.vector_store %arg11[%swap3A_910], %broadcast_in_dim3A_0 {strides = array<i32>} : memref<160xf32, #tpu.memory_space<vmem>>, vector<16xf32>,
    %swap3A_912 = arith.constant 96 : index
    %swap3A_913 = tpu.vector_load %arg11[%swap3A_912] {strides = array<i32>} : memref<160xf32, #tpu.memory_space<vmem>>, vector<16xf32>,
    tpu.vector_store %arg11[%swap3A_912], %broadcast_in_dim3A_0 {strides = array<i32>} : memref<160xf32, #tpu.memory_space<vmem>>, vector<16xf32>,
    %swap3A_914 = arith.constant 112 : index
    %swap3A_915 = tpu.vector_load %arg11[%swap3A_914] {strides = array<i32>} : memref<160xf32, #tpu.memory_space<vmem>>, vector<16xf32>,
    tpu.vector_store %arg11[%swap3A_914], %broadcast_in_dim3A_0 {strides = array<i32>} : memref<160xf32, #tpu.memory_space<vmem>>, vector<16xf32>,
    %swap3A_916 = arith.constant 128 : index
    %swap3A_917 = tpu.vector_load %arg11[%swap3A_916] {strides = array<i32>} : memref<160xf32, #tpu.memory_space<vmem>>, vector<16xf32>,
    tpu.vector_store %arg11[%swap3A_916], %broadcast_in_dim3A_0 {strides = array<i32>} : memref<160xf32, #tpu.memory_space<vmem>>, vector<16xf32>,
    %swap3A_918 = arith.constant 144 : index
    %swap3A_919 = tpu.vector_load %arg11[%swap3A_918] {strides = array<i32>} : memref<160xf32, #tpu.memory_space<vmem>>, vector<16xf32>,
    tpu.vector_store %arg11[%swap3A_918], %broadcast_in_dim3A_0 {strides = array<i32>} : memref<160xf32, #tpu.memory_space<vmem>>, vector<16xf32>,
    %get3A_920 = arith.constant 0 : i32
    %get3A_921 = arith.index_cast %get3A_920 : i32 to index
    %get3A_922 = arith.constant 0 : index
    %get3A_923 = tpu.vector_load %arg17[%get3A_921, %get3A_922] {strides = array<i32>} : memref<16x128xf32, #tpu.memory_space<vmem>>, vector<16xf32>,
    %get3A_924 = arith.constant 1 : i32
    %get3A_925 = arith.index_cast %get3A_924 : i32 to index
    %get3A_926 = arith.constant 0 : index
    %get3A_927 = tpu.vector_load %arg17[%get3A_925, %get3A_926] {strides = array<i32>} : memref<16x128xf32, #tpu.memory_space<vmem>>, vector<16xf32>,
    %add3A_928 = arith.addf %get3A_923, %get3A_927 : vector<16xf32>
    %get3A_929 = arith.constant 2 : i32
    %get3A_930 = arith.index_cast %get3A_929 : i32 to index
    %get3A_931 = arith.constant 0 : index
    %get3A_932 = tpu.vector_load %arg17[%get3A_930, %get3A_931] {strides = array<i32>} : memref<16x128xf32, #tpu.memory_space<vmem>>, vector<16xf32>,
    %add3A_933 = arith.addf %add3A_928, %get3A_932 : vector<16xf32>
    %get3A_934 = arith.constant 3 : i32
    %get3A_935 = arith.index_cast %get3A_934 : i32 to index
    %get3A_936 = arith.constant 0 : index
    %get3A_937 = tpu.vector_load %arg17[%get3A_935, %get3A_936] {strides = array<i32>} : memref<16x128xf32, #tpu.memory_space<vmem>>, vector<16xf32>,
    %add3A_938 = arith.addf %add3A_933, %get3A_937 : vector<16xf32>
    %get3A_939 = arith.constant 4 : i32
    %get3A_940 = arith.index_cast %get3A_939 : i32 to index
    %get3A_941 = arith.constant 0 : index
    %get3A_942 = tpu.vector_load %arg17[%get3A_940, %get3A_941] {strides = array<i32>} : memref<16x128xf32, #tpu.memory_space<vmem>>, vector<16xf32>,
    %add3A_943 = arith.addf %add3A_938, %get3A_942 : vector<16xf32>
    %get3A_944 = arith.constant 5 : i32
    %get3A_945 = arith.index_cast %get3A_944 : i32 to index
    %get3A_946 = arith.constant 0 : index
    %get3A_947 = tpu.vector_load %arg17[%get3A_945, %get3A_946] {strides = array<i32>} : memref<16x128xf32, #tpu.memory_space<vmem>>, vector<16xf32>,
    %add3A_948 = arith.addf %add3A_943, %get3A_947 : vector<16xf32>
    %get3A_949 = arith.constant 6 : i32
    %get3A_950 = arith.index_cast %get3A_949 : i32 to index
    %get3A_951 = arith.constant 0 : index
    %get3A_952 = tpu.vector_load %arg17[%get3A_950, %get3A_951] {strides = array<i32>} : memref<16x128xf32, #tpu.memory_space<vmem>>, vector<16xf32>,
    %add3A_953 = arith.addf %add3A_948, %get3A_952 : vector<16xf32>
    %get3A_954 = arith.constant 7 : i32
    %get3A_955 = arith.index_cast %get3A_954 : i32 to index
    %get3A_956 = arith.constant 0 : index
    %get3A_957 = tpu.vector_load %arg17[%get3A_955, %get3A_956] {strides = array<i32>} : memref<16x128xf32, #tpu.memory_space<vmem>>, vector<16xf32>,
    %add3A_958 = arith.addf %add3A_953, %get3A_957 : vector<16xf32>
    %get3A_959 = arith.constant 8 : i32
    %get3A_960 = arith.index_cast %get3A_959 : i32 to index
    %get3A_961 = arith.constant 0 : index
    %get3A_962 = tpu.vector_load %arg17[%get3A_960, %get3A_961] {strides = array<i32>} : memref<16x128xf32, #tpu.memory_space<vmem>>, vector<16xf32>,
    %add3A_963 = arith.addf %add3A_958, %get3A_962 : vector<16xf32>
    %get3A_964 = arith.constant 9 : i32
    %get3A_965 = arith.index_cast %get3A_964 : i32 to index
    %get3A_966 = arith.constant 0 : index
    %get3A_967 = tpu.vector_load %arg17[%get3A_965, %get3A_966] {strides = array<i32>} : memref<16x128xf32, #tpu.memory_space<vmem>>, vector<16xf32>,
    %add3A_968 = arith.addf %add3A_963, %get3A_967 : vector<16xf32>
    %get3A_969 = arith.constant 10 : i32
    %get3A_970 = arith.index_cast %get3A_969 : i32 to index
    %get3A_971 = arith.constant 0 : index
    %get3A_972 = tpu.vector_load %arg17[%get3A_970, %get3A_971] {strides = array<i32>} : memref<16x128xf32, #tpu.memory_space<vmem>>, vector<16xf32>,
    %add3A_973 = arith.addf %add3A_968, %get3A_972 : vector<16xf32>
    %get3A_974 = arith.constant 11 : i32
    %get3A_975 = arith.index_cast %get3A_974 : i32 to index
    %get3A_976 = arith.constant 0 : index
    %get3A_977 = tpu.vector_load %arg17[%get3A_975, %get3A_976] {strides = array<i32>} : memref<16x128xf32, #tpu.memory_space<vmem>>, vector<16xf32>,
    %add3A_978 = arith.addf %add3A_973, %get3A_977 : vector<16xf32>
    %get3A_979 = arith.constant 12 : i32
    %get3A_980 = arith.index_cast %get3A_979 : i32 to index
    %get3A_981 = arith.constant 0 : index
    %get3A_982 = tpu.vector_load %arg17[%get3A_980, %get3A_981] {strides = array<i32>} : memref<16x128xf32, #tpu.memory_space<vmem>>, vector<16xf32>,
    %add3A_983 = arith.addf %add3A_978, %get3A_982 : vector<16xf32>
    %get3A_984 = arith.constant 13 : i32
    %get3A_985 = arith.index_cast %get3A_984 : i32 to index
    %get3A_986 = arith.constant 0 : index
    %get3A_987 = tpu.vector_load %arg17[%get3A_985, %get3A_986] {strides = array<i32>} : memref<16x128xf32, #tpu.memory_space<vmem>>, vector<16xf32>,
    %add3A_988 = arith.addf %add3A_983, %get3A_987 : vector<16xf32>
    %get3A_989 = arith.constant 14 : i32
    %get3A_990 = arith.index_cast %get3A_989 : i32 to index
    %get3A_991 = arith.constant 0 : index
    %get3A_992 = tpu.vector_load %arg17[%get3A_990, %get3A_991] {strides = array<i32>} : memref<16x128xf32, #tpu.memory_space<vmem>>, vector<16xf32>,
    %add3A_993 = arith.addf %add3A_988, %get3A_992 : vector<16xf32>
    %get3A_994 = arith.constant 15 : i32
    %get3A_995 = arith.index_cast %get3A_994 : i32 to index
    %get3A_996 = arith.constant 0 : index
    %get3A_997 = tpu.vector_load %arg17[%get3A_995, %get3A_996] {strides = array<i32>} : memref<16x128xf32, #tpu.memory_space<vmem>>, vector<16xf32>,
    %add3A_998 = arith.addf %add3A_993, %get3A_997 : vector<16xf32>
    %swap3A_999 = arith.constant 16 : index
    %swap3A_1000 = tpu.vector_load %arg11[%swap3A_999] {strides = array<i32>} : memref<160xf32, #tpu.memory_space<vmem>>, vector<16xf32>,
    tpu.vector_store %arg11[%swap3A_999], %add3A_998 {strides = array<i32>} : memref<160xf32, #tpu.memory_space<vmem>>, vector<16xf32>,
    %get3A_1001 = arith.constant 0 : i32
    %get3A_1002 = arith.index_cast %get3A_1001 : i32 to index
    %get3A_1003 = arith.constant 16 : index
    %get3A_1004 = tpu.vector_load %arg17[%get3A_1002, %get3A_1003] {strides = array<i32>} : memref<16x128xf32, #tpu.memory_space<vmem>>, vector<16xf32>,
    %get3A_1005 = arith.constant 1 : i32
    %get3A_1006 = arith.index_cast %get3A_1005 : i32 to index
    %get3A_1007 = arith.constant 16 : index
    %get3A_1008 = tpu.vector_load %arg17[%get3A_1006, %get3A_1007] {strides = array<i32>} : memref<16x128xf32, #tpu.memory_space<vmem>>, vector<16xf32>,
    %add3A_1009 = arith.addf %get3A_1004, %get3A_1008 : vector<16xf32>
    %get3A_1010 = arith.constant 2 : i32
    %get3A_1011 = arith.index_cast %get3A_1010 : i32 to index
    %get3A_1012 = arith.constant 16 : index
    %get3A_1013 = tpu.vector_load %arg17[%get3A_1011, %get3A_1012] {strides = array<i32>} : memref<16x128xf32, #tpu.memory_space<vmem>>, vector<16xf32>,
    %add3A_1014 = arith.addf %add3A_1009, %get3A_1013 : vector<16xf32>
    %get3A_1015 = arith.constant 3 : i32
    %get3A_1016 = arith.index_cast %get3A_1015 : i32 to index
    %get3A_1017 = arith.constant 16 : index
    %get3A_1018 = tpu.vector_load %arg17[%get3A_1016, %get3A_1017] {strides = array<i32>} : memref<16x128xf32, #tpu.memory_space<vmem>>, vector<16xf32>,
    %add3A_1019 = arith.addf %add3A_1014, %get3A_1018 : vector<16xf32>
    %get3A_1020 = arith.constant 4 : i32
    %get3A_1021 = arith.index_cast %get3A_1020 : i32 to index
    %get3A_1022 = arith.constant 16 : index
    %get3A_1023 = tpu.vector_load %arg17[%get3A_1021, %get3A_1022] {strides = array<i32>} : memref<16x128xf32, #tpu.memory_space<vmem>>, vector<16xf32>,
    %add3A_1024 = arith.addf %add3A_1019, %get3A_1023 : vector<16xf32>
    %get3A_1025 = arith.constant 5 : i32
    %get3A_1026 = arith.index_cast %get3A_1025 : i32 to index
    %get3A_1027 = arith.constant 16 : index
    %get3A_1028 = tpu.vector_load %arg17[%get3A_1026, %get3A_1027] {strides = array<i32>} : memref<16x128xf32, #tpu.memory_space<vmem>>, vector<16xf32>,
    %add3A_1029 = arith.addf %add3A_1024, %get3A_1028 : vector<16xf32>
    %get3A_1030 = arith.constant 6 : i32
    %get3A_1031 = arith.index_cast %get3A_1030 : i32 to index
    %get3A_1032 = arith.constant 16 : index
    %get3A_1033 = tpu.vector_load %arg17[%get3A_1031, %get3A_1032] {strides = array<i32>} : memref<16x128xf32, #tpu.memory_space<vmem>>, vector<16xf32>,
    %add3A_1034 = arith.addf %add3A_1029, %get3A_1033 : vector<16xf32>
    %get3A_1035 = arith.constant 7 : i32
    %get3A_1036 = arith.index_cast %get3A_1035 : i32 to index
    %get3A_1037 = arith.constant 16 : index
    %get3A_1038 = tpu.vector_load %arg17[%get3A_1036, %get3A_1037] {strides = array<i32>} : memref<16x128xf32, #tpu.memory_space<vmem>>, vector<16xf32>,
    %add3A_1039 = arith.addf %add3A_1034, %get3A_1038 : vector<16xf32>
    %get3A_1040 = arith.constant 8 : i32
    %get3A_1041 = arith.index_cast %get3A_1040 : i32 to index
    %get3A_1042 = arith.constant 16 : index
    %get3A_1043 = tpu.vector_load %arg17[%get3A_1041, %get3A_1042] {strides = array<i32>} : memref<16x128xf32, #tpu.memory_space<vmem>>, vector<16xf32>,
    %add3A_1044 = arith.addf %add3A_1039, %get3A_1043 : vector<16xf32>
    %get3A_1045 = arith.constant 9 : i32
    %get3A_1046 = arith.index_cast %get3A_1045 : i32 to index
    %get3A_1047 = arith.constant 16 : index
    %get3A_1048 = tpu.vector_load %arg17[%get3A_1046, %get3A_1047] {strides = array<i32>} : memref<16x128xf32, #tpu.memory_space<vmem>>, vector<16xf32>,
    %add3A_1049 = arith.addf %add3A_1044, %get3A_1048 : vector<16xf32>
    %get3A_1050 = arith.constant 10 : i32
    %get3A_1051 = arith.index_cast %get3A_1050 : i32 to index
    %get3A_1052 = arith.constant 16 : index
    %get3A_1053 = tpu.vector_load %arg17[%get3A_1051, %get3A_1052] {strides = array<i32>} : memref<16x128xf32, #tpu.memory_space<vmem>>, vector<16xf32>,
    %add3A_1054 = arith.addf %add3A_1049, %get3A_1053 : vector<16xf32>
    %get3A_1055 = arith.constant 11 : i32
    %get3A_1056 = arith.index_cast %get3A_1055 : i32 to index
    %get3A_1057 = arith.constant 16 : index
    %get3A_1058 = tpu.vector_load %arg17[%get3A_1056, %get3A_1057] {strides = array<i32>} : memref<16x128xf32, #tpu.memory_space<vmem>>, vector<16xf32>,
    %add3A_1059 = arith.addf %add3A_1054, %get3A_1058 : vector<16xf32>
    %get3A_1060 = arith.constant 12 : i32
    %get3A_1061 = arith.index_cast %get3A_1060 : i32 to index
    %get3A_1062 = arith.constant 16 : index
    %get3A_1063 = tpu.vector_load %arg17[%get3A_1061, %get3A_1062] {strides = array<i32>} : memref<16x128xf32, #tpu.memory_space<vmem>>, vector<16xf32>,
    %add3A_1064 = arith.addf %add3A_1059, %get3A_1063 : vector<16xf32>
    %get3A_1065 = arith.constant 13 : i32
    %get3A_1066 = arith.index_cast %get3A_1065 : i32 to index
    %get3A_1067 = arith.constant 16 : index
    %get3A_1068 = tpu.vector_load %arg17[%get3A_1066, %get3A_1067] {strides = array<i32>} : memref<16x128xf32, #tpu.memory_space<vmem>>, vector<16xf32>,
    %add3A_1069 = arith.addf %add3A_1064, %get3A_1068 : vector<16xf32>
    %get3A_1070 = arith.constant 14 : i32
    %get3A_1071 = arith.index_cast %get3A_1070 : i32 to index
    %get3A_1072 = arith.constant 16 : index
    %get3A_1073 = tpu.vector_load %arg17[%get3A_1071, %get3A_1072] {strides = array<i32>} : memref<16x128xf32, #tpu.memory_space<vmem>>, vector<16xf32>,
    %add3A_1074 = arith.addf %add3A_1069, %get3A_1073 : vector<16xf32>
    %get3A_1075 = arith.constant 15 : i32
    %get3A_1076 = arith.index_cast %get3A_1075 : i32 to index
    %get3A_1077 = arith.constant 16 : index
    %get3A_1078 = tpu.vector_load %arg17[%get3A_1076, %get3A_1077] {strides = array<i32>} : memref<16x128xf32, #tpu.memory_space<vmem>>, vector<16xf32>,
    %add3A_1079 = arith.addf %add3A_1074, %get3A_1078 : vector<16xf32>
    %swap3A_1080 = arith.constant 32 : index
    %swap3A_1081 = tpu.vector_load %arg11[%swap3A_1080] {strides = array<i32>} : memref<160xf32, #tpu.memory_space<vmem>>, vector<16xf32>,
    tpu.vector_store %arg11[%swap3A_1080], %add3A_1079 {strides = array<i32>} : memref<160xf32, #tpu.memory_space<vmem>>, vector<16xf32>,
    %get3A_1082 = arith.constant 0 : i32
    %get3A_1083 = arith.index_cast %get3A_1082 : i32 to index
    %get3A_1084 = arith.constant 32 : index
    %get3A_1085 = tpu.vector_load %arg17[%get3A_1083, %get3A_1084] {strides = array<i32>} : memref<16x128xf32, #tpu.memory_space<vmem>>, vector<16xf32>,
    %get3A_1086 = arith.constant 1 : i32
    %get3A_1087 = arith.index_cast %get3A_1086 : i32 to index
    %get3A_1088 = arith.constant 32 : index
    %get3A_1089 = tpu.vector_load %arg17[%get3A_1087, %get3A_1088] {strides = array<i32>} : memref<16x128xf32, #tpu.memory_space<vmem>>, vector<16xf32>,
    %add3A_1090 = arith.addf %get3A_1085, %get3A_1089 : vector<16xf32>
    %get3A_1091 = arith.constant 2 : i32
    %get3A_1092 = arith.index_cast %get3A_1091 : i32 to index
    %get3A_1093 = arith.constant 32 : index
    %get3A_1094 = tpu.vector_load %arg17[%get3A_1092, %get3A_1093] {strides = array<i32>} : memref<16x128xf32, #tpu.memory_space<vmem>>, vector<16xf32>,
    %add3A_1095 = arith.addf %add3A_1090, %get3A_1094 : vector<16xf32>
    %get3A_1096 = arith.constant 3 : i32
    %get3A_1097 = arith.index_cast %get3A_1096 : i32 to index
    %get3A_1098 = arith.constant 32 : index
    %get3A_1099 = tpu.vector_load %arg17[%get3A_1097, %get3A_1098] {strides = array<i32>} : memref<16x128xf32, #tpu.memory_space<vmem>>, vector<16xf32>,
    %add3A_1100 = arith.addf %add3A_1095, %get3A_1099 : vector<16xf32>
    %get3A_1101 = arith.constant 4 : i32
    %get3A_1102 = arith.index_cast %get3A_1101 : i32 to index
    %get3A_1103 = arith.constant 32 : index
    %get3A_1104 = tpu.vector_load %arg17[%get3A_1102, %get3A_1103] {strides = array<i32>} : memref<16x128xf32, #tpu.memory_space<vmem>>, vector<16xf32>,
    %add3A_1105 = arith.addf %add3A_1100, %get3A_1104 : vector<16xf32>
    %get3A_1106 = arith.constant 5 : i32
    %get3A_1107 = arith.index_cast %get3A_1106 : i32 to index
    %get3A_1108 = arith.constant 32 : index
    %get3A_1109 = tpu.vector_load %arg17[%get3A_1107, %get3A_1108] {strides = array<i32>} : memref<16x128xf32, #tpu.memory_space<vmem>>, vector<16xf32>,
    %add3A_1110 = arith.addf %add3A_1105, %get3A_1109 : vector<16xf32>
    %get3A_1111 = arith.constant 6 : i32
    %get3A_1112 = arith.index_cast %get3A_1111 : i32 to index
    %get3A_1113 = arith.constant 32 : index
    %get3A_1114 = tpu.vector_load %arg17[%get3A_1112, %get3A_1113] {strides = array<i32>} : memref<16x128xf32, #tpu.memory_space<vmem>>, vector<16xf32>,
    %add3A_1115 = arith.addf %add3A_1110, %get3A_1114 : vector<16xf32>
    %get3A_1116 = arith.constant 7 : i32
    %get3A_1117 = arith.index_cast %get3A_1116 : i32 to index
    %get3A_1118 = arith.constant 32 : index
    %get3A_1119 = tpu.vector_load %arg17[%get3A_1117, %get3A_1118] {strides = array<i32>} : memref<16x128xf32, #tpu.memory_space<vmem>>, vector<16xf32>,
    %add3A_1120 = arith.addf %add3A_1115, %get3A_1119 : vector<16xf32>
    %get3A_1121 = arith.constant 8 : i32
    %get3A_1122 = arith.index_cast %get3A_1121 : i32 to index
    %get3A_1123 = arith.constant 32 : index
    %get3A_1124 = tpu.vector_load %arg17[%get3A_1122, %get3A_1123] {strides = array<i32>} : memref<16x128xf32, #tpu.memory_space<vmem>>, vector<16xf32>,
    %add3A_1125 = arith.addf %add3A_1120, %get3A_1124 : vector<16xf32>
    %get3A_1126 = arith.constant 9 : i32
    %get3A_1127 = arith.index_cast %get3A_1126 : i32 to index
    %get3A_1128 = arith.constant 32 : index
    %get3A_1129 = tpu.vector_load %arg17[%get3A_1127, %get3A_1128] {strides = array<i32>} : memref<16x128xf32, #tpu.memory_space<vmem>>, vector<16xf32>,
    %add3A_1130 = arith.addf %add3A_1125, %get3A_1129 : vector<16xf32>
    %get3A_1131 = arith.constant 10 : i32
    %get3A_1132 = arith.index_cast %get3A_1131 : i32 to index
    %get3A_1133 = arith.constant 32 : index
    %get3A_1134 = tpu.vector_load %arg17[%get3A_1132, %get3A_1133] {strides = array<i32>} : memref<16x128xf32, #tpu.memory_space<vmem>>, vector<16xf32>,
    %add3A_1135 = arith.addf %add3A_1130, %get3A_1134 : vector<16xf32>
    %get3A_1136 = arith.constant 11 : i32
    %get3A_1137 = arith.index_cast %get3A_1136 : i32 to index
    %get3A_1138 = arith.constant 32 : index
    %get3A_1139 = tpu.vector_load %arg17[%get3A_1137, %get3A_1138] {strides = array<i32>} : memref<16x128xf32, #tpu.memory_space<vmem>>, vector<16xf32>,
    %add3A_1140 = arith.addf %add3A_1135, %get3A_1139 : vector<16xf32>
    %get3A_1141 = arith.constant 12 : i32
    %get3A_1142 = arith.index_cast %get3A_1141 : i32 to index
    %get3A_1143 = arith.constant 32 : index
    %get3A_1144 = tpu.vector_load %arg17[%get3A_1142, %get3A_1143] {strides = array<i32>} : memref<16x128xf32, #tpu.memory_space<vmem>>, vector<16xf32>,
    %add3A_1145 = arith.addf %add3A_1140, %get3A_1144 : vector<16xf32>
    %get3A_1146 = arith.constant 13 : i32
    %get3A_1147 = arith.index_cast %get3A_1146 : i32 to index
    %get3A_1148 = arith.constant 32 : index
    %get3A_1149 = tpu.vector_load %arg17[%get3A_1147, %get3A_1148] {strides = array<i32>} : memref<16x128xf32, #tpu.memory_space<vmem>>, vector<16xf32>,
    %add3A_1150 = arith.addf %add3A_1145, %get3A_1149 : vector<16xf32>
    %get3A_1151 = arith.constant 14 : i32
    %get3A_1152 = arith.index_cast %get3A_1151 : i32 to index
    %get3A_1153 = arith.constant 32 : index
    %get3A_1154 = tpu.vector_load %arg17[%get3A_1152, %get3A_1153] {strides = array<i32>} : memref<16x128xf32, #tpu.memory_space<vmem>>, vector<16xf32>,
    %add3A_1155 = arith.addf %add3A_1150, %get3A_1154 : vector<16xf32>
    %get3A_1156 = arith.constant 15 : i32
    %get3A_1157 = arith.index_cast %get3A_1156 : i32 to index
    %get3A_1158 = arith.constant 32 : index
    %get3A_1159 = tpu.vector_load %arg17[%get3A_1157, %get3A_1158] {strides = array<i32>} : memref<16x128xf32, #tpu.memory_space<vmem>>, vector<16xf32>,
    %add3A_1160 = arith.addf %add3A_1155, %get3A_1159 : vector<16xf32>
    %swap3A_1161 = arith.constant 48 : index
    %swap3A_1162 = tpu.vector_load %arg11[%swap3A_1161] {strides = array<i32>} : memref<160xf32, #tpu.memory_space<vmem>>, vector<16xf32>,
    tpu.vector_store %arg11[%swap3A_1161], %add3A_1160 {strides = array<i32>} : memref<160xf32, #tpu.memory_space<vmem>>, vector<16xf32>,
    %get3A_1163 = arith.constant 0 : i32
    %get3A_1164 = arith.index_cast %get3A_1163 : i32 to index
    %get3A_1165 = arith.constant 48 : index
    %get3A_1166 = tpu.vector_load %arg17[%get3A_1164, %get3A_1165] {strides = array<i32>} : memref<16x128xf32, #tpu.memory_space<vmem>>, vector<16xf32>,
    %get3A_1167 = arith.constant 1 : i32
    %get3A_1168 = arith.index_cast %get3A_1167 : i32 to index
    %get3A_1169 = arith.constant 48 : index
    %get3A_1170 = tpu.vector_load %arg17[%get3A_1168, %get3A_1169] {strides = array<i32>} : memref<16x128xf32, #tpu.memory_space<vmem>>, vector<16xf32>,
    %add3A_1171 = arith.addf %get3A_1166, %get3A_1170 : vector<16xf32>
    %get3A_1172 = arith.constant 2 : i32
    %get3A_1173 = arith.index_cast %get3A_1172 : i32 to index
    %get3A_1174 = arith.constant 48 : index
    %get3A_1175 = tpu.vector_load %arg17[%get3A_1173, %get3A_1174] {strides = array<i32>} : memref<16x128xf32, #tpu.memory_space<vmem>>, vector<16xf32>,
    %add3A_1176 = arith.addf %add3A_1171, %get3A_1175 : vector<16xf32>
    %get3A_1177 = arith.constant 3 : i32
    %get3A_1178 = arith.index_cast %get3A_1177 : i32 to index
    %get3A_1179 = arith.constant 48 : index
    %get3A_1180 = tpu.vector_load %arg17[%get3A_1178, %get3A_1179] {strides = array<i32>} : memref<16x128xf32, #tpu.memory_space<vmem>>, vector<16xf32>,
    %add3A_1181 = arith.addf %add3A_1176, %get3A_1180 : vector<16xf32>
    %get3A_1182 = arith.constant 4 : i32
    %get3A_1183 = arith.index_cast %get3A_1182 : i32 to index
    %get3A_1184 = arith.constant 48 : index
    %get3A_1185 = tpu.vector_load %arg17[%get3A_1183, %get3A_1184] {strides = array<i32>} : memref<16x128xf32, #tpu.memory_space<vmem>>, vector<16xf32>,
    %add3A_1186 = arith.addf %add3A_1181, %get3A_1185 : vector<16xf32>
    %get3A_1187 = arith.constant 5 : i32
    %get3A_1188 = arith.index_cast %get3A_1187 : i32 to index
    %get3A_1189 = arith.constant 48 : index
    %get3A_1190 = tpu.vector_load %arg17[%get3A_1188, %get3A_1189] {strides = array<i32>} : memref<16x128xf32, #tpu.memory_space<vmem>>, vector<16xf32>,
    %add3A_1191 = arith.addf %add3A_1186, %get3A_1190 : vector<16xf32>
    %get3A_1192 = arith.constant 6 : i32
    %get3A_1193 = arith.index_cast %get3A_1192 : i32 to index
    %get3A_1194 = arith.constant 48 : index
    %get3A_1195 = tpu.vector_load %arg17[%get3A_1193, %get3A_1194] {strides = array<i32>} : memref<16x128xf32, #tpu.memory_space<vmem>>, vector<16xf32>,
    %add3A_1196 = arith.addf %add3A_1191, %get3A_1195 : vector<16xf32>
    %get3A_1197 = arith.constant 7 : i32
    %get3A_1198 = arith.index_cast %get3A_1197 : i32 to index
    %get3A_1199 = arith.constant 48 : index
    %get3A_1200 = tpu.vector_load %arg17[%get3A_1198, %get3A_1199] {strides = array<i32>} : memref<16x128xf32, #tpu.memory_space<vmem>>, vector<16xf32>,
    %add3A_1201 = arith.addf %add3A_1196, %get3A_1200 : vector<16xf32>
    %get3A_1202 = arith.constant 8 : i32
    %get3A_1203 = arith.index_cast %get3A_1202 : i32 to index
    %get3A_1204 = arith.constant 48 : index
    %get3A_1205 = tpu.vector_load %arg17[%get3A_1203, %get3A_1204] {strides = array<i32>} : memref<16x128xf32, #tpu.memory_space<vmem>>, vector<16xf32>,
    %add3A_1206 = arith.addf %add3A_1201, %get3A_1205 : vector<16xf32>
    %get3A_1207 = arith.constant 9 : i32
    %get3A_1208 = arith.index_cast %get3A_1207 : i32 to index
    %get3A_1209 = arith.constant 48 : index
    %get3A_1210 = tpu.vector_load %arg17[%get3A_1208, %get3A_1209] {strides = array<i32>} : memref<16x128xf32, #tpu.memory_space<vmem>>, vector<16xf32>,
    %add3A_1211 = arith.addf %add3A_1206, %get3A_1210 : vector<16xf32>
    %get3A_1212 = arith.constant 10 : i32
    %get3A_1213 = arith.index_cast %get3A_1212 : i32 to index
    %get3A_1214 = arith.constant 48 : index
    %get3A_1215 = tpu.vector_load %arg17[%get3A_1213, %get3A_1214] {strides = array<i32>} : memref<16x128xf32, #tpu.memory_space<vmem>>, vector<16xf32>,
    %add3A_1216 = arith.addf %add3A_1211, %get3A_1215 : vector<16xf32>
    %get3A_1217 = arith.constant 11 : i32
    %get3A_1218 = arith.index_cast %get3A_1217 : i32 to index
    %get3A_1219 = arith.constant 48 : index
    %get3A_1220 = tpu.vector_load %arg17[%get3A_1218, %get3A_1219] {strides = array<i32>} : memref<16x128xf32, #tpu.memory_space<vmem>>, vector<16xf32>,
    %add3A_1221 = arith.addf %add3A_1216, %get3A_1220 : vector<16xf32>
    %get3A_1222 = arith.constant 12 : i32
    %get3A_1223 = arith.index_cast %get3A_1222 : i32 to index
    %get3A_1224 = arith.constant 48 : index
    %get3A_1225 = tpu.vector_load %arg17[%get3A_1223, %get3A_1224] {strides = array<i32>} : memref<16x128xf32, #tpu.memory_space<vmem>>, vector<16xf32>,
    %add3A_1226 = arith.addf %add3A_1221, %get3A_1225 : vector<16xf32>
    %get3A_1227 = arith.constant 13 : i32
    %get3A_1228 = arith.index_cast %get3A_1227 : i32 to index
    %get3A_1229 = arith.constant 48 : index
    %get3A_1230 = tpu.vector_load %arg17[%get3A_1228, %get3A_1229] {strides = array<i32>} : memref<16x128xf32, #tpu.memory_space<vmem>>, vector<16xf32>,
    %add3A_1231 = arith.addf %add3A_1226, %get3A_1230 : vector<16xf32>
    %get3A_1232 = arith.constant 14 : i32
    %get3A_1233 = arith.index_cast %get3A_1232 : i32 to index
    %get3A_1234 = arith.constant 48 : index
    %get3A_1235 = tpu.vector_load %arg17[%get3A_1233, %get3A_1234] {strides = array<i32>} : memref<16x128xf32, #tpu.memory_space<vmem>>, vector<16xf32>,
    %add3A_1236 = arith.addf %add3A_1231, %get3A_1235 : vector<16xf32>
    %get3A_1237 = arith.constant 15 : i32
    %get3A_1238 = arith.index_cast %get3A_1237 : i32 to index
    %get3A_1239 = arith.constant 48 : index
    %get3A_1240 = tpu.vector_load %arg17[%get3A_1238, %get3A_1239] {strides = array<i32>} : memref<16x128xf32, #tpu.memory_space<vmem>>, vector<16xf32>,
    %add3A_1241 = arith.addf %add3A_1236, %get3A_1240 : vector<16xf32>
    %swap3A_1242 = arith.constant 64 : index
    %swap3A_1243 = tpu.vector_load %arg11[%swap3A_1242] {strides = array<i32>} : memref<160xf32, #tpu.memory_space<vmem>>, vector<16xf32>,
    tpu.vector_store %arg11[%swap3A_1242], %add3A_1241 {strides = array<i32>} : memref<160xf32, #tpu.memory_space<vmem>>, vector<16xf32>,
    %get3A_1244 = arith.constant 0 : i32
    %get3A_1245 = arith.index_cast %get3A_1244 : i32 to index
    %get3A_1246 = arith.constant 64 : index
    %get3A_1247 = tpu.vector_load %arg17[%get3A_1245, %get3A_1246] {strides = array<i32>} : memref<16x128xf32, #tpu.memory_space<vmem>>, vector<16xf32>,
    %get3A_1248 = arith.constant 1 : i32
    %get3A_1249 = arith.index_cast %get3A_1248 : i32 to index
    %get3A_1250 = arith.constant 64 : index
    %get3A_1251 = tpu.vector_load %arg17[%get3A_1249, %get3A_1250] {strides = array<i32>} : memref<16x128xf32, #tpu.memory_space<vmem>>, vector<16xf32>,
    %add3A_1252 = arith.addf %get3A_1247, %get3A_1251 : vector<16xf32>
    %get3A_1253 = arith.constant 2 : i32
    %get3A_1254 = arith.index_cast %get3A_1253 : i32 to index
    %get3A_1255 = arith.constant 64 : index
    %get3A_1256 = tpu.vector_load %arg17[%get3A_1254, %get3A_1255] {strides = array<i32>} : memref<16x128xf32, #tpu.memory_space<vmem>>, vector<16xf32>,
    %add3A_1257 = arith.addf %add3A_1252, %get3A_1256 : vector<16xf32>
    %get3A_1258 = arith.constant 3 : i32
    %get3A_1259 = arith.index_cast %get3A_1258 : i32 to index
    %get3A_1260 = arith.constant 64 : index
    %get3A_1261 = tpu.vector_load %arg17[%get3A_1259, %get3A_1260] {strides = array<i32>} : memref<16x128xf32, #tpu.memory_space<vmem>>, vector<16xf32>,
    %add3A_1262 = arith.addf %add3A_1257, %get3A_1261 : vector<16xf32>
    %get3A_1263 = arith.constant 4 : i32
    %get3A_1264 = arith.index_cast %get3A_1263 : i32 to index
    %get3A_1265 = arith.constant 64 : index
    %get3A_1266 = tpu.vector_load %arg17[%get3A_1264, %get3A_1265] {strides = array<i32>} : memref<16x128xf32, #tpu.memory_space<vmem>>, vector<16xf32>,
    %add3A_1267 = arith.addf %add3A_1262, %get3A_1266 : vector<16xf32>
    %get3A_1268 = arith.constant 5 : i32
    %get3A_1269 = arith.index_cast %get3A_1268 : i32 to index
    %get3A_1270 = arith.constant 64 : index
    %get3A_1271 = tpu.vector_load %arg17[%get3A_1269, %get3A_1270] {strides = array<i32>} : memref<16x128xf32, #tpu.memory_space<vmem>>, vector<16xf32>,
    %add3A_1272 = arith.addf %add3A_1267, %get3A_1271 : vector<16xf32>
    %get3A_1273 = arith.constant 6 : i32
    %get3A_1274 = arith.index_cast %get3A_1273 : i32 to index
    %get3A_1275 = arith.constant 64 : index
    %get3A_1276 = tpu.vector_load %arg17[%get3A_1274, %get3A_1275] {strides = array<i32>} : memref<16x128xf32, #tpu.memory_space<vmem>>, vector<16xf32>,
    %add3A_1277 = arith.addf %add3A_1272, %get3A_1276 : vector<16xf32>
    %get3A_1278 = arith.constant 7 : i32
    %get3A_1279 = arith.index_cast %get3A_1278 : i32 to index
    %get3A_1280 = arith.constant 64 : index
    %get3A_1281 = tpu.vector_load %arg17[%get3A_1279, %get3A_1280] {strides = array<i32>} : memref<16x128xf32, #tpu.memory_space<vmem>>, vector<16xf32>,
    %add3A_1282 = arith.addf %add3A_1277, %get3A_1281 : vector<16xf32>
    %get3A_1283 = arith.constant 8 : i32
    %get3A_1284 = arith.index_cast %get3A_1283 : i32 to index
    %get3A_1285 = arith.constant 64 : index
    %get3A_1286 = tpu.vector_load %arg17[%get3A_1284, %get3A_1285] {strides = array<i32>} : memref<16x128xf32, #tpu.memory_space<vmem>>, vector<16xf32>,
    %add3A_1287 = arith.addf %add3A_1282, %get3A_1286 : vector<16xf32>
    %get3A_1288 = arith.constant 9 : i32
    %get3A_1289 = arith.index_cast %get3A_1288 : i32 to index
    %get3A_1290 = arith.constant 64 : index
    %get3A_1291 = tpu.vector_load %arg17[%get3A_1289, %get3A_1290] {strides = array<i32>} : memref<16x128xf32, #tpu.memory_space<vmem>>, vector<16xf32>,
    %add3A_1292 = arith.addf %add3A_1287, %get3A_1291 : vector<16xf32>
    %get3A_1293 = arith.constant 10 : i32
    %get3A_1294 = arith.index_cast %get3A_1293 : i32 to index
    %get3A_1295 = arith.constant 64 : index
    %get3A_1296 = tpu.vector_load %arg17[%get3A_1294, %get3A_1295] {strides = array<i32>} : memref<16x128xf32, #tpu.memory_space<vmem>>, vector<16xf32>,
    %add3A_1297 = arith.addf %add3A_1292, %get3A_1296 : vector<16xf32>
    %get3A_1298 = arith.constant 11 : i32
    %get3A_1299 = arith.index_cast %get3A_1298 : i32 to index
    %get3A_1300 = arith.constant 64 : index
    %get3A_1301 = tpu.vector_load %arg17[%get3A_1299, %get3A_1300] {strides = array<i32>} : memref<16x128xf32, #tpu.memory_space<vmem>>, vector<16xf32>,
    %add3A_1302 = arith.addf %add3A_1297, %get3A_1301 : vector<16xf32>
    %get3A_1303 = arith.constant 12 : i32
    %get3A_1304 = arith.index_cast %get3A_1303 : i32 to index
    %get3A_1305 = arith.constant 64 : index
    %get3A_1306 = tpu.vector_load %arg17[%get3A_1304, %get3A_1305] {strides = array<i32>} : memref<16x128xf32, #tpu.memory_space<vmem>>, vector<16xf32>,
    %add3A_1307 = arith.addf %add3A_1302, %get3A_1306 : vector<16xf32>
    %get3A_1308 = arith.constant 13 : i32
    %get3A_1309 = arith.index_cast %get3A_1308 : i32 to index
    %get3A_1310 = arith.constant 64 : index
    %get3A_1311 = tpu.vector_load %arg17[%get3A_1309, %get3A_1310] {strides = array<i32>} : memref<16x128xf32, #tpu.memory_space<vmem>>, vector<16xf32>,
    %add3A_1312 = arith.addf %add3A_1307, %get3A_1311 : vector<16xf32>
    %get3A_1313 = arith.constant 14 : i32
    %get3A_1314 = arith.index_cast %get3A_1313 : i32 to index
    %get3A_1315 = arith.constant 64 : index
    %get3A_1316 = tpu.vector_load %arg17[%get3A_1314, %get3A_1315] {strides = array<i32>} : memref<16x128xf32, #tpu.memory_space<vmem>>, vector<16xf32>,
    %add3A_1317 = arith.addf %add3A_1312, %get3A_1316 : vector<16xf32>
    %get3A_1318 = arith.constant 15 : i32
    %get3A_1319 = arith.index_cast %get3A_1318 : i32 to index
    %get3A_1320 = arith.constant 64 : index
    %get3A_1321 = tpu.vector_load %arg17[%get3A_1319, %get3A_1320] {strides = array<i32>} : memref<16x128xf32, #tpu.memory_space<vmem>>, vector<16xf32>,
    %add3A_1322 = arith.addf %add3A_1317, %get3A_1321 : vector<16xf32>
    %swap3A_1323 = arith.constant 80 : index
    %swap3A_1324 = tpu.vector_load %arg11[%swap3A_1323] {strides = array<i32>} : memref<160xf32, #tpu.memory_space<vmem>>, vector<16xf32>,
    tpu.vector_store %arg11[%swap3A_1323], %add3A_1322 {strides = array<i32>} : memref<160xf32, #tpu.memory_space<vmem>>, vector<16xf32>,
    %get3A_1325 = arith.constant 0 : i32
    %get3A_1326 = arith.index_cast %get3A_1325 : i32 to index
    %get3A_1327 = arith.constant 80 : index
    %get3A_1328 = tpu.vector_load %arg17[%get3A_1326, %get3A_1327] {strides = array<i32>} : memref<16x128xf32, #tpu.memory_space<vmem>>, vector<16xf32>,
    %get3A_1329 = arith.constant 1 : i32
    %get3A_1330 = arith.index_cast %get3A_1329 : i32 to index
    %get3A_1331 = arith.constant 80 : index
    %get3A_1332 = tpu.vector_load %arg17[%get3A_1330, %get3A_1331] {strides = array<i32>} : memref<16x128xf32, #tpu.memory_space<vmem>>, vector<16xf32>,
    %add3A_1333 = arith.addf %get3A_1328, %get3A_1332 : vector<16xf32>
    %get3A_1334 = arith.constant 2 : i32
    %get3A_1335 = arith.index_cast %get3A_1334 : i32 to index
    %get3A_1336 = arith.constant 80 : index
    %get3A_1337 = tpu.vector_load %arg17[%get3A_1335, %get3A_1336] {strides = array<i32>} : memref<16x128xf32, #tpu.memory_space<vmem>>, vector<16xf32>,
    %add3A_1338 = arith.addf %add3A_1333, %get3A_1337 : vector<16xf32>
    %get3A_1339 = arith.constant 3 : i32
    %get3A_1340 = arith.index_cast %get3A_1339 : i32 to index
    %get3A_1341 = arith.constant 80 : index
    %get3A_1342 = tpu.vector_load %arg17[%get3A_1340, %get3A_1341] {strides = array<i32>} : memref<16x128xf32, #tpu.memory_space<vmem>>, vector<16xf32>,
    %add3A_1343 = arith.addf %add3A_1338, %get3A_1342 : vector<16xf32>
    %get3A_1344 = arith.constant 4 : i32
    %get3A_1345 = arith.index_cast %get3A_1344 : i32 to index
    %get3A_1346 = arith.constant 80 : index
    %get3A_1347 = tpu.vector_load %arg17[%get3A_1345, %get3A_1346] {strides = array<i32>} : memref<16x128xf32, #tpu.memory_space<vmem>>, vector<16xf32>,
    %add3A_1348 = arith.addf %add3A_1343, %get3A_1347 : vector<16xf32>
    %get3A_1349 = arith.constant 5 : i32
    %get3A_1350 = arith.index_cast %get3A_1349 : i32 to index
    %get3A_1351 = arith.constant 80 : index
    %get3A_1352 = tpu.vector_load %arg17[%get3A_1350, %get3A_1351] {strides = array<i32>} : memref<16x128xf32, #tpu.memory_space<vmem>>, vector<16xf32>,
    %add3A_1353 = arith.addf %add3A_1348, %get3A_1352 : vector<16xf32>
    %get3A_1354 = arith.constant 6 : i32
    %get3A_1355 = arith.index_cast %get3A_1354 : i32 to index
    %get3A_1356 = arith.constant 80 : index
    %get3A_1357 = tpu.vector_load %arg17[%get3A_1355, %get3A_1356] {strides = array<i32>} : memref<16x128xf32, #tpu.memory_space<vmem>>, vector<16xf32>,
    %add3A_1358 = arith.addf %add3A_1353, %get3A_1357 : vector<16xf32>
    %get3A_1359 = arith.constant 7 : i32
    %get3A_1360 = arith.index_cast %get3A_1359 : i32 to index
    %get3A_1361 = arith.constant 80 : index
    %get3A_1362 = tpu.vector_load %arg17[%get3A_1360, %get3A_1361] {strides = array<i32>} : memref<16x128xf32, #tpu.memory_space<vmem>>, vector<16xf32>,
    %add3A_1363 = arith.addf %add3A_1358, %get3A_1362 : vector<16xf32>
    %get3A_1364 = arith.constant 8 : i32
    %get3A_1365 = arith.index_cast %get3A_1364 : i32 to index
    %get3A_1366 = arith.constant 80 : index
    %get3A_1367 = tpu.vector_load %arg17[%get3A_1365, %get3A_1366] {strides = array<i32>} : memref<16x128xf32, #tpu.memory_space<vmem>>, vector<16xf32>,
    %add3A_1368 = arith.addf %add3A_1363, %get3A_1367 : vector<16xf32>
    %get3A_1369 = arith.constant 9 : i32
    %get3A_1370 = arith.index_cast %get3A_1369 : i32 to index
    %get3A_1371 = arith.constant 80 : index
    %get3A_1372 = tpu.vector_load %arg17[%get3A_1370, %get3A_1371] {strides = array<i32>} : memref<16x128xf32, #tpu.memory_space<vmem>>, vector<16xf32>,
    %add3A_1373 = arith.addf %add3A_1368, %get3A_1372 : vector<16xf32>
    %get3A_1374 = arith.constant 10 : i32
    %get3A_1375 = arith.index_cast %get3A_1374 : i32 to index
    %get3A_1376 = arith.constant 80 : index
    %get3A_1377 = tpu.vector_load %arg17[%get3A_1375, %get3A_1376] {strides = array<i32>} : memref<16x128xf32, #tpu.memory_space<vmem>>, vector<16xf32>,
    %add3A_1378 = arith.addf %add3A_1373, %get3A_1377 : vector<16xf32>
    %get3A_1379 = arith.constant 11 : i32
    %get3A_1380 = arith.index_cast %get3A_1379 : i32 to index
    %get3A_1381 = arith.constant 80 : index
    %get3A_1382 = tpu.vector_load %arg17[%get3A_1380, %get3A_1381] {strides = array<i32>} : memref<16x128xf32, #tpu.memory_space<vmem>>, vector<16xf32>,
    %add3A_1383 = arith.addf %add3A_1378, %get3A_1382 : vector<16xf32>
    %get3A_1384 = arith.constant 12 : i32
    %get3A_1385 = arith.index_cast %get3A_1384 : i32 to index
    %get3A_1386 = arith.constant 80 : index
    %get3A_1387 = tpu.vector_load %arg17[%get3A_1385, %get3A_1386] {strides = array<i32>} : memref<16x128xf32, #tpu.memory_space<vmem>>, vector<16xf32>,
    %add3A_1388 = arith.addf %add3A_1383, %get3A_1387 : vector<16xf32>
    %get3A_1389 = arith.constant 13 : i32
    %get3A_1390 = arith.index_cast %get3A_1389 : i32 to index
    %get3A_1391 = arith.constant 80 : index
    %get3A_1392 = tpu.vector_load %arg17[%get3A_1390, %get3A_1391] {strides = array<i32>} : memref<16x128xf32, #tpu.memory_space<vmem>>, vector<16xf32>,
    %add3A_1393 = arith.addf %add3A_1388, %get3A_1392 : vector<16xf32>
    %get3A_1394 = arith.constant 14 : i32
    %get3A_1395 = arith.index_cast %get3A_1394 : i32 to index
    %get3A_1396 = arith.constant 80 : index
    %get3A_1397 = tpu.vector_load %arg17[%get3A_1395, %get3A_1396] {strides = array<i32>} : memref<16x128xf32, #tpu.memory_space<vmem>>, vector<16xf32>,
    %add3A_1398 = arith.addf %add3A_1393, %get3A_1397 : vector<16xf32>
    %get3A_1399 = arith.constant 15 : i32
    %get3A_1400 = arith.index_cast %get3A_1399 : i32 to index
    %get3A_1401 = arith.constant 80 : index
    %get3A_1402 = tpu.vector_load %arg17[%get3A_1400, %get3A_1401] {strides = array<i32>} : memref<16x128xf32, #tpu.memory_space<vmem>>, vector<16xf32>,
    %add3A_1403 = arith.addf %add3A_1398, %get3A_1402 : vector<16xf32>
    %swap3A_1404 = arith.constant 96 : index
    %swap3A_1405 = tpu.vector_load %arg11[%swap3A_1404] {strides = array<i32>} : memref<160xf32, #tpu.memory_space<vmem>>, vector<16xf32>,
    tpu.vector_store %arg11[%swap3A_1404], %add3A_1403 {strides = array<i32>} : memref<160xf32, #tpu.memory_space<vmem>>, vector<16xf32>,
    %get3A_1406 = arith.constant 0 : i32
    %get3A_1407 = arith.index_cast %get3A_1406 : i32 to index
    %get3A_1408 = arith.constant 96 : index
    %get3A_1409 = tpu.vector_load %arg17[%get3A_1407, %get3A_1408] {strides = array<i32>} : memref<16x128xf32, #tpu.memory_space<vmem>>, vector<16xf32>,
    %get3A_1410 = arith.constant 1 : i32
    %get3A_1411 = arith.index_cast %get3A_1410 : i32 to index
    %get3A_1412 = arith.constant 96 : index
    %get3A_1413 = tpu.vector_load %arg17[%get3A_1411, %get3A_1412] {strides = array<i32>} : memref<16x128xf32, #tpu.memory_space<vmem>>, vector<16xf32>,
    %add3A_1414 = arith.addf %get3A_1409, %get3A_1413 : vector<16xf32>
    %get3A_1415 = arith.constant 2 : i32
    %get3A_1416 = arith.index_cast %get3A_1415 : i32 to index
    %get3A_1417 = arith.constant 96 : index
    %get3A_1418 = tpu.vector_load %arg17[%get3A_1416, %get3A_1417] {strides = array<i32>} : memref<16x128xf32, #tpu.memory_space<vmem>>, vector<16xf32>,
    %add3A_1419 = arith.addf %add3A_1414, %get3A_1418 : vector<16xf32>
    %get3A_1420 = arith.constant 3 : i32
    %get3A_1421 = arith.index_cast %get3A_1420 : i32 to index
    %get3A_1422 = arith.constant 96 : index
    %get3A_1423 = tpu.vector_load %arg17[%get3A_1421, %get3A_1422] {strides = array<i32>} : memref<16x128xf32, #tpu.memory_space<vmem>>, vector<16xf32>,
    %add3A_1424 = arith.addf %add3A_1419, %get3A_1423 : vector<16xf32>
    %get3A_1425 = arith.constant 4 : i32
    %get3A_1426 = arith.index_cast %get3A_1425 : i32 to index
    %get3A_1427 = arith.constant 96 : index
    %get3A_1428 = tpu.vector_load %arg17[%get3A_1426, %get3A_1427] {strides = array<i32>} : memref<16x128xf32, #tpu.memory_space<vmem>>, vector<16xf32>,
    %add3A_1429 = arith.addf %add3A_1424, %get3A_1428 : vector<16xf32>
    %get3A_1430 = arith.constant 5 : i32
    %get3A_1431 = arith.index_cast %get3A_1430 : i32 to index
    %get3A_1432 = arith.constant 96 : index
    %get3A_1433 = tpu.vector_load %arg17[%get3A_1431, %get3A_1432] {strides = array<i32>} : memref<16x128xf32, #tpu.memory_space<vmem>>, vector<16xf32>,
    %add3A_1434 = arith.addf %add3A_1429, %get3A_1433 : vector<16xf32>
    %get3A_1435 = arith.constant 6 : i32
    %get3A_1436 = arith.index_cast %get3A_1435 : i32 to index
    %get3A_1437 = arith.constant 96 : index
    %get3A_1438 = tpu.vector_load %arg17[%get3A_1436, %get3A_1437] {strides = array<i32>} : memref<16x128xf32, #tpu.memory_space<vmem>>, vector<16xf32>,
    %add3A_1439 = arith.addf %add3A_1434, %get3A_1438 : vector<16xf32>
    %get3A_1440 = arith.constant 7 : i32
    %get3A_1441 = arith.index_cast %get3A_1440 : i32 to index
    %get3A_1442 = arith.constant 96 : index
    %get3A_1443 = tpu.vector_load %arg17[%get3A_1441, %get3A_1442] {strides = array<i32>} : memref<16x128xf32, #tpu.memory_space<vmem>>, vector<16xf32>,
    %add3A_1444 = arith.addf %add3A_1439, %get3A_1443 : vector<16xf32>
    %get3A_1445 = arith.constant 8 : i32
    %get3A_1446 = arith.index_cast %get3A_1445 : i32 to index
    %get3A_1447 = arith.constant 96 : index
    %get3A_1448 = tpu.vector_load %arg17[%get3A_1446, %get3A_1447] {strides = array<i32>} : memref<16x128xf32, #tpu.memory_space<vmem>>, vector<16xf32>,
    %add3A_1449 = arith.addf %add3A_1444, %get3A_1448 : vector<16xf32>
    %get3A_1450 = arith.constant 9 : i32
    %get3A_1451 = arith.index_cast %get3A_1450 : i32 to index
    %get3A_1452 = arith.constant 96 : index
    %get3A_1453 = tpu.vector_load %arg17[%get3A_1451, %get3A_1452] {strides = array<i32>} : memref<16x128xf32, #tpu.memory_space<vmem>>, vector<16xf32>,
    %add3A_1454 = arith.addf %add3A_1449, %get3A_1453 : vector<16xf32>
    %get3A_1455 = arith.constant 10 : i32
    %get3A_1456 = arith.index_cast %get3A_1455 : i32 to index
    %get3A_1457 = arith.constant 96 : index
    %get3A_1458 = tpu.vector_load %arg17[%get3A_1456, %get3A_1457] {strides = array<i32>} : memref<16x128xf32, #tpu.memory_space<vmem>>, vector<16xf32>,
    %add3A_1459 = arith.addf %add3A_1454, %get3A_1458 : vector<16xf32>
    %get3A_1460 = arith.constant 11 : i32
    %get3A_1461 = arith.index_cast %get3A_1460 : i32 to index
    %get3A_1462 = arith.constant 96 : index
    %get3A_1463 = tpu.vector_load %arg17[%get3A_1461, %get3A_1462] {strides = array<i32>} : memref<16x128xf32, #tpu.memory_space<vmem>>, vector<16xf32>,
    %add3A_1464 = arith.addf %add3A_1459, %get3A_1463 : vector<16xf32>
    %get3A_1465 = arith.constant 12 : i32
    %get3A_1466 = arith.index_cast %get3A_1465 : i32 to index
    %get3A_1467 = arith.constant 96 : index
    %get3A_1468 = tpu.vector_load %arg17[%get3A_1466, %get3A_1467] {strides = array<i32>} : memref<16x128xf32, #tpu.memory_space<vmem>>, vector<16xf32>,
    %add3A_1469 = arith.addf %add3A_1464, %get3A_1468 : vector<16xf32>
    %get3A_1470 = arith.constant 13 : i32
    %get3A_1471 = arith.index_cast %get3A_1470 : i32 to index
    %get3A_1472 = arith.constant 96 : index
    %get3A_1473 = tpu.vector_load %arg17[%get3A_1471, %get3A_1472] {strides = array<i32>} : memref<16x128xf32, #tpu.memory_space<vmem>>, vector<16xf32>,
    %add3A_1474 = arith.addf %add3A_1469, %get3A_1473 : vector<16xf32>
    %get3A_1475 = arith.constant 14 : i32
    %get3A_1476 = arith.index_cast %get3A_1475 : i32 to index
    %get3A_1477 = arith.constant 96 : index
    %get3A_1478 = tpu.vector_load %arg17[%get3A_1476, %get3A_1477] {strides = array<i32>} : memref<16x128xf32, #tpu.memory_space<vmem>>, vector<16xf32>,
    %add3A_1479 = arith.addf %add3A_1474, %get3A_1478 : vector<16xf32>
    %get3A_1480 = arith.constant 15 : i32
    %get3A_1481 = arith.index_cast %get3A_1480 : i32 to index
    %get3A_1482 = arith.constant 96 : index
    %get3A_1483 = tpu.vector_load %arg17[%get3A_1481, %get3A_1482] {strides = array<i32>} : memref<16x128xf32, #tpu.memory_space<vmem>>, vector<16xf32>,
    %add3A_1484 = arith.addf %add3A_1479, %get3A_1483 : vector<16xf32>
    %swap3A_1485 = arith.constant 112 : index
    %swap3A_1486 = tpu.vector_load %arg11[%swap3A_1485] {strides = array<i32>} : memref<160xf32, #tpu.memory_space<vmem>>, vector<16xf32>,
    tpu.vector_store %arg11[%swap3A_1485], %add3A_1484 {strides = array<i32>} : memref<160xf32, #tpu.memory_space<vmem>>, vector<16xf32>,
    %get3A_1487 = arith.constant 0 : i32
    %get3A_1488 = arith.index_cast %get3A_1487 : i32 to index
    %get3A_1489 = arith.constant 112 : index
    %get3A_1490 = tpu.vector_load %arg17[%get3A_1488, %get3A_1489] {strides = array<i32>} : memref<16x128xf32, #tpu.memory_space<vmem>>, vector<16xf32>,
    %get3A_1491 = arith.constant 1 : i32
    %get3A_1492 = arith.index_cast %get3A_1491 : i32 to index
    %get3A_1493 = arith.constant 112 : index
    %get3A_1494 = tpu.vector_load %arg17[%get3A_1492, %get3A_1493] {strides = array<i32>} : memref<16x128xf32, #tpu.memory_space<vmem>>, vector<16xf32>,
    %add3A_1495 = arith.addf %get3A_1490, %get3A_1494 : vector<16xf32>
    %get3A_1496 = arith.constant 2 : i32
    %get3A_1497 = arith.index_cast %get3A_1496 : i32 to index
    %get3A_1498 = arith.constant 112 : index
    %get3A_1499 = tpu.vector_load %arg17[%get3A_1497, %get3A_1498] {strides = array<i32>} : memref<16x128xf32, #tpu.memory_space<vmem>>, vector<16xf32>,
    %add3A_1500 = arith.addf %add3A_1495, %get3A_1499 : vector<16xf32>
    %get3A_1501 = arith.constant 3 : i32
    %get3A_1502 = arith.index_cast %get3A_1501 : i32 to index
    %get3A_1503 = arith.constant 112 : index
    %get3A_1504 = tpu.vector_load %arg17[%get3A_1502, %get3A_1503] {strides = array<i32>} : memref<16x128xf32, #tpu.memory_space<vmem>>, vector<16xf32>,
    %add3A_1505 = arith.addf %add3A_1500, %get3A_1504 : vector<16xf32>
    %get3A_1506 = arith.constant 4 : i32
    %get3A_1507 = arith.index_cast %get3A_1506 : i32 to index
    %get3A_1508 = arith.constant 112 : index
    %get3A_1509 = tpu.vector_load %arg17[%get3A_1507, %get3A_1508] {strides = array<i32>} : memref<16x128xf32, #tpu.memory_space<vmem>>, vector<16xf32>,
    %add3A_1510 = arith.addf %add3A_1505, %get3A_1509 : vector<16xf32>
    %get3A_1511 = arith.constant 5 : i32
    %get3A_1512 = arith.index_cast %get3A_1511 : i32 to index
    %get3A_1513 = arith.constant 112 : index
    %get3A_1514 = tpu.vector_load %arg17[%get3A_1512, %get3A_1513] {strides = array<i32>} : memref<16x128xf32, #tpu.memory_space<vmem>>, vector<16xf32>,
    %add3A_1515 = arith.addf %add3A_1510, %get3A_1514 : vector<16xf32>
    %get3A_1516 = arith.constant 6 : i32
    %get3A_1517 = arith.index_cast %get3A_1516 : i32 to index
    %get3A_1518 = arith.constant 112 : index
    %get3A_1519 = tpu.vector_load %arg17[%get3A_1517, %get3A_1518] {strides = array<i32>} : memref<16x128xf32, #tpu.memory_space<vmem>>, vector<16xf32>,
    %add3A_1520 = arith.addf %add3A_1515, %get3A_1519 : vector<16xf32>
    %get3A_1521 = arith.constant 7 : i32
    %get3A_1522 = arith.index_cast %get3A_1521 : i32 to index
    %get3A_1523 = arith.constant 112 : index
    %get3A_1524 = tpu.vector_load %arg17[%get3A_1522, %get3A_1523] {strides = array<i32>} : memref<16x128xf32, #tpu.memory_space<vmem>>, vector<16xf32>,
    %add3A_1525 = arith.addf %add3A_1520, %get3A_1524 : vector<16xf32>
    %get3A_1526 = arith.constant 8 : i32
    %get3A_1527 = arith.index_cast %get3A_1526 : i32 to index
    %get3A_1528 = arith.constant 112 : index
    %get3A_1529 = tpu.vector_load %arg17[%get3A_1527, %get3A_1528] {strides = array<i32>} : memref<16x128xf32, #tpu.memory_space<vmem>>, vector<16xf32>,
    %add3A_1530 = arith.addf %add3A_1525, %get3A_1529 : vector<16xf32>
    %get3A_1531 = arith.constant 9 : i32
    %get3A_1532 = arith.index_cast %get3A_1531 : i32 to index
    %get3A_1533 = arith.constant 112 : index
    %get3A_1534 = tpu.vector_load %arg17[%get3A_1532, %get3A_1533] {strides = array<i32>} : memref<16x128xf32, #tpu.memory_space<vmem>>, vector<16xf32>,
    %add3A_1535 = arith.addf %add3A_1530, %get3A_1534 : vector<16xf32>
    %get3A_1536 = arith.constant 10 : i32
    %get3A_1537 = arith.index_cast %get3A_1536 : i32 to index
    %get3A_1538 = arith.constant 112 : index
    %get3A_1539 = tpu.vector_load %arg17[%get3A_1537, %get3A_1538] {strides = array<i32>} : memref<16x128xf32, #tpu.memory_space<vmem>>, vector<16xf32>,
    %add3A_1540 = arith.addf %add3A_1535, %get3A_1539 : vector<16xf32>
    %get3A_1541 = arith.constant 11 : i32
    %get3A_1542 = arith.index_cast %get3A_1541 : i32 to index
    %get3A_1543 = arith.constant 112 : index
    %get3A_1544 = tpu.vector_load %arg17[%get3A_1542, %get3A_1543] {strides = array<i32>} : memref<16x128xf32, #tpu.memory_space<vmem>>, vector<16xf32>,
    %add3A_1545 = arith.addf %add3A_1540, %get3A_1544 : vector<16xf32>
    %get3A_1546 = arith.constant 12 : i32
    %get3A_1547 = arith.index_cast %get3A_1546 : i32 to index
    %get3A_1548 = arith.constant 112 : index
    %get3A_1549 = tpu.vector_load %arg17[%get3A_1547, %get3A_1548] {strides = array<i32>} : memref<16x128xf32, #tpu.memory_space<vmem>>, vector<16xf32>,
    %add3A_1550 = arith.addf %add3A_1545, %get3A_1549 : vector<16xf32>
    %get3A_1551 = arith.constant 13 : i32
    %get3A_1552 = arith.index_cast %get3A_1551 : i32 to index
    %get3A_1553 = arith.constant 112 : index
    %get3A_1554 = tpu.vector_load %arg17[%get3A_1552, %get3A_1553] {strides = array<i32>} : memref<16x128xf32, #tpu.memory_space<vmem>>, vector<16xf32>,
    %add3A_1555 = arith.addf %add3A_1550, %get3A_1554 : vector<16xf32>
    %get3A_1556 = arith.constant 14 : i32
    %get3A_1557 = arith.index_cast %get3A_1556 : i32 to index
    %get3A_1558 = arith.constant 112 : index
    %get3A_1559 = tpu.vector_load %arg17[%get3A_1557, %get3A_1558] {strides = array<i32>} : memref<16x128xf32, #tpu.memory_space<vmem>>, vector<16xf32>,
    %add3A_1560 = arith.addf %add3A_1555, %get3A_1559 : vector<16xf32>
    %get3A_1561 = arith.constant 15 : i32
    %get3A_1562 = arith.index_cast %get3A_1561 : i32 to index
    %get3A_1563 = arith.constant 112 : index
    %get3A_1564 = tpu.vector_load %arg17[%get3A_1562, %get3A_1563] {strides = array<i32>} : memref<16x128xf32, #tpu.memory_space<vmem>>, vector<16xf32>,
    %add3A_1565 = arith.addf %add3A_1560, %get3A_1564 : vector<16xf32>
    %swap3A_1566 = arith.constant 128 : index
    %swap3A_1567 = tpu.vector_load %arg11[%swap3A_1566] {strides = array<i32>} : memref<160xf32, #tpu.memory_space<vmem>>, vector<16xf32>,
    tpu.vector_store %arg11[%swap3A_1566], %add3A_1565 {strides = array<i32>} : memref<160xf32, #tpu.memory_space<vmem>>, vector<16xf32>,
    %add3A_1568 = arith.constant 12 : i32
    %add3A_1569 = vector.broadcast %add3A_1568 : i32 to vector<16xi32>
    %add3A_1570 = arith.addi %add3A_1569, %iota3A : vector<16xi32>
    %gather3A_1571 = tpu.vector_load_idx %arg11[%add3A_1570] : memref<160xf32, #tpu.memory_space<vmem>>[vector<16xi32>], vector<16xf32>,
    %mul3A_1572 = arith.constant 3.35462624E-4 : f32
    %mul3A_1573 = vector.broadcast %mul3A_1572 : f32 to vector<16xf32>
    %mul3A_1574 = arith.mulf %mul3A_1573, %gather3A_1571 : vector<16xf32>
    %add3A_1575 = arith.addf %broadcast_in_dim3A_0, %mul3A_1574 : vector<16xf32>
    %add3A_1576 = arith.constant 13 : i32
    %add3A_1577 = vector.broadcast %add3A_1576 : i32 to vector<16xi32>
    %add3A_1578 = arith.addi %add3A_1577, %iota3A : vector<16xi32>
    %gather3A_1579 = tpu.vector_load_idx %arg11[%add3A_1578] : memref<160xf32, #tpu.memory_space<vmem>>[vector<16xi32>], vector<16xf32>,
    %mul3A_1580 = arith.constant 0.0111089963 : f32
    %mul3A_1581 = vector.broadcast %mul3A_1580 : f32 to vector<16xf32>
    %mul3A_1582 = arith.mulf %mul3A_1581, %gather3A_1579 : vector<16xf32>
    %add3A_1583 = arith.addf %add3A_1575, %mul3A_1582 : vector<16xf32>
    %add3A_1584 = arith.constant 14 : i32
    %add3A_1585 = vector.broadcast %add3A_1584 : i32 to vector<16xi32>
    %add3A_1586 = arith.addi %add3A_1585, %iota3A : vector<16xi32>
    %gather3A_1587 = tpu.vector_load_idx %arg11[%add3A_1586] : memref<160xf32, #tpu.memory_space<vmem>>[vector<16xi32>], vector<16xf32>,
    %mul3A_1588 = arith.constant 0.135335281 : f32
    %mul3A_1589 = vector.broadcast %mul3A_1588 : f32 to vector<16xf32>
    %mul3A_1590 = arith.mulf %mul3A_1589, %gather3A_1587 : vector<16xf32>
    %add3A_1591 = arith.addf %add3A_1583, %mul3A_1590 : vector<16xf32>
    %add3A_1592 = arith.constant 15 : i32
    %add3A_1593 = vector.broadcast %add3A_1592 : i32 to vector<16xi32>
    %add3A_1594 = arith.addi %add3A_1593, %iota3A : vector<16xi32>
    %gather3A_1595 = tpu.vector_load_idx %arg11[%add3A_1594] : memref<160xf32, #tpu.memory_space<vmem>>[vector<16xi32>], vector<16xf32>,
    %mul3A_1596 = arith.constant 0.606530666 : f32
    %mul3A_1597 = vector.broadcast %mul3A_1596 : f32 to vector<16xf32>
    %mul3A_1598 = arith.mulf %mul3A_1597, %gather3A_1595 : vector<16xf32>
    %add3A_1599 = arith.addf %add3A_1591, %mul3A_1598 : vector<16xf32>
    %add3A_1600 = arith.constant 16 : i32
    %add3A_1601 = vector.broadcast %add3A_1600 : i32 to vector<16xi32>
    %add3A_1602 = arith.addi %add3A_1601, %iota3A : vector<16xi32>
    %gather3A_1603 = tpu.vector_load_idx %arg11[%add3A_1602] : memref<160xf32, #tpu.memory_space<vmem>>[vector<16xi32>], vector<16xf32>,
    %mul3A_1604 = arith.constant 1.000000e+00 : f32
    %mul3A_1605 = vector.broadcast %mul3A_1604 : f32 to vector<16xf32>
    %mul3A_1606 = arith.mulf %mul3A_1605, %gather3A_1603 : vector<16xf32>
    %add3A_1607 = arith.addf %add3A_1599, %mul3A_1606 : vector<16xf32>
    %add3A_1608 = arith.constant 17 : i32
    %add3A_1609 = vector.broadcast %add3A_1608 : i32 to vector<16xi32>
    %add3A_1610 = arith.addi %add3A_1609, %iota3A : vector<16xi32>
    %gather3A_1611 = tpu.vector_load_idx %arg11[%add3A_1610] : memref<160xf32, #tpu.memory_space<vmem>>[vector<16xi32>], vector<16xf32>,
    %mul3A_1612 = arith.constant 0.606530666 : f32
    %mul3A_1613 = vector.broadcast %mul3A_1612 : f32 to vector<16xf32>
    %mul3A_1614 = arith.mulf %mul3A_1613, %gather3A_1611 : vector<16xf32>
    %add3A_1615 = arith.addf %add3A_1607, %mul3A_1614 : vector<16xf32>
    %add3A_1616 = arith.constant 18 : i32
    %add3A_1617 = vector.broadcast %add3A_1616 : i32 to vector<16xi32>
    %add3A_1618 = arith.addi %add3A_1617, %iota3A : vector<16xi32>
    %gather3A_1619 = tpu.vector_load_idx %arg11[%add3A_1618] : memref<160xf32, #tpu.memory_space<vmem>>[vector<16xi32>], vector<16xf32>,
    %mul3A_1620 = arith.constant 0.135335281 : f32
    %mul3A_1621 = vector.broadcast %mul3A_1620 : f32 to vector<16xf32>
    %mul3A_1622 = arith.mulf %mul3A_1621, %gather3A_1619 : vector<16xf32>
    %add3A_1623 = arith.addf %add3A_1615, %mul3A_1622 : vector<16xf32>
    %add3A_1624 = arith.constant 19 : i32
    %add3A_1625 = vector.broadcast %add3A_1624 : i32 to vector<16xi32>
    %add3A_1626 = arith.addi %add3A_1625, %iota3A : vector<16xi32>
    %gather3A_1627 = tpu.vector_load_idx %arg11[%add3A_1626] : memref<160xf32, #tpu.memory_space<vmem>>[vector<16xi32>], vector<16xf32>,
    %mul3A_1628 = arith.constant 0.0111089963 : f32
    %mul3A_1629 = vector.broadcast %mul3A_1628 : f32 to vector<16xf32>
    %mul3A_1630 = arith.mulf %mul3A_1629, %gather3A_1627 : vector<16xf32>
    %add3A_1631 = arith.addf %add3A_1623, %mul3A_1630 : vector<16xf32>
    %add3A_1632 = arith.constant 20 : i32
    %add3A_1633 = vector.broadcast %add3A_1632 : i32 to vector<16xi32>
    %add3A_1634 = arith.addi %add3A_1633, %iota3A : vector<16xi32>
    %gather3A_1635 = tpu.vector_load_idx %arg11[%add3A_1634] : memref<160xf32, #tpu.memory_space<vmem>>[vector<16xi32>], vector<16xf32>,
    %mul3A_1636 = arith.constant 3.35462624E-4 : f32
    %mul3A_1637 = vector.broadcast %mul3A_1636 : f32 to vector<16xf32>
    %mul3A_1638 = arith.mulf %mul3A_1637, %gather3A_1635 : vector<16xf32>
    %add3A_1639 = arith.addf %add3A_1631, %mul3A_1638 : vector<16xf32>
    %swap3A_1640 = arith.constant 0 : index
    %swap3A_1641 = tpu.vector_load %arg12[%swap3A_1640] {strides = array<i32>} : memref<128xf32, #tpu.memory_space<vmem>>, vector<16xf32>,
    tpu.vector_store %arg12[%swap3A_1640], %add3A_1639 {strides = array<i32>} : memref<128xf32, #tpu.memory_space<vmem>>, vector<16xf32>,
    %add3A_1642 = arith.constant 28 : i32
    %add3A_1643 = vector.broadcast %add3A_1642 : i32 to vector<16xi32>
    %add3A_1644 = arith.addi %add3A_1643, %iota3A : vector<16xi32>
    %gather3A_1645 = tpu.vector_load_idx %arg11[%add3A_1644] : memref<160xf32, #tpu.memory_space<vmem>>[vector<16xi32>], vector<16xf32>,
    %mul3A_1646 = arith.constant 3.35462624E-4 : f32
    %mul3A_1647 = vector.broadcast %mul3A_1646 : f32 to vector<16xf32>
    %mul3A_1648 = arith.mulf %mul3A_1647, %gather3A_1645 : vector<16xf32>
    %add3A_1649 = arith.addf %broadcast_in_dim3A_0, %mul3A_1648 : vector<16xf32>
    %add3A_1650 = arith.constant 29 : i32
    %add3A_1651 = vector.broadcast %add3A_1650 : i32 to vector<16xi32>
    %add3A_1652 = arith.addi %add3A_1651, %iota3A : vector<16xi32>
    %gather3A_1653 = tpu.vector_load_idx %arg11[%add3A_1652] : memref<160xf32, #tpu.memory_space<vmem>>[vector<16xi32>], vector<16xf32>,
    %mul3A_1654 = arith.constant 0.0111089963 : f32
    %mul3A_1655 = vector.broadcast %mul3A_1654 : f32 to vector<16xf32>
    %mul3A_1656 = arith.mulf %mul3A_1655, %gather3A_1653 : vector<16xf32>
    %add3A_1657 = arith.addf %add3A_1649, %mul3A_1656 : vector<16xf32>
    %add3A_1658 = arith.constant 30 : i32
    %add3A_1659 = vector.broadcast %add3A_1658 : i32 to vector<16xi32>
    %add3A_1660 = arith.addi %add3A_1659, %iota3A : vector<16xi32>
    %gather3A_1661 = tpu.vector_load_idx %arg11[%add3A_1660] : memref<160xf32, #tpu.memory_space<vmem>>[vector<16xi32>], vector<16xf32>,
    %mul3A_1662 = arith.constant 0.135335281 : f32
    %mul3A_1663 = vector.broadcast %mul3A_1662 : f32 to vector<16xf32>
    %mul3A_1664 = arith.mulf %mul3A_1663, %gather3A_1661 : vector<16xf32>
    %add3A_1665 = arith.addf %add3A_1657, %mul3A_1664 : vector<16xf32>
    %add3A_1666 = arith.constant 31 : i32
    %add3A_1667 = vector.broadcast %add3A_1666 : i32 to vector<16xi32>
    %add3A_1668 = arith.addi %add3A_1667, %iota3A : vector<16xi32>
    %gather3A_1669 = tpu.vector_load_idx %arg11[%add3A_1668] : memref<160xf32, #tpu.memory_space<vmem>>[vector<16xi32>], vector<16xf32>,
    %mul3A_1670 = arith.constant 0.606530666 : f32
    %mul3A_1671 = vector.broadcast %mul3A_1670 : f32 to vector<16xf32>
    %mul3A_1672 = arith.mulf %mul3A_1671, %gather3A_1669 : vector<16xf32>
    %add3A_1673 = arith.addf %add3A_1665, %mul3A_1672 : vector<16xf32>
    %add3A_1674 = arith.constant 32 : i32
    %add3A_1675 = vector.broadcast %add3A_1674 : i32 to vector<16xi32>
    %add3A_1676 = arith.addi %add3A_1675, %iota3A : vector<16xi32>
    %gather3A_1677 = tpu.vector_load_idx %arg11[%add3A_1676] : memref<160xf32, #tpu.memory_space<vmem>>[vector<16xi32>], vector<16xf32>,
    %mul3A_1678 = arith.constant 1.000000e+00 : f32
    %mul3A_1679 = vector.broadcast %mul3A_1678 : f32 to vector<16xf32>
    %mul3A_1680 = arith.mulf %mul3A_1679, %gather3A_1677 : vector<16xf32>
    %add3A_1681 = arith.addf %add3A_1673, %mul3A_1680 : vector<16xf32>
    %add3A_1682 = arith.constant 33 : i32
    %add3A_1683 = vector.broadcast %add3A_1682 : i32 to vector<16xi32>
    %add3A_1684 = arith.addi %add3A_1683, %iota3A : vector<16xi32>
    %gather3A_1685 = tpu.vector_load_idx %arg11[%add3A_1684] : memref<160xf32, #tpu.memory_space<vmem>>[vector<16xi32>], vector<16xf32>,
    %mul3A_1686 = arith.constant 0.606530666 : f32
    %mul3A_1687 = vector.broadcast %mul3A_1686 : f32 to vector<16xf32>
    %mul3A_1688 = arith.mulf %mul3A_1687, %gather3A_1685 : vector<16xf32>
    %add3A_1689 = arith.addf %add3A_1681, %mul3A_1688 : vector<16xf32>
    %add3A_1690 = arith.constant 34 : i32
    %add3A_1691 = vector.broadcast %add3A_1690 : i32 to vector<16xi32>
    %add3A_1692 = arith.addi %add3A_1691, %iota3A : vector<16xi32>
    %gather3A_1693 = tpu.vector_load_idx %arg11[%add3A_1692] : memref<160xf32, #tpu.memory_space<vmem>>[vector<16xi32>], vector<16xf32>,
    %mul3A_1694 = arith.constant 0.135335281 : f32
    %mul3A_1695 = vector.broadcast %mul3A_1694 : f32 to vector<16xf32>
    %mul3A_1696 = arith.mulf %mul3A_1695, %gather3A_1693 : vector<16xf32>
    %add3A_1697 = arith.addf %add3A_1689, %mul3A_1696 : vector<16xf32>
    %add3A_1698 = arith.constant 35 : i32
    %add3A_1699 = vector.broadcast %add3A_1698 : i32 to vector<16xi32>
    %add3A_1700 = arith.addi %add3A_1699, %iota3A : vector<16xi32>
    %gather3A_1701 = tpu.vector_load_idx %arg11[%add3A_1700] : memref<160xf32, #tpu.memory_space<vmem>>[vector<16xi32>], vector<16xf32>,
    %mul3A_1702 = arith.constant 0.0111089963 : f32
    %mul3A_1703 = vector.broadcast %mul3A_1702 : f32 to vector<16xf32>
    %mul3A_1704 = arith.mulf %mul3A_1703, %gather3A_1701 : vector<16xf32>
    %add3A_1705 = arith.addf %add3A_1697, %mul3A_1704 : vector<16xf32>
    %add3A_1706 = arith.constant 36 : i32
    %add3A_1707 = vector.broadcast %add3A_1706 : i32 to vector<16xi32>
    %add3A_1708 = arith.addi %add3A_1707, %iota3A : vector<16xi32>
    %gather3A_1709 = tpu.vector_load_idx %arg11[%add3A_1708] : memref<160xf32, #tpu.memory_space<vmem>>[vector<16xi32>], vector<16xf32>,
    %mul3A_1710 = arith.constant 3.35462624E-4 : f32
    %mul3A_1711 = vector.broadcast %mul3A_1710 : f32 to vector<16xf32>
    %mul3A_1712 = arith.mulf %mul3A_1711, %gather3A_1709 : vector<16xf32>
    %add3A_1713 = arith.addf %add3A_1705, %mul3A_1712 : vector<16xf32>
    %swap3A_1714 = arith.constant 16 : index
    %swap3A_1715 = tpu.vector_load %arg12[%swap3A_1714] {strides = array<i32>} : memref<128xf32, #tpu.memory_space<vmem>>, vector<16xf32>,
    tpu.vector_store %arg12[%swap3A_1714], %add3A_1713 {strides = array<i32>} : memref<128xf32, #tpu.memory_space<vmem>>, vector<16xf32>,
    %add3A_1716 = arith.constant 44 : i32
    %add3A_1717 = vector.broadcast %add3A_1716 : i32 to vector<16xi32>
    %add3A_1718 = arith.addi %add3A_1717, %iota3A : vector<16xi32>
    %gather3A_1719 = tpu.vector_load_idx %arg11[%add3A_1718] : memref<160xf32, #tpu.memory_space<vmem>>[vector<16xi32>], vector<16xf32>,
    %mul3A_1720 = arith.constant 3.35462624E-4 : f32
    %mul3A_1721 = vector.broadcast %mul3A_1720 : f32 to vector<16xf32>
    %mul3A_1722 = arith.mulf %mul3A_1721, %gather3A_1719 : vector<16xf32>
    %add3A_1723 = arith.addf %broadcast_in_dim3A_0, %mul3A_1722 : vector<16xf32>
    %add3A_1724 = arith.constant 45 : i32
    %add3A_1725 = vector.broadcast %add3A_1724 : i32 to vector<16xi32>
    %add3A_1726 = arith.addi %add3A_1725, %iota3A : vector<16xi32>
    %gather3A_1727 = tpu.vector_load_idx %arg11[%add3A_1726] : memref<160xf32, #tpu.memory_space<vmem>>[vector<16xi32>], vector<16xf32>,
    %mul3A_1728 = arith.constant 0.0111089963 : f32
    %mul3A_1729 = vector.broadcast %mul3A_1728 : f32 to vector<16xf32>
    %mul3A_1730 = arith.mulf %mul3A_1729, %gather3A_1727 : vector<16xf32>
    %add3A_1731 = arith.addf %add3A_1723, %mul3A_1730 : vector<16xf32>
    %add3A_1732 = arith.constant 46 : i32
    %add3A_1733 = vector.broadcast %add3A_1732 : i32 to vector<16xi32>
    %add3A_1734 = arith.addi %add3A_1733, %iota3A : vector<16xi32>
    %gather3A_1735 = tpu.vector_load_idx %arg11[%add3A_1734] : memref<160xf32, #tpu.memory_space<vmem>>[vector<16xi32>], vector<16xf32>,
    %mul3A_1736 = arith.constant 0.135335281 : f32
    %mul3A_1737 = vector.broadcast %mul3A_1736 : f32 to vector<16xf32>
    %mul3A_1738 = arith.mulf %mul3A_1737, %gather3A_1735 : vector<16xf32>
    %add3A_1739 = arith.addf %add3A_1731, %mul3A_1738 : vector<16xf32>
    %add3A_1740 = arith.constant 47 : i32
    %add3A_1741 = vector.broadcast %add3A_1740 : i32 to vector<16xi32>
    %add3A_1742 = arith.addi %add3A_1741, %iota3A : vector<16xi32>
    %gather3A_1743 = tpu.vector_load_idx %arg11[%add3A_1742] : memref<160xf32, #tpu.memory_space<vmem>>[vector<16xi32>], vector<16xf32>,
    %mul3A_1744 = arith.constant 0.606530666 : f32
    %mul3A_1745 = vector.broadcast %mul3A_1744 : f32 to vector<16xf32>
    %mul3A_1746 = arith.mulf %mul3A_1745, %gather3A_1743 : vector<16xf32>
    %add3A_1747 = arith.addf %add3A_1739, %mul3A_1746 : vector<16xf32>
    %add3A_1748 = arith.constant 48 : i32
    %add3A_1749 = vector.broadcast %add3A_1748 : i32 to vector<16xi32>
    %add3A_1750 = arith.addi %add3A_1749, %iota3A : vector<16xi32>
    %gather3A_1751 = tpu.vector_load_idx %arg11[%add3A_1750] : memref<160xf32, #tpu.memory_space<vmem>>[vector<16xi32>], vector<16xf32>,
    %mul3A_1752 = arith.constant 1.000000e+00 : f32
    %mul3A_1753 = vector.broadcast %mul3A_1752 : f32 to vector<16xf32>
    %mul3A_1754 = arith.mulf %mul3A_1753, %gather3A_1751 : vector<16xf32>
    %add3A_1755 = arith.addf %add3A_1747, %mul3A_1754 : vector<16xf32>
    %add3A_1756 = arith.constant 49 : i32
    %add3A_1757 = vector.broadcast %add3A_1756 : i32 to vector<16xi32>
    %add3A_1758 = arith.addi %add3A_1757, %iota3A : vector<16xi32>
    %gather3A_1759 = tpu.vector_load_idx %arg11[%add3A_1758] : memref<160xf32, #tpu.memory_space<vmem>>[vector<16xi32>], vector<16xf32>,
    %mul3A_1760 = arith.constant 0.606530666 : f32
    %mul3A_1761 = vector.broadcast %mul3A_1760 : f32 to vector<16xf32>
    %mul3A_1762 = arith.mulf %mul3A_1761, %gather3A_1759 : vector<16xf32>
    %add3A_1763 = arith.addf %add3A_1755, %mul3A_1762 : vector<16xf32>
    %add3A_1764 = arith.constant 50 : i32
    %add3A_1765 = vector.broadcast %add3A_1764 : i32 to vector<16xi32>
    %add3A_1766 = arith.addi %add3A_1765, %iota3A : vector<16xi32>
    %gather3A_1767 = tpu.vector_load_idx %arg11[%add3A_1766] : memref<160xf32, #tpu.memory_space<vmem>>[vector<16xi32>], vector<16xf32>,
    %mul3A_1768 = arith.constant 0.135335281 : f32
    %mul3A_1769 = vector.broadcast %mul3A_1768 : f32 to vector<16xf32>
    %mul3A_1770 = arith.mulf %mul3A_1769, %gather3A_1767 : vector<16xf32>
    %add3A_1771 = arith.addf %add3A_1763, %mul3A_1770 : vector<16xf32>
    %add3A_1772 = arith.constant 51 : i32
    %add3A_1773 = vector.broadcast %add3A_1772 : i32 to vector<16xi32>
    %add3A_1774 = arith.addi %add3A_1773, %iota3A : vector<16xi32>
    %gather3A_1775 = tpu.vector_load_idx %arg11[%add3A_1774] : memref<160xf32, #tpu.memory_space<vmem>>[vector<16xi32>], vector<16xf32>,
    %mul3A_1776 = arith.constant 0.0111089963 : f32
    %mul3A_1777 = vector.broadcast %mul3A_1776 : f32 to vector<16xf32>
    %mul3A_1778 = arith.mulf %mul3A_1777, %gather3A_1775 : vector<16xf32>
    %add3A_1779 = arith.addf %add3A_1771, %mul3A_1778 : vector<16xf32>
    %add3A_1780 = arith.constant 52 : i32
    %add3A_1781 = vector.broadcast %add3A_1780 : i32 to vector<16xi32>
    %add3A_1782 = arith.addi %add3A_1781, %iota3A : vector<16xi32>
    %gather3A_1783 = tpu.vector_load_idx %arg11[%add3A_1782] : memref<160xf32, #tpu.memory_space<vmem>>[vector<16xi32>], vector<16xf32>,
    %mul3A_1784 = arith.constant 3.35462624E-4 : f32
    %mul3A_1785 = vector.broadcast %mul3A_1784 : f32 to vector<16xf32>
    %mul3A_1786 = arith.mulf %mul3A_1785, %gather3A_1783 : vector<16xf32>
    %add3A_1787 = arith.addf %add3A_1779, %mul3A_1786 : vector<16xf32>
    %swap3A_1788 = arith.constant 32 : index
    %swap3A_1789 = tpu.vector_load %arg12[%swap3A_1788] {strides = array<i32>} : memref<128xf32, #tpu.memory_space<vmem>>, vector<16xf32>,
    tpu.vector_store %arg12[%swap3A_1788], %add3A_1787 {strides = array<i32>} : memref<128xf32, #tpu.memory_space<vmem>>, vector<16xf32>,
    %add3A_1790 = arith.constant 60 : i32
    %add3A_1791 = vector.broadcast %add3A_1790 : i32 to vector<16xi32>
    %add3A_1792 = arith.addi %add3A_1791, %iota3A : vector<16xi32>
    %gather3A_1793 = tpu.vector_load_idx %arg11[%add3A_1792] : memref<160xf32, #tpu.memory_space<vmem>>[vector<16xi32>], vector<16xf32>,
    %mul3A_1794 = arith.constant 3.35462624E-4 : f32
    %mul3A_1795 = vector.broadcast %mul3A_1794 : f32 to vector<16xf32>
    %mul3A_1796 = arith.mulf %mul3A_1795, %gather3A_1793 : vector<16xf32>
    %add3A_1797 = arith.addf %broadcast_in_dim3A_0, %mul3A_1796 : vector<16xf32>
    %add3A_1798 = arith.constant 61 : i32
    %add3A_1799 = vector.broadcast %add3A_1798 : i32 to vector<16xi32>
    %add3A_1800 = arith.addi %add3A_1799, %iota3A : vector<16xi32>
    %gather3A_1801 = tpu.vector_load_idx %arg11[%add3A_1800] : memref<160xf32, #tpu.memory_space<vmem>>[vector<16xi32>], vector<16xf32>,
    %mul3A_1802 = arith.constant 0.0111089963 : f32
    %mul3A_1803 = vector.broadcast %mul3A_1802 : f32 to vector<16xf32>
    %mul3A_1804 = arith.mulf %mul3A_1803, %gather3A_1801 : vector<16xf32>
    %add3A_1805 = arith.addf %add3A_1797, %mul3A_1804 : vector<16xf32>
    %add3A_1806 = arith.constant 62 : i32
    %add3A_1807 = vector.broadcast %add3A_1806 : i32 to vector<16xi32>
    %add3A_1808 = arith.addi %add3A_1807, %iota3A : vector<16xi32>
    %gather3A_1809 = tpu.vector_load_idx %arg11[%add3A_1808] : memref<160xf32, #tpu.memory_space<vmem>>[vector<16xi32>], vector<16xf32>,
    %mul3A_1810 = arith.constant 0.135335281 : f32
    %mul3A_1811 = vector.broadcast %mul3A_1810 : f32 to vector<16xf32>
    %mul3A_1812 = arith.mulf %mul3A_1811, %gather3A_1809 : vector<16xf32>
    %add3A_1813 = arith.addf %add3A_1805, %mul3A_1812 : vector<16xf32>
    %add3A_1814 = arith.constant 63 : i32
    %add3A_1815 = vector.broadcast %add3A_1814 : i32 to vector<16xi32>
    %add3A_1816 = arith.addi %add3A_1815, %iota3A : vector<16xi32>
    %gather3A_1817 = tpu.vector_load_idx %arg11[%add3A_1816] : memref<160xf32, #tpu.memory_space<vmem>>[vector<16xi32>], vector<16xf32>,
    %mul3A_1818 = arith.constant 0.606530666 : f32
    %mul3A_1819 = vector.broadcast %mul3A_1818 : f32 to vector<16xf32>
    %mul3A_1820 = arith.mulf %mul3A_1819, %gather3A_1817 : vector<16xf32>
    %add3A_1821 = arith.addf %add3A_1813, %mul3A_1820 : vector<16xf32>
    %add3A_1822 = arith.constant 64 : i32
    %add3A_1823 = vector.broadcast %add3A_1822 : i32 to vector<16xi32>
    %add3A_1824 = arith.addi %add3A_1823, %iota3A : vector<16xi32>
    %gather3A_1825 = tpu.vector_load_idx %arg11[%add3A_1824] : memref<160xf32, #tpu.memory_space<vmem>>[vector<16xi32>], vector<16xf32>,
    %mul3A_1826 = arith.constant 1.000000e+00 : f32
    %mul3A_1827 = vector.broadcast %mul3A_1826 : f32 to vector<16xf32>
    %mul3A_1828 = arith.mulf %mul3A_1827, %gather3A_1825 : vector<16xf32>
    %add3A_1829 = arith.addf %add3A_1821, %mul3A_1828 : vector<16xf32>
    %add3A_1830 = arith.constant 65 : i32
    %add3A_1831 = vector.broadcast %add3A_1830 : i32 to vector<16xi32>
    %add3A_1832 = arith.addi %add3A_1831, %iota3A : vector<16xi32>
    %gather3A_1833 = tpu.vector_load_idx %arg11[%add3A_1832] : memref<160xf32, #tpu.memory_space<vmem>>[vector<16xi32>], vector<16xf32>,
    %mul3A_1834 = arith.constant 0.606530666 : f32
    %mul3A_1835 = vector.broadcast %mul3A_1834 : f32 to vector<16xf32>
    %mul3A_1836 = arith.mulf %mul3A_1835, %gather3A_1833 : vector<16xf32>
    %add3A_1837 = arith.addf %add3A_1829, %mul3A_1836 : vector<16xf32>
    %add3A_1838 = arith.constant 66 : i32
    %add3A_1839 = vector.broadcast %add3A_1838 : i32 to vector<16xi32>
    %add3A_1840 = arith.addi %add3A_1839, %iota3A : vector<16xi32>
    %gather3A_1841 = tpu.vector_load_idx %arg11[%add3A_1840] : memref<160xf32, #tpu.memory_space<vmem>>[vector<16xi32>], vector<16xf32>,
    %mul3A_1842 = arith.constant 0.135335281 : f32
    %mul3A_1843 = vector.broadcast %mul3A_1842 : f32 to vector<16xf32>
    %mul3A_1844 = arith.mulf %mul3A_1843, %gather3A_1841 : vector<16xf32>
    %add3A_1845 = arith.addf %add3A_1837, %mul3A_1844 : vector<16xf32>
    %add3A_1846 = arith.constant 67 : i32
    %add3A_1847 = vector.broadcast %add3A_1846 : i32 to vector<16xi32>
    %add3A_1848 = arith.addi %add3A_1847, %iota3A : vector<16xi32>
    %gather3A_1849 = tpu.vector_load_idx %arg11[%add3A_1848] : memref<160xf32, #tpu.memory_space<vmem>>[vector<16xi32>], vector<16xf32>,
    %mul3A_1850 = arith.constant 0.0111089963 : f32
    %mul3A_1851 = vector.broadcast %mul3A_1850 : f32 to vector<16xf32>
    %mul3A_1852 = arith.mulf %mul3A_1851, %gather3A_1849 : vector<16xf32>
    %add3A_1853 = arith.addf %add3A_1845, %mul3A_1852 : vector<16xf32>
    %add3A_1854 = arith.constant 68 : i32
    %add3A_1855 = vector.broadcast %add3A_1854 : i32 to vector<16xi32>
    %add3A_1856 = arith.addi %add3A_1855, %iota3A : vector<16xi32>
    %gather3A_1857 = tpu.vector_load_idx %arg11[%add3A_1856] : memref<160xf32, #tpu.memory_space<vmem>>[vector<16xi32>], vector<16xf32>,
    %mul3A_1858 = arith.constant 3.35462624E-4 : f32
    %mul3A_1859 = vector.broadcast %mul3A_1858 : f32 to vector<16xf32>
    %mul3A_1860 = arith.mulf %mul3A_1859, %gather3A_1857 : vector<16xf32>
    %add3A_1861 = arith.addf %add3A_1853, %mul3A_1860 : vector<16xf32>
    %swap3A_1862 = arith.constant 48 : index
    %swap3A_1863 = tpu.vector_load %arg12[%swap3A_1862] {strides = array<i32>} : memref<128xf32, #tpu.memory_space<vmem>>, vector<16xf32>,
    tpu.vector_store %arg12[%swap3A_1862], %add3A_1861 {strides = array<i32>} : memref<128xf32, #tpu.memory_space<vmem>>, vector<16xf32>,
    %add3A_1864 = arith.constant 76 : i32
    %add3A_1865 = vector.broadcast %add3A_1864 : i32 to vector<16xi32>
    %add3A_1866 = arith.addi %add3A_1865, %iota3A : vector<16xi32>
    %gather3A_1867 = tpu.vector_load_idx %arg11[%add3A_1866] : memref<160xf32, #tpu.memory_space<vmem>>[vector<16xi32>], vector<16xf32>,
    %mul3A_1868 = arith.constant 3.35462624E-4 : f32
    %mul3A_1869 = vector.broadcast %mul3A_1868 : f32 to vector<16xf32>
    %mul3A_1870 = arith.mulf %mul3A_1869, %gather3A_1867 : vector<16xf32>
    %add3A_1871 = arith.addf %broadcast_in_dim3A_0, %mul3A_1870 : vector<16xf32>
    %add3A_1872 = arith.constant 77 : i32
    %add3A_1873 = vector.broadcast %add3A_1872 : i32 to vector<16xi32>
    %add3A_1874 = arith.addi %add3A_1873, %iota3A : vector<16xi32>
    %gather3A_1875 = tpu.vector_load_idx %arg11[%add3A_1874] : memref<160xf32, #tpu.memory_space<vmem>>[vector<16xi32>], vector<16xf32>,
    %mul3A_1876 = arith.constant 0.0111089963 : f32
    %mul3A_1877 = vector.broadcast %mul3A_1876 : f32 to vector<16xf32>
    %mul3A_1878 = arith.mulf %mul3A_1877, %gather3A_1875 : vector<16xf32>
    %add3A_1879 = arith.addf %add3A_1871, %mul3A_1878 : vector<16xf32>
    %add3A_1880 = arith.constant 78 : i32
    %add3A_1881 = vector.broadcast %add3A_1880 : i32 to vector<16xi32>
    %add3A_1882 = arith.addi %add3A_1881, %iota3A : vector<16xi32>
    %gather3A_1883 = tpu.vector_load_idx %arg11[%add3A_1882] : memref<160xf32, #tpu.memory_space<vmem>>[vector<16xi32>], vector<16xf32>,
    %mul3A_1884 = arith.constant 0.135335281 : f32
    %mul3A_1885 = vector.broadcast %mul3A_1884 : f32 to vector<16xf32>
    %mul3A_1886 = arith.mulf %mul3A_1885, %gather3A_1883 : vector<16xf32>
    %add3A_1887 = arith.addf %add3A_1879, %mul3A_1886 : vector<16xf32>
    %add3A_1888 = arith.constant 79 : i32
    %add3A_1889 = vector.broadcast %add3A_1888 : i32 to vector<16xi32>
    %add3A_1890 = arith.addi %add3A_1889, %iota3A : vector<16xi32>
    %gather3A_1891 = tpu.vector_load_idx %arg11[%add3A_1890] : memref<160xf32, #tpu.memory_space<vmem>>[vector<16xi32>], vector<16xf32>,
    %mul3A_1892 = arith.constant 0.606530666 : f32
    %mul3A_1893 = vector.broadcast %mul3A_1892 : f32 to vector<16xf32>
    %mul3A_1894 = arith.mulf %mul3A_1893, %gather3A_1891 : vector<16xf32>
    %add3A_1895 = arith.addf %add3A_1887, %mul3A_1894 : vector<16xf32>
    %add3A_1896 = arith.constant 80 : i32
    %add3A_1897 = vector.broadcast %add3A_1896 : i32 to vector<16xi32>
    %add3A_1898 = arith.addi %add3A_1897, %iota3A : vector<16xi32>
    %gather3A_1899 = tpu.vector_load_idx %arg11[%add3A_1898] : memref<160xf32, #tpu.memory_space<vmem>>[vector<16xi32>], vector<16xf32>,
    %mul3A_1900 = arith.constant 1.000000e+00 : f32
    %mul3A_1901 = vector.broadcast %mul3A_1900 : f32 to vector<16xf32>
    %mul3A_1902 = arith.mulf %mul3A_1901, %gather3A_1899 : vector<16xf32>
    %add3A_1903 = arith.addf %add3A_1895, %mul3A_1902 : vector<16xf32>
    %add3A_1904 = arith.constant 81 : i32
    %add3A_1905 = vector.broadcast %add3A_1904 : i32 to vector<16xi32>
    %add3A_1906 = arith.addi %add3A_1905, %iota3A : vector<16xi32>
    %gather3A_1907 = tpu.vector_load_idx %arg11[%add3A_1906] : memref<160xf32, #tpu.memory_space<vmem>>[vector<16xi32>], vector<16xf32>,
    %mul3A_1908 = arith.constant 0.606530666 : f32
    %mul3A_1909 = vector.broadcast %mul3A_1908 : f32 to vector<16xf32>
    %mul3A_1910 = arith.mulf %mul3A_1909, %gather3A_1907 : vector<16xf32>
    %add3A_1911 = arith.addf %add3A_1903, %mul3A_1910 : vector<16xf32>
    %add3A_1912 = arith.constant 82 : i32
    %add3A_1913 = vector.broadcast %add3A_1912 : i32 to vector<16xi32>
    %add3A_1914 = arith.addi %add3A_1913, %iota3A : vector<16xi32>
    %gather3A_1915 = tpu.vector_load_idx %arg11[%add3A_1914] : memref<160xf32, #tpu.memory_space<vmem>>[vector<16xi32>], vector<16xf32>,
    %mul3A_1916 = arith.constant 0.135335281 : f32
    %mul3A_1917 = vector.broadcast %mul3A_1916 : f32 to vector<16xf32>
    %mul3A_1918 = arith.mulf %mul3A_1917, %gather3A_1915 : vector<16xf32>
    %add3A_1919 = arith.addf %add3A_1911, %mul3A_1918 : vector<16xf32>
    %add3A_1920 = arith.constant 83 : i32
    %add3A_1921 = vector.broadcast %add3A_1920 : i32 to vector<16xi32>
    %add3A_1922 = arith.addi %add3A_1921, %iota3A : vector<16xi32>
    %gather3A_1923 = tpu.vector_load_idx %arg11[%add3A_1922] : memref<160xf32, #tpu.memory_space<vmem>>[vector<16xi32>], vector<16xf32>,
    %mul3A_1924 = arith.constant 0.0111089963 : f32
    %mul3A_1925 = vector.broadcast %mul3A_1924 : f32 to vector<16xf32>
    %mul3A_1926 = arith.mulf %mul3A_1925, %gather3A_1923 : vector<16xf32>
    %add3A_1927 = arith.addf %add3A_1919, %mul3A_1926 : vector<16xf32>
    %add3A_1928 = arith.constant 84 : i32
    %add3A_1929 = vector.broadcast %add3A_1928 : i32 to vector<16xi32>
    %add3A_1930 = arith.addi %add3A_1929, %iota3A : vector<16xi32>
    %gather3A_1931 = tpu.vector_load_idx %arg11[%add3A_1930] : memref<160xf32, #tpu.memory_space<vmem>>[vector<16xi32>], vector<16xf32>,
    %mul3A_1932 = arith.constant 3.35462624E-4 : f32
    %mul3A_1933 = vector.broadcast %mul3A_1932 : f32 to vector<16xf32>
    %mul3A_1934 = arith.mulf %mul3A_1933, %gather3A_1931 : vector<16xf32>
    %add3A_1935 = arith.addf %add3A_1927, %mul3A_1934 : vector<16xf32>
    %swap3A_1936 = arith.constant 64 : index
    %swap3A_1937 = tpu.vector_load %arg12[%swap3A_1936] {strides = array<i32>} : memref<128xf32, #tpu.memory_space<vmem>>, vector<16xf32>,
    tpu.vector_store %arg12[%swap3A_1936], %add3A_1935 {strides = array<i32>} : memref<128xf32, #tpu.memory_space<vmem>>, vector<16xf32>,
    %add3A_1938 = arith.constant 92 : i32
    %add3A_1939 = vector.broadcast %add3A_1938 : i32 to vector<16xi32>
    %add3A_1940 = arith.addi %add3A_1939, %iota3A : vector<16xi32>
    %gather3A_1941 = tpu.vector_load_idx %arg11[%add3A_1940] : memref<160xf32, #tpu.memory_space<vmem>>[vector<16xi32>], vector<16xf32>,
    %mul3A_1942 = arith.constant 3.35462624E-4 : f32
    %mul3A_1943 = vector.broadcast %mul3A_1942 : f32 to vector<16xf32>
    %mul3A_1944 = arith.mulf %mul3A_1943, %gather3A_1941 : vector<16xf32>
    %add3A_1945 = arith.addf %broadcast_in_dim3A_0, %mul3A_1944 : vector<16xf32>
    %add3A_1946 = arith.constant 93 : i32
    %add3A_1947 = vector.broadcast %add3A_1946 : i32 to vector<16xi32>
    %add3A_1948 = arith.addi %add3A_1947, %iota3A : vector<16xi32>
    %gather3A_1949 = tpu.vector_load_idx %arg11[%add3A_1948] : memref<160xf32, #tpu.memory_space<vmem>>[vector<16xi32>], vector<16xf32>,
    %mul3A_1950 = arith.constant 0.0111089963 : f32
    %mul3A_1951 = vector.broadcast %mul3A_1950 : f32 to vector<16xf32>
    %mul3A_1952 = arith.mulf %mul3A_1951, %gather3A_1949 : vector<16xf32>
    %add3A_1953 = arith.addf %add3A_1945, %mul3A_1952 : vector<16xf32>
    %add3A_1954 = arith.constant 94 : i32
    %add3A_1955 = vector.broadcast %add3A_1954 : i32 to vector<16xi32>
    %add3A_1956 = arith.addi %add3A_1955, %iota3A : vector<16xi32>
    %gather3A_1957 = tpu.vector_load_idx %arg11[%add3A_1956] : memref<160xf32, #tpu.memory_space<vmem>>[vector<16xi32>], vector<16xf32>,
    %mul3A_1958 = arith.constant 0.135335281 : f32
    %mul3A_1959 = vector.broadcast %mul3A_1958 : f32 to vector<16xf32>
    %mul3A_1960 = arith.mulf %mul3A_1959, %gather3A_1957 : vector<16xf32>
    %add3A_1961 = arith.addf %add3A_1953, %mul3A_1960 : vector<16xf32>
    %add3A_1962 = arith.constant 95 : i32
    %add3A_1963 = vector.broadcast %add3A_1962 : i32 to vector<16xi32>
    %add3A_1964 = arith.addi %add3A_1963, %iota3A : vector<16xi32>
    %gather3A_1965 = tpu.vector_load_idx %arg11[%add3A_1964] : memref<160xf32, #tpu.memory_space<vmem>>[vector<16xi32>], vector<16xf32>,
    %mul3A_1966 = arith.constant 0.606530666 : f32
    %mul3A_1967 = vector.broadcast %mul3A_1966 : f32 to vector<16xf32>
    %mul3A_1968 = arith.mulf %mul3A_1967, %gather3A_1965 : vector<16xf32>
    %add3A_1969 = arith.addf %add3A_1961, %mul3A_1968 : vector<16xf32>
    %add3A_1970 = arith.constant 96 : i32
    %add3A_1971 = vector.broadcast %add3A_1970 : i32 to vector<16xi32>
    %add3A_1972 = arith.addi %add3A_1971, %iota3A : vector<16xi32>
    %gather3A_1973 = tpu.vector_load_idx %arg11[%add3A_1972] : memref<160xf32, #tpu.memory_space<vmem>>[vector<16xi32>], vector<16xf32>,
    %mul3A_1974 = arith.constant 1.000000e+00 : f32
    %mul3A_1975 = vector.broadcast %mul3A_1974 : f32 to vector<16xf32>
    %mul3A_1976 = arith.mulf %mul3A_1975, %gather3A_1973 : vector<16xf32>
    %add3A_1977 = arith.addf %add3A_1969, %mul3A_1976 : vector<16xf32>
    %add3A_1978 = arith.constant 97 : i32
    %add3A_1979 = vector.broadcast %add3A_1978 : i32 to vector<16xi32>
    %add3A_1980 = arith.addi %add3A_1979, %iota3A : vector<16xi32>
    %gather3A_1981 = tpu.vector_load_idx %arg11[%add3A_1980] : memref<160xf32, #tpu.memory_space<vmem>>[vector<16xi32>], vector<16xf32>,
    %mul3A_1982 = arith.constant 0.606530666 : f32
    %mul3A_1983 = vector.broadcast %mul3A_1982 : f32 to vector<16xf32>
    %mul3A_1984 = arith.mulf %mul3A_1983, %gather3A_1981 : vector<16xf32>
    %add3A_1985 = arith.addf %add3A_1977, %mul3A_1984 : vector<16xf32>
    %add3A_1986 = arith.constant 98 : i32
    %add3A_1987 = vector.broadcast %add3A_1986 : i32 to vector<16xi32>
    %add3A_1988 = arith.addi %add3A_1987, %iota3A : vector<16xi32>
    %gather3A_1989 = tpu.vector_load_idx %arg11[%add3A_1988] : memref<160xf32, #tpu.memory_space<vmem>>[vector<16xi32>], vector<16xf32>,
    %mul3A_1990 = arith.constant 0.135335281 : f32
    %mul3A_1991 = vector.broadcast %mul3A_1990 : f32 to vector<16xf32>
    %mul3A_1992 = arith.mulf %mul3A_1991, %gather3A_1989 : vector<16xf32>
    %add3A_1993 = arith.addf %add3A_1985, %mul3A_1992 : vector<16xf32>
    %add3A_1994 = arith.constant 99 : i32
    %add3A_1995 = vector.broadcast %add3A_1994 : i32 to vector<16xi32>
    %add3A_1996 = arith.addi %add3A_1995, %iota3A : vector<16xi32>
    %gather3A_1997 = tpu.vector_load_idx %arg11[%add3A_1996] : memref<160xf32, #tpu.memory_space<vmem>>[vector<16xi32>], vector<16xf32>,
    %mul3A_1998 = arith.constant 0.0111089963 : f32
    %mul3A_1999 = vector.broadcast %mul3A_1998 : f32 to vector<16xf32>
    %mul3A_2000 = arith.mulf %mul3A_1999, %gather3A_1997 : vector<16xf32>
    %add3A_2001 = arith.addf %add3A_1993, %mul3A_2000 : vector<16xf32>
    %add3A_2002 = arith.constant 100 : i32
    %add3A_2003 = vector.broadcast %add3A_2002 : i32 to vector<16xi32>
    %add3A_2004 = arith.addi %add3A_2003, %iota3A : vector<16xi32>
    %gather3A_2005 = tpu.vector_load_idx %arg11[%add3A_2004] : memref<160xf32, #tpu.memory_space<vmem>>[vector<16xi32>], vector<16xf32>,
    %mul3A_2006 = arith.constant 3.35462624E-4 : f32
    %mul3A_2007 = vector.broadcast %mul3A_2006 : f32 to vector<16xf32>
    %mul3A_2008 = arith.mulf %mul3A_2007, %gather3A_2005 : vector<16xf32>
    %add3A_2009 = arith.addf %add3A_2001, %mul3A_2008 : vector<16xf32>
    %swap3A_2010 = arith.constant 80 : index
    %swap3A_2011 = tpu.vector_load %arg12[%swap3A_2010] {strides = array<i32>} : memref<128xf32, #tpu.memory_space<vmem>>, vector<16xf32>,
    tpu.vector_store %arg12[%swap3A_2010], %add3A_2009 {strides = array<i32>} : memref<128xf32, #tpu.memory_space<vmem>>, vector<16xf32>,
    %add3A_2012 = arith.constant 108 : i32
    %add3A_2013 = vector.broadcast %add3A_2012 : i32 to vector<16xi32>
    %add3A_2014 = arith.addi %add3A_2013, %iota3A : vector<16xi32>
    %gather3A_2015 = tpu.vector_load_idx %arg11[%add3A_2014] : memref<160xf32, #tpu.memory_space<vmem>>[vector<16xi32>], vector<16xf32>,
    %mul3A_2016 = arith.constant 3.35462624E-4 : f32
    %mul3A_2017 = vector.broadcast %mul3A_2016 : f32 to vector<16xf32>
    %mul3A_2018 = arith.mulf %mul3A_2017, %gather3A_2015 : vector<16xf32>
    %add3A_2019 = arith.addf %broadcast_in_dim3A_0, %mul3A_2018 : vector<16xf32>
    %add3A_2020 = arith.constant 109 : i32
    %add3A_2021 = vector.broadcast %add3A_2020 : i32 to vector<16xi32>
    %add3A_2022 = arith.addi %add3A_2021, %iota3A : vector<16xi32>
    %gather3A_2023 = tpu.vector_load_idx %arg11[%add3A_2022] : memref<160xf32, #tpu.memory_space<vmem>>[vector<16xi32>], vector<16xf32>,
    %mul3A_2024 = arith.constant 0.0111089963 : f32
    %mul3A_2025 = vector.broadcast %mul3A_2024 : f32 to vector<16xf32>
    %mul3A_2026 = arith.mulf %mul3A_2025, %gather3A_2023 : vector<16xf32>
    %add3A_2027 = arith.addf %add3A_2019, %mul3A_2026 : vector<16xf32>
    %add3A_2028 = arith.constant 110 : i32
    %add3A_2029 = vector.broadcast %add3A_2028 : i32 to vector<16xi32>
    %add3A_2030 = arith.addi %add3A_2029, %iota3A : vector<16xi32>
    %gather3A_2031 = tpu.vector_load_idx %arg11[%add3A_2030] : memref<160xf32, #tpu.memory_space<vmem>>[vector<16xi32>], vector<16xf32>,
    %mul3A_2032 = arith.constant 0.135335281 : f32
    %mul3A_2033 = vector.broadcast %mul3A_2032 : f32 to vector<16xf32>
    %mul3A_2034 = arith.mulf %mul3A_2033, %gather3A_2031 : vector<16xf32>
    %add3A_2035 = arith.addf %add3A_2027, %mul3A_2034 : vector<16xf32>
    %add3A_2036 = arith.constant 111 : i32
    %add3A_2037 = vector.broadcast %add3A_2036 : i32 to vector<16xi32>
    %add3A_2038 = arith.addi %add3A_2037, %iota3A : vector<16xi32>
    %gather3A_2039 = tpu.vector_load_idx %arg11[%add3A_2038] : memref<160xf32, #tpu.memory_space<vmem>>[vector<16xi32>], vector<16xf32>,
    %mul3A_2040 = arith.constant 0.606530666 : f32
    %mul3A_2041 = vector.broadcast %mul3A_2040 : f32 to vector<16xf32>
    %mul3A_2042 = arith.mulf %mul3A_2041, %gather3A_2039 : vector<16xf32>
    %add3A_2043 = arith.addf %add3A_2035, %mul3A_2042 : vector<16xf32>
    %add3A_2044 = arith.constant 112 : i32
    %add3A_2045 = vector.broadcast %add3A_2044 : i32 to vector<16xi32>
    %add3A_2046 = arith.addi %add3A_2045, %iota3A : vector<16xi32>
    %gather3A_2047 = tpu.vector_load_idx %arg11[%add3A_2046] : memref<160xf32, #tpu.memory_space<vmem>>[vector<16xi32>], vector<16xf32>,
    %mul3A_2048 = arith.constant 1.000000e+00 : f32
    %mul3A_2049 = vector.broadcast %mul3A_2048 : f32 to vector<16xf32>
    %mul3A_2050 = arith.mulf %mul3A_2049, %gather3A_2047 : vector<16xf32>
    %add3A_2051 = arith.addf %add3A_2043, %mul3A_2050 : vector<16xf32>
    %add3A_2052 = arith.constant 113 : i32
    %add3A_2053 = vector.broadcast %add3A_2052 : i32 to vector<16xi32>
    %add3A_2054 = arith.addi %add3A_2053, %iota3A : vector<16xi32>
    %gather3A_2055 = tpu.vector_load_idx %arg11[%add3A_2054] : memref<160xf32, #tpu.memory_space<vmem>>[vector<16xi32>], vector<16xf32>,
    %mul3A_2056 = arith.constant 0.606530666 : f32
    %mul3A_2057 = vector.broadcast %mul3A_2056 : f32 to vector<16xf32>
    %mul3A_2058 = arith.mulf %mul3A_2057, %gather3A_2055 : vector<16xf32>
    %add3A_2059 = arith.addf %add3A_2051, %mul3A_2058 : vector<16xf32>
    %add3A_2060 = arith.constant 114 : i32
    %add3A_2061 = vector.broadcast %add3A_2060 : i32 to vector<16xi32>
    %add3A_2062 = arith.addi %add3A_2061, %iota3A : vector<16xi32>
    %gather3A_2063 = tpu.vector_load_idx %arg11[%add3A_2062] : memref<160xf32, #tpu.memory_space<vmem>>[vector<16xi32>], vector<16xf32>,
    %mul3A_2064 = arith.constant 0.135335281 : f32
    %mul3A_2065 = vector.broadcast %mul3A_2064 : f32 to vector<16xf32>
    %mul3A_2066 = arith.mulf %mul3A_2065, %gather3A_2063 : vector<16xf32>
    %add3A_2067 = arith.addf %add3A_2059, %mul3A_2066 : vector<16xf32>
    %add3A_2068 = arith.constant 115 : i32
    %add3A_2069 = vector.broadcast %add3A_2068 : i32 to vector<16xi32>
    %add3A_2070 = arith.addi %add3A_2069, %iota3A : vector<16xi32>
    %gather3A_2071 = tpu.vector_load_idx %arg11[%add3A_2070] : memref<160xf32, #tpu.memory_space<vmem>>[vector<16xi32>], vector<16xf32>,
    %mul3A_2072 = arith.constant 0.0111089963 : f32
    %mul3A_2073 = vector.broadcast %mul3A_2072 : f32 to vector<16xf32>
    %mul3A_2074 = arith.mulf %mul3A_2073, %gather3A_2071 : vector<16xf32>
    %add3A_2075 = arith.addf %add3A_2067, %mul3A_2074 : vector<16xf32>
    %add3A_2076 = arith.constant 116 : i32
    %add3A_2077 = vector.broadcast %add3A_2076 : i32 to vector<16xi32>
    %add3A_2078 = arith.addi %add3A_2077, %iota3A : vector<16xi32>
    %gather3A_2079 = tpu.vector_load_idx %arg11[%add3A_2078] : memref<160xf32, #tpu.memory_space<vmem>>[vector<16xi32>], vector<16xf32>,
    %mul3A_2080 = arith.constant 3.35462624E-4 : f32
    %mul3A_2081 = vector.broadcast %mul3A_2080 : f32 to vector<16xf32>
    %mul3A_2082 = arith.mulf %mul3A_2081, %gather3A_2079 : vector<16xf32>
    %add3A_2083 = arith.addf %add3A_2075, %mul3A_2082 : vector<16xf32>
    %swap3A_2084 = arith.constant 96 : index
    %swap3A_2085 = tpu.vector_load %arg12[%swap3A_2084] {strides = array<i32>} : memref<128xf32, #tpu.memory_space<vmem>>, vector<16xf32>,
    tpu.vector_store %arg12[%swap3A_2084], %add3A_2083 {strides = array<i32>} : memref<128xf32, #tpu.memory_space<vmem>>, vector<16xf32>,
    %add3A_2086 = arith.constant 124 : i32
    %add3A_2087 = vector.broadcast %add3A_2086 : i32 to vector<16xi32>
    %add3A_2088 = arith.addi %add3A_2087, %iota3A : vector<16xi32>
    %gather3A_2089 = tpu.vector_load_idx %arg11[%add3A_2088] : memref<160xf32, #tpu.memory_space<vmem>>[vector<16xi32>], vector<16xf32>,
    %mul3A_2090 = arith.constant 3.35462624E-4 : f32
    %mul3A_2091 = vector.broadcast %mul3A_2090 : f32 to vector<16xf32>
    %mul3A_2092 = arith.mulf %mul3A_2091, %gather3A_2089 : vector<16xf32>
    %add3A_2093 = arith.addf %broadcast_in_dim3A_0, %mul3A_2092 : vector<16xf32>
    %add3A_2094 = arith.constant 125 : i32
    %add3A_2095 = vector.broadcast %add3A_2094 : i32 to vector<16xi32>
    %add3A_2096 = arith.addi %add3A_2095, %iota3A : vector<16xi32>
    %gather3A_2097 = tpu.vector_load_idx %arg11[%add3A_2096] : memref<160xf32, #tpu.memory_space<vmem>>[vector<16xi32>], vector<16xf32>,
    %mul3A_2098 = arith.constant 0.0111089963 : f32
    %mul3A_2099 = vector.broadcast %mul3A_2098 : f32 to vector<16xf32>
    %mul3A_2100 = arith.mulf %mul3A_2099, %gather3A_2097 : vector<16xf32>
    %add3A_2101 = arith.addf %add3A_2093, %mul3A_2100 : vector<16xf32>
    %add3A_2102 = arith.constant 126 : i32
    %add3A_2103 = vector.broadcast %add3A_2102 : i32 to vector<16xi32>
    %add3A_2104 = arith.addi %add3A_2103, %iota3A : vector<16xi32>
    %gather3A_2105 = tpu.vector_load_idx %arg11[%add3A_2104] : memref<160xf32, #tpu.memory_space<vmem>>[vector<16xi32>], vector<16xf32>,
    %mul3A_2106 = arith.constant 0.135335281 : f32
    %mul3A_2107 = vector.broadcast %mul3A_2106 : f32 to vector<16xf32>
    %mul3A_2108 = arith.mulf %mul3A_2107, %gather3A_2105 : vector<16xf32>
    %add3A_2109 = arith.addf %add3A_2101, %mul3A_2108 : vector<16xf32>
    %add3A_2110 = arith.constant 127 : i32
    %add3A_2111 = vector.broadcast %add3A_2110 : i32 to vector<16xi32>
    %add3A_2112 = arith.addi %add3A_2111, %iota3A : vector<16xi32>
    %gather3A_2113 = tpu.vector_load_idx %arg11[%add3A_2112] : memref<160xf32, #tpu.memory_space<vmem>>[vector<16xi32>], vector<16xf32>,
    %mul3A_2114 = arith.constant 0.606530666 : f32
    %mul3A_2115 = vector.broadcast %mul3A_2114 : f32 to vector<16xf32>
    %mul3A_2116 = arith.mulf %mul3A_2115, %gather3A_2113 : vector<16xf32>
    %add3A_2117 = arith.addf %add3A_2109, %mul3A_2116 : vector<16xf32>
    %add3A_2118 = arith.constant 128 : i32
    %add3A_2119 = vector.broadcast %add3A_2118 : i32 to vector<16xi32>
    %add3A_2120 = arith.addi %add3A_2119, %iota3A : vector<16xi32>
    %gather3A_2121 = tpu.vector_load_idx %arg11[%add3A_2120] : memref<160xf32, #tpu.memory_space<vmem>>[vector<16xi32>], vector<16xf32>,
    %mul3A_2122 = arith.constant 1.000000e+00 : f32
    %mul3A_2123 = vector.broadcast %mul3A_2122 : f32 to vector<16xf32>
    %mul3A_2124 = arith.mulf %mul3A_2123, %gather3A_2121 : vector<16xf32>
    %add3A_2125 = arith.addf %add3A_2117, %mul3A_2124 : vector<16xf32>
    %add3A_2126 = arith.constant 129 : i32
    %add3A_2127 = vector.broadcast %add3A_2126 : i32 to vector<16xi32>
    %add3A_2128 = arith.addi %add3A_2127, %iota3A : vector<16xi32>
    %gather3A_2129 = tpu.vector_load_idx %arg11[%add3A_2128] : memref<160xf32, #tpu.memory_space<vmem>>[vector<16xi32>], vector<16xf32>,
    %mul3A_2130 = arith.constant 0.606530666 : f32
    %mul3A_2131 = vector.broadcast %mul3A_2130 : f32 to vector<16xf32>
    %mul3A_2132 = arith.mulf %mul3A_2131, %gather3A_2129 : vector<16xf32>
    %add3A_2133 = arith.addf %add3A_2125, %mul3A_2132 : vector<16xf32>
    %add3A_2134 = arith.constant 130 : i32
    %add3A_2135 = vector.broadcast %add3A_2134 : i32 to vector<16xi32>
    %add3A_2136 = arith.addi %add3A_2135, %iota3A : vector<16xi32>
    %gather3A_2137 = tpu.vector_load_idx %arg11[%add3A_2136] : memref<160xf32, #tpu.memory_space<vmem>>[vector<16xi32>], vector<16xf32>,
    %mul3A_2138 = arith.constant 0.135335281 : f32
    %mul3A_2139 = vector.broadcast %mul3A_2138 : f32 to vector<16xf32>
    %mul3A_2140 = arith.mulf %mul3A_2139, %gather3A_2137 : vector<16xf32>
    %add3A_2141 = arith.addf %add3A_2133, %mul3A_2140 : vector<16xf32>
    %add3A_2142 = arith.constant 131 : i32
    %add3A_2143 = vector.broadcast %add3A_2142 : i32 to vector<16xi32>
    %add3A_2144 = arith.addi %add3A_2143, %iota3A : vector<16xi32>
    %gather3A_2145 = tpu.vector_load_idx %arg11[%add3A_2144] : memref<160xf32, #tpu.memory_space<vmem>>[vector<16xi32>], vector<16xf32>,
    %mul3A_2146 = arith.constant 0.0111089963 : f32
    %mul3A_2147 = vector.broadcast %mul3A_2146 : f32 to vector<16xf32>
    %mul3A_2148 = arith.mulf %mul3A_2147, %gather3A_2145 : vector<16xf32>
    %add3A_2149 = arith.addf %add3A_2141, %mul3A_2148 : vector<16xf32>
    %add3A_2150 = arith.constant 132 : i32
    %add3A_2151 = vector.broadcast %add3A_2150 : i32 to vector<16xi32>
    %add3A_2152 = arith.addi %add3A_2151, %iota3A : vector<16xi32>
    %gather3A_2153 = tpu.vector_load_idx %arg11[%add3A_2152] : memref<160xf32, #tpu.memory_space<vmem>>[vector<16xi32>], vector<16xf32>,
    %mul3A_2154 = arith.constant 3.35462624E-4 : f32
    %mul3A_2155 = vector.broadcast %mul3A_2154 : f32 to vector<16xf32>
    %mul3A_2156 = arith.mulf %mul3A_2155, %gather3A_2153 : vector<16xf32>
    %add3A_2157 = arith.addf %add3A_2149, %mul3A_2156 : vector<16xf32>
    %swap3A_2158 = arith.constant 112 : index
    %swap3A_2159 = tpu.vector_load %arg12[%swap3A_2158] {strides = array<i32>} : memref<128xf32, #tpu.memory_space<vmem>>, vector<16xf32>,
    tpu.vector_store %arg12[%swap3A_2158], %add3A_2157 {strides = array<i32>} : memref<128xf32, #tpu.memory_space<vmem>>, vector<16xf32>,
    %get3A_2160 = arith.constant 16 : index
    %get3A_2161 = tpu.vector_load %arg11[%get3A_2160] {strides = array<i32>} : memref<160xf32, #tpu.memory_space<vmem>>, vector<16xf32>,
    %get3A_2162 = arith.constant 0 : index
    %get3A_2163 = tpu.vector_load %arg12[%get3A_2162] {strides = array<i32>} : memref<128xf32, #tpu.memory_space<vmem>>, vector<16xf32>,
    %gt3A_2164 = arith.constant 0.000000e+00 : f32
    %gt3A_2165 = vector.broadcast %gt3A_2164 : f32 to vector<16xf32>
    %gt3A_2166 = arith.cmpf ogt, %get3A_2161, %gt3A_2165 : vector<16xf32>
    %div3A_2167 = arith.divf %get3A_2161, %get3A_2163 : vector<16xf32>
    %jit3A_2168 = arith.constant 0.000000e+00 : f32
    %broadcast_in_dim3A_2169 = vector.broadcast %jit3A_2168 : f32 to vector<16xf32>
    %select_n3A_2170 = arith.select %gt3A_2166, %div3A_2167, %broadcast_in_dim3A_2169 : vector<16xi1>, vector<16xf32>
    %add3A_2171 = arith.addf %broadcast_in_dim3A_0, %select_n3A_2170 : vector<16xf32>
    %get3A_2172 = arith.constant 32 : index
    %get3A_2173 = tpu.vector_load %arg11[%get3A_2172] {strides = array<i32>} : memref<160xf32, #tpu.memory_space<vmem>>, vector<16xf32>,
    %get3A_2174 = arith.constant 16 : index
    %get3A_2175 = tpu.vector_load %arg12[%get3A_2174] {strides = array<i32>} : memref<128xf32, #tpu.memory_space<vmem>>, vector<16xf32>,
    %gt3A_2176 = arith.constant 0.000000e+00 : f32
    %gt3A_2177 = vector.broadcast %gt3A_2176 : f32 to vector<16xf32>
    %gt3A_2178 = arith.cmpf ogt, %get3A_2173, %gt3A_2177 : vector<16xf32>
    %div3A_2179 = arith.divf %get3A_2173, %get3A_2175 : vector<16xf32>
    %jit3A_2180 = arith.constant 0.000000e+00 : f32
    %broadcast_in_dim3A_2181 = vector.broadcast %jit3A_2180 : f32 to vector<16xf32>
    %select_n3A_2182 = arith.select %gt3A_2178, %div3A_2179, %broadcast_in_dim3A_2181 : vector<16xi1>, vector<16xf32>
    %add3A_2183 = arith.addf %add3A_2171, %select_n3A_2182 : vector<16xf32>
    %get3A_2184 = arith.constant 48 : index
    %get3A_2185 = tpu.vector_load %arg11[%get3A_2184] {strides = array<i32>} : memref<160xf32, #tpu.memory_space<vmem>>, vector<16xf32>,
    %get3A_2186 = arith.constant 32 : index
    %get3A_2187 = tpu.vector_load %arg12[%get3A_2186] {strides = array<i32>} : memref<128xf32, #tpu.memory_space<vmem>>, vector<16xf32>,
    %gt3A_2188 = arith.constant 0.000000e+00 : f32
    %gt3A_2189 = vector.broadcast %gt3A_2188 : f32 to vector<16xf32>
    %gt3A_2190 = arith.cmpf ogt, %get3A_2185, %gt3A_2189 : vector<16xf32>
    %div3A_2191 = arith.divf %get3A_2185, %get3A_2187 : vector<16xf32>
    %jit3A_2192 = arith.constant 0.000000e+00 : f32
    %broadcast_in_dim3A_2193 = vector.broadcast %jit3A_2192 : f32 to vector<16xf32>
    %select_n3A_2194 = arith.select %gt3A_2190, %div3A_2191, %broadcast_in_dim3A_2193 : vector<16xi1>, vector<16xf32>
    %add3A_2195 = arith.addf %add3A_2183, %select_n3A_2194 : vector<16xf32>
    %get3A_2196 = arith.constant 64 : index
    %get3A_2197 = tpu.vector_load %arg11[%get3A_2196] {strides = array<i32>} : memref<160xf32, #tpu.memory_space<vmem>>, vector<16xf32>,
    %get3A_2198 = arith.constant 48 : index
    %get3A_2199 = tpu.vector_load %arg12[%get3A_2198] {strides = array<i32>} : memref<128xf32, #tpu.memory_space<vmem>>, vector<16xf32>,
    %gt3A_2200 = arith.constant 0.000000e+00 : f32
    %gt3A_2201 = vector.broadcast %gt3A_2200 : f32 to vector<16xf32>
    %gt3A_2202 = arith.cmpf ogt, %get3A_2197, %gt3A_2201 : vector<16xf32>
    %div3A_2203 = arith.divf %get3A_2197, %get3A_2199 : vector<16xf32>
    %jit3A_2204 = arith.constant 0.000000e+00 : f32
    %broadcast_in_dim3A_2205 = vector.broadcast %jit3A_2204 : f32 to vector<16xf32>
    %select_n3A_2206 = arith.select %gt3A_2202, %div3A_2203, %broadcast_in_dim3A_2205 : vector<16xi1>, vector<16xf32>
    %add3A_2207 = arith.addf %add3A_2195, %select_n3A_2206 : vector<16xf32>
    %get3A_2208 = arith.constant 80 : index
    %get3A_2209 = tpu.vector_load %arg11[%get3A_2208] {strides = array<i32>} : memref<160xf32, #tpu.memory_space<vmem>>, vector<16xf32>,
    %get3A_2210 = arith.constant 64 : index
    %get3A_2211 = tpu.vector_load %arg12[%get3A_2210] {strides = array<i32>} : memref<128xf32, #tpu.memory_space<vmem>>, vector<16xf32>,
    %gt3A_2212 = arith.constant 0.000000e+00 : f32
    %gt3A_2213 = vector.broadcast %gt3A_2212 : f32 to vector<16xf32>
    %gt3A_2214 = arith.cmpf ogt, %get3A_2209, %gt3A_2213 : vector<16xf32>
    %div3A_2215 = arith.divf %get3A_2209, %get3A_2211 : vector<16xf32>
    %jit3A_2216 = arith.constant 0.000000e+00 : f32
    %broadcast_in_dim3A_2217 = vector.broadcast %jit3A_2216 : f32 to vector<16xf32>
    %select_n3A_2218 = arith.select %gt3A_2214, %div3A_2215, %broadcast_in_dim3A_2217 : vector<16xi1>, vector<16xf32>
    %add3A_2219 = arith.addf %add3A_2207, %select_n3A_2218 : vector<16xf32>
    %get3A_2220 = arith.constant 96 : index
    %get3A_2221 = tpu.vector_load %arg11[%get3A_2220] {strides = array<i32>} : memref<160xf32, #tpu.memory_space<vmem>>, vector<16xf32>,
    %get3A_2222 = arith.constant 80 : index
    %get3A_2223 = tpu.vector_load %arg12[%get3A_2222] {strides = array<i32>} : memref<128xf32, #tpu.memory_space<vmem>>, vector<16xf32>,
    %gt3A_2224 = arith.constant 0.000000e+00 : f32
    %gt3A_2225 = vector.broadcast %gt3A_2224 : f32 to vector<16xf32>
    %gt3A_2226 = arith.cmpf ogt, %get3A_2221, %gt3A_2225 : vector<16xf32>
    %div3A_2227 = arith.divf %get3A_2221, %get3A_2223 : vector<16xf32>
    %jit3A_2228 = arith.constant 0.000000e+00 : f32
    %broadcast_in_dim3A_2229 = vector.broadcast %jit3A_2228 : f32 to vector<16xf32>
    %select_n3A_2230 = arith.select %gt3A_2226, %div3A_2227, %broadcast_in_dim3A_2229 : vector<16xi1>, vector<16xf32>
    %add3A_2231 = arith.addf %add3A_2219, %select_n3A_2230 : vector<16xf32>
    %get3A_2232 = arith.constant 112 : index
    %get3A_2233 = tpu.vector_load %arg11[%get3A_2232] {strides = array<i32>} : memref<160xf32, #tpu.memory_space<vmem>>, vector<16xf32>,
    %get3A_2234 = arith.constant 96 : index
    %get3A_2235 = tpu.vector_load %arg12[%get3A_2234] {strides = array<i32>} : memref<128xf32, #tpu.memory_space<vmem>>, vector<16xf32>,
    %gt3A_2236 = arith.constant 0.000000e+00 : f32
    %gt3A_2237 = vector.broadcast %gt3A_2236 : f32 to vector<16xf32>
    %gt3A_2238 = arith.cmpf ogt, %get3A_2233, %gt3A_2237 : vector<16xf32>
    %div3A_2239 = arith.divf %get3A_2233, %get3A_2235 : vector<16xf32>
    %jit3A_2240 = arith.constant 0.000000e+00 : f32
    %broadcast_in_dim3A_2241 = vector.broadcast %jit3A_2240 : f32 to vector<16xf32>
    %select_n3A_2242 = arith.select %gt3A_2238, %div3A_2239, %broadcast_in_dim3A_2241 : vector<16xi1>, vector<16xf32>
    %add3A_2243 = arith.addf %add3A_2231, %select_n3A_2242 : vector<16xf32>
    %get3A_2244 = arith.constant 128 : index
    %get3A_2245 = tpu.vector_load %arg11[%get3A_2244] {strides = array<i32>} : memref<160xf32, #tpu.memory_space<vmem>>, vector<16xf32>,
    %get3A_2246 = arith.constant 112 : index
    %get3A_2247 = tpu.vector_load %arg12[%get3A_2246] {strides = array<i32>} : memref<128xf32, #tpu.memory_space<vmem>>, vector<16xf32>,
    %gt3A_2248 = arith.constant 0.000000e+00 : f32
    %gt3A_2249 = vector.broadcast %gt3A_2248 : f32 to vector<16xf32>
    %gt3A_2250 = arith.cmpf ogt, %get3A_2245, %gt3A_2249 : vector<16xf32>
    %div3A_2251 = arith.divf %get3A_2245, %get3A_2247 : vector<16xf32>
    %jit3A_2252 = arith.constant 0.000000e+00 : f32
    %broadcast_in_dim3A_2253 = vector.broadcast %jit3A_2252 : f32 to vector<16xf32>
    %select_n3A_2254 = arith.select %gt3A_2250, %div3A_2251, %broadcast_in_dim3A_2253 : vector<16xi1>, vector<16xf32>
    %add3A_2255 = arith.addf %add3A_2243, %select_n3A_2254 : vector<16xf32>
    %slice3A_2256 = vector.extract_strided_slice %add3A_2255 {offsets = [0], sizes = [1], strides = [1]} : vector<16xf32> to vector<1xf32>
    %squeeze3A_2257 = vector.extract %slice3A_2256[0] : f32 from vector<1xf32>
    %slice3A_2258 = vector.extract_strided_slice %add3A_2255 {offsets = [1], sizes = [1], strides = [1]} : vector<16xf32> to vector<1xf32>
    %squeeze3A_2259 = vector.extract %slice3A_2258[0] : f32 from vector<1xf32>
    %add3A_2260 = arith.addf %squeeze3A_2257, %squeeze3A_2259 : f32
    %slice3A_2261 = vector.extract_strided_slice %add3A_2255 {offsets = [2], sizes = [1], strides = [1]} : vector<16xf32> to vector<1xf32>
    %squeeze3A_2262 = vector.extract %slice3A_2261[0] : f32 from vector<1xf32>
    %add3A_2263 = arith.addf %add3A_2260, %squeeze3A_2262 : f32
    %slice3A_2264 = vector.extract_strided_slice %add3A_2255 {offsets = [3], sizes = [1], strides = [1]} : vector<16xf32> to vector<1xf32>
    %squeeze3A_2265 = vector.extract %slice3A_2264[0] : f32 from vector<1xf32>
    %add3A_2266 = arith.addf %add3A_2263, %squeeze3A_2265 : f32
    %slice3A_2267 = vector.extract_strided_slice %add3A_2255 {offsets = [4], sizes = [1], strides = [1]} : vector<16xf32> to vector<1xf32>
    %squeeze3A_2268 = vector.extract %slice3A_2267[0] : f32 from vector<1xf32>
    %add3A_2269 = arith.addf %add3A_2266, %squeeze3A_2268 : f32
    %slice3A_2270 = vector.extract_strided_slice %add3A_2255 {offsets = [5], sizes = [1], strides = [1]} : vector<16xf32> to vector<1xf32>
    %squeeze3A_2271 = vector.extract %slice3A_2270[0] : f32 from vector<1xf32>
    %add3A_2272 = arith.addf %add3A_2269, %squeeze3A_2271 : f32
    %slice3A_2273 = vector.extract_strided_slice %add3A_2255 {offsets = [6], sizes = [1], strides = [1]} : vector<16xf32> to vector<1xf32>
    %squeeze3A_2274 = vector.extract %slice3A_2273[0] : f32 from vector<1xf32>
    %add3A_2275 = arith.addf %add3A_2272, %squeeze3A_2274 : f32
    %slice3A_2276 = vector.extract_strided_slice %add3A_2255 {offsets = [7], sizes = [1], strides = [1]} : vector<16xf32> to vector<1xf32>
    %squeeze3A_2277 = vector.extract %slice3A_2276[0] : f32 from vector<1xf32>
    %add3A_2278 = arith.addf %add3A_2275, %squeeze3A_2277 : f32
    %slice3A_2279 = vector.extract_strided_slice %add3A_2255 {offsets = [8], sizes = [1], strides = [1]} : vector<16xf32> to vector<1xf32>
    %squeeze3A_2280 = vector.extract %slice3A_2279[0] : f32 from vector<1xf32>
    %add3A_2281 = arith.addf %add3A_2278, %squeeze3A_2280 : f32
    %slice3A_2282 = vector.extract_strided_slice %add3A_2255 {offsets = [9], sizes = [1], strides = [1]} : vector<16xf32> to vector<1xf32>
    %squeeze3A_2283 = vector.extract %slice3A_2282[0] : f32 from vector<1xf32>
    %add3A_2284 = arith.addf %add3A_2281, %squeeze3A_2283 : f32
    %slice3A_2285 = vector.extract_strided_slice %add3A_2255 {offsets = [10], sizes = [1], strides = [1]} : vector<16xf32> to vector<1xf32>
    %squeeze3A_2286 = vector.extract %slice3A_2285[0] : f32 from vector<1xf32>
    %add3A_2287 = arith.addf %add3A_2284, %squeeze3A_2286 : f32
    %slice3A_2288 = vector.extract_strided_slice %add3A_2255 {offsets = [11], sizes = [1], strides = [1]} : vector<16xf32> to vector<1xf32>
    %squeeze3A_2289 = vector.extract %slice3A_2288[0] : f32 from vector<1xf32>
    %add3A_2290 = arith.addf %add3A_2287, %squeeze3A_2289 : f32
    %slice3A_2291 = vector.extract_strided_slice %add3A_2255 {offsets = [12], sizes = [1], strides = [1]} : vector<16xf32> to vector<1xf32>
    %squeeze3A_2292 = vector.extract %slice3A_2291[0] : f32 from vector<1xf32>
    %add3A_2293 = arith.addf %add3A_2290, %squeeze3A_2292 : f32
    %slice3A_2294 = vector.extract_strided_slice %add3A_2255 {offsets = [13], sizes = [1], strides = [1]} : vector<16xf32> to vector<1xf32>
    %squeeze3A_2295 = vector.extract %slice3A_2294[0] : f32 from vector<1xf32>
    %add3A_2296 = arith.addf %add3A_2293, %squeeze3A_2295 : f32
    %slice3A_2297 = vector.extract_strided_slice %add3A_2255 {offsets = [14], sizes = [1], strides = [1]} : vector<16xf32> to vector<1xf32>
    %squeeze3A_2298 = vector.extract %slice3A_2297[0] : f32 from vector<1xf32>
    %add3A_2299 = arith.addf %add3A_2296, %squeeze3A_2298 : f32
    %slice3A_2300 = vector.extract_strided_slice %add3A_2255 {offsets = [15], sizes = [1], strides = [1]} : vector<16xf32> to vector<1xf32>
    %squeeze3A_2301 = vector.extract %slice3A_2300[0] : f32 from vector<1xf32>
    %add3A_2302 = arith.addf %add3A_2299, %squeeze3A_2301 : f32
    %broadcast_in_dim3A_2303 = vector.broadcast %add3A_2302 : f32 to vector<16xf32>
    %div3A_2304 = arith.constant 1.000000e+05 : f32
    %div3A_2305 = vector.broadcast %div3A_2304 : f32 to vector<16xf32>
    %div3A_2306 = arith.divf %div3A_2305, %broadcast_in_dim3A_2303 : vector<16xf32>
    %mul3A_2307 = arith.constant 16 : i32
    %mul3A_2308 = arith.muli %arg0, %mul3A_2307 : i32
    %add3A_2309 = arith.addi %mul3A_2308, %arg1 : i32
    %mul3A_2310 = arith.constant 512 : i32
    %mul3A_2311 = arith.muli %add3A_2309, %mul3A_2310 : i32
    "tpu.region"() ({
      %run_scoped3A = tpu.sem_alloc : memref<!tpu.dma_semaphore, #tpu.memory_space<semaphore_mem>>
      %dma_start3A = tpu.memref_slice %arg3[%mul3A_2311] : memref<16384xf32, #tpu.memory_space<hbm>> -> memref<512xf32, #tpu.memory_space<hbm>>
      %dma_start3A_2485 = tpu.memref_slice %arg3[%mul3A_2311] : memref<16384xf32, #tpu.memory_space<hbm>> -> memref<512xf32, #tpu.memory_space<hbm>>
      tpu.enqueue_dma source(%dma_start3A_2485 : memref<512xf32, #tpu.memory_space<hbm>>) target(%arg7 : memref<512xf32, #tpu.memory_space<vmem>>) target_semaphore(%run_scoped3A : memref<!tpu.dma_semaphore, #tpu.memory_space<semaphore_mem>>)
      %dma_wait3A = tpu.memref_slice %arg3[%mul3A_2311] : memref<16384xf32, #tpu.memory_space<hbm>> -> memref<512xf32, #tpu.memory_space<hbm>>
      %dma_wait3A_2486 = tpu.memref_slice %arg3[%mul3A_2311] : memref<16384xf32, #tpu.memory_space<hbm>> -> memref<512xf32, #tpu.memory_space<hbm>>
      tpu.wait_dma2 semaphore(%run_scoped3A : memref<!tpu.dma_semaphore, #tpu.memory_space<semaphore_mem>>) src(%dma_wait3A_2486 : memref<512xf32, #tpu.memory_space<hbm>>) dst(%arg7 : memref<512xf32, #tpu.memory_space<vmem>>)
      tpu.yield
    }) : () -> ()
    "tpu.region"() ({
      %run_scoped3A = tpu.sem_alloc : memref<!tpu.dma_semaphore, #tpu.memory_space<semaphore_mem>>
      %dma_start3A = tpu.memref_slice %arg4[%mul3A_2311] : memref<16384xf32, #tpu.memory_space<hbm>> -> memref<512xf32, #tpu.memory_space<hbm>>
      %dma_start3A_2485 = tpu.memref_slice %arg4[%mul3A_2311] : memref<16384xf32, #tpu.memory_space<hbm>> -> memref<512xf32, #tpu.memory_space<hbm>>
      tpu.enqueue_dma source(%dma_start3A_2485 : memref<512xf32, #tpu.memory_space<hbm>>) target(%arg8 : memref<512xf32, #tpu.memory_space<vmem>>) target_semaphore(%run_scoped3A : memref<!tpu.dma_semaphore, #tpu.memory_space<semaphore_mem>>)
      %dma_wait3A = tpu.memref_slice %arg4[%mul3A_2311] : memref<16384xf32, #tpu.memory_space<hbm>> -> memref<512xf32, #tpu.memory_space<hbm>>
      %dma_wait3A_2486 = tpu.memref_slice %arg4[%mul3A_2311] : memref<16384xf32, #tpu.memory_space<hbm>> -> memref<512xf32, #tpu.memory_space<hbm>>
      tpu.wait_dma2 semaphore(%run_scoped3A : memref<!tpu.dma_semaphore, #tpu.memory_space<semaphore_mem>>) src(%dma_wait3A_2486 : memref<512xf32, #tpu.memory_space<hbm>>) dst(%arg8 : memref<512xf32, #tpu.memory_space<vmem>>)
      tpu.yield
    }) : () -> ()
    %scan3A_2312 = arith.constant 0 : i32
    %scan3A_2313 = arith.constant 32 : i32
    %scan3A_2314 = arith.addi %scan3A_2312, %scan3A_2313 : i32
    %scan3A_2315 = arith.constant 1 : i32
    %scan3A_2316:3 = scf.for %scan3A_2485 = %scan3A_2312 to %scan3A_2314 step %scan3A_2315 iter_args(%scan3A_2486 = %broadcast_in_dim3A_0, %scan3A_2487 = %broadcast_in_dim3A_0, %scan3A_2488 = %broadcast_in_dim3A_6) -> (vector<16xf32>, vector<16xf32>, vector<16xf32>)  : i32 {
      %mul3A_2489 = arith.constant 16 : i32
      %mul3A_2490 = arith.muli %scan3A_2485, %mul3A_2489 : i32
      %get3A_2491 = arith.index_cast %mul3A_2490 : i32 to index
      %get3A_2492 = tpu.vector_load %arg8[%get3A_2491] {strides = array<i32>} : memref<512xf32, #tpu.memory_space<vmem>>, vector<16xf32>,
      %mul3A_2493 = arith.constant 16 : i32
      %mul3A_2494 = arith.muli %scan3A_2485, %mul3A_2493 : i32
      %get3A_2495 = arith.index_cast %mul3A_2494 : i32 to index
      %get3A_2496 = tpu.vector_load %arg7[%get3A_2495] {strides = array<i32>} : memref<512xf32, #tpu.memory_space<vmem>>, vector<16xf32>,
      %sub3A_2497 = arith.subf %get3A_2492, %min3A_273 : vector<16xf32>
      %mul3A_2498 = arith.mulf %sub3A_2497, %div3A_283 : vector<16xf32>
      %convert_element_type3A_2499 = arith.fptosi %mul3A_2498 : vector<16xf32> to vector<16xi32>
      %sub3A_2500 = arith.constant 1 : i32
      %sub3A_2501 = vector.broadcast %sub3A_2500 : i32 to vector<16xi32>
      %sub3A_2502 = arith.subi %convert_element_type3A, %sub3A_2501 : vector<16xi32>
      %jit3A_2503 = arith.constant 0 : i32
      %max3A_2504 = vector.broadcast %jit3A_2503 : i32 to vector<16xi32>
      %max3A_2505 = arith.maxsi %max3A_2504, %convert_element_type3A_2499 : vector<16xi32>
      %min3A_2506 = arith.minsi %sub3A_2502, %max3A_2505 : vector<16xi32>
      %gather3A_2507 = tpu.vector_load_idx %arg13[%min3A_2506] : memref<144xf32, #tpu.memory_space<vmem>>[vector<16xi32>], vector<16xf32>,
      %add3A_2508 = arith.constant 1 : i32
      %add3A_2509 = vector.broadcast %add3A_2508 : i32 to vector<16xi32>
      %add3A_2510 = arith.addi %min3A_2506, %add3A_2509 : vector<16xi32>
      %gather3A_2511 = tpu.vector_load_idx %arg13[%add3A_2510] : memref<144xf32, #tpu.memory_space<vmem>>[vector<16xi32>], vector<16xf32>,
      %gt3A_2512 = arith.cmpf ogt, %gather3A_2507, %get3A_2492 : vector<16xf32>
      %convert_element_type3A_2513 = arith.extui %gt3A_2512 : vector<16xi1> to vector<16xi32>
      %sub3A_2514 = arith.subi %min3A_2506, %convert_element_type3A_2513 : vector<16xi32>
      %le3A_2515 = arith.cmpf ole, %gather3A_2511, %get3A_2492 : vector<16xf32>
      %convert_element_type3A_2516 = arith.extui %le3A_2515 : vector<16xi1> to vector<16xi32>
      %add3A_2517 = arith.addi %sub3A_2514, %convert_element_type3A_2516 : vector<16xi32>
      %lt3A_2518 = arith.constant 0 : i32
      %lt3A_2519 = vector.broadcast %lt3A_2518 : i32 to vector<16xi32>
      %lt3A_2520 = arith.cmpi slt, %add3A_2517, %lt3A_2519 : vector<16xi32>
      %sub3A_2521 = arith.constant 1 : i32
      %sub3A_2522 = vector.broadcast %sub3A_2521 : i32 to vector<16xi32>
      %sub3A_2523 = arith.subi %convert_element_type3A, %sub3A_2522 : vector<16xi32>
      %sub3A_2524 = arith.constant 1 : i32
      %sub3A_2525 = vector.broadcast %sub3A_2524 : i32 to vector<16xi32>
      %sub3A_2526 = arith.subi %convert_element_type3A, %sub3A_2525 : vector<16xi32>
      %min3A_2527 = arith.minsi %add3A_2517, %sub3A_2526 : vector<16xi32>
      %select_n3A_2528 = arith.select %lt3A_2520, %sub3A_2523, %min3A_2527 : vector<16xi1>, vector<16xi32>
      %gather3A_2529 = tpu.vector_load_idx %arg12[%select_n3A_2528] : memref<128xf32, #tpu.memory_space<vmem>>[vector<16xi32>], vector<16xf32>,
      %eq3A_2530 = arith.constant 0.000000e+00 : f32
      %eq3A_2531 = vector.broadcast %eq3A_2530 : f32 to vector<16xf32>
      %eq3A_2532 = arith.cmpf oeq, %gather3A_2529, %eq3A_2531 : vector<16xf32>
      %div3A_2533 = arith.constant 1.000000e+00 : f32
      %div3A_2534 = vector.broadcast %div3A_2533 : f32 to vector<16xf32>
      %div3A_2535 = arith.divf %div3A_2534, %gather3A_2529 : vector<16xf32>
      %select_n3A_2536 = arith.select %eq3A_2532, %broadcast_in_dim3A_0, %div3A_2535 : vector<16xi1>, vector<16xf32>
      %sub3A_2537 = arith.subf %get3A_2496, %get3A_2492 : vector<16xf32>
      %mul3A_2538 = arith.mulf %sub3A_2537, %sub3A_2537 : vector<16xf32>
      %mul3A_2539 = arith.mulf %mul3A_2538, %select_n3A_2536 : vector<16xf32>
      %select_n3A_2540 = arith.select %eq3A_2532, %broadcast_in_dim3A_0, %mul3A_2539 : vector<16xi1>, vector<16xf32>
      %add3A_2541 = arith.addf %scan3A_2486, %select_n3A_2540 : vector<16xf32>
      %select_n3A_2542 = arith.select %eq3A_2532, %mul3A_2538, %broadcast_in_dim3A_0 : vector<16xi1>, vector<16xf32>
      %add3A_2543 = arith.addf %scan3A_2487, %select_n3A_2542 : vector<16xf32>
      %select_n3A_2544 = arith.select %eq3A_2532, %broadcast_in_dim3A_6, %select_n3A_2536 : vector<16xi1>, vector<16xf32>
      %max3A_2545 = arith.maximumf %scan3A_2488, %select_n3A_2544 : vector<16xf32>
      scf.yield %add3A_2541, %add3A_2543, %max3A_2545 : vector<16xf32>, vector<16xf32>, vector<16xf32>
    }
    %scan3A_2317 = arith.constant 32 : i32
    %slice3A_2318 = vector.extract_strided_slice %scan3A_2316#0 {offsets = [0], sizes = [1], strides = [1]} : vector<16xf32> to vector<1xf32>
    %squeeze3A_2319 = vector.extract %slice3A_2318[0] : f32 from vector<1xf32>
    %slice3A_2320 = vector.extract_strided_slice %scan3A_2316#0 {offsets = [1], sizes = [1], strides = [1]} : vector<16xf32> to vector<1xf32>
    %squeeze3A_2321 = vector.extract %slice3A_2320[0] : f32 from vector<1xf32>
    %add3A_2322 = arith.addf %squeeze3A_2319, %squeeze3A_2321 : f32
    %slice3A_2323 = vector.extract_strided_slice %scan3A_2316#0 {offsets = [2], sizes = [1], strides = [1]} : vector<16xf32> to vector<1xf32>
    %squeeze3A_2324 = vector.extract %slice3A_2323[0] : f32 from vector<1xf32>
    %add3A_2325 = arith.addf %add3A_2322, %squeeze3A_2324 : f32
    %slice3A_2326 = vector.extract_strided_slice %scan3A_2316#0 {offsets = [3], sizes = [1], strides = [1]} : vector<16xf32> to vector<1xf32>
    %squeeze3A_2327 = vector.extract %slice3A_2326[0] : f32 from vector<1xf32>
    %add3A_2328 = arith.addf %add3A_2325, %squeeze3A_2327 : f32
    %slice3A_2329 = vector.extract_strided_slice %scan3A_2316#0 {offsets = [4], sizes = [1], strides = [1]} : vector<16xf32> to vector<1xf32>
    %squeeze3A_2330 = vector.extract %slice3A_2329[0] : f32 from vector<1xf32>
    %add3A_2331 = arith.addf %add3A_2328, %squeeze3A_2330 : f32
    %slice3A_2332 = vector.extract_strided_slice %scan3A_2316#0 {offsets = [5], sizes = [1], strides = [1]} : vector<16xf32> to vector<1xf32>
    %squeeze3A_2333 = vector.extract %slice3A_2332[0] : f32 from vector<1xf32>
    %add3A_2334 = arith.addf %add3A_2331, %squeeze3A_2333 : f32
    %slice3A_2335 = vector.extract_strided_slice %scan3A_2316#0 {offsets = [6], sizes = [1], strides = [1]} : vector<16xf32> to vector<1xf32>
    %squeeze3A_2336 = vector.extract %slice3A_2335[0] : f32 from vector<1xf32>
    %add3A_2337 = arith.addf %add3A_2334, %squeeze3A_2336 : f32
    %slice3A_2338 = vector.extract_strided_slice %scan3A_2316#0 {offsets = [7], sizes = [1], strides = [1]} : vector<16xf32> to vector<1xf32>
    %squeeze3A_2339 = vector.extract %slice3A_2338[0] : f32 from vector<1xf32>
    %add3A_2340 = arith.addf %add3A_2337, %squeeze3A_2339 : f32
    %slice3A_2341 = vector.extract_strided_slice %scan3A_2316#0 {offsets = [8], sizes = [1], strides = [1]} : vector<16xf32> to vector<1xf32>
    %squeeze3A_2342 = vector.extract %slice3A_2341[0] : f32 from vector<1xf32>
    %add3A_2343 = arith.addf %add3A_2340, %squeeze3A_2342 : f32
    %slice3A_2344 = vector.extract_strided_slice %scan3A_2316#0 {offsets = [9], sizes = [1], strides = [1]} : vector<16xf32> to vector<1xf32>
    %squeeze3A_2345 = vector.extract %slice3A_2344[0] : f32 from vector<1xf32>
    %add3A_2346 = arith.addf %add3A_2343, %squeeze3A_2345 : f32
    %slice3A_2347 = vector.extract_strided_slice %scan3A_2316#0 {offsets = [10], sizes = [1], strides = [1]} : vector<16xf32> to vector<1xf32>
    %squeeze3A_2348 = vector.extract %slice3A_2347[0] : f32 from vector<1xf32>
    %add3A_2349 = arith.addf %add3A_2346, %squeeze3A_2348 : f32
    %slice3A_2350 = vector.extract_strided_slice %scan3A_2316#0 {offsets = [11], sizes = [1], strides = [1]} : vector<16xf32> to vector<1xf32>
    %squeeze3A_2351 = vector.extract %slice3A_2350[0] : f32 from vector<1xf32>
    %add3A_2352 = arith.addf %add3A_2349, %squeeze3A_2351 : f32
    %slice3A_2353 = vector.extract_strided_slice %scan3A_2316#0 {offsets = [12], sizes = [1], strides = [1]} : vector<16xf32> to vector<1xf32>
    %squeeze3A_2354 = vector.extract %slice3A_2353[0] : f32 from vector<1xf32>
    %add3A_2355 = arith.addf %add3A_2352, %squeeze3A_2354 : f32
    %slice3A_2356 = vector.extract_strided_slice %scan3A_2316#0 {offsets = [13], sizes = [1], strides = [1]} : vector<16xf32> to vector<1xf32>
    %squeeze3A_2357 = vector.extract %slice3A_2356[0] : f32 from vector<1xf32>
    %add3A_2358 = arith.addf %add3A_2355, %squeeze3A_2357 : f32
    %slice3A_2359 = vector.extract_strided_slice %scan3A_2316#0 {offsets = [14], sizes = [1], strides = [1]} : vector<16xf32> to vector<1xf32>
    %squeeze3A_2360 = vector.extract %slice3A_2359[0] : f32 from vector<1xf32>
    %add3A_2361 = arith.addf %add3A_2358, %squeeze3A_2360 : f32
    %slice3A_2362 = vector.extract_strided_slice %scan3A_2316#0 {offsets = [15], sizes = [1], strides = [1]} : vector<16xf32> to vector<1xf32>
    %squeeze3A_2363 = vector.extract %slice3A_2362[0] : f32 from vector<1xf32>
    %add3A_2364 = arith.addf %add3A_2361, %squeeze3A_2363 : f32
    %broadcast_in_dim3A_2365 = vector.broadcast %add3A_2364 : f32 to vector<16xf32>
    %slice3A_2366 = vector.extract_strided_slice %scan3A_2316#1 {offsets = [0], sizes = [1], strides = [1]} : vector<16xf32> to vector<1xf32>
    %squeeze3A_2367 = vector.extract %slice3A_2366[0] : f32 from vector<1xf32>
    %slice3A_2368 = vector.extract_strided_slice %scan3A_2316#1 {offsets = [1], sizes = [1], strides = [1]} : vector<16xf32> to vector<1xf32>
    %squeeze3A_2369 = vector.extract %slice3A_2368[0] : f32 from vector<1xf32>
    %add3A_2370 = arith.addf %squeeze3A_2367, %squeeze3A_2369 : f32
    %slice3A_2371 = vector.extract_strided_slice %scan3A_2316#1 {offsets = [2], sizes = [1], strides = [1]} : vector<16xf32> to vector<1xf32>
    %squeeze3A_2372 = vector.extract %slice3A_2371[0] : f32 from vector<1xf32>
    %add3A_2373 = arith.addf %add3A_2370, %squeeze3A_2372 : f32
    %slice3A_2374 = vector.extract_strided_slice %scan3A_2316#1 {offsets = [3], sizes = [1], strides = [1]} : vector<16xf32> to vector<1xf32>
    %squeeze3A_2375 = vector.extract %slice3A_2374[0] : f32 from vector<1xf32>
    %add3A_2376 = arith.addf %add3A_2373, %squeeze3A_2375 : f32
    %slice3A_2377 = vector.extract_strided_slice %scan3A_2316#1 {offsets = [4], sizes = [1], strides = [1]} : vector<16xf32> to vector<1xf32>
    %squeeze3A_2378 = vector.extract %slice3A_2377[0] : f32 from vector<1xf32>
    %add3A_2379 = arith.addf %add3A_2376, %squeeze3A_2378 : f32
    %slice3A_2380 = vector.extract_strided_slice %scan3A_2316#1 {offsets = [5], sizes = [1], strides = [1]} : vector<16xf32> to vector<1xf32>
    %squeeze3A_2381 = vector.extract %slice3A_2380[0] : f32 from vector<1xf32>
    %add3A_2382 = arith.addf %add3A_2379, %squeeze3A_2381 : f32
    %slice3A_2383 = vector.extract_strided_slice %scan3A_2316#1 {offsets = [6], sizes = [1], strides = [1]} : vector<16xf32> to vector<1xf32>
    %squeeze3A_2384 = vector.extract %slice3A_2383[0] : f32 from vector<1xf32>
    %add3A_2385 = arith.addf %add3A_2382, %squeeze3A_2384 : f32
    %slice3A_2386 = vector.extract_strided_slice %scan3A_2316#1 {offsets = [7], sizes = [1], strides = [1]} : vector<16xf32> to vector<1xf32>
    %squeeze3A_2387 = vector.extract %slice3A_2386[0] : f32 from vector<1xf32>
    %add3A_2388 = arith.addf %add3A_2385, %squeeze3A_2387 : f32
    %slice3A_2389 = vector.extract_strided_slice %scan3A_2316#1 {offsets = [8], sizes = [1], strides = [1]} : vector<16xf32> to vector<1xf32>
    %squeeze3A_2390 = vector.extract %slice3A_2389[0] : f32 from vector<1xf32>
    %add3A_2391 = arith.addf %add3A_2388, %squeeze3A_2390 : f32
    %slice3A_2392 = vector.extract_strided_slice %scan3A_2316#1 {offsets = [9], sizes = [1], strides = [1]} : vector<16xf32> to vector<1xf32>
    %squeeze3A_2393 = vector.extract %slice3A_2392[0] : f32 from vector<1xf32>
    %add3A_2394 = arith.addf %add3A_2391, %squeeze3A_2393 : f32
    %slice3A_2395 = vector.extract_strided_slice %scan3A_2316#1 {offsets = [10], sizes = [1], strides = [1]} : vector<16xf32> to vector<1xf32>
    %squeeze3A_2396 = vector.extract %slice3A_2395[0] : f32 from vector<1xf32>
    %add3A_2397 = arith.addf %add3A_2394, %squeeze3A_2396 : f32
    %slice3A_2398 = vector.extract_strided_slice %scan3A_2316#1 {offsets = [11], sizes = [1], strides = [1]} : vector<16xf32> to vector<1xf32>
    %squeeze3A_2399 = vector.extract %slice3A_2398[0] : f32 from vector<1xf32>
    %add3A_2400 = arith.addf %add3A_2397, %squeeze3A_2399 : f32
    %slice3A_2401 = vector.extract_strided_slice %scan3A_2316#1 {offsets = [12], sizes = [1], strides = [1]} : vector<16xf32> to vector<1xf32>
    %squeeze3A_2402 = vector.extract %slice3A_2401[0] : f32 from vector<1xf32>
    %add3A_2403 = arith.addf %add3A_2400, %squeeze3A_2402 : f32
    %slice3A_2404 = vector.extract_strided_slice %scan3A_2316#1 {offsets = [13], sizes = [1], strides = [1]} : vector<16xf32> to vector<1xf32>
    %squeeze3A_2405 = vector.extract %slice3A_2404[0] : f32 from vector<1xf32>
    %add3A_2406 = arith.addf %add3A_2403, %squeeze3A_2405 : f32
    %slice3A_2407 = vector.extract_strided_slice %scan3A_2316#1 {offsets = [14], sizes = [1], strides = [1]} : vector<16xf32> to vector<1xf32>
    %squeeze3A_2408 = vector.extract %slice3A_2407[0] : f32 from vector<1xf32>
    %add3A_2409 = arith.addf %add3A_2406, %squeeze3A_2408 : f32
    %slice3A_2410 = vector.extract_strided_slice %scan3A_2316#1 {offsets = [15], sizes = [1], strides = [1]} : vector<16xf32> to vector<1xf32>
    %squeeze3A_2411 = vector.extract %slice3A_2410[0] : f32 from vector<1xf32>
    %add3A_2412 = arith.addf %add3A_2409, %squeeze3A_2411 : f32
    %broadcast_in_dim3A_2413 = vector.broadcast %add3A_2412 : f32 to vector<16xf32>
    %slice3A_2414 = vector.extract_strided_slice %scan3A_2316#2 {offsets = [0], sizes = [1], strides = [1]} : vector<16xf32> to vector<1xf32>
    %squeeze3A_2415 = vector.extract %slice3A_2414[0] : f32 from vector<1xf32>
    %slice3A_2416 = vector.extract_strided_slice %scan3A_2316#2 {offsets = [1], sizes = [1], strides = [1]} : vector<16xf32> to vector<1xf32>
    %squeeze3A_2417 = vector.extract %slice3A_2416[0] : f32 from vector<1xf32>
    %max3A_2418 = arith.maximumf %squeeze3A_2415, %squeeze3A_2417 : f32
    %slice3A_2419 = vector.extract_strided_slice %scan3A_2316#2 {offsets = [2], sizes = [1], strides = [1]} : vector<16xf32> to vector<1xf32>
    %squeeze3A_2420 = vector.extract %slice3A_2419[0] : f32 from vector<1xf32>
    %max3A_2421 = arith.maximumf %max3A_2418, %squeeze3A_2420 : f32
    %slice3A_2422 = vector.extract_strided_slice %scan3A_2316#2 {offsets = [3], sizes = [1], strides = [1]} : vector<16xf32> to vector<1xf32>
    %squeeze3A_2423 = vector.extract %slice3A_2422[0] : f32 from vector<1xf32>
    %max3A_2424 = arith.maximumf %max3A_2421, %squeeze3A_2423 : f32
    %slice3A_2425 = vector.extract_strided_slice %scan3A_2316#2 {offsets = [4], sizes = [1], strides = [1]} : vector<16xf32> to vector<1xf32>
    %squeeze3A_2426 = vector.extract %slice3A_2425[0] : f32 from vector<1xf32>
    %max3A_2427 = arith.maximumf %max3A_2424, %squeeze3A_2426 : f32
    %slice3A_2428 = vector.extract_strided_slice %scan3A_2316#2 {offsets = [5], sizes = [1], strides = [1]} : vector<16xf32> to vector<1xf32>
    %squeeze3A_2429 = vector.extract %slice3A_2428[0] : f32 from vector<1xf32>
    %max3A_2430 = arith.maximumf %max3A_2427, %squeeze3A_2429 : f32
    %slice3A_2431 = vector.extract_strided_slice %scan3A_2316#2 {offsets = [6], sizes = [1], strides = [1]} : vector<16xf32> to vector<1xf32>
    %squeeze3A_2432 = vector.extract %slice3A_2431[0] : f32 from vector<1xf32>
    %max3A_2433 = arith.maximumf %max3A_2430, %squeeze3A_2432 : f32
    %slice3A_2434 = vector.extract_strided_slice %scan3A_2316#2 {offsets = [7], sizes = [1], strides = [1]} : vector<16xf32> to vector<1xf32>
    %squeeze3A_2435 = vector.extract %slice3A_2434[0] : f32 from vector<1xf32>
    %max3A_2436 = arith.maximumf %max3A_2433, %squeeze3A_2435 : f32
    %slice3A_2437 = vector.extract_strided_slice %scan3A_2316#2 {offsets = [8], sizes = [1], strides = [1]} : vector<16xf32> to vector<1xf32>
    %squeeze3A_2438 = vector.extract %slice3A_2437[0] : f32 from vector<1xf32>
    %max3A_2439 = arith.maximumf %max3A_2436, %squeeze3A_2438 : f32
    %slice3A_2440 = vector.extract_strided_slice %scan3A_2316#2 {offsets = [9], sizes = [1], strides = [1]} : vector<16xf32> to vector<1xf32>
    %squeeze3A_2441 = vector.extract %slice3A_2440[0] : f32 from vector<1xf32>
    %max3A_2442 = arith.maximumf %max3A_2439, %squeeze3A_2441 : f32
    %slice3A_2443 = vector.extract_strided_slice %scan3A_2316#2 {offsets = [10], sizes = [1], strides = [1]} : vector<16xf32> to vector<1xf32>
    %squeeze3A_2444 = vector.extract %slice3A_2443[0] : f32 from vector<1xf32>
    %max3A_2445 = arith.maximumf %max3A_2442, %squeeze3A_2444 : f32
    %slice3A_2446 = vector.extract_strided_slice %scan3A_2316#2 {offsets = [11], sizes = [1], strides = [1]} : vector<16xf32> to vector<1xf32>
    %squeeze3A_2447 = vector.extract %slice3A_2446[0] : f32 from vector<1xf32>
    %max3A_2448 = arith.maximumf %max3A_2445, %squeeze3A_2447 : f32
    %slice3A_2449 = vector.extract_strided_slice %scan3A_2316#2 {offsets = [12], sizes = [1], strides = [1]} : vector<16xf32> to vector<1xf32>
    %squeeze3A_2450 = vector.extract %slice3A_2449[0] : f32 from vector<1xf32>
    %max3A_2451 = arith.maximumf %max3A_2448, %squeeze3A_2450 : f32
    %slice3A_2452 = vector.extract_strided_slice %scan3A_2316#2 {offsets = [13], sizes = [1], strides = [1]} : vector<16xf32> to vector<1xf32>
    %squeeze3A_2453 = vector.extract %slice3A_2452[0] : f32 from vector<1xf32>
    %max3A_2454 = arith.maximumf %max3A_2451, %squeeze3A_2453 : f32
    %slice3A_2455 = vector.extract_strided_slice %scan3A_2316#2 {offsets = [14], sizes = [1], strides = [1]} : vector<16xf32> to vector<1xf32>
    %squeeze3A_2456 = vector.extract %slice3A_2455[0] : f32 from vector<1xf32>
    %max3A_2457 = arith.maximumf %max3A_2454, %squeeze3A_2456 : f32
    %slice3A_2458 = vector.extract_strided_slice %scan3A_2316#2 {offsets = [15], sizes = [1], strides = [1]} : vector<16xf32> to vector<1xf32>
    %squeeze3A_2459 = vector.extract %slice3A_2458[0] : f32 from vector<1xf32>
    %max3A_2460 = arith.maximumf %max3A_2457, %squeeze3A_2459 : f32
    %broadcast_in_dim3A_2461 = vector.broadcast %max3A_2460 : f32 to vector<16xf32>
    %eq3A_2462 = arith.constant 0 : i32
    %eq3A_2463 = vector.broadcast %eq3A_2462 : i32 to vector<16xi32>
    %eq3A_2464 = arith.cmpi eq, %iota3A, %eq3A_2463 : vector<16xi32>
    %eq3A_2465 = arith.constant 1 : i32
    %eq3A_2466 = vector.broadcast %eq3A_2465 : i32 to vector<16xi32>
    %eq3A_2467 = arith.cmpi eq, %iota3A, %eq3A_2466 : vector<16xi32>
    %eq3A_2468 = arith.constant 2 : i32
    %eq3A_2469 = vector.broadcast %eq3A_2468 : i32 to vector<16xi32>
    %eq3A_2470 = arith.cmpi eq, %iota3A, %eq3A_2469 : vector<16xi32>
    %eq3A_2471 = arith.constant 3 : i32
    %eq3A_2472 = vector.broadcast %eq3A_2471 : i32 to vector<16xi32>
    %eq3A_2473 = arith.cmpi eq, %iota3A, %eq3A_2472 : vector<16xi32>
    %select_n3A_2474 = arith.select %eq3A_2473, %div3A_2306, %broadcast_in_dim3A_0 : vector<16xi1>, vector<16xf32>
    %select_n3A_2475 = arith.select %eq3A_2470, %broadcast_in_dim3A_2461, %select_n3A_2474 : vector<16xi1>, vector<16xf32>
    %select_n3A_2476 = arith.select %eq3A_2467, %broadcast_in_dim3A_2413, %select_n3A_2475 : vector<16xi1>, vector<16xf32>
    %select_n3A_2477 = arith.select %eq3A_2464, %broadcast_in_dim3A_2365, %select_n3A_2476 : vector<16xi1>, vector<16xf32>
    %swap3A_2478 = arith.constant 0 : i32
    %swap3A_2479 = arith.index_cast %swap3A_2478 : i32 to index
    %swap3A_2480 = arith.constant 0 : index
    %swap3A_2481 = tpu.vector_load %arg18[%swap3A_2479, %swap3A_2480] {strides = array<i32>} : memref<1x16xf32, #tpu.memory_space<vmem>>, vector<16xf32>,
    tpu.vector_store %arg18[%swap3A_2479, %swap3A_2480], %select_n3A_2477 {strides = array<i32>} : memref<1x16xf32, #tpu.memory_space<vmem>>, vector<16xf32>,
    %mul3A_2482 = arith.constant 16 : i32
    %mul3A_2483 = arith.muli %arg0, %mul3A_2482 : i32
    %add3A_2484 = arith.addi %mul3A_2483, %arg1 : i32
    "tpu.region"() ({
      %run_scoped3A = tpu.sem_alloc : memref<!tpu.dma_semaphore, #tpu.memory_space<semaphore_mem>>
      %dma_start3A = arith.constant 0 : i32
      %dma_start3A_2485 = tpu.memref_slice %arg5[%add3A_2484, %dma_start3A] : memref<32x16xf32, #tpu.memory_space<hbm>> -> memref<1x16xf32, #tpu.memory_space<hbm>>
      %dma_start3A_2486 = arith.constant 0 : i32
      %dma_start3A_2487 = tpu.memref_slice %arg5[%add3A_2484, %dma_start3A_2486] : memref<32x16xf32, #tpu.memory_space<hbm>> -> memref<1x16xf32, #tpu.memory_space<hbm>>
      tpu.enqueue_dma source(%arg18 : memref<1x16xf32, #tpu.memory_space<vmem>>) target(%dma_start3A_2487 : memref<1x16xf32, #tpu.memory_space<hbm>>) target_semaphore(%run_scoped3A : memref<!tpu.dma_semaphore, #tpu.memory_space<semaphore_mem>>)
      %dma_wait3A = arith.constant 0 : i32
      %dma_wait3A_2488 = tpu.memref_slice %arg5[%add3A_2484, %dma_wait3A] : memref<32x16xf32, #tpu.memory_space<hbm>> -> memref<1x16xf32, #tpu.memory_space<hbm>>
      %dma_wait3A_2489 = arith.constant 0 : i32
      %dma_wait3A_2490 = tpu.memref_slice %arg5[%add3A_2484, %dma_wait3A_2489] : memref<32x16xf32, #tpu.memory_space<hbm>> -> memref<1x16xf32, #tpu.memory_space<hbm>>
      tpu.wait_dma2 semaphore(%run_scoped3A : memref<!tpu.dma_semaphore, #tpu.memory_space<semaphore_mem>>) src(%arg18 : memref<1x16xf32, #tpu.memory_space<vmem>>) dst(%dma_wait3A_2490 : memref<1x16xf32, #tpu.memory_space<hbm>>)
      tpu.yield
    }) : () -> ()
    return
  }
}

</mosaic_0001>

<sc_bundles>
// kernel: _ldsloss.3.cloned.1.call-start
scs
__scs_entry_jumppad:
0x0: {  	(pc) =	sbr.rel $0x88, $3  }
0x1: {  	(tag) =	ssettag $0x0;
	lr =	simm.s32 $0x1  }
0x2: {  	[smem:$0x3F9E] =	sst lr;
	_ =	strace $0xD0000000  }
0x3: {  	_ = 	snop  }
0x4: {  	_ = 	snop  }
0x5: {  	_ = 	snop  }
0x6: {  	_ = 	snop  }
0x7: {  	_ = 	snop  }
__scs_overlays_trampoline_lowered:
0x8: {  	[smem:$0x3FAD] =	sst s0  }
0x9: {  	[smem:$0x3FAE] =	sst s1  }
0xa: {  	[smem:$0x3FAF] =	sst s2  }
0xb: {  	[smem:$0x3FB0] =	sst s3  }
0xc: {  	[smem:$0x3FB1] =	sst s4  }
0xd: {  	[smem:$0x3FB2] =	sst s5  }
0xe: {  	[smem:$0x3FB3] =	sst s6  }
0xf: {  	[smem:$0x3FB4] =	sst s7  }
0x10: {  	[smem:$0x3FB5] =	sst s8  }
0x11: {  	[smem:$0x3FB6] =	sst s9;
	s0 =	simm.s32 @!p0 $0x0  }
0x12: {  	s1 =	sld [smem:$0x3F9C];
	s0 =	simm.s32 @p0 $0x1  }
0x13: {  	[smem:$0x3FB7] =	sst s0;
	s0 =	simm.s32 @!p1 $0x0  }
0x14: {  	s2 =	sld [smem:$0x3F9B];
	s0 =	simm.s32 @p1 $0x1  }
0x15: {  	[smem:$0x3FB8] =	sst s0;
	s0 =	simm.s32 @!p2 $0x0  }
0x16: {  	s3 =	sld [smem:$0x3FDB];
	s0 =	simm.s32 @p2 $0x1  }
0x17: {  	s4 =	simm.s32 $0x1BF5;
	[smem:$0x3FBA] =	sst s0  }
0x18: {  	s0 =	sld [smem:$0x3F9D];
	_ =	swait.ge [sflag:s4], $0x0  }
0x19: {  	s7 =	sld [smem:$0x3F9E]  }
0x1a: {  	s8 =	sadd.s32 $0xFFFFE003, lr  }
0x1b: {  	s9 =	sadd.s32 $0xFFFFFEF7, lr;
	s5 =	simm.s32 $0xFFFFFFFF;
	p2 =	slt.u32 s8, $0xFFFFF086  }
0x1c: {  	p1 =	slt.u32 s9, $0xF7A;
	s5 =	simm.s32 @!p2 $0x0  }
0x1d: {  	s5 =	simm.s32 @p1 $0x1;
	p0 =	seq.s32 s7, s2  }
0x1e: {  	s7 =	smul.u32 @!p0 $0xF7A, s2;
	p2 =	seq.s32 @!p0 s5, $0x0  }
0x1f: {  	s9 =	smul.u32 $0xF7A, s1;
	s8 =	simm.s32 @!p0 $0x1BF5;
	p2 =	por !p2, p0  }
0x20: {  	[sflag:s8] =	ssyncset.s32 @!p0 $0xFFFFF086;
	s6 =	sadd.s32 @!p0 s3, s7;
	s7 =	simm.s32 @!p0 $0x108  }
0x21: {  	s3 =	sadd.s32 s3, s9;
	s6 =	sadd.s32 @!p0 $0x88, s6;
	s7 =	simm.s32 @p2 $0x1082  }
0x22: {  	[simem:s7], [sflag:s8] =	dma.local @!p0 [hbm:s6], $0xF7A  }
0x23: {  	s9 =	sor.u32 $0xD0000000, s2;
	s6 =	simm.s32 $0x108;
	_ =	swait.ge @!p0 [sflag:s8], $0x0  }
0x24: {  	s3 =	sadd.s32 $0x88, s3;
	s6 =	simm.s32 @!p1 $0x1082;
	[sflag:s4] =	ssyncset.s32 $0xFFFFF086  }
0x25: {  	[simem:s6], [sflag:s4] =	dma.local [hbm:s3], $0xF7A  }
0x26: {  	[smem:$0x3F9E] =	sst s1;
	(tag) =	ssettag s2;
	_ =	strace s9  }
0x27: {  	s1 =	sld [smem:$0x3FAE]  }
0x28: {  	s2 =	sld [smem:$0x3FAF]  }
0x29: {  	s4 =	sld [smem:$0x3FB1]  }
0x2a: {  	p0 =	seq.s32 s5, $0x0;
	s5 =	sld [smem:$0x3FB2]  }
0x2b: {  	s6 =	sld [smem:$0x3FB3]  }
0x2c: {  	s7 =	sld [smem:$0x3FB4]  }
0x2d: {  	s3 =	simm.s32 $0x108;
	s8 =	sld [smem:$0x3FB5]  }
0x2e: {  	s3 =	simm.s32 @!p0 $0x1082;
	s9 =	sld [smem:$0x3FB6]  }
0x2f: {  	lr =	sadd.s32 s0, s3;
	s0 =	sld [smem:$0x3FAD]  }
0x30: {  	s3 =	sld [smem:$0x3FB0]  }
0x31: {  	[smem:$0x3FB9] =	sst s10  }
0x32: {  	s10 =	sld [smem:$0x3FB7];
	_ =	sdelay $0x3  }
0x33: {  	p0 =	seq.s32 s10, $0x1;
	s10 =	sld [smem:$0x3FB9];
	_ =	sdelay $0x3  }
0x34: {  	[smem:$0x3FB9] =	sst s10  }
0x35: {  	s10 =	sld [smem:$0x3FB8];
	_ =	sdelay $0x3  }
0x36: {  	p1 =	seq.s32 s10, $0x1;
	s10 =	sld [smem:$0x3FB9];
	_ =	sdelay $0x3  }
0x37: {  	[smem:$0x3FB9] =	sst s10  }
0x38: {  	s10 =	sld [smem:$0x3FBA]  }
0x39: {  	_ = 	snop;
	(pc) =	sbr.ind lr, $3  }
0x3a: {  	_ = 	snop  }
0x3b: {  	_ = 	snop  }
0x3c: {  	p2 =	seq.s32 s10, $0x1;
	s10 =	sld [smem:$0x3FB9]  }
0x3d: {  	_ =	shalt  }
0x3e: {  	_ =	shalt  }
0x3f: {  	_ =	shalt  }
0x40: {  	_ =	shalt  }
0x41: {  	_ =	shalt  }
0x42: {  	_ =	shalt  }
0x43: {  	_ =	shalt  }
0x44: {  	_ =	shalt  }
0x45: {  	_ =	shalt  }
0x46: {  	_ =	shalt  }
0x47: {  	_ =	shalt  }
0x48: {  	_ =	shalt  }
0x49: {  	_ =	shalt  }
0x4a: {  	_ =	shalt  }
0x4b: {  	_ =	shalt  }
0x4c: {  	_ =	shalt  }
0x4d: {  	_ =	shalt  }
0x4e: {  	_ =	shalt  }
0x4f: {  	_ =	shalt  }
0x50: {  	_ =	shalt  }
0x51: {  	_ =	shalt  }
0x52: {  	_ =	shalt  }
0x53: {  	_ =	shalt  }
0x54: {  	_ =	shalt  }
0x55: {  	_ =	shalt  }
0x56: {  	_ =	shalt  }
0x57: {  	_ =	shalt  }
0x58: {  	_ =	shalt  }
0x59: {  	_ =	shalt  }
0x5a: {  	_ =	shalt  }
0x5b: {  	_ =	shalt  }
0x5c: {  	_ =	shalt  }
0x5d: {  	_ =	shalt  }
0x5e: {  	_ =	shalt  }
0x5f: {  	_ =	shalt  }
0x60: {  	_ =	shalt  }
0x61: {  	_ =	shalt  }
0x62: {  	_ =	shalt  }
0x63: {  	_ =	shalt  }
0x64: {  	_ =	shalt  }
0x65: {  	_ =	shalt  }
0x66: {  	_ =	shalt  }
0x67: {  	_ =	shalt  }
0x68: {  	_ =	shalt  }
0x69: {  	_ =	shalt  }
0x6a: {  	_ =	shalt  }
0x6b: {  	_ =	shalt  }
0x6c: {  	_ =	shalt  }
0x6d: {  	_ =	shalt  }
0x6e: {  	_ =	shalt  }
0x6f: {  	_ =	shalt  }
0x70: {  	_ =	shalt  }
0x71: {  	_ =	shalt  }
0x72: {  	_ =	shalt  }
0x73: {  	_ =	shalt  }
0x74: {  	_ =	shalt  }
0x75: {  	_ =	shalt  }
0x76: {  	_ =	shalt  }
0x77: {  	_ =	shalt  }
0x78: {  	_ =	shalt  }
0x79: {  	_ =	shalt  }
0x7a: {  	_ =	shalt  }
0x7b: {  	_ =	shalt  }
0x7c: {  	_ =	shalt  }
0x7d: {  	_ =	shalt  }
0x7e: {  	_ =	shalt  }
0x7f: {  	_ =	shalt  }
0x80: {  	_ =	shalt  }
0x81: {  	_ =	shalt  }
0x82: {  	_ =	shalt  }
0x83: {  	_ =	shalt  }
0x84: {  	_ =	shalt  }
0x85: {  	_ =	shalt  }
0x86: {  	_ =	shalt  }
0x87: {  	_ =	shalt  }
.Lfunc_end0:
.L_simem_size_0:
called_computation_lowered:
.L_overlay_start_0:
0x88: {  	s2 =	sld [smem:$0x3FD9]  }
0x89: {  	s3 =	sld [smem:$0x3FFE];
	_ =	sdelay $0x1  }
0x8a: {  	s1 =	srdreg.scid  }
0x8b: {  	s0 =	sand.u32 $0x1, s1  }
0x8c: {  	s17 =	sshll.u32 s0, $0xA;
	s2 =	sadd.s32 s3, s2  }
0x8d: {  	s2 =	sadd.s32 s2, s17  }
0x8e: {  	[smem:$0x3FC5] =	sst s2  }
0x8f: {  	_ = 	snop  }
0x90: {  	s2 =	sld [smem:$0x3FC9]  }
0x91: {  	s18 =	sld [smem:$0x3FC8]  }
0x92: {  	s4 =	sld [smem:$0x3FC7];
	(tm) =	ssettm $0x1  }
0x93: {  	s5 =	sld [smem:$0x3FFB];
	_ =	sdelay $0x3  }
0x94: {  	_ =	strace s5  }
0x95: {  	s5 =	sld [smem:$0x3FFC];
	_ =	sdelay $0x3  }
0x96: {  	_ =	strace s5  }
0x97: {  	s5 =	sld [smem:$0x3FFD];
	_ =	sdelay $0x3  }
0x98: {  	_ =	strace s5  }
0x99: {  	_ =	strace $0x8FFFFFFF  }
0x9a: {  	s19 =	sld [smem:$0x3FDB];
	_ =	sdelay $0x1  }
0x9b: {  	s6 =	simm.s32 $_scs_section_size  }
0x9c: {  	s7 =	simm.s32 $_size__tile_overlayer_lowered;
	s8 =	simm.s32 $_tile_overlayer_lowered  }
0x9d: {  	s22 =	simm.s32 $0x1BFF;
	s21 =	sshll.u32 s8, $0x1;
	s5 =	sadd.s32 s6, s19  }
0x9e: {  	s9 =	simm.s32 $0x0;
	s20 =	sshll.u32 s7, $0x1;
	s7 =	sadd.s32 s21, s5  }
0x9f: {  	[timem:s9], [sflag:s22] =	dma.local [hbm:s7], s20  }
0xa0: {  	_ =	swait.ge [sflag:s22], s20  }
0xa1: {  	s6 =	ssub.s32 $0x0, s20;
	[sflag:s22] =	ssyncset.done $0x0  }
0xa2: {  	[sflag:s22] =	ssyncadd.s32 s6;
	_ =	sdelay $0x1  }
0xa3: {  	s23 =	simm.s32 $0x1B8B  }
0xa4: {  	_ =	swait.ge [sflag:s23], $0x1  }
0xa5: {  	[sflag:s23] =	ssyncset.done $0x0  }
0xa6: {  	s25 =	simm.s32 $0x1B8E;
	s24 =	sld [smem:$0x3FFE];
	[sflag:s23] =	ssyncadd.s32 $0xFFFFFFFF  }
0xa7: {  	s26 =	simm.s32 $execute0_lowered;
	[smem:$0x3FD2] =	sst s25  }
0xa8: {  	s7 =	sshll.u32 s26, $0x1;
	_ =	strace $0x80000046;
	[dreg:$0x1] =	wrdreg $0xFFFFFFFF  }
0xa9: {  	s28 =	simm.s32 $_size_execute0_lowered;
	s5 =	sadd.s32 s5, s7;
	[dreg:$0x0] =	wrdreg $0x0  }
0xaa: {  	s7 =	sshll.u32 s28, $0x1;
	[dreg:$0x2] =	wrdreg s5  }
0xab: {  	[dreg:$0x3] =	wrdreg s7  }
0xac: {  	[dreg:$0x4] =	wrdreg $0xC0  }
0xad: {  	_ =	task [dreg:s9], $0x5FFFF  }
0xae: {  	[dreg:$0x1] =	wrdreg $0xFFFFFFFF  }
0xaf: {  	[dreg:$0x0] =	wrdreg $0x60  }
0xb0: {  	[dreg:$0x2] =	wrdreg s2  }
0xb1: {  	[dreg:$0x3] =	wrdreg s18  }
0xb2: {  	[dreg:$0x4] =	wrdreg s4  }
0xb3: {  	[dreg:$0x5] =	wrdreg s24  }
0xb4: {  	[dreg:$0x6] =	wrdreg $0x41000  }
0xb5: {  	[dreg:$0x7] =	wrdreg $0x41100  }
0xb6: {  	[dreg:$0x8] =	wrdreg $0x41200  }
0xb7: {  	[dreg:$0x9] =	wrdreg $0x9  }
0xb8: {  	_ =	task.clear_ibuf [dreg:s9], $0xAFFFF;
	_ =	strace $0x90000046  }
0xb9: {  	s29 =	simm.s32 $0x9;
	_ =	strace $0x80000048  }
0xba: {  	_ =	swait.ge [sflag:s29], $0x1  }
0xbb: {  	[sflag:s29] =	ssyncadd.s32 $0xFFFFFFFF  }
0xbc: {  	_ =	strace $0x90000048  }
0xbd: {  	_ =	sfence  }
0xbe: {  	s30 =	sld [smem:$0x0];
	_ =	sdelay $0x2  }
0xbf: {  	s31 =	sshll.u32 s1, $0xD;
	s1 =	sshrl.u32 s1, $0x2  }
0xc0: {  	s3 =	sand.u32 $0x4000, s31;
	s1 =	sadd.s32 s1, s30  }
0xc1: {  	s0 =	sor.u32 s3, s0;
	s1 =	sshll.u32 s1, $0x11  }
0xc2: {  	s0 =	sor.u32 s1, s0  }
0xc3: {  	s0 =	sadd.s32 $0x8F2B, s0  }
0xc4: {  	[sflag:s0] =	ssyncadd.remote.s32 $0x1  }
0xc5: {  	_ =	sfence.sel $0xFFFF  }
0xc6: {  	[dreg:$0x0] =	wrdreg $0xFFFFFFFF;
	(pc) =	sbr.abs _section_cstart, $3  }
0xc7: {  	[dreg:$0x1] =	wrdreg $0xFFFFFFFF  }
0xc8: {  	_ =	task.clear_ibuf [dreg:s9], $0x2FFFF;
	_ =	strace $0x9FFFFFFF  }
0xc9: {  	(tm) =	ssettm $0x7FFFFFFF  }
tec
execute0_lowered:
.L_overlay_start_1:
0x0: {  	(tag) =	ssettag $0x1  }
0x1: {  	v0 =	vimm.f32 $1.500000000e+01  }
0x2: {  	vm2 =	vcmask $0x300;
	vm6 =	vcmask $0x704;
	vm4 =	vcmask $0xB08  }
0x3: {  	vm5 =	vcmask $0xF0C;
	vm3 =	vcmask $0x1310;
	vm1 =	vcmask $0x1714  }
0x4: {  	vm0 =	vcmask $0x1B18;
	v1 =	vimm.f32 $3.100000000e+01;
	v2 =	vimm.f32 $4.700000000e+01  }
0x5: {  	v3 =	vimm.f32 $6.300000000e+01;
	v4 =	vimm.f32 $7.900000000e+01;
	v5 =	vimm.f32 $9.500000000e+01  }
0x6: {  	v6 =	vimm.f32 $1.110000000e+02;
	v7 =	vimm.f32 $1.270000000e+02;
	v8 =	vimm.f32 $1.430000000e+02  }
0x7: {  	vm14 =	vcmask $0x2320;
	vm15 =	vcmask $0x2B28;
	v21 =	vlaneseq.u32  }
0x8: {  	v0 =	vsel vm2, $0x0, v0;
	v1 =	vsel vm2, $0x41800000, v1;
	v2 =	vsel vm2, $0x42000000, v2  }
0x9: {  	v3 =	vsel vm2, $0x42400000, v3;
	v4 =	vsel vm2, $0x42800000, v4;
	v5 =	vsel vm2, $0x42A00000, v5  }
0xa: {  	v6 =	vsel vm2, $0x42C00000, v6;
	v7 =	vsel vm2, $0x42E00000, v7;
	v8 =	vsel vm2, $0x43000000, v8  }
0xb: {  	vm2 =	vcmask $0x1F1C;
	v22 =	vor.u32 $0x10, v21;
	v23 =	vor.u32 $0x20, v21  }
0xc: {  	v24 =	vor.u32 $0x30, v21;
	v25 =	vor.u32 $0x40, v21;
	v0 =	vsel vm6, $0x3F800000, v0  }
0xd: {  	v1 =	vsel vm6, $0x41880000, v1;
	v2 =	vsel vm6, $0x42040000, v2;
	v3 =	vsel vm6, $0x42440000, v3  }
0xe: {  	v4 =	vsel vm6, $0x42820000, v4;
	v5 =	vsel vm6, $0x42A20000, v5;
	v6 =	vsel vm6, $0x42C20000, v6  }
0xf: {  	v7 =	vsel vm6, $0x42E20000, v7;
	v8 =	vsel vm6, $0x43010000, v8;
	v0 =	vsel vm4, $0x40000000, v0  }
0x10: {  	v1 =	vsel vm4, $0x41900000, v1;
	v2 =	vsel vm4, $0x42080000, v2;
	v3 =	vsel vm4, $0x42480000, v3  }
0x11: {  	v4 =	vsel vm4, $0x42840000, v4;
	v5 =	vsel vm4, $0x42A40000, v5;
	v6 =	vsel vm4, $0x42C40000, v6  }
0x12: {  	v7 =	vsel vm4, $0x42E40000, v7;
	v8 =	vsel vm4, $0x43020000, v8;
	v0 =	vsel vm5, $0x40400000, v0  }
0x13: {  	v1 =	vsel vm5, $0x41980000, v1;
	v2 =	vsel vm5, $0x420C0000, v2;
	v3 =	vsel vm5, $0x424C0000, v3  }
0x14: {  	v4 =	vsel vm5, $0x42860000, v4;
	v5 =	vsel vm5, $0x42A60000, v5;
	v6 =	vsel vm5, $0x42C60000, v6  }
0x15: {  	v7 =	vsel vm5, $0x42E60000, v7;
	v8 =	vsel vm5, $0x43030000, v8;
	v0 =	vsel vm3, $0x40800000, v0  }
0x16: {  	v1 =	vsel vm3, $0x41A00000, v1;
	v2 =	vsel vm3, $0x42100000, v2;
	v3 =	vsel vm3, $0x42500000, v3  }
0x17: {  	v4 =	vsel vm3, $0x42880000, v4;
	v5 =	vsel vm3, $0x42A80000, v5;
	v6 =	vsel vm3, $0x42C80000, v6  }
0x18: {  	v7 =	vsel vm3, $0x42E80000, v7;
	v8 =	vsel vm3, $0x43040000, v8;
	vm3 =	vcmask $0x2724  }
0x19: {  	v0 =	vsel vm1, $0x40A00000, v0;
	v1 =	vsel vm1, $0x41A80000, v1;
	v2 =	vsel vm1, $0x42140000, v2  }
0x1a: {  	v3 =	vsel vm1, $0x42540000, v3;
	v4 =	vsel vm1, $0x428A0000, v4;
	v5 =	vsel vm1, $0x42AA0000, v5  }
0x1b: {  	v6 =	vsel vm1, $0x42CA0000, v6;
	v7 =	vsel vm1, $0x42EA0000, v7;
	v8 =	vsel vm1, $0x43050000, v8  }
0x1c: {  	vm1 =	vcmask $0x2F2C;
	v0 =	vsel vm0, $0x40C00000, v0;
	v1 =	vsel vm0, $0x41B00000, v1  }
0x1d: {  	v2 =	vsel vm0, $0x42180000, v2;
	v3 =	vsel vm0, $0x42580000, v3;
	v4 =	vsel vm0, $0x428C0000, v4  }
0x1e: {  	v5 =	vsel vm0, $0x42AC0000, v5;
	v6 =	vsel vm0, $0x42CC0000, v6;
	v7 =	vsel vm0, $0x42EC0000, v7  }
0x1f: {  	v8 =	vsel vm0, $0x43060000, v8;
	v0 =	vsel vm2, $0x40E00000, v0;
	v1 =	vsel vm2, $0x41B80000, v1  }
0x20: {  	v2 =	vsel vm2, $0x421C0000, v2;
	v3 =	vsel vm2, $0x425C0000, v3;
	v4 =	vsel vm2, $0x428E0000, v4  }
0x21: {  	v5 =	vsel vm2, $0x42AE0000, v5;
	v6 =	vsel vm2, $0x42CE0000, v6;
	v7 =	vsel vm2, $0x42EE0000, v7  }
0x22: {  	v8 =	vsel vm2, $0x43070000, v8;
	vm2 =	vcmask $0x3330;
	v0 =	vsel vm14, $0x41000000, v0  }
0x23: {  	v1 =	vsel vm14, $0x41C00000, v1;
	v2 =	vsel vm14, $0x42200000, v2;
	v3 =	vsel vm14, $0x42600000, v3  }
0x24: {  	v4 =	vsel vm14, $0x42900000, v4;
	v5 =	vsel vm14, $0x42B00000, v5;
	v6 =	vsel vm14, $0x42D00000, v6  }
0x25: {  	v7 =	vsel vm14, $0x42F00000, v7;
	v8 =	vsel vm14, $0x43080000, v8;
	v0 =	vsel vm3, $0x41100000, v0  }
0x26: {  	v1 =	vsel vm3, $0x41C80000, v1;
	v2 =	vsel vm3, $0x42240000, v2;
	v3 =	vsel vm3, $0x42640000, v3  }
0x27: {  	v4 =	vsel vm3, $0x42920000, v4;
	v5 =	vsel vm3, $0x42B20000, v5;
	v6 =	vsel vm3, $0x42D20000, v6  }
0x28: {  	v7 =	vsel vm3, $0x42F20000, v7;
	v8 =	vsel vm3, $0x43090000, v8;
	v0 =	vsel vm15, $0x41200000, v0  }
0x29: {  	v1 =	vsel vm15, $0x41D00000, v1;
	v2 =	vsel vm15, $0x42280000, v2;
	v3 =	vsel vm15, $0x42680000, v3  }
0x2a: {  	s2 =	rddreg [dreg:$0x0];
	v4 =	vsel vm15, $0x42940000, v4;
	v5 =	vsel vm15, $0x42B40000, v5;
	v6 =	vsel vm15, $0x42D40000, v6  }
0x2b: {  	s0 =	rddreg [dreg:$0x1];
	v7 =	vsel vm15, $0x42F40000, v7;
	v8 =	vsel vm15, $0x430A0000, v8;
	v0 =	vsel vm1, $0x41300000, v0  }
0x2c: {  	s1 =	rddreg [dreg:$0x2];
	v1 =	vsel vm1, $0x41D80000, v1;
	v2 =	vsel vm1, $0x422C0000, v2;
	v3 =	vsel vm1, $0x426C0000, v3  }
0x2d: {  	s12 =	rddreg [dreg:$0x3];
	v4 =	vsel vm1, $0x42960000, v4;
	v5 =	vsel vm1, $0x42B60000, v5;
	v6 =	vsel vm1, $0x42D60000, v6  }
0x2e: {  	s8 =	rddreg [dreg:$0x4];
	v7 =	vsel vm1, $0x42F60000, v7;
	v8 =	vsel vm1, $0x430B0000, v8;
	v0 =	vsel vm2, $0x41400000, v0  }
0x2f: {  	s10 =	rddreg [dreg:$0x5];
	s16 =	simm.s32 $0x0;
	v1 =	vsel vm2, $0x41E00000, v1;
	v2 =	vsel vm2, $0x42300000, v2;
	v3 =	vsel vm2, $0x42700000, v3  }
0x30: {  	[smem:$0x7FF] =	sst s16;
	v4 =	vsel vm2, $0x42980000, v4;
	v5 =	vsel vm2, $0x42B80000, v5;
	v6 =	vsel vm2, $0x42D80000, v6  }
0x31: {  	s11 =	rddreg [dreg:$0x6];
	_ =	strace $0x80000047;
	[tilespmem:$0x1FF80] =	vst v22;
	v7 =	vsel vm2, $0x42F80000, v7;
	v8 =	vsel vm2, $0x430C0000, v8;
	vm2 =	vcmask $0x3734  }
0x32: {  	v26 =	vor.u32 $0x50, v21;
	v27 =	vor.u32 $0x60, v21;
	[tilespmem:$0x1FF90] =	vst v23;
	v0 =	vsel vm2, $0x41500000, v0  }
0x33: {  	[tilespmem:$0x1FFA0] =	vst v24;
	v10 =	vsel vm2, $0x41E80000, v1;
	v2 =	vsel vm2, $0x42340000, v2;
	v11 =	vsel vm2, $0x42740000, v3  }
0x34: {  	[tilespmem:$0x1FFB0] =	vst v25;
	v4 =	vsel vm2, $0x429A0000, v4;
	v12 =	vsel vm2, $0x42BA0000, v5;
	v6 =	vsel vm2, $0x42DA0000, v6  }
0x35: {  	[tilespmem:$0x1FFC0] =	vst v26;
	v14 =	vsel vm2, $0x42FA0000, v7;
	v8 =	vsel vm2, $0x430D0000, v8;
	vm2 =	vcmask $0x3B38  }
0x36: {  	[tilespmem:$0x1FFD0] =	vst v27;
	v0 =	vsel vm2, $0x41600000, v0  }
0x37: {  	[tilespmem:$0x1FE20] =	vst v0;
	v0 =	vsel vm2, $0x41F00000, v10  }
0x38: {  	[tilespmem:$0x1FE30] =	vst v0;
	v0 =	vsel vm2, $0x42380000, v2  }
0x39: {  	[tilespmem:$0x1FE40] =	vst v0;
	v0 =	vsel vm2, $0x42780000, v11  }
0x3a: {  	[tilespmem:$0x1FE50] =	vst v0;
	v0 =	vsel vm2, $0x429C0000, v4  }
0x3b: {  	[tilespmem:$0x1FE60] =	vst v0;
	v0 =	vsel vm2, $0x42BC0000, v12  }
0x3c: {  	[tilespmem:$0x1FE70] =	vst v0;
	v0 =	vsel vm2, $0x42DC0000, v6  }
0x3d: {  	[tilespmem:$0x1FE80] =	vst v0;
	v0 =	vsel vm2, $0x42FC0000, v14  }
0x3e: {  	[tilespmem:$0x1FE90] =	vst v0;
	v0 =	vsel vm2, $0x430E0000, v8  }
0x3f: {  	[tilespmem:$0x1FEA0] =	vst v0;
	v0 =	vadd.s32 $0xC, v21  }
0x40: {  	[tilespmem:$0x1FEB0] =	vst v0;
	v0 =	vadd.s32 $0xD, v21  }
0x41: {  	v9 =	vimm.f32 $1.000000010e-01;
	[tilespmem:$0x1FEC0] =	vst v0;
	v0 =	vadd.s32 $0xE, v21  }
0x42: {  	s5 =	stileid.u32;
	s21 =	srdreg.scid;
	(erf) = vrcp.f32 v9;
	[tilespmem:$0x1FED0] =	vst v0;
	v0 =	vadd.s32 $0xF, v21  }
0x43: {  	s15 =	simm.s32 $0x1;
	s20 =	simm.s32 $0x2680;
	s28 =	simm.s32 $0x2600;
	[tilespmem:$0x1FEE0] =	vst v0;
	v0 =	vadd.s32 $0x11, v21  }
0x44: {  	s30 =	simm.s32 $0x0;
	s3 =	smul.u32 $0x1870, s5;
	s9 =	sshll.u32 s5, $0x7;
	[tilespmem:$0x1FEF0] =	vst v0;
	v0 =	vadd.s32 $0x12, v21  }
0x45: {  	s23 =	sadd.s32 s9, s8;
	s25 =	sadd.s32 s9, s10;
	s26 =	sand.u32 $0x380, s9;
	[tilespmem:$0x1FF00] =	vst v0;
	v0 =	vadd.s32 $0x13, v21  }
0x46: {  	s29 =	sadd.s32 s9, s11;
	s4 =	sadd.s32 $0x1860, s3;
	s22 =	sshrl.u32 s3, $0x3;
	[tilespmem:$0x1FF10] =	vst v0;
	v0 =	vadd.s32 $0x14, v21  }
0x47: {  	[dreg:$0x9] =	wrdreg s23;
	p0 =	slt.u32 s4, $0x186A0;
	s4 =	sand.u32 $0x1, s21;
	[tilespmem:$0x1FF20] =	vst v0;
	v0 =	vadd.s32 $0x1C, v21  }
0x48: {  	v28 =	vor.u32 $0x70, v21;
	[dreg:$0xa] =	wrdreg s25;
	s6 =	ssub.s32 $0x2, s4;
	s4 =	sshll.u32 s4, $0x4;
	[tilespmem:$0x1FF30] =	vst v0;
	v0 =	vadd.s32 $0x1D, v21  }
0x49: {  	v29 =	vor.u32 $0x80, v21;
	[tilespmem:$0x1FFE0] =	vst v28;
	[dreg:$0xb] =	wrdreg s29;
	s14 =	sadd.s32 $0x10, s3;
	s4 =	sor.u32 s5, s4  }
0x4a: {  	[tilespmem:$0x1FFF0] =	vst v29;
	s2 =	sadd.s32 s2, s22;
	s21 =	simm.s32 $0x1C80;
	s24 =	sshll.u32 s4, $0x7  }
0x4b: {  	v18 =	vimm.f32 $0.0e+00;
	[dreg:$0x8] =	wrdreg s2;
	s7 =	sshrl.u32 s6, $0x1;
	s2 =	sand.u32 $0xC00, s24;
	[tilespmem:$0x1FF40] =	vst v0;
	v0 =	vpop (erf)  }
0x4c: {  	v19 =	vimm.s32 $0x0;
	vm0 =	vmxor vm0, vm0;
	s13 =	ssub.s32 s6, s7;
	s4 =	sshll.u32 s4, $0x6;
	s2 =	sor.u32 s26, s2;
	[tilespmem:$0x1FF50] =	vst v0;
	v0 =	vadd.s32 $0x1E, v21  }
0x4d: {  	v20 =	vmul.u32 $0x80, v21;
	s10 =	sadd.s32 s0, s4;
	s11 =	sadd.s32 s1, s4;
	s31 =	sshrl.u32 s2, $0x3;
	vm1 =	vmmov vm0;
	[tilespmem:$0x1FF60] =	vst v0;
	v0 =	vadd.s32 $0x1F, v21  }
0x4e: {  	s13 =	smax.u32 s13, $0x1;
	s24 =	simm.s32 $0x2500;
	s12 =	sadd.s32 s12, s31;
	vm1 =	vmneg @p0 vm1;
	v3 =	vimm.f32 $1.000000000e+00;
	vm2 =	vcmask $0x3F10;
	[tilespmem:$0x1FF70] =	vst v0  }
.LBB2_1:
0x4f: {  	s0 =	rddreg [dreg:$0x8]  }
0x50: {  	[tilespmem:s16], [sflag:$0x1] =	stream.linear.gather [hbm4b:s0+s16], $0x1870, $0x38;
	[tilespmem:$0x41A0] =	vst v63  }
0x51: {  	_ =	swait.ge [sflag:s15], $0x1870  }
0x52: {  	[sflag:s15] =	ssyncset.done $0x0  }
0x53: {  	s31 =	simm.s32 $0x0;
	[sflag:s15] =	ssyncadd.s32 $0xFFFFE790  }
0x54: {  	v0 =	vld [tilespmem:s31+$0x0];
	_ =	sdelay $0x1  }
0x55: {  	v2 =	vld [tilespmem:s31+$0x10]  }
0x56: {  	v6 =	vimm.f32 $+Inf;
	v4 =	vimm.f32 $-Inf;
	s1 =	simm.s32 $0x80;
	s0 =	smov.u32 s14  }
.LBB2_2:
0x57: {  	s2 =	sshra.s32 s1, $0x2;
	s3 =	sadd.s32 $0xFFFFFFF0, s0;
	p1 =	sne.s32 s1, $0x6100  }
.Ltmp0:
0x58: {  	s1 =	sadd.s32 $0x80, s1;
	p2 =	slt.u32 s3, $0x186A0;
	v8 =	vmin.f32 v6, v0;
	v10 =	vmax.f32 v4, v0;
	(pc) =	sbr.rel @p1 .LBB2_2-.Ltmp0, $4  }
0x59: {  	v0 =	vld [tilespmem:s2+$0x0];
	v6 =	vpsel p2, v8, v6;
	v4 =	vpsel p2, v10, v4  }
0x5a: {  	p2 =	slt.u32 s0, $0x186A0;
	v8 =	vmin.f32 v6, v2;
	v10 =	vmax.f32 v4, v2  }
0x5b: {  	v2 =	vld [tilespmem:s2+$0x10];
	v6 =	vpsel p2, v8, v6;
	v4 =	vpsel p2, v10, v4  }
0x5c: {  	s0 =	sadd.s32 $0x20, s0  }
0x5d: {  	s1 =	sadd.s32 $0xFFFFFFF0, s0;
	v8 =	vld [tilespmem:$0x1860]  }
0x5e: {  	p2 =	slt.u32 s1, $0x186A0;
	v10 =	vmin.f32 v6, v0  }
0x5f: {  	v6 =	vpsel p2, v10, v6  }
0x60: {  	p1 =	slt.u32 s0, $0x186A0;
	v10 =	vmin.f32 v6, v2  }
0x61: {  	v6 =	vpsel p1, v10, v6  }
0x62: {  	v10 =	vmin.f32 v6, v8  }
0x63: {  	v6 =	vpsel p0, v10, v6  }
0x64: {  	(v2sf) =	vpush v6, $0x0  }
0x65: {  	(v2sf) =	vpush v6, $0x1  }
0x66: {  	(v2sf) =	vpush v6, $0x2  }
0x67: {  	(v2sf) =	vpush v6, $0x3  }
0x68: {  	(v2sf) =	vpush v6, $0x4  }
0x69: {  	(v2sf) =	vpush v6, $0x5  }
0x6a: {  	(v2sf) =	vpush v6, $0x6  }
0x6b: {  	(v2sf) =	vpush v6, $0x7  }
0x6c: {  	(v2sf) =	vpush v6, $0x8  }
0x6d: {  	(v2sf) =	vpush v6, $0x9  }
0x6e: {  	v0 =	vmax.f32 v4, v0;
	(v2sf) =	vpush v6, $0xA  }
0x6f: {  	v0 =	vpsel p2, v0, v4;
	(v2sf) =	vpush v6, $0xB  }
0x70: {  	v2 =	vmax.f32 v0, v2;
	(v2sf) =	vpush v6, $0xC  }
0x71: {  	v0 =	vpsel p1, v2, v0;
	(v2sf) =	vpush v6, $0xD  }
0x72: {  	v2 =	vmax.f32 v0, v8;
	(v2sf) =	vpush v6, $0xE  }
0x73: {  	v0 =	vpsel p0, v2, v0;
	s22 =	spop (v2sf);
	(v2sf) =	vpush v6, $0xF  }
0x74: {  	s23 =	spop (v2sf);
	(v2sf) =	vpush v0, $0x0  }
0x75: {  	s2 =	spop (v2sf);
	(v2sf) =	vpush v0, $0x1  }
0x76: {  	s0 =	smin.f32 s22, s23;
	s25 =	spop (v2sf);
	(v2sf) =	vpush v0, $0x2  }
0x77: {  	s0 =	smin.f32 s0, s2;
	s26 =	spop (v2sf);
	(v2sf) =	vpush v0, $0x3  }
0x78: {  	s0 =	smin.f32 s0, s25;
	s29 =	spop (v2sf);
	(v2sf) =	vpush v0, $0x4  }
0x79: {  	s0 =	smin.f32 s0, s26;
	s31 =	spop (v2sf);
	(v2sf) =	vpush v0, $0x5  }
0x7a: {  	s0 =	smin.f32 s0, s29;
	s3 =	spop (v2sf);
	(v2sf) =	vpush v0, $0x6  }
0x7b: {  	s0 =	smin.f32 s0, s31;
	s4 =	spop (v2sf);
	(v2sf) =	vpush v0, $0x7  }
0x7c: {  	s0 =	smin.f32 s0, s3;
	s5 =	spop (v2sf);
	(v2sf) =	vpush v0, $0x8  }
0x7d: {  	s0 =	smin.f32 s0, s4;
	s6 =	spop (v2sf);
	(v2sf) =	vpush v0, $0x9  }
0x7e: {  	s0 =	smin.f32 s0, s5;
	s7 =	spop (v2sf);
	(v2sf) =	vpush v0, $0xA  }
0x7f: {  	s0 =	smin.f32 s0, s6;
	s8 =	spop (v2sf);
	(v2sf) =	vpush v0, $0xB  }
0x80: {  	s0 =	smin.f32 s0, s7;
	s9 =	spop (v2sf);
	(v2sf) =	vpush v0, $0xC  }
0x81: {  	s0 =	smin.f32 s0, s8;
	s16 =	spop (v2sf);
	(v2sf) =	vpush v0, $0xD  }
0x82: {  	s0 =	smin.f32 s0, s9;
	s17 =	spop (v2sf);
	(v2sf) =	vpush v0, $0xE  }
0x83: {  	s0 =	smin.f32 s0, s16;
	s18 =	spop (v2sf);
	(v2sf) =	vpush v0, $0xF  }
0x84: {  	s0 =	smin.f32 s0, s17;
	s19 =	spop (v2sf)  }
0x85: {  	s1 =	smax.f32 s18, s19;
	s22 =	spop (v2sf)  }
0x86: {  	s1 =	smax.f32 s1, s22;
	s23 =	spop (v2sf)  }
0x87: {  	s1 =	smax.f32 s1, s23;
	s25 =	spop (v2sf)  }
0x88: {  	s1 =	smax.f32 s1, s25;
	s26 =	spop (v2sf)  }
0x89: {  	s1 =	smax.f32 s1, s26;
	s29 =	spop (v2sf)  }
0x8a: {  	s1 =	smax.f32 s1, s29;
	s31 =	spop (v2sf)  }
0x8b: {  	s1 =	smax.f32 s1, s31;
	s3 =	spop (v2sf)  }
0x8c: {  	s1 =	smax.f32 s1, s3;
	s4 =	spop (v2sf)  }
0x8d: {  	s1 =	smax.f32 s1, s4;
	s5 =	spop (v2sf)  }
0x8e: {  	s1 =	smax.f32 s1, s5;
	s6 =	spop (v2sf)  }
0x8f: {  	s1 =	smax.f32 s1, s6;
	s7 =	spop (v2sf)  }
0x90: {  	s1 =	smax.f32 s1, s7;
	s8 =	spop (v2sf)  }
0x91: {  	s1 =	smax.f32 s1, s8;
	s9 =	spop (v2sf)  }
0x92: {  	s1 =	smax.f32 s1, s9;
	s16 =	spop (v2sf)  }
0x93: {  	v0 =	vmov s0;
	s17 =	smax.f32 s1, s16  }
0x94: {  	[tilespmem:$0x2780] =	vst v0;
	v0 =	vmov s17  }
0x95: {  	s18 =	rddreg [dreg:$0x9];
	s19 =	simm.s32 $0x2780;
	[tilespmem:$0x2800] =	vst v0  }
0x96: {  	[spmem:s18] =	stream.linear.scatter [tilespmem:s19], [sflag:$0x1], $0x80, $0x38;
	[tilespmem:$0x41A0] =	vst v63  }
0x97: {  	_ =	swait.ge [sflag:s15], $0x80  }
0x98: {  	[sflag:s15] =	ssyncset.done $0x0  }
0x99: {  	s23 =	simm.s32 $0x2800;
	s22 =	rddreg [dreg:$0xa];
	[sflag:s15] =	ssyncadd.s32 $0xFFFFFF80  }
0x9a: {  	[spmem:s22] =	stream.linear.scatter [tilespmem:s23], [sflag:$0x1], $0x80, $0x38;
	[tilespmem:$0x41A0] =	vst v63  }
0x9b: {  	_ =	swait.ge [sflag:s15], $0x80  }
0x9c: {  	[sflag:s15] =	ssyncset.done $0x0  }
0x9d: {  	[sflag:s15] =	ssyncadd.s32 $0xFFFFFF80  }
0x9e: {  	[bflag:$0x0] =	sbarrier.arrive $0xFFFF  }
0x9f: {  	s26 =	simm.s32 $0x2880;
	s25 =	rddreg [dreg:$0x4]  }
0xa0: {  	[tilespmem:s26], [sflag:$0x1] =	stream.linear.gather [spmem:s25], $0x800, $0x38;
	[tilespmem:$0x41A0] =	vst v63  }
0xa1: {  	_ =	swait.ge [sflag:s15], $0x800  }
0xa2: {  	[sflag:s15] =	ssyncset.done $0x0  }
0xa3: {  	[sflag:s15] =	ssyncadd.s32 $0xFFFFF800  }
0xa4: {  	s31 =	simm.s32 $0x3080;
	s29 =	rddreg [dreg:$0x5]  }
0xa5: {  	[tilespmem:s31], [sflag:$0x1] =	stream.linear.gather [spmem:s29], $0x800, $0x38;
	[tilespmem:$0x41A0] =	vst v63  }
0xa6: {  	_ =	swait.ge [sflag:s15], $0x800  }
0xa7: {  	[sflag:s15] =	ssyncset.done $0x0  }
0xa8: {  	[sflag:s15] =	ssyncadd.s32 $0xFFFFF800  }
0xa9: {  	v0 =	vld [tilespmem:$0x2880]  }
0xaa: {  	v2 =	vld [tilespmem:$0x3080]  }
0xab: {  	v4 =	vld [tilespmem:$0x2900]  }
0xac: {  	v6 =	vld [tilespmem:$0x3100]  }
0xad: {  	v31 =	vld [tilespmem:$0x2980]  }
0xae: {  	v48 =	vld [tilespmem:$0x3180]  }
0xaf: {  	v12 =	vld [tilespmem:$0x2A00]  }
0xb0: {  	v14 =	vld [tilespmem:$0x3200]  }
0xb1: {  	v16 =	vld [tilespmem:$0x2A80]  }
0xb2: {  	v35 =	vld [tilespmem:$0x3280]  }
0xb3: {  	v36 =	vld [tilespmem:$0x2B00]  }
0xb4: {  	v37 =	vld [tilespmem:$0x3300]  }
0xb5: {  	v38 =	vld [tilespmem:$0x2B80]  }
0xb6: {  	v39 =	vld [tilespmem:$0x3380]  }
0xb7: {  	v40 =	vld [tilespmem:$0x2C00]  }
0xb8: {  	v41 =	vld [tilespmem:$0x3400]  }
0xb9: {  	v42 =	vld [tilespmem:$0x2C80]  }
0xba: {  	v43 =	vld [tilespmem:$0x3480]  }
0xbb: {  	v44 =	vld [tilespmem:$0x2D00]  }
0xbc: {  	v45 =	vld [tilespmem:$0x3500]  }
0xbd: {  	v46 =	vld [tilespmem:$0x2D80]  }
0xbe: {  	v47 =	vld [tilespmem:$0x3580]  }
0xbf: {  	v49 =	vld [tilespmem:$0x2E80];
	v0 =	vmin.f32 v0, v4;
	v2 =	vmax.f32 v2, v6  }
0xc0: {  	v50 =	vld [tilespmem:$0x3680];
	v0 =	vmin.f32 v0, v31;
	v2 =	vmax.f32 v2, v48  }
0xc1: {  	v51 =	vld [tilespmem:$0x2F00];
	v0 =	vmin.f32 v0, v12;
	v2 =	vmax.f32 v2, v14  }
0xc2: {  	v52 =	vld [tilespmem:$0x3700];
	v0 =	vmin.f32 v0, v16;
	v2 =	vmax.f32 v2, v35  }
0xc3: {  	v4 =	vld [tilespmem:$0x2E00];
	v0 =	vmin.f32 v0, v36;
	v2 =	vmax.f32 v2, v37  }
0xc4: {  	v6 =	vld [tilespmem:$0x3600];
	v0 =	vmin.f32 v0, v38;
	v2 =	vmax.f32 v2, v39  }
0xc5: {  	v53 =	vld [tilespmem:$0x3780];
	v0 =	vmin.f32 v0, v40;
	v2 =	vmax.f32 v2, v41  }
0xc6: {  	v54 =	vld [tilespmem:$0x3000];
	v0 =	vmin.f32 v0, v42;
	v2 =	vmax.f32 v2, v43  }
0xc7: {  	v16 =	vld [tilespmem:$0x2F80];
	v0 =	vmin.f32 v0, v44;
	v2 =	vmax.f32 v2, v45  }
0xc8: {  	v55 =	vld [tilespmem:$0x3800];
	v0 =	vmin.f32 v0, v46;
	v2 =	vmax.f32 v2, v47  }
0xc9: {  	v0 =	vmin.f32 v0, v4;
	v2 =	vmax.f32 v2, v6  }
0xca: {  	v0 =	vmin.f32 v0, v49;
	v2 =	vmax.f32 v2, v50  }
0xcb: {  	v1 =	vld [tilespmem:$0x1FF50];
	v0 =	vmin.f32 v0, v51;
	v2 =	vmax.f32 v2, v52  }
0xcc: {  	v0 =	vmin.f32 v0, v16;
	v2 =	vmax.f32 v2, v53  }
0xcd: {  	v35 =	vmin.f32 v0, v54;
	v6 =	vmax.f32 v2, v55  }
0xce: {  	v0 =	vsub.f32 v6, v35;
	_ =	sdelay $0x1  }
0xcf: {  	v2 =	vmul.f32 v0, v1;
	_ =	sdelay $0x1  }
0xd0: {  	v2 =	vtrunc.f32 v2  }
0xd1: {  	v2 =	vcvt.f32.s32 v2;
	_ =	sdelay $0x1  }
0xd2: {  	v4 =	vcvt.s32.f32 v2;
	_ =	sdelay $0x1  }
0xd3: {  	(erf) = vrcp.f32 v4;
	_ =	sdelay $0x4  }
0xd4: {  	v1 =	vld [tilespmem:$0x1FE20];
	_ =	sdelay $0x3  }
0xd5: {  	v56 =	vpop (erf)  }
0xd6: {  	v57 =	vmul.f32 v1, v56;
	v1 =	vld [tilespmem:$0x1FE30];
	_ =	sdelay $0x4  }
0xd7: {  	v59 =	vmul.f32 v1, v56;
	v1 =	vld [tilespmem:$0x1FE40];
	_ =	sdelay $0x4  }
0xd8: {  	v16 =	vmul.f32 v1, v56;
	v1 =	vld [tilespmem:$0x1FE50];
	_ =	sdelay $0x4  }
0xd9: {  	v62 =	vmul.f32 v1, v56;
	v1 =	vld [tilespmem:$0x1FE60];
	_ =	sdelay $0x4  }
0xda: {  	v30 =	vmul.f32 v1, v56;
	v1 =	vld [tilespmem:$0x1FE70];
	_ =	sdelay $0x1  }
0xdb: {  	v58 =	vsub.f32 $1.000000000e+00, v57;
	_ =	sdelay $0x1  }
0xdc: {  	v10 =	vmul.f32 v57, v6;
	v12 =	vmul.f32 v58, v35;
	v60 =	vsub.f32 $1.000000000e+00, v59  }
0xdd: {  	v61 =	vsub.f32 $1.000000000e+00, v16;
	v31 =	vmul.f32 v16, v6;
	v16 =	vmul.f32 v1, v56;
	v1 =	vld [tilespmem:$0x1FE80]  }
0xde: {  	vm3 =	veq.s32 v2, v21;
	v10 =	vadd.f32 v12, v10  }
0xdf: {  	vm4 =	veq.s32 v2, v23;
	v14 =	vmul.f32 v59, v6;
	v63 =	vmul.f32 v60, v35  }
0xe0: {  	vm12 =	vlt.s32 v2, v23;
	v10 =	vsel vm3, v6, v10;
	vm3 =	vlt.s32 v2, v21  }
0xe1: {  	vm13 =	veq.s32 v2, v26;
	v10 =	vsel vm3, $0x7F800000, v10;
	v12 =	vadd.f32 v63, v14  }
0xe2: {  	vm3 =	veq.s32 v2, v22;
	v9 =	vmul.f32 v61, v35;
	v34 =	vmul.f32 v1, v56;
	v1 =	vld [tilespmem:$0x1FE90]  }
0xe3: {  	v12 =	vsel vm3, v6, v12;
	vm3 =	vlt.s32 v2, v22;
	v11 =	vsub.f32 $1.000000000e+00, v62  }
0xe4: {  	vm14 =	vlt.s32 v2, v26;
	v12 =	vsel vm3, $0x7F800000, v12;
	v14 =	vadd.f32 v9, v31  }
0xe5: {  	v38 =	vmul.f32 v62, v6;
	v37 =	vmul.f32 v11, v35;
	v33 =	vsub.f32 $1.000000000e+00, v16  }
0xe6: {  	vm3 =	veq.s32 v2, v24;
	v14 =	vsel vm4, v6, v14;
	v16 =	vmul.f32 v16, v6  }
0xe7: {  	v37 =	vadd.f32 v37, v38;
	v36 =	vmul.f32 v33, v35;
	v47 =	vmul.f32 v1, v56;
	v1 =	vld [tilespmem:$0x1FEA0]  }
0xe8: {  	v55 =	vsel vm12, $0x7F800000, v14;
	v32 =	vsub.f32 $1.000000000e+00, v30;
	v39 =	vmul.f32 v30, v6  }
0xe9: {  	v54 =	vsel vm3, v6, v37;
	v16 =	vadd.f32 v36, v16;
	v46 =	vsub.f32 $1.000000000e+00, v34  }
0xea: {  	vm3 =	vlt.s32 v2, v24;
	v45 =	vmul.f32 v32, v35;
	v49 =	vmul.f32 v34, v6  }
0xeb: {  	v59 =	vsel vm13, v6, v16;
	v48 =	vmul.f32 v46, v35;
	v50 =	vsub.f32 $1.000000000e+00, v47  }
0xec: {  	v38 =	vadd.f32 v45, v39;
	v61 =	vsel vm14, $0x7F800000, v59;
	v8 =	vmul.f32 v1, v56  }
0xed: {  	v39 =	vadd.f32 v48, v49;
	v53 =	vmul.f32 v47, v6;
	v52 =	vmul.f32 v50, v35  }
0xee: {  	[tilespmem:$0x2680] =	vst v10;
	v56 =	vsel vm3, $0x7F800000, v54;
	vm3 =	veq.s32 v2, v25;
	v51 =	vsub.f32 $1.000000000e+00, v8  }
0xef: {  	[tilespmem:$0x2690] =	vst v12;
	v57 =	vsel vm3, v6, v38;
	vm3 =	vlt.s32 v2, v25;
	v8 =	vmul.f32 v8, v6  }
0xf0: {  	[tilespmem:$0x26A0] =	vst v55;
	v58 =	vsel vm3, $0x7F800000, v57;
	vm3 =	veq.s32 v2, v27;
	v36 =	vmul.f32 v51, v35  }
0xf1: {  	[tilespmem:$0x26D0] =	vst v61;
	v40 =	vadd.f32 v52, v53;
	v60 =	vsel vm3, v6, v39;
	vm3 =	vlt.s32 v2, v27  }
0xf2: {  	[tilespmem:$0x26B0] =	vst v56;
	v62 =	vsel vm3, $0x7F800000, v60;
	vm3 =	veq.s32 v2, v28;
	v8 =	vadd.f32 v36, v8  }
0xf3: {  	vm15 =	veq.s32 v2, v29;
	[tilespmem:$0x26C0] =	vst v58;
	v63 =	vsel vm3, v6, v40;
	vm3 =	vlt.s32 v2, v28  }
0xf4: {  	[tilespmem:$0x26E0] =	vst v62;
	v10 =	vsel vm3, $0x7F800000, v63;
	vm3 =	vlt.s32 v2, v29;
	v6 =	vsel vm15, v6, v8  }
0xf5: {  	[tilespmem:$0x26F0] =	vst v10;
	v6 =	vsel vm3, $0x7F800000, v6  }
0xf6: {  	s0 =	simm.s32 $0x40;
	s1 =	simm.s32 $0x0;
	[tilespmem:$0x2700] =	vst v6  }
.LBB2_4:
0xf7: {  	p1 =	seq.s32 s0, $0x1FC0;
	[tilespmem:s1+$0x1C80] =	vst v18;
	s1 =	smov.u32 s0;
	s0 =	sadd.s32 $0x40, s0  }
.Ltmp1:
0xf8: {  	(pc) =	sbr.rel @!p1 .LBB2_4-.Ltmp1, $2  }
0xf9: {  	_ =	sdelay $0x2  }
0xfa: {  	s1 =	sshra.s32 s1, $0x2  }
0xfb: {  	(erf) = vrcp.f32 v0;
	_ =	sdelay $0x8  }
0xfc: {  	v0 =	vpop (erf)  }
0xfd: {  	[tilespmem:s1+$0x1C80] =	vst v18;
	v36 =	vadd.s32 $0xFFFFFFFF, v2;
	s0 =	simm.s32 $0x0;
	s1 =	smov.u32 s14;
	v37 =	vmul.f32 v4, v0  }
.LBB2_6:
0xfe: {  	s2 =	sshra.s32 s0, $0x2  }
0xff: {  	v0 =	vld [tilespmem:s2+$0x0];
	_ =	sdelay $0x4  }
0x100: {  	v2 =	vsub.f32 v0, v35;
	_ =	sdelay $0x1  }
0x101: {  	v2 =	vmul.f32 v2, v37;
	_ =	sdelay $0x1  }
0x102: {  	v2 =	vtrunc.f32 v2  }
0x103: {  	v2 =	vcvt.f32.s32 v2;
	_ =	sdelay $0x1  }
0x104: {  	vm3 =	vgt.s32 v2, $0x0  }
0x105: {  	v2 =	vnsel vm3, $0x0, v2  }
0x106: {  	vm3 =	vlt.s32 v36, v2  }
0x107: {  	v2 =	vsel vm3, v36, v2  }
0x108: {  	v4 =	vadd.s32 $0x1, v2;
	_ =	sdelay $0x3  }
0x109: {  	v6 =	vld.idx.msk [tilespmem:v2+s20+$0x0], $0xffff  }
0x10a: {  	v4 =	vld.idx.msk [tilespmem:v4+s20+$0x0], $0xffff;
	_ =	sdelay $0x4  }
0x10b: {  	vm3 =	vgt.f32 v6, v0;
	vm4 =	vle.f32 v4, v0  }
0x10c: {  	v0 =	vsel vm3, $0xFFFFFFFF, v19;
	v4 =	vsel vm4, $0x1, v19  }
0x10d: {  	v0 =	vadd.s32 v0, v4  }
0x10e: {  	v0 =	vadd.s32 v2, v0  }
0x10f: {  	s3 =	sadd.s32 $0xFFFFFFF0, s1;
	vm3 =	vlt.s32 v0, v36  }
0x110: {  	p1 =	slt.u32 s3, $0x186A0;
	vm4 =	vmmov vm0;
	vm5 =	vlt.s32 v0, $0x0;
	v0 =	vsel vm3, v0, v36  }
0x111: {  	vm4 =	vmneg @p1 vm4;
	v0 =	vsel vm5, v36, v0  }
0x112: {  	v0 =	vadd.s32 v20, v0;
	_ =	sdelay $0x4  }
0x113: {  	[tilespmem:v0+s21+$0x0] =	vst.idx.add.f32.msk vm4, v3  }
0x114: {  	v0 =	vld [tilespmem:s2+$0x10];
	_ =	sdelay $0x4  }
0x115: {  	v2 =	vsub.f32 v0, v35;
	_ =	sdelay $0x1  }
0x116: {  	v2 =	vmul.f32 v2, v37;
	_ =	sdelay $0x1  }
0x117: {  	v2 =	vtrunc.f32 v2  }
0x118: {  	v2 =	vcvt.f32.s32 v2;
	_ =	sdelay $0x1  }
0x119: {  	vm3 =	vgt.s32 v2, $0x0  }
0x11a: {  	v2 =	vnsel vm3, $0x0, v2  }
0x11b: {  	vm3 =	vlt.s32 v36, v2  }
0x11c: {  	v2 =	vsel vm3, v36, v2  }
0x11d: {  	v4 =	vadd.s32 $0x1, v2;
	_ =	sdelay $0x3  }
0x11e: {  	v63 =	vld.idx.msk [tilespmem:v2+s20+$0x0], $0xffff  }
0x11f: {  	v4 =	vld.idx.msk [tilespmem:v4+s20+$0x0], $0xffff;
	_ =	sdelay $0x4  }
0x120: {  	vm3 =	vgt.f32 v63, v0;
	vm14 =	vle.f32 v4, v0  }
0x121: {  	v0 =	vsel vm3, $0xFFFFFFFF, v19;
	v4 =	vsel vm14, $0x1, v19  }
0x122: {  	v0 =	vadd.s32 v0, v4  }
0x123: {  	v0 =	vadd.s32 v2, v0  }
0x124: {  	vm3 =	vlt.s32 v0, v36  }
0x125: {  	p1 =	slt.u32 s1, $0x186A0;
	vm4 =	vmmov vm0;
	vm15 =	vlt.s32 v0, $0x0;
	v0 =	vsel vm3, v0, v36  }
0x126: {  	vm4 =	vmneg @p1 vm4;
	v0 =	vsel vm15, v36, v0  }
0x127: {  	p1 =	sne.s32 s0, $0x6100;
	v0 =	vadd.s32 v20, v0  }
.Ltmp2:
0x128: {  	_ = 	snop;
	(pc) =	sbr.rel @p1 .LBB2_6-.Ltmp2, $2  }
0x129: {  	_ =	sdelay $0x2  }
0x12a: {  	s1 =	sadd.s32 $0x20, s1;
	s0 =	sadd.s32 $0x80, s0;
	[tilespmem:v0+s21+$0x0] =	vst.idx.add.f32.msk vm4, v3  }
0x12b: {  	v0 =	vld [tilespmem:$0x1860];
	_ =	sdelay $0x4  }
0x12c: {  	v2 =	vsub.f32 v0, v35;
	_ =	sdelay $0x1  }
0x12d: {  	v2 =	vmul.f32 v2, v37;
	_ =	sdelay $0x1  }
0x12e: {  	v2 =	vtrunc.f32 v2  }
0x12f: {  	v2 =	vcvt.f32.s32 v2;
	_ =	sdelay $0x1  }
0x130: {  	vm3 =	vgt.s32 v2, $0x0  }
0x131: {  	v2 =	vnsel vm3, $0x0, v2  }
0x132: {  	vm3 =	vlt.s32 v36, v2  }
0x133: {  	v2 =	vsel vm3, v36, v2  }
0x134: {  	v4 =	vadd.s32 $0x1, v2;
	_ =	sdelay $0x3  }
0x135: {  	v6 =	vld.idx.msk [tilespmem:v2+s20+$0x0], $0xffff  }
0x136: {  	v4 =	vld.idx.msk [tilespmem:v4+s20+$0x0], $0xffff;
	_ =	sdelay $0x4  }
0x137: {  	vm3 =	vgt.f32 v6, v0;
	vm4 =	vle.f32 v4, v0  }
0x138: {  	v0 =	vsel vm3, $0xFFFFFFFF, v19;
	v4 =	vsel vm4, $0x1, v19  }
0x139: {  	v0 =	vadd.s32 v0, v4  }
0x13a: {  	v0 =	vadd.s32 v2, v0  }
0x13b: {  	vm3 =	vlt.s32 v0, v36  }
0x13c: {  	vm4 =	vlt.s32 v0, $0x0;
	v0 =	vsel vm3, v0, v36  }
0x13d: {  	v0 =	vsel vm4, v36, v0  }
0x13e: {  	v0 =	vadd.s32 v20, v0;
	_ =	sdelay $0x4  }
0x13f: {  	[tilespmem:v0+s21+$0x0] =	vst.idx.add.f32.msk vm1, v3  }
0x140: {  	v0 =	vld [tilespmem:$0x1C80]  }
0x141: {  	v2 =	vld [tilespmem:$0x1D00]  }
0x142: {  	v4 =	vld [tilespmem:$0x1D80]  }
0x143: {  	v8 =	vld [tilespmem:$0x1E00]  }
0x144: {  	v10 =	vld [tilespmem:$0x1E80]  }
0x145: {  	v12 =	vld [tilespmem:$0x1F00]  }
0x146: {  	v16 =	vld [tilespmem:$0x1F80]  }
0x147: {  	v43 =	vld [tilespmem:$0x2000]  }
0x148: {  	v47 =	vld [tilespmem:$0x2080]  }
0x149: {  	v60 =	vld [tilespmem:$0x2100]  }
0x14a: {  	v1 =	vld [tilespmem:$0x2180]  }
0x14b: {  	v38 =	vld [tilespmem:$0x1C90]  }
0x14c: {  	v40 =	vld [tilespmem:$0x1D10]  }
0x14d: {  	v41 =	vld [tilespmem:$0x1D90]  }
0x14e: {  	v49 =	vld [tilespmem:$0x1E10]  }
0x14f: {  	v50 =	vld [tilespmem:$0x1E90]  }
0x150: {  	v51 =	vld [tilespmem:$0x1F10]  }
0x151: {  	v52 =	vld [tilespmem:$0x1F90]  }
0x152: {  	v53 =	vld [tilespmem:$0x2010]  }
0x153: {  	v54 =	vld [tilespmem:$0x2090]  }
0x154: {  	v33 =	vld [tilespmem:$0x2110]  }
0x155: {  	v56 =	vld [tilespmem:$0x2190]  }
0x156: {  	v59 =	vld [tilespmem:$0x2210]  }
0x157: {  	v42 =	vld [tilespmem:$0x1CA0]  }
0x158: {  	v62 =	vld [tilespmem:$0x1D20]  }
0x159: {  	v63 =	vld [tilespmem:$0x1DA0]  }
0x15a: {  	v22 =	vld [tilespmem:$0x1E20]  }
0x15b: {  	v23 =	vld [tilespmem:$0x1EA0]  }
0x15c: {  	v24 =	vld [tilespmem:$0x1F20]  }
0x15d: {  	v25 =	vld [tilespmem:$0x1FA0]  }
0x15e: {  	v26 =	vld [tilespmem:$0x2020]  }
0x15f: {  	v27 =	vld [tilespmem:$0x20A0]  }
0x160: {  	v28 =	vld [tilespmem:$0x2120]  }
0x161: {  	v29 =	vld [tilespmem:$0x21A0]  }
0x162: {  	v30 =	vld [tilespmem:$0x2220]  }
0x163: {  	v44 =	vld [tilespmem:$0x22A0]  }
0x164: {  	v57 =	vld [tilespmem:$0x2320]  }
0x165: {  	v61 =	vld [tilespmem:$0x23A0]  }
0x166: {  	v3 =	vld [tilespmem:$0x1CB0]  }
0x167: {  	v5 =	vld [tilespmem:$0x1D30]  }
0x168: {  	v7 =	vld [tilespmem:$0x1DB0]  }
0x169: {  	v9 =	vld [tilespmem:$0x1E30]  }
0x16a: {  	v11 =	vld [tilespmem:$0x1EB0]  }
0x16b: {  	[tilespmem:$0x1FC60] =	vst v1;
	v1 =	vld [tilespmem:$0x2200]  }
0x16c: {  	v13 =	vld [tilespmem:$0x1F30]  }
0x16d: {  	v15 =	vld [tilespmem:$0x1FB0]  }
0x16e: {  	v17 =	vld [tilespmem:$0x2030]  }
0x16f: {  	v48 =	vld [tilespmem:$0x2130]  }
0x170: {  	[tilespmem:$0x1FC70] =	vst v1;
	v1 =	vld [tilespmem:$0x2280]  }
0x171: {  	v6 =	vld [tilespmem:$0x21B0]  }
0x172: {  	v34 =	vld [tilespmem:$0x2230]  }
0x173: {  	v21 =	vld [tilespmem:$0x22B0]  }
0x174: {  	v14 =	vld [tilespmem:$0x2330]  }
0x175: {  	[tilespmem:$0x1FC80] =	vst v1;
	v1 =	vld [tilespmem:$0x2300]  }
0x176: {  	v31 =	vld [tilespmem:$0x23B0]  }
0x177: {  	v45 =	vld [tilespmem:$0x2430]  }
0x178: {  	v39 =	vld [tilespmem:$0x1CC0]  }
0x179: {  	v55 =	vld [tilespmem:$0x1EC0]  }
0x17a: {  	[tilespmem:$0x1FCA0] =	vst v1;
	v1 =	vld [tilespmem:$0x2380]  }
0x17b: {  	v32 =	vld [tilespmem:$0x1D40]  }
0x17c: {  	v46 =	vld [tilespmem:$0x1DC0]  }
0x17d: {  	v58 =	vld [tilespmem:$0x1E40]  }
0x17e: {  	[tilespmem:$0x1FD10] =	vst v55;
	v55 =	vld [tilespmem:$0x1F40]  }
0x17f: {  	[tilespmem:$0x1FCC0] =	vst v1;
	v1 =	vld [tilespmem:$0x2400]  }
0x180: {  	v0 =	vadd.f32 v2, v0;
	v2 =	vld [tilespmem:$0x2040]  }
0x181: {  	v38 =	vadd.f32 v40, v38;
	v40 =	vld [tilespmem:$0x20C0]  }
0x182: {  	v3 =	vadd.f32 v5, v3;
	v5 =	vld [tilespmem:$0x2240]  }
0x183: {  	v0 =	vadd.f32 v4, v0;
	v4 =	vadd.f32 v62, v42;
	v42 =	vld [tilespmem:$0x2140]  }
0x184: {  	[tilespmem:$0x1FCE0] =	vst v1;
	v1 =	vld [tilespmem:$0x2290]  }
0x185: {  	v38 =	vadd.f32 v41, v38;
	v41 =	vld [tilespmem:$0x21C0];
	v3 =	vadd.f32 v7, v3  }
0x186: {  	v62 =	vld [tilespmem:$0x1D70]  }
0x187: {  	v9 =	vadd.f32 v9, v3;
	v3 =	vld [tilespmem:$0x23C0]  }
0x188: {  	v4 =	vadd.f32 v63, v4;
	[tilespmem:$0x1FD20] =	vst v55;
	v55 =	vld [tilespmem:$0x1FC0]  }
0x189: {  	v0 =	vadd.f32 v8, v0;
	[tilespmem:$0x1FC90] =	vst v1;
	v1 =	vld [tilespmem:$0x2310]  }
0x18a: {  	v7 =	vadd.f32 v22, v4;
	v4 =	vld [tilespmem:$0x2340]  }
0x18b: {  	v0 =	vadd.f32 v10, v0;
	v9 =	vadd.f32 v11, v9;
	v11 =	vld [tilespmem:$0x1CD0]  }
0x18c: {  	v22 =	vld [tilespmem:$0x1F50]  }
0x18d: {  	v10 =	vadd.f32 v12, v0;
	v0 =	vld [tilespmem:$0x2440]  }
0x18e: {  	[tilespmem:$0x1FCB0] =	vst v1;
	v1 =	vld [tilespmem:$0x2390]  }
0x18f: {  	v12 =	vld [tilespmem:$0x1D50]  }
0x190: {  	v9 =	vadd.f32 v13, v9;
	v13 =	vld [tilespmem:$0x1DD0]  }
0x191: {  	v7 =	vadd.f32 v23, v7;
	v23 =	vld [tilespmem:$0x2050]  }
0x192: {  	v8 =	vadd.f32 v49, v38;
	[tilespmem:$0x1FD30] =	vst v55;
	v55 =	vld [tilespmem:$0x22C0]  }
0x193: {  	[tilespmem:$0x1FCD0] =	vst v1;
	v1 =	vld [tilespmem:$0x2410]  }
0x194: {  	v8 =	vadd.f32 v50, v8;
	v10 =	vadd.f32 v16, v10;
	v16 =	vld [tilespmem:$0x1E50]  }
0x195: {  	v7 =	vadd.f32 v24, v7;
	v9 =	vadd.f32 v15, v9;
	v15 =	vld [tilespmem:$0x1ED0]  }
0x196: {  	v8 =	vadd.f32 v51, v8;
	v24 =	vld [tilespmem:$0x1FC60]  }
0x197: {  	v7 =	vadd.f32 v25, v7;
	v9 =	vadd.f32 v17, v9;
	v17 =	vld [tilespmem:$0x1FD0]  }
0x198: {  	v8 =	vadd.f32 v52, v8;
	[tilespmem:$0x1FCF0] =	vst v1;
	v1 =	vld [tilespmem:$0x2420]  }
0x199: {  	v25 =	vld [tilespmem:$0x21D0];
	v7 =	vadd.f32 v26, v7  }
0x19a: {  	v8 =	vadd.f32 v53, v8;
	v11 =	vadd.f32 v12, v11;
	v12 =	vld [tilespmem:$0x1E60]  }
0x19b: {  	v10 =	vadd.f32 v43, v10;
	v26 =	vld [tilespmem:$0x1FC70];
	v7 =	vadd.f32 v27, v7  }
0x19c: {  	v8 =	vadd.f32 v54, v8;
	v11 =	vadd.f32 v13, v11;
	v13 =	vld [tilespmem:$0x1EE0]  }
0x19d: {  	v10 =	vadd.f32 v47, v10;
	v7 =	vadd.f32 v28, v7;
	[tilespmem:$0x1FD00] =	vst v1;
	v1 =	vld [tilespmem:$0x20B0]  }
0x19e: {  	v8 =	vadd.f32 v33, v8;
	v27 =	vld [tilespmem:$0x1FC80]  }
0x19f: {  	v10 =	vadd.f32 v60, v10;
	v7 =	vadd.f32 v29, v7;
	v28 =	vld [tilespmem:$0x1FC90]  }
0x1a0: {  	v11 =	vadd.f32 v16, v11;
	v16 =	vld [tilespmem:$0x1F60];
	v8 =	vadd.f32 v56, v8  }
0x1a1: {  	v10 =	vadd.f32 v24, v10;
	v7 =	vadd.f32 v30, v7;
	v30 =	vld [tilespmem:$0x1FCB0]  }
0x1a2: {  	v24 =	vld [tilespmem:$0x2150];
	v8 =	vadd.f32 v59, v8;
	v1 =	vadd.f32 v1, v9  }
0x1a3: {  	v11 =	vadd.f32 v15, v11;
	v15 =	vld [tilespmem:$0x1FE0]  }
0x1a4: {  	v29 =	vld [tilespmem:$0x1FCA0];
	v8 =	vadd.f32 v28, v8;
	v1 =	vadd.f32 v48, v1  }
0x1a5: {  	v10 =	vadd.f32 v26, v10;
	v26 =	vld [tilespmem:$0x2250]  }
0x1a6: {  	v8 =	vadd.f32 v30, v8;
	v30 =	vld [tilespmem:$0x1FCC0];
	v1 =	vadd.f32 v6, v1  }
0x1a7: {  	v11 =	vadd.f32 v22, v11;
	v22 =	vld [tilespmem:$0x2060];
	v10 =	vadd.f32 v27, v10  }
0x1a8: {  	v27 =	vld [tilespmem:$0x2350];
	v1 =	vadd.f32 v34, v1  }
0x1a9: {  	v11 =	vadd.f32 v17, v11;
	v17 =	vld [tilespmem:$0x20E0];
	v10 =	vadd.f32 v29, v10  }
0x1aa: {  	v7 =	vadd.f32 v44, v7;
	v44 =	vld [tilespmem:$0x1DF0];
	v1 =	vadd.f32 v21, v1  }
0x1ab: {  	v10 =	vadd.f32 v30, v10;
	v30 =	vld [tilespmem:$0x1D60]  }
0x1ac: {  	v21 =	vld [tilespmem:$0x1CE0];
	v1 =	vadd.f32 v14, v1  }
0x1ad: {  	v14 =	vld [tilespmem:$0x1CF0]  }
0x1ae: {  	v1 =	vadd.f32 v31, v1;
	v31 =	vld [tilespmem:$0x1DE0]  }
0x1af: {  	v29 =	vld [tilespmem:$0x2450]  }
0x1b0: {  	v60 =	vld [tilespmem:$0x1FCE0]  }
0x1b1: {  	v21 =	vadd.f32 v30, v21;
	v30 =	vld [tilespmem:$0x1E70]  }
0x1b2: {  	v28 =	vld [tilespmem:$0x23D0];
	v14 =	vadd.f32 v62, v14  }
0x1b3: {  	v32 =	vadd.f32 v32, v39;
	v21 =	vadd.f32 v31, v21;
	v31 =	vld [tilespmem:$0x1EF0]  }
0x1b4: {  	v1 =	vadd.f32 v45, v1;
	v45 =	vld [tilespmem:$0x1FD10];
	v14 =	vadd.f32 v44, v14  }
0x1b5: {  	v32 =	vadd.f32 v46, v32;
	v59 =	vld [tilespmem:$0x1FCD0]  }
0x1b6: {  	v14 =	vadd.f32 v30, v14;
	v30 =	vld [tilespmem:$0x1FD20]  }
0x1b7: {  	v32 =	vadd.f32 v58, v32;
	v63 =	vld [tilespmem:$0x1FCF0]  }
0x1b8: {  	v7 =	vadd.f32 v57, v7;
	v14 =	vadd.f32 v31, v14;
	v31 =	vld [tilespmem:$0x1FD30]  }
0x1b9: {  	v32 =	vadd.f32 v45, v32;
	v12 =	vadd.f32 v12, v21;
	v21 =	vld [tilespmem:$0x1F70]  }
0x1ba: {  	v11 =	vadd.f32 v23, v11;
	v7 =	vadd.f32 v61, v7;
	v43 =	vld [tilespmem:$0x1FD00]  }
0x1bb: {  	v12 =	vadd.f32 v13, v12;
	v13 =	vld [tilespmem:$0x1FF0];
	v30 =	vadd.f32 v30, v32  }
0x1bc: {  	v8 =	vadd.f32 v59, v8;
	v10 =	vadd.f32 v60, v10;
	v9 =	vld [tilespmem:$0x20D0]  }
0x1bd: {  	v12 =	vadd.f32 v16, v12;
	v16 =	vld [tilespmem:$0x2070];
	v30 =	vadd.f32 v31, v30  }
0x1be: {  	v8 =	vadd.f32 v63, v8;
	v6 =	vld [tilespmem:$0x22D0];
	v14 =	vadd.f32 v21, v14  }
0x1bf: {  	v12 =	vadd.f32 v15, v12;
	v15 =	vld [tilespmem:$0x20F0];
	v2 =	vadd.f32 v2, v30  }
0x1c0: {  	v7 =	vadd.f32 v43, v7;
	v21 =	vld [tilespmem:$0x2160];
	v13 =	vadd.f32 v13, v14  }
0x1c1: {  	v14 =	vld [tilespmem:$0x2170];
	v12 =	vadd.f32 v22, v12;
	v2 =	vadd.f32 v40, v2  }
0x1c2: {  	v9 =	vadd.f32 v9, v11;
	v11 =	vld [tilespmem:$0x21E0];
	v13 =	vadd.f32 v16, v13  }
0x1c3: {  	v16 =	vld [tilespmem:$0x21F0];
	v12 =	vadd.f32 v17, v12;
	v2 =	vadd.f32 v42, v2  }
0x1c4: {  	v9 =	vadd.f32 v24, v9;
	v17 =	vld [tilespmem:$0x2260];
	v13 =	vadd.f32 v15, v13  }
0x1c5: {  	v15 =	vld [tilespmem:$0x2270];
	v12 =	vadd.f32 v21, v12;
	v2 =	vadd.f32 v41, v2  }
0x1c6: {  	v9 =	vadd.f32 v25, v9;
	v21 =	vld [tilespmem:$0x22E0];
	v13 =	vadd.f32 v14, v13  }
0x1c7: {  	v2 =	vadd.f32 v5, v2;
	v5 =	vadd.f32 v11, v12;
	v11 =	vld [tilespmem:$0x22F0]  }
0x1c8: {  	v9 =	vadd.f32 v26, v9;
	v13 =	vadd.f32 v16, v13;
	v12 =	vld [tilespmem:$0x2360]  }
0x1c9: {  	v14 =	vld [tilespmem:$0x2370];
	v2 =	vadd.f32 v55, v2;
	v5 =	vadd.f32 v17, v5  }
0x1ca: {  	v6 =	vadd.f32 v6, v9;
	v9 =	vld [tilespmem:$0x23E0];
	v13 =	vadd.f32 v15, v13  }
0x1cb: {  	v2 =	vadd.f32 v4, v2;
	v4 =	vadd.f32 v21, v5;
	v5 =	vld [tilespmem:$0x23F0]  }
0x1cc: {  	v6 =	vadd.f32 v27, v6;
	v15 =	vld [tilespmem:$0x2460];
	v11 =	vadd.f32 v11, v13  }
0x1cd: {  	[tilespmem:$0x2480] =	vst v10;
	v2 =	vadd.f32 v3, v2;
	v3 =	vadd.f32 v12, v4;
	v4 =	vld [tilespmem:$0x2470]  }
0x1ce: {  	[tilespmem:$0x2490] =	vst v8;
	v6 =	vadd.f32 v28, v6;
	v8 =	vadd.f32 v14, v11  }
0x1cf: {  	[tilespmem:$0x24A0] =	vst v7;
	v0 =	vadd.f32 v0, v2;
	v2 =	vadd.f32 v9, v3  }
0x1d0: {  	[tilespmem:$0x24B0] =	vst v1;
	v1 =	vadd.f32 v29, v6;
	v3 =	vadd.f32 v5, v8  }
0x1d1: {  	[tilespmem:$0x24C0] =	vst v0;
	v0 =	vadd.f32 v15, v2  }
0x1d2: {  	[tilespmem:$0x24D0] =	vst v1;
	v1 =	vadd.f32 v4, v3  }
0x1d3: {  	[tilespmem:$0x24E0] =	vst v0  }
0x1d4: {  	s0 =	rddreg [dreg:$0xb];
	s1 =	simm.s32 $0x2480;
	[tilespmem:$0x24F0] =	vst v1  }
0x1d5: {  	[spmem:s0] =	stream.linear.scatter [tilespmem:s1], [sflag:$0x1], $0x80, $0x38;
	[tilespmem:$0x41A0] =	vst v63  }
0x1d6: {  	_ =	swait.ge [sflag:s15], $0x80  }
0x1d7: {  	[sflag:s15] =	ssyncset.done $0x0  }
0x1d8: {  	[sflag:s15] =	ssyncadd.s32 $0xFFFFFF80  }
0x1d9: {  	[bflag:$0x0] =	sbarrier.arrive $0xFFFF  }
0x1da: {  	s18 =	simm.s32 $0x3880;
	s17 =	rddreg [dreg:$0x6]  }
0x1db: {  	[tilespmem:s18], [sflag:$0x1] =	stream.linear.gather [spmem:s17], $0x800, $0x38;
	[tilespmem:$0x41A0] =	vst v63  }
0x1dc: {  	_ =	swait.ge [sflag:s15], $0x800  }
0x1dd: {  	[sflag:s15] =	ssyncset.done $0x0  }
0x1de: {  	[sflag:s15] =	ssyncadd.s32 $0xFFFFF800  }
0x1df: {  	v0 =	vld [tilespmem:$0x3880]  }
0x1e0: {  	v1 =	vld [tilespmem:$0x3900]  }
0x1e1: {  	v2 =	vld [tilespmem:$0x3980]  }
0x1e2: {  	v3 =	vld [tilespmem:$0x3A00]  }
0x1e3: {  	v5 =	vld [tilespmem:$0x3A80]  }
0x1e4: {  	v7 =	vld [tilespmem:$0x3B00]  }
0x1e5: {  	v9 =	vld [tilespmem:$0x3B80]  }
0x1e6: {  	v13 =	vld [tilespmem:$0x3C00]  }
0x1e7: {  	v30 =	vld [tilespmem:$0x3C80]  }
0x1e8: {  	v34 =	vld [tilespmem:$0x3D00]  }
0x1e9: {  	v4 =	vld [tilespmem:$0x3D80]  }
0x1ea: {  	v15 =	vld [tilespmem:$0x3890]  }
0x1eb: {  	v16 =	vld [tilespmem:$0x3910]  }
0x1ec: {  	v17 =	vld [tilespmem:$0x3990]  }
0x1ed: {  	v21 =	vld [tilespmem:$0x3A10]  }
0x1ee: {  	v22 =	vld [tilespmem:$0x3A90]  }
0x1ef: {  	v23 =	vld [tilespmem:$0x3B10]  }
0x1f0: {  	v24 =	vld [tilespmem:$0x3B90]  }
0x1f1: {  	v25 =	vld [tilespmem:$0x3C10]  }
0x1f2: {  	v26 =	vld [tilespmem:$0x3C90]  }
0x1f3: {  	v27 =	vld [tilespmem:$0x3D10]  }
0x1f4: {  	v29 =	vld [tilespmem:$0x3D90]  }
0x1f5: {  	v32 =	vld [tilespmem:$0x3E10]  }
0x1f6: {  	v39 =	vld [tilespmem:$0x38A0]  }
0x1f7: {  	v40 =	vld [tilespmem:$0x3920]  }
0x1f8: {  	v43 =	vld [tilespmem:$0x39A0]  }
0x1f9: {  	v44 =	vld [tilespmem:$0x3A20]  }
0x1fa: {  	v45 =	vld [tilespmem:$0x3AA0]  }
0x1fb: {  	v46 =	vld [tilespmem:$0x3B20]  }
0x1fc: {  	v47 =	vld [tilespmem:$0x3BA0]  }
0x1fd: {  	v48 =	vld [tilespmem:$0x3C20]  }
0x1fe: {  	v49 =	vld [tilespmem:$0x3CA0]  }
0x1ff: {  	v50 =	vld [tilespmem:$0x3D20]  }
0x200: {  	v51 =	vld [tilespmem:$0x3DA0]  }
0x201: {  	v52 =	vld [tilespmem:$0x3E20]  }
0x202: {  	v53 =	vld [tilespmem:$0x3EA0]  }
0x203: {  	v54 =	vld [tilespmem:$0x3F20]  }
0x204: {  	v38 =	vld [tilespmem:$0x3FA0]  }
0x205: {  	v41 =	vld [tilespmem:$0x38B0]  }
0x206: {  	v57 =	vld [tilespmem:$0x3930]  }
0x207: {  	v58 =	vld [tilespmem:$0x39B0]  }
0x208: {  	v59 =	vld [tilespmem:$0x3A30]  }
0x209: {  	v60 =	vld [tilespmem:$0x3AB0]  }
0x20a: {  	v61 =	vld [tilespmem:$0x3B30]  }
0x20b: {  	[tilespmem:$0x1FD40] =	vst v4;
	v4 =	vld [tilespmem:$0x3E00]  }
0x20c: {  	v62 =	vld [tilespmem:$0x3BB0]  }
0x20d: {  	v63 =	vld [tilespmem:$0x3C30]  }
0x20e: {  	v42 =	vld [tilespmem:$0x3CB0]  }
0x20f: {  	v33 =	vld [tilespmem:$0x3D30]  }
0x210: {  	[tilespmem:$0x1FD50] =	vst v4;
	v4 =	vld [tilespmem:$0x3E80]  }
0x211: {  	v55 =	vld [tilespmem:$0x3DB0]  }
0x212: {  	v6 =	vld [tilespmem:$0x3EB0]  }
0x213: {  	v8 =	vld [tilespmem:$0x3F30]  }
0x214: {  	v10 =	vld [tilespmem:$0x3FB0]  }
0x215: {  	[tilespmem:$0x1FD60] =	vst v4;
	v4 =	vld [tilespmem:$0x3F00]  }
0x216: {  	v14 =	vld [tilespmem:$0x4030]  }
0x217: {  	v12 =	vld [tilespmem:$0x38C0]  }
0x218: {  	v56 =	vld [tilespmem:$0x3AC0]  }
0x219: {  	v11 =	vld [tilespmem:$0x3940]  }
0x21a: {  	[tilespmem:$0x1FD80] =	vst v4;
	v4 =	vld [tilespmem:$0x3F80]  }
0x21b: {  	v28 =	vld [tilespmem:$0x39C0]  }
0x21c: {  	v31 =	vld [tilespmem:$0x3A40]  }
0x21d: {  	[tilespmem:$0x1FDF0] =	vst v56;
	v56 =	vld [tilespmem:$0x3B40]  }
0x21e: {  	v0 =	vadd.f32 v1, v0;
	v1 =	vld [tilespmem:$0x3C40]  }
0x21f: {  	[tilespmem:$0x1FDA0] =	vst v4;
	v4 =	vld [tilespmem:$0x4000]  }
0x220: {  	v16 =	vadd.f32 v16, v15;
	v15 =	vld [tilespmem:$0x3CC0]  }
0x221: {  	v39 =	vadd.f32 v40, v39;
	v40 =	vld [tilespmem:$0x3E40]  }
0x222: {  	v11 =	vadd.f32 v11, v12;
	v12 =	vld [tilespmem:$0x39F0]  }
0x223: {  	v2 =	vadd.f32 v2, v0;
	v0 =	vld [tilespmem:$0x3D40]  }
0x224: {  	[tilespmem:$0x1FDC0] =	vst v4;
	v4 =	vld [tilespmem:$0x3E90]  }
0x225: {  	v16 =	vadd.f32 v17, v16;
	v17 =	vadd.f32 v57, v41;
	v41 =	vld [tilespmem:$0x3DC0]  }
0x226: {  	v2 =	vadd.f32 v3, v2;
	v3 =	vadd.f32 v43, v39;
	v39 =	vld [tilespmem:$0x3EC0]  }
0x227: {  	v17 =	vadd.f32 v58, v17;
	v58 =	vld [tilespmem:$0x3960]  }
0x228: {  	[tilespmem:$0x1FE00] =	vst v56;
	v56 =	vld [tilespmem:$0x3BC0]  }
0x229: {  	[tilespmem:$0x1FD70] =	vst v4;
	v4 =	vld [tilespmem:$0x3F10]  }
0x22a: {  	v16 =	vadd.f32 v21, v16;
	v21 =	vadd.f32 v44, v3;
	v3 =	vld [tilespmem:$0x3F40]  }
0x22b: {  	v5 =	vadd.f32 v5, v2;
	v2 =	vld [tilespmem:$0x3FC0]  }
0x22c: {  	v16 =	vadd.f32 v22, v16;
	v22 =	vld [tilespmem:$0x38D0]  }
0x22d: {  	v7 =	vadd.f32 v7, v5;
	v5 =	vld [tilespmem:$0x4040]  }
0x22e: {  	v21 =	vadd.f32 v45, v21;
	[tilespmem:$0x1FD90] =	vst v4;
	v4 =	vld [tilespmem:$0x3F90]  }
0x22f: {  	v17 =	vadd.f32 v59, v17;
	v16 =	vadd.f32 v23, v16;
	v23 =	vld [tilespmem:$0x39D0]  }
0x230: {  	v7 =	vadd.f32 v9, v7;
	v9 =	vadd.f32 v46, v21;
	v21 =	vld [tilespmem:$0x3950]  }
0x231: {  	v16 =	vadd.f32 v24, v16;
	v24 =	vld [tilespmem:$0x3AD0]  }
0x232: {  	v17 =	vadd.f32 v60, v17;
	v46 =	vld [tilespmem:$0x1FD40]  }
0x233: {  	[tilespmem:$0x1FDB0] =	vst v4;
	v4 =	vld [tilespmem:$0x4010]  }
0x234: {  	v17 =	vadd.f32 v61, v17;
	v61 =	vld [tilespmem:$0x3970]  }
0x235: {  	v7 =	vadd.f32 v13, v7;
	v13 =	vld [tilespmem:$0x3A50]  }
0x236: {  	v16 =	vadd.f32 v25, v16;
	v25 =	vld [tilespmem:$0x3B50]  }
0x237: {  	v9 =	vadd.f32 v47, v9;
	v47 =	vld [tilespmem:$0x1FD50]  }
0x238: {  	v17 =	vadd.f32 v62, v17;
	[tilespmem:$0x1FDD0] =	vst v4;
	v4 =	vld [tilespmem:$0x4020]  }
0x239: {  	v16 =	vadd.f32 v26, v16;
	v26 =	vld [tilespmem:$0x3BD0]  }
0x23a: {  	v7 =	vadd.f32 v30, v7;
	v17 =	vadd.f32 v63, v17;
	v30 =	vld [tilespmem:$0x3C50]  }
0x23b: {  	v9 =	vadd.f32 v48, v9;
	v48 =	vld [tilespmem:$0x3ED0]  }
0x23c: {  	v16 =	vadd.f32 v27, v16;
	v17 =	vadd.f32 v42, v17;
	v27 =	vld [tilespmem:$0x3CD0]  }
0x23d: {  	[tilespmem:$0x1FDE0] =	vst v4;
	v4 =	vld [tilespmem:$0x3E30]  }
0x23e: {  	v7 =	vadd.f32 v34, v7;
	v34 =	vld [tilespmem:$0x3D50];
	v17 =	vadd.f32 v33, v17  }
0x23f: {  	v9 =	vadd.f32 v49, v9;
	v49 =	vld [tilespmem:$0x1FD60]  }
0x240: {  	v16 =	vadd.f32 v29, v16;
	v29 =	vld [tilespmem:$0x3DD0];
	v17 =	vadd.f32 v55, v17  }
0x241: {  	v9 =	vadd.f32 v50, v9;
	v33 =	vld [tilespmem:$0x3E50]  }
0x242: {  	v50 =	vld [tilespmem:$0x3F50];
	v4 =	vadd.f32 v4, v17  }
0x243: {  	v9 =	vadd.f32 v51, v9;
	v55 =	vld [tilespmem:$0x4050]  }
0x244: {  	v57 =	vld [tilespmem:$0x1FDA0];
	v4 =	vadd.f32 v6, v4  }
0x245: {  	v9 =	vadd.f32 v52, v9;
	v52 =	vld [tilespmem:$0x1FD80]  }
0x246: {  	v6 =	vld [tilespmem:$0x38E0];
	v4 =	vadd.f32 v8, v4  }
0x247: {  	v8 =	vld [tilespmem:$0x38F0]  }
0x248: {  	v4 =	vadd.f32 v10, v4;
	v10 =	vld [tilespmem:$0x39E0]  }
0x249: {  	v51 =	vld [tilespmem:$0x1FD70]  }
0x24a: {  	[tilespmem:$0x1FE10] =	vst v56;
	v56 =	vld [tilespmem:$0x1FD90];
	v4 =	vadd.f32 v14, v4;
	v14 =	vadd.f32 v21, v22  }
0x24b: {  	v11 =	vadd.f32 v28, v11;
	v6 =	vadd.f32 v58, v6;
	v22 =	vld [tilespmem:$0x3A70]  }
0x24c: {  	v21 =	vld [tilespmem:$0x3A60];
	v8 =	vadd.f32 v61, v8;
	v14 =	vadd.f32 v23, v14  }
0x24d: {  	v7 =	vadd.f32 v46, v7;
	v6 =	vadd.f32 v10, v6;
	v10 =	vld [tilespmem:$0x3AF0]  }
0x24e: {  	v8 =	vadd.f32 v12, v8;
	v13 =	vadd.f32 v13, v14;
	v14 =	vld [tilespmem:$0x1FDF0]  }
0x24f: {  	v11 =	vadd.f32 v31, v11;
	v23 =	vld [tilespmem:$0x3AE0]  }
0x250: {  	v7 =	vadd.f32 v47, v7;
	v8 =	vadd.f32 v22, v8;
	v22 =	vld [tilespmem:$0x1FE00]  }
0x251: {  	v16 =	vadd.f32 v32, v16;
	v12 =	vld [tilespmem:$0x3B60];
	v6 =	vadd.f32 v21, v6  }
0x252: {  	v13 =	vadd.f32 v24, v13;
	v8 =	vadd.f32 v10, v8;
	v10 =	vld [tilespmem:$0x1FE10]  }
0x253: {  	v9 =	vadd.f32 v53, v9;
	v11 =	vadd.f32 v14, v11;
	v14 =	vld [tilespmem:$0x3B70]  }
0x254: {  	v21 =	vld [tilespmem:$0x3BE0];
	v6 =	vadd.f32 v23, v6;
	v13 =	vadd.f32 v25, v13  }
0x255: {  	v9 =	vadd.f32 v54, v9;
	v11 =	vadd.f32 v22, v11;
	v22 =	vld [tilespmem:$0x3BF0]  }
0x256: {  	v23 =	vld [tilespmem:$0x3C60];
	v6 =	vadd.f32 v12, v6;
	v12 =	vadd.f32 v26, v13  }
0x257: {  	v9 =	vadd.f32 v38, v9;
	v10 =	vadd.f32 v10, v11;
	v11 =	vld [tilespmem:$0x3C70]  }
0x258: {  	v13 =	vld [tilespmem:$0x3CE0];
	v12 =	vadd.f32 v30, v12;
	v8 =	vadd.f32 v14, v8  }
0x259: {  	v6 =	vadd.f32 v21, v6;
	v1 =	vadd.f32 v1, v10;
	v10 =	vld [tilespmem:$0x3CF0]  }
0x25a: {  	v14 =	vld [tilespmem:$0x3D60];
	v12 =	vadd.f32 v27, v12;
	v8 =	vadd.f32 v22, v8  }
0x25b: {  	v6 =	vadd.f32 v23, v6;
	v1 =	vadd.f32 v15, v1;
	v15 =	vld [tilespmem:$0x3D70]  }
0x25c: {  	v21 =	vld [tilespmem:$0x3DE0];
	v8 =	vadd.f32 v11, v8;
	v11 =	vadd.f32 v34, v12  }
0x25d: {  	v0 =	vadd.f32 v0, v1;
	v1 =	vadd.f32 v13, v6;
	v6 =	vld [tilespmem:$0x3DF0]  }
0x25e: {  	v12 =	vld [tilespmem:$0x3E60];
	v8 =	vadd.f32 v10, v8;
	v11 =	vadd.f32 v29, v11  }
0x25f: {  	v10 =	vld [tilespmem:$0x3E70];
	v0 =	vadd.f32 v41, v0;
	v1 =	vadd.f32 v14, v1  }
0x260: {  	v13 =	vld [tilespmem:$0x3EE0];
	v8 =	vadd.f32 v15, v8;
	v11 =	vadd.f32 v33, v11  }
0x261: {  	v14 =	vld [tilespmem:$0x3EF0];
	v0 =	vadd.f32 v40, v0;
	v1 =	vadd.f32 v21, v1  }
0x262: {  	v38 =	vimm.f32 $0.0e+00;
	v15 =	vld [tilespmem:$0x3F60];
	v6 =	vadd.f32 v6, v8;
	v11 =	vadd.f32 v48, v11  }
0x263: {  	[tilespmem:$0x2500] =	vst v38;
	v8 =	vld [tilespmem:$0x3F70];
	v0 =	vadd.f32 v39, v0;
	v1 =	vadd.f32 v12, v1  }
0x264: {  	[tilespmem:$0x2510] =	vst v38;
	v12 =	vld [tilespmem:$0x3FE0];
	v6 =	vadd.f32 v10, v6;
	v10 =	vadd.f32 v50, v11  }
0x265: {  	[tilespmem:$0x2520] =	vst v38;
	v11 =	vld [tilespmem:$0x4060];
	v0 =	vadd.f32 v3, v0;
	v1 =	vadd.f32 v13, v1  }
0x266: {  	v7 =	vadd.f32 v49, v7;
	[tilespmem:$0x2530] =	vst v38;
	v3 =	vld [tilespmem:$0x3FF0];
	v6 =	vadd.f32 v14, v6  }
0x267: {  	[tilespmem:$0x2540] =	vst v38;
	v59 =	vld [tilespmem:$0x1FDB0];
	v0 =	vadd.f32 v2, v0;
	v1 =	vadd.f32 v15, v1  }
0x268: {  	[tilespmem:$0x2550] =	vst v38;
	v16 =	vadd.f32 v51, v16;
	v2 =	vld [tilespmem:$0x4070];
	v6 =	vadd.f32 v8, v6  }
0x269: {  	v60 =	vld [tilespmem:$0x1FDC0];
	[tilespmem:$0x2560] =	vst v38;
	v0 =	vadd.f32 v5, v0;
	v1 =	vadd.f32 v12, v1  }
0x26a: {  	v7 =	vadd.f32 v52, v7;
	[tilespmem:$0x2570] =	vst v38;
	v16 =	vadd.f32 v56, v16;
	v62 =	vld [tilespmem:$0x1FDD0]  }
0x26b: {  	v17 =	vld [tilespmem:$0x3FD0];
	v3 =	vadd.f32 v3, v6;
	[tilespmem:$0x2550] =	vst v0;
	v0 =	vadd.f32 v11, v1  }
0x26c: {  	v7 =	vadd.f32 v57, v7;
	[tilespmem:$0x2580] =	vst v38;
	v63 =	vld [tilespmem:$0x1FDE0]  }
0x26d: {  	v16 =	vadd.f32 v59, v16;
	v1 =	vadd.f32 v2, v3;
	[tilespmem:$0x2570] =	vst v0;
	v0 =	vld [tilespmem:$0x1FEB0]  }
0x26e: {  	[tilespmem:$0x2590] =	vst v38;
	v7 =	vadd.f32 v60, v7  }
0x26f: {  	v16 =	vadd.f32 v62, v16;
	[tilespmem:$0x2580] =	vst v1;
	v1 =	vld [tilespmem:$0x1FEC0]  }
0x270: {  	[tilespmem:$0x2510] =	vst v7;
	v7 =	vadd.f32 v17, v10  }
0x271: {  	[tilespmem:$0x2520] =	vst v16;
	v9 =	vadd.f32 v63, v9;
	v2 =	vld [tilespmem:$0x1FED0]  }
0x272: {  	[tilespmem:$0x2540] =	vst v4;
	v4 =	vadd.f32 v55, v7  }
0x273: {  	[tilespmem:$0x2530] =	vst v9;
	v3 =	vld [tilespmem:$0x1FEE0]  }
0x274: {  	v22 =	vld [tilespmem:$0x1FF80];
	[tilespmem:$0x2560] =	vst v4  }
0x275: {  	v0 =	vld.idx.msk [tilespmem:v0+s24+$0x0], $0xffff  }
0x276: {  	v4 =	vld [tilespmem:$0x1FEF0]  }
0x277: {  	v1 =	vld.idx.msk [tilespmem:v1+s24+$0x0], $0xffff;
	_ =	sdelay $0x1  }
0x278: {  	v2 =	vld.idx.msk [tilespmem:v2+s24+$0x0], $0xffff  }
0x279: {  	v0 =	vmul.f32 $3.354626240e-04, v0  }
0x27a: {  	v3 =	vld.idx.msk [tilespmem:v3+s24+$0x0], $0xffff  }
0x27b: {  	v1 =	vmul.f32 $1.110899630e-02, v1;
	v0 =	vadd.f32 $0.0e+00, v0;
	_ =	sdelay $0x1  }
0x27c: {  	v4 =	vld.idx.msk [tilespmem:v4+s24+$0x0], $0xffff;
	v0 =	vadd.f32 v1, v0;
	v1 =	vmul.f32 $1.353352810e-01, v2  }
0x27d: {  	v2 =	vld.idx.msk [tilespmem:v22+s24+$0x0], $0xffff  }
0x27e: {  	v0 =	vadd.f32 v1, v0;
	v1 =	vmul.f32 $6.065306660e-01, v3;
	v3 =	vld [tilespmem:$0x1FF00];
	_ =	sdelay $0x1  }
0x27f: {  	v0 =	vadd.f32 v1, v0;
	v1 =	vld [tilespmem:$0x1FF10];
	_ =	sdelay $0x1  }
0x280: {  	v0 =	vadd.f32 v0, v2;
	v2 =	vmul.f32 $6.065306660e-01, v4;
	v4 =	vld [tilespmem:$0x1FF20];
	_ =	sdelay $0x3  }
0x281: {  	v3 =	vld.idx.msk [tilespmem:v3+s24+$0x0], $0xffff;
	_ =	sdelay $0x1  }
0x282: {  	v1 =	vld.idx.msk [tilespmem:v1+s24+$0x0], $0xffff;
	_ =	sdelay $0x1  }
0x283: {  	v4 =	vld.idx.msk [tilespmem:v4+s24+$0x0], $0xffff  }
0x284: {  	v0 =	vadd.f32 v2, v0;
	v2 =	vmul.f32 $1.353352810e-01, v3;
	_ =	sdelay $0x1  }
0x285: {  	v0 =	vadd.f32 v2, v0;
	v1 =	vmul.f32 $1.110899630e-02, v1;
	_ =	sdelay $0x1  }
0x286: {  	v0 =	vadd.f32 v1, v0;
	v1 =	vmul.f32 $3.354626240e-04, v4;
	_ =	sdelay $0x1  }
0x287: {  	v39 =	vadd.f32 v1, v0;
	v0 =	vld [tilespmem:$0x1FF30];
	_ =	sdelay $0x1  }
0x288: {  	v1 =	vld [tilespmem:$0x1FF40];
	_ =	sdelay $0x1  }
0x289: {  	v2 =	vld [tilespmem:$0x1FF60];
	_ =	sdelay $0x1  }
0x28a: {  	v4 =	vld [tilespmem:$0x1FF70]  }
0x28b: {  	[tilespmem:$0x2600] =	vst v39  }
0x28c: {  	v0 =	vld.idx.msk [tilespmem:v0+s24+$0x0], $0xffff  }
0x28d: {  	v23 =	vld [tilespmem:$0x1FF90]  }
0x28e: {  	v1 =	vld.idx.msk [tilespmem:v1+s24+$0x0], $0xffff  }
0x28f: {  	v21 =	vlaneseq.u32  }
0x290: {  	v3 =	vadd.s32 $0x21, v21;
	v2 =	vld.idx.msk [tilespmem:v2+s24+$0x0], $0xffff  }
0x291: {  	v0 =	vmul.f32 $3.354626240e-04, v0  }
0x292: {  	v4 =	vld.idx.msk [tilespmem:v4+s24+$0x0], $0xffff  }
0x293: {  	v5 =	vadd.s32 $0x22, v21;
	v1 =	vmul.f32 $1.110899630e-02, v1;
	v0 =	vadd.f32 $0.0e+00, v0;
	_ =	sdelay $0x1  }
0x294: {  	v6 =	vadd.s32 $0x23, v21;
	v3 =	vld.idx.msk [tilespmem:v3+s24+$0x0], $0xffff;
	v0 =	vadd.f32 v1, v0;
	v1 =	vmul.f32 $1.353352810e-01, v2  }
0x295: {  	v2 =	vld.idx.msk [tilespmem:v23+s24+$0x0], $0xffff  }
0x296: {  	v0 =	vadd.f32 v1, v0;
	v1 =	vmul.f32 $6.065306660e-01, v4;
	v4 =	vadd.s32 $0x24, v21  }
0x297: {  	v5 =	vld.idx.msk [tilespmem:v5+s24+$0x0], $0xffff  }
0x298: {  	v0 =	vadd.f32 v1, v0  }
0x299: {  	v1 =	vld.idx.msk [tilespmem:v6+s24+$0x0], $0xffff  }
0x29a: {  	v0 =	vadd.f32 v0, v2;
	v2 =	vmul.f32 $6.065306660e-01, v3  }
0x29b: {  	v3 =	vld.idx.msk [tilespmem:v4+s24+$0x0], $0xffff  }
0x29c: {  	v0 =	vadd.f32 v2, v0;
	v2 =	vmul.f32 $1.353352810e-01, v5;
	_ =	sdelay $0x1  }
0x29d: {  	v1 =	vmul.f32 $1.110899630e-02, v1;
	v0 =	vadd.f32 v2, v0;
	_ =	sdelay $0x1  }
0x29e: {  	v2 =	vadd.s32 $0x2C, v21;
	v0 =	vadd.f32 v1, v0;
	v1 =	vmul.f32 $3.354626240e-04, v3;
	_ =	sdelay $0x1  }
0x29f: {  	v40 =	vadd.f32 v1, v0;
	v0 =	vadd.s32 $0x2D, v21;
	_ =	sdelay $0x1  }
0x2a0: {  	v1 =	vadd.s32 $0x2E, v21;
	[tilespmem:$0x2610] =	vst v40  }
0x2a1: {  	v2 =	vld.idx.msk [tilespmem:v2+s24+$0x0], $0xffff  }
0x2a2: {  	v24 =	vld [tilespmem:$0x1FFA0];
	v3 =	vadd.s32 $0x2F, v21  }
0x2a3: {  	v0 =	vld.idx.msk [tilespmem:v0+s24+$0x0], $0xffff;
	_ =	sdelay $0x1  }
0x2a4: {  	v4 =	vadd.s32 $0x31, v21;
	v1 =	vld.idx.msk [tilespmem:v1+s24+$0x0], $0xffff  }
0x2a5: {  	v2 =	vmul.f32 $3.354626240e-04, v2  }
0x2a6: {  	v3 =	vld.idx.msk [tilespmem:v3+s24+$0x0], $0xffff  }
0x2a7: {  	v5 =	vadd.s32 $0x32, v21;
	v2 =	vadd.f32 $0.0e+00, v2;
	v0 =	vmul.f32 $1.110899630e-02, v0;
	_ =	sdelay $0x1  }
0x2a8: {  	v6 =	vadd.s32 $0x33, v21;
	v4 =	vld.idx.msk [tilespmem:v4+s24+$0x0], $0xffff;
	v1 =	vmul.f32 $1.353352810e-01, v1;
	v0 =	vadd.f32 v0, v2  }
0x2a9: {  	v2 =	vld.idx.msk [tilespmem:v24+s24+$0x0], $0xffff  }
0x2aa: {  	v0 =	vadd.f32 v1, v0;
	v1 =	vmul.f32 $6.065306660e-01, v3;
	v3 =	vadd.s32 $0x34, v21  }
0x2ab: {  	v5 =	vld.idx.msk [tilespmem:v5+s24+$0x0], $0xffff  }
0x2ac: {  	v0 =	vadd.f32 v1, v0  }
0x2ad: {  	v1 =	vld.idx.msk [tilespmem:v6+s24+$0x0], $0xffff  }
0x2ae: {  	v0 =	vadd.f32 v0, v2;
	v2 =	vmul.f32 $6.065306660e-01, v4  }
0x2af: {  	v3 =	vld.idx.msk [tilespmem:v3+s24+$0x0], $0xffff  }
0x2b0: {  	v0 =	vadd.f32 v2, v0;
	v2 =	vmul.f32 $1.353352810e-01, v5;
	_ =	sdelay $0x1  }
0x2b1: {  	v1 =	vmul.f32 $1.110899630e-02, v1;
	v0 =	vadd.f32 v2, v0;
	_ =	sdelay $0x1  }
0x2b2: {  	v2 =	vadd.s32 $0x3C, v21;
	v0 =	vadd.f32 v1, v0;
	v1 =	vmul.f32 $3.354626240e-04, v3;
	_ =	sdelay $0x1  }
0x2b3: {  	v41 =	vadd.f32 v1, v0;
	v0 =	vadd.s32 $0x3D, v21;
	_ =	sdelay $0x1  }
0x2b4: {  	v1 =	vadd.s32 $0x3E, v21;
	[tilespmem:$0x2620] =	vst v41  }
0x2b5: {  	v2 =	vld.idx.msk [tilespmem:v2+s24+$0x0], $0xffff  }
0x2b6: {  	v25 =	vld [tilespmem:$0x1FFB0];
	v3 =	vadd.s32 $0x3F, v21  }
0x2b7: {  	v0 =	vld.idx.msk [tilespmem:v0+s24+$0x0], $0xffff;
	_ =	sdelay $0x1  }
0x2b8: {  	v4 =	vadd.s32 $0x41, v21;
	v1 =	vld.idx.msk [tilespmem:v1+s24+$0x0], $0xffff  }
0x2b9: {  	v2 =	vmul.f32 $3.354626240e-04, v2  }
0x2ba: {  	v3 =	vld.idx.msk [tilespmem:v3+s24+$0x0], $0xffff  }
0x2bb: {  	v5 =	vadd.s32 $0x42, v21;
	v2 =	vadd.f32 $0.0e+00, v2;
	v0 =	vmul.f32 $1.110899630e-02, v0;
	_ =	sdelay $0x1  }
0x2bc: {  	v6 =	vadd.s32 $0x43, v21;
	v4 =	vld.idx.msk [tilespmem:v4+s24+$0x0], $0xffff;
	v1 =	vmul.f32 $1.353352810e-01, v1;
	v0 =	vadd.f32 v0, v2  }
0x2bd: {  	v2 =	vld.idx.msk [tilespmem:v25+s24+$0x0], $0xffff  }
0x2be: {  	v0 =	vadd.f32 v1, v0;
	v1 =	vmul.f32 $6.065306660e-01, v3;
	v3 =	vadd.s32 $0x44, v21  }
0x2bf: {  	v5 =	vld.idx.msk [tilespmem:v5+s24+$0x0], $0xffff  }
0x2c0: {  	v0 =	vadd.f32 v1, v0  }
0x2c1: {  	v1 =	vld.idx.msk [tilespmem:v6+s24+$0x0], $0xffff  }
0x2c2: {  	v0 =	vadd.f32 v0, v2;
	v2 =	vmul.f32 $6.065306660e-01, v4  }
0x2c3: {  	v3 =	vld.idx.msk [tilespmem:v3+s24+$0x0], $0xffff  }
0x2c4: {  	v0 =	vadd.f32 v2, v0;
	v2 =	vmul.f32 $1.353352810e-01, v5;
	_ =	sdelay $0x1  }
0x2c5: {  	v1 =	vmul.f32 $1.110899630e-02, v1;
	v0 =	vadd.f32 v2, v0;
	_ =	sdelay $0x1  }
0x2c6: {  	v2 =	vadd.s32 $0x4C, v21;
	v0 =	vadd.f32 v1, v0;
	v1 =	vmul.f32 $3.354626240e-04, v3;
	_ =	sdelay $0x1  }
0x2c7: {  	v42 =	vadd.f32 v1, v0;
	v0 =	vadd.s32 $0x4D, v21;
	_ =	sdelay $0x1  }
0x2c8: {  	v1 =	vadd.s32 $0x4E, v21;
	[tilespmem:$0x2630] =	vst v42  }
0x2c9: {  	v2 =	vld.idx.msk [tilespmem:v2+s24+$0x0], $0xffff  }
0x2ca: {  	v26 =	vld [tilespmem:$0x1FFC0];
	v3 =	vadd.s32 $0x4F, v21  }
0x2cb: {  	v0 =	vld.idx.msk [tilespmem:v0+s24+$0x0], $0xffff;
	_ =	sdelay $0x1  }
0x2cc: {  	v4 =	vadd.s32 $0x51, v21;
	v1 =	vld.idx.msk [tilespmem:v1+s24+$0x0], $0xffff  }
0x2cd: {  	v2 =	vmul.f32 $3.354626240e-04, v2  }
0x2ce: {  	v3 =	vld.idx.msk [tilespmem:v3+s24+$0x0], $0xffff  }
0x2cf: {  	v5 =	vadd.s32 $0x52, v21;
	v2 =	vadd.f32 $0.0e+00, v2;
	v0 =	vmul.f32 $1.110899630e-02, v0;
	_ =	sdelay $0x1  }
0x2d0: {  	v6 =	vadd.s32 $0x53, v21;
	v4 =	vld.idx.msk [tilespmem:v4+s24+$0x0], $0xffff;
	v1 =	vmul.f32 $1.353352810e-01, v1;
	v0 =	vadd.f32 v0, v2  }
0x2d1: {  	v2 =	vld.idx.msk [tilespmem:v26+s24+$0x0], $0xffff  }
0x2d2: {  	v0 =	vadd.f32 v1, v0;
	v1 =	vmul.f32 $6.065306660e-01, v3;
	v3 =	vadd.s32 $0x54, v21  }
0x2d3: {  	v5 =	vld.idx.msk [tilespmem:v5+s24+$0x0], $0xffff  }
0x2d4: {  	v0 =	vadd.f32 v1, v0  }
0x2d5: {  	v1 =	vld.idx.msk [tilespmem:v6+s24+$0x0], $0xffff  }
0x2d6: {  	v0 =	vadd.f32 v0, v2;
	v2 =	vmul.f32 $6.065306660e-01, v4  }
0x2d7: {  	v3 =	vld.idx.msk [tilespmem:v3+s24+$0x0], $0xffff  }
0x2d8: {  	v0 =	vadd.f32 v2, v0;
	v2 =	vmul.f32 $1.353352810e-01, v5;
	_ =	sdelay $0x1  }
0x2d9: {  	v1 =	vmul.f32 $1.110899630e-02, v1;
	v0 =	vadd.f32 v2, v0;
	_ =	sdelay $0x1  }
0x2da: {  	v2 =	vadd.s32 $0x5C, v21;
	v0 =	vadd.f32 v1, v0;
	v1 =	vmul.f32 $3.354626240e-04, v3;
	_ =	sdelay $0x1  }
0x2db: {  	v43 =	vadd.f32 v1, v0;
	v0 =	vadd.s32 $0x5D, v21;
	_ =	sdelay $0x1  }
0x2dc: {  	v1 =	vadd.s32 $0x5E, v21;
	[tilespmem:$0x2640] =	vst v43  }
0x2dd: {  	v2 =	vld.idx.msk [tilespmem:v2+s24+$0x0], $0xffff  }
0x2de: {  	v27 =	vld [tilespmem:$0x1FFD0];
	v3 =	vadd.s32 $0x5F, v21  }
0x2df: {  	v0 =	vld.idx.msk [tilespmem:v0+s24+$0x0], $0xffff;
	_ =	sdelay $0x1  }
0x2e0: {  	v4 =	vadd.s32 $0x61, v21;
	v1 =	vld.idx.msk [tilespmem:v1+s24+$0x0], $0xffff  }
0x2e1: {  	v2 =	vmul.f32 $3.354626240e-04, v2  }
0x2e2: {  	v3 =	vld.idx.msk [tilespmem:v3+s24+$0x0], $0xffff  }
0x2e3: {  	v5 =	vadd.s32 $0x62, v21;
	v2 =	vadd.f32 $0.0e+00, v2;
	v0 =	vmul.f32 $1.110899630e-02, v0;
	_ =	sdelay $0x1  }
0x2e4: {  	v6 =	vadd.s32 $0x63, v21;
	v4 =	vld.idx.msk [tilespmem:v4+s24+$0x0], $0xffff;
	v1 =	vmul.f32 $1.353352810e-01, v1;
	v0 =	vadd.f32 v0, v2  }
0x2e5: {  	v2 =	vld.idx.msk [tilespmem:v27+s24+$0x0], $0xffff  }
0x2e6: {  	v0 =	vadd.f32 v1, v0;
	v1 =	vmul.f32 $6.065306660e-01, v3;
	v3 =	vadd.s32 $0x64, v21  }
0x2e7: {  	v5 =	vld.idx.msk [tilespmem:v5+s24+$0x0], $0xffff  }
0x2e8: {  	v0 =	vadd.f32 v1, v0  }
0x2e9: {  	v1 =	vld.idx.msk [tilespmem:v6+s24+$0x0], $0xffff  }
0x2ea: {  	v0 =	vadd.f32 v0, v2;
	v2 =	vmul.f32 $6.065306660e-01, v4  }
0x2eb: {  	v3 =	vld.idx.msk [tilespmem:v3+s24+$0x0], $0xffff  }
0x2ec: {  	v0 =	vadd.f32 v2, v0;
	v2 =	vmul.f32 $1.353352810e-01, v5;
	_ =	sdelay $0x1  }
0x2ed: {  	v1 =	vmul.f32 $1.110899630e-02, v1;
	v0 =	vadd.f32 v2, v0;
	_ =	sdelay $0x1  }
0x2ee: {  	v2 =	vadd.s32 $0x6C, v21;
	v0 =	vadd.f32 v1, v0;
	v1 =	vmul.f32 $3.354626240e-04, v3;
	_ =	sdelay $0x1  }
0x2ef: {  	v44 =	vadd.f32 v1, v0;
	v0 =	vadd.s32 $0x6D, v21;
	_ =	sdelay $0x1  }
0x2f0: {  	v1 =	vadd.s32 $0x6E, v21;
	[tilespmem:$0x2650] =	vst v44  }
0x2f1: {  	v2 =	vld.idx.msk [tilespmem:v2+s24+$0x0], $0xffff  }
0x2f2: {  	v28 =	vld [tilespmem:$0x1FFE0];
	v3 =	vadd.s32 $0x6F, v21  }
0x2f3: {  	v0 =	vld.idx.msk [tilespmem:v0+s24+$0x0], $0xffff;
	_ =	sdelay $0x1  }
0x2f4: {  	v4 =	vadd.s32 $0x71, v21;
	v1 =	vld.idx.msk [tilespmem:v1+s24+$0x0], $0xffff  }
0x2f5: {  	v2 =	vmul.f32 $3.354626240e-04, v2  }
0x2f6: {  	v3 =	vld.idx.msk [tilespmem:v3+s24+$0x0], $0xffff  }
0x2f7: {  	v5 =	vadd.s32 $0x72, v21;
	v2 =	vadd.f32 $0.0e+00, v2;
	v0 =	vmul.f32 $1.110899630e-02, v0;
	_ =	sdelay $0x1  }
0x2f8: {  	v6 =	vadd.s32 $0x73, v21;
	v4 =	vld.idx.msk [tilespmem:v4+s24+$0x0], $0xffff;
	v1 =	vmul.f32 $1.353352810e-01, v1;
	v0 =	vadd.f32 v0, v2  }
0x2f9: {  	v2 =	vld.idx.msk [tilespmem:v28+s24+$0x0], $0xffff  }
0x2fa: {  	v0 =	vadd.f32 v1, v0;
	v1 =	vmul.f32 $6.065306660e-01, v3;
	v3 =	vadd.s32 $0x74, v21  }
0x2fb: {  	v5 =	vld.idx.msk [tilespmem:v5+s24+$0x0], $0xffff  }
0x2fc: {  	v0 =	vadd.f32 v1, v0  }
0x2fd: {  	v1 =	vld.idx.msk [tilespmem:v6+s24+$0x0], $0xffff  }
0x2fe: {  	v0 =	vadd.f32 v0, v2;
	v2 =	vmul.f32 $6.065306660e-01, v4  }
0x2ff: {  	v3 =	vld.idx.msk [tilespmem:v3+s24+$0x0], $0xffff  }
0x300: {  	v0 =	vadd.f32 v2, v0;
	v2 =	vmul.f32 $1.353352810e-01, v5;
	_ =	sdelay $0x1  }
0x301: {  	v1 =	vmul.f32 $1.110899630e-02, v1;
	v0 =	vadd.f32 v2, v0;
	_ =	sdelay $0x1  }
0x302: {  	v2 =	vadd.s32 $0x7C, v21;
	v0 =	vadd.f32 v1, v0;
	v1 =	vmul.f32 $3.354626240e-04, v3;
	_ =	sdelay $0x1  }
0x303: {  	v46 =	vadd.f32 v1, v0;
	v0 =	vadd.s32 $0x7D, v21;
	_ =	sdelay $0x1  }
0x304: {  	v1 =	vadd.s32 $0x7E, v21;
	[tilespmem:$0x2660] =	vst v46  }
0x305: {  	v2 =	vld.idx.msk [tilespmem:v2+s24+$0x0], $0xffff  }
0x306: {  	v29 =	vld [tilespmem:$0x1FFF0];
	v3 =	vadd.s32 $0x7F, v21  }
0x307: {  	v0 =	vld.idx.msk [tilespmem:v0+s24+$0x0], $0xffff;
	_ =	sdelay $0x1  }
0x308: {  	v4 =	vadd.s32 $0x81, v21;
	v1 =	vld.idx.msk [tilespmem:v1+s24+$0x0], $0xffff  }
0x309: {  	v2 =	vmul.f32 $3.354626240e-04, v2  }
0x30a: {  	v3 =	vld.idx.msk [tilespmem:v3+s24+$0x0], $0xffff  }
0x30b: {  	v5 =	vadd.s32 $0x82, v21;
	v2 =	vadd.f32 $0.0e+00, v2;
	v0 =	vmul.f32 $1.110899630e-02, v0;
	_ =	sdelay $0x1  }
0x30c: {  	v6 =	vadd.s32 $0x83, v21;
	v4 =	vld.idx.msk [tilespmem:v4+s24+$0x0], $0xffff;
	v1 =	vmul.f32 $1.353352810e-01, v1;
	v0 =	vadd.f32 v0, v2  }
0x30d: {  	v2 =	vld.idx.msk [tilespmem:v29+s24+$0x0], $0xffff  }
0x30e: {  	v0 =	vadd.f32 v1, v0;
	v1 =	vmul.f32 $6.065306660e-01, v3;
	v3 =	vadd.s32 $0x84, v21  }
0x30f: {  	v5 =	vld.idx.msk [tilespmem:v5+s24+$0x0], $0xffff  }
0x310: {  	v0 =	vadd.f32 v1, v0  }
0x311: {  	v1 =	vld.idx.msk [tilespmem:v6+s24+$0x0], $0xffff  }
0x312: {  	v0 =	vadd.f32 v0, v2;
	v2 =	vmul.f32 $6.065306660e-01, v4  }
0x313: {  	v3 =	vld.idx.msk [tilespmem:v3+s24+$0x0], $0xffff  }
0x314: {  	v0 =	vadd.f32 v2, v0;
	v2 =	vmul.f32 $1.353352810e-01, v5;
	_ =	sdelay $0x1  }
0x315: {  	v54 =	vld [tilespmem:$0x2510];
	v1 =	vmul.f32 $1.110899630e-02, v1;
	v0 =	vadd.f32 v2, v0  }
0x316: {  	v53 =	vld [tilespmem:$0x2520]  }
0x317: {  	v52 =	vld [tilespmem:$0x2530];
	v0 =	vadd.f32 v1, v0;
	v1 =	vmul.f32 $3.354626240e-04, v3  }
0x318: {  	v51 =	vld [tilespmem:$0x2540]  }
0x319: {  	v49 =	vld [tilespmem:$0x2560];
	v3 =	vadd.f32 v1, v0  }
0x31a: {  	v50 =	vld [tilespmem:$0x2550]  }
0x31b: {  	s19 =	simm.s32 $0x0;
	s22 =	simm.s32 $0x1880;
	v47 =	vld [tilespmem:$0x2580];
	[tilespmem:$0x2670] =	vst v3  }
0x31c: {  	v1 =	vld [tilespmem:$0x2570];
	[tilespmem:s22], [sflag:$0x1] =	stream.linear.gather [hbm4b:s10+s19], $0x200, $0x38  }
0x31d: {  	_ =	swait.ge [sflag:s15], $0x200  }
0x31e: {  	[sflag:s15] =	ssyncset.done $0x0  }
0x31f: {  	s23 =	simm.s32 $0x1A80;
	[sflag:s15] =	ssyncadd.s32 $0xFFFFFE00  }
0x320: {  	[tilespmem:s23], [sflag:$0x1] =	stream.linear.gather [hbm4b:s11+s19], $0x200, $0x38;
	[tilespmem:$0x41A0] =	vst v63  }
0x321: {  	_ =	swait.ge [sflag:s15], $0x200  }
0x322: {  	[sflag:s15] =	ssyncset.done $0x0  }
0x323: {  	s25 =	simm.s32 $0x0;
	[sflag:s15] =	ssyncadd.s32 $0xFFFFFE00  }
0x324: {  	v0 =	vld [tilespmem:s25+$0x1A80];
	_ =	sdelay $0x4  }
0x325: {  	v2 =	vsub.f32 v0, v35  }
0x326: {  	s26 =	simm.s32 $0x10  }
0x327: {  	v4 =	vld [tilespmem:s26+$0x1A80];
	v2 =	vmul.f32 v2, v37;
	_ =	sdelay $0x1  }
0x328: {  	v2 =	vtrunc.f32 v2  }
0x329: {  	v2 =	vcvt.f32.s32 v2;
	_ =	sdelay $0x1  }
0x32a: {  	v5 =	vsub.f32 v4, v35;
	vm3 =	vgt.s32 v2, $0x0  }
0x32b: {  	v2 =	vnsel vm3, $0x0, v2  }
0x32c: {  	v5 =	vmul.f32 v5, v37;
	vm3 =	vlt.s32 v36, v2  }
0x32d: {  	v2 =	vsel vm3, v36, v2  }
0x32e: {  	v5 =	vtrunc.f32 v5;
	v6 =	vadd.s32 $0x1, v2  }
0x32f: {  	s2 =	simm.s32 $0x20;
	v5 =	vcvt.f32.s32 v5  }
0x330: {  	v7 =	vld [tilespmem:s2+$0x1A80]  }
0x331: {  	vm3 =	vgt.s32 v5, $0x0  }
0x332: {  	v5 =	vnsel vm3, $0x0, v5;
	v8 =	vld.idx.msk [tilespmem:v2+s20+$0x0], $0xffff  }
0x333: {  	vm3 =	vlt.s32 v36, v5;
	v6 =	vld.idx.msk [tilespmem:v6+s20+$0x0], $0xffff  }
0x334: {  	v5 =	vsel vm3, v36, v5  }
0x335: {  	v9 =	vsub.f32 v7, v35;
	_ =	sdelay $0x1  }
0x336: {  	s3 =	simm.s32 $0x30;
	v9 =	vmul.f32 v9, v37;
	vm3 =	vgt.f32 v8, v0;
	v8 =	vadd.s32 $0x1, v5  }
0x337: {  	v11 =	vld [tilespmem:s3+$0x1A80];
	v10 =	vsel vm3, $0xFFFFFFFF, v19;
	vm3 =	vle.f32 v6, v0  }
0x338: {  	v12 =	vld.idx.msk [tilespmem:v5+s20+$0x0], $0xffff;
	v6 =	vtrunc.f32 v9;
	v2 =	vadd.s32 v10, v2;
	v9 =	vsel vm3, $0x1, v19  }
0x339: {  	v6 =	vcvt.f32.s32 v6;
	v10 =	vld [tilespmem:s26+$0x1880];
	v2 =	vadd.s32 v9, v2  }
0x33a: {  	v9 =	vld [tilespmem:s25+$0x1880];
	vm3 =	vlt.s32 v2, v36  }
0x33b: {  	vm4 =	vgt.s32 v6, $0x0;
	vm5 =	vlt.s32 v2, $0x0;
	v2 =	vsel vm3, v2, v36;
	v8 =	vld.idx.msk [tilespmem:v8+s20+$0x0], $0xffff  }
0x33c: {  	v13 =	vsub.f32 v11, v35;
	v6 =	vnsel vm4, $0x0, v6;
	v2 =	vsel vm5, v36, v2  }
0x33d: {  	vm3 =	vlt.s32 v36, v6  }
0x33e: {  	v14 =	vld [tilespmem:s2+$0x1880];
	v13 =	vmul.f32 v13, v37;
	v6 =	vsel vm3, v36, v6  }
0x33f: {  	s29 =	simm.s32 $0x40;
	v17 =	vld [tilespmem:s3+$0x1880];
	vm3 =	vgt.f32 v12, v4;
	v15 =	vadd.s32 $0x1, v6;
	v0 =	vsub.f32 v9, v0  }
0x340: {  	v63 =	vld [tilespmem:s29+$0x1A80];
	v9 =	vsub.f32 v10, v4;
	v10 =	vsel vm3, $0xFFFFFFFF, v19;
	vm3 =	vle.f32 v8, v4  }
0x341: {  	v5 =	vadd.s32 v10, v5;
	v4 =	vtrunc.f32 v13;
	v2 =	vld.idx.msk [tilespmem:v2+s28+$0x0], $0xffff;
	v8 =	vsel vm3, $0x1, v19  }
0x342: {  	v12 =	vld [tilespmem:s29+$0x1880];
	v4 =	vcvt.f32.s32 v4;
	v5 =	vadd.s32 v8, v5  }
0x343: {  	v62 =	vimm.f32 $0.0e+00;
	v56 =	vmul.f32 v9, v9;
	v10 =	vld.idx.msk [tilespmem:v6+s20+$0x0], $0xffff;
	vm3 =	vlt.s32 v5, v36  }
0x344: {  	v9 =	vld.idx.msk [tilespmem:v15+s20+$0x0], $0xffff;
	vm4 =	vgt.s32 v4, $0x0;
	vm5 =	vlt.s32 v5, $0x0;
	v5 =	vsel vm3, v5, v36  }
0x345: {  	v16 =	vimm.f32 $-Inf;
	v4 =	vnsel vm4, $0x0, v4;
	v5 =	vsel vm5, v36, v5  }
0x346: {  	v13 =	vsub.f32 v63, v35;
	vm3 =	vlt.s32 v36, v4;
	(erf) = vrcp.f32 v2  }
0x347: {  	v14 =	vsub.f32 v14, v7;
	v15 =	vsub.f32 v17, v11;
	v8 =	vsel vm3, v36, v4  }
0x348: {  	v4 =	vmul.f32 v13, v37;
	v13 =	vadd.s32 $0x1, v8;
	vm3 =	vgt.f32 v10, v7  }
0x349: {  	v10 =	vsub.f32 v12, v63;
	v12 =	vsel vm3, $0xFFFFFFFF, v19;
	vm3 =	vle.f32 v9, v7  }
0x34a: {  	s31 =	simm.s32 $0x50;
	v4 =	vtrunc.f32 v4;
	v7 =	vadd.s32 v12, v6;
	v9 =	vsel vm3, $0x1, v19;
	v60 =	vld.idx.msk [tilespmem:v5+s28+$0x0], $0xffff  }
0x34b: {  	v58 =	vmul.f32 v14, v14;
	v6 =	vld [tilespmem:s31+$0x1A80];
	v4 =	vcvt.f32.s32 v4;
	v5 =	vadd.s32 v9, v7  }
0x34c: {  	v0 =	vmul.f32 v0, v0;
	v59 =	vmul.f32 v15, v15;
	v7 =	vld.idx.msk [tilespmem:v8+s20+$0x0], $0xffff;
	vm3 =	vlt.s32 v5, v36  }
0x34d: {  	v9 =	vld [tilespmem:s31+$0x1880];
	vm4 =	vgt.s32 v4, $0x0;
	vm5 =	vlt.s32 v5, $0x0;
	v5 =	vsel vm3, v5, v36  }
0x34e: {  	v57 =	vmul.f32 v10, v10;
	v13 =	vld.idx.msk [tilespmem:v13+s20+$0x0], $0xffff;
	v4 =	vnsel vm4, $0x0, v4;
	v5 =	vsel vm5, v36, v5  }
0x34f: {  	vm3 =	veq.f32 v2, $0.0e+00;
	vm4 =	vlt.s32 v36, v4;
	v12 =	vpop (erf);
	(erf) = vrcp.f32 v60  }
0x350: {  	v61 =	vnsel vm3, $0x0, v0;
	v14 =	vsub.f32 v6, v35;
	v2 =	vmax.f32 v16, v12  }
0x351: {  	v10 =	vsel vm4, v36, v4;
	vm4 =	vgt.f32 v7, v11;
	v45 =	vsel vm3, v16, v2  }
0x352: {  	v2 =	vmul.f32 v12, v0;
	v16 =	vmul.f32 v14, v37;
	v12 =	vadd.s32 $0x1, v10  }
0x353: {  	s1 =	simm.s32 $0x180;
	s0 =	simm.s32 $0x1C0;
	v4 =	vsub.f32 v9, v6;
	v14 =	vsel vm4, $0xFFFFFFFF, v19;
	vm4 =	vle.f32 v13, v11;
	v0 =	vld.idx.msk [tilespmem:v5+s28+$0x0], $0xffff  }
.LBB2_8:
0x354: {  	p1 =	sne.s32 s0, $0x7C0;
	s2 =	sshra.s32 s1, $0x2;
	v5 =	vtrunc.f32 v16;
	v7 =	vadd.s32 v14, v8;
	v9 =	vsel vm4, $0x1, v19;
	v11 =	vmovc v6;
	v8 =	vmovc v10;
	s1 =	smov.u32 s0  }
0x355: {  	v6 =	vld [tilespmem:s2+$0x1A80];
	v5 =	vcvt.f32.s32 v5;
	v4 =	vmul.f32 v4, v4;
	v7 =	vadd.s32 v9, v7  }
0x356: {  	v2 =	vsel vm3, $0x0, v2;
	v38 =	vadd.f32 v61, v38;
	v9 =	vld.idx.msk [tilespmem:v10+s20+$0x0], $0xffff;
	vm4 =	vlt.s32 v7, v36  }
0x357: {  	vm5 =	vlt.s32 v7, $0x0;
	vm3 =	vgt.s32 v5, $0x0;
	v13 =	vld.idx.msk [tilespmem:v12+s20+$0x0], $0xffff;
	v7 =	vsel vm4, v7, v36  }
0x358: {  	v62 =	vadd.f32 v2, v62;
	v14 =	vld [tilespmem:s2+$0x1880];
	v5 =	vnsel vm3, $0x0, v5;
	v7 =	vsel vm5, v36, v7;
	v12 =	vpop (erf)  }
.Ltmp3:
0x359: {  	vm3 =	veq.f32 v60, $0.0e+00;
	v60 =	vmovc v0;
	(erf) = vrcp.f32 v0;
	v2 =	vmax.f32 v45, v12;
	(pc) =	sbr.rel @p1 .LBB2_8-.Ltmp3, $4  }
0x35a: {  	vm4 =	vlt.s32 v36, v5;
	v0 =	vsub.f32 v6, v35;
	v45 =	vsel vm3, v45, v2  }
0x35b: {  	v61 =	vnsel vm3, $0x0, v56;
	v10 =	vsel vm4, v36, v5;
	v2 =	vmul.f32 v12, v56;
	v56 =	vmovc v58;
	v58 =	vmovc v59  }
0x35c: {  	v59 =	vmovc v57;
	v57 =	vmovc v4;
	v12 =	vadd.s32 $0x1, v10;
	vm4 =	vgt.f32 v9, v63;
	v16 =	vmul.f32 v0, v37  }
0x35d: {  	s0 =	sadd.s32 $0x40, s0;
	v4 =	vsub.f32 v14, v6;
	v14 =	vsel vm4, $0xFFFFFFFF, v19;
	vm4 =	vle.f32 v13, v63;
	v0 =	vld.idx.msk [tilespmem:v7+s28+$0x0], $0xffff;
	v63 =	vmovc v11  }
0x35e: {  	s31 =	sshra.s32 s1, $0x2  }
0x35f: {  	v5 =	vld [tilespmem:s31+$0x1A80];
	_ =	sdelay $0x4  }
0x360: {  	v7 =	vsub.f32 v5, v35;
	_ =	sdelay $0x1  }
0x361: {  	v9 =	vtrunc.f32 v16;
	v7 =	vmul.f32 v7, v37  }
0x362: {  	v9 =	vcvt.f32.s32 v9  }
0x363: {  	v7 =	vtrunc.f32 v7  }
0x364: {  	vm5 =	vgt.s32 v9, $0x0;
	v7 =	vcvt.f32.s32 v7  }
0x365: {  	v9 =	vnsel vm5, $0x0, v9  }
0x366: {  	vm5 =	vlt.s32 v36, v9;
	vm6 =	vgt.s32 v7, $0x0  }
0x367: {  	v9 =	vsel vm5, v36, v9;
	v7 =	vnsel vm6, $0x0, v7  }
0x368: {  	v11 =	vld.idx.msk [tilespmem:v10+s20+$0x0], $0xffff;
	v13 =	vadd.s32 $0x1, v9;
	vm14 =	vlt.s32 v36, v7  }
0x369: {  	v12 =	vld.idx.msk [tilespmem:v12+s20+$0x0], $0xffff;
	v7 =	vsel vm14, v36, v7  }
0x36a: {  	v15 =	vadd.s32 $0x1, v7;
	_ =	sdelay $0x1  }
0x36b: {  	v16 =	vld.idx.msk [tilespmem:v9+s20+$0x0], $0xffff  }
0x36c: {  	v8 =	vadd.s32 v14, v8;
	v55 =	vsel vm4, $0x1, v19;
	vm15 =	vgt.f32 v11, v63;
	v13 =	vld.idx.msk [tilespmem:v13+s20+$0x0], $0xffff  }
0x36d: {  	v8 =	vadd.s32 v55, v8;
	vm8 =	vle.f32 v12, v63;
	v63 =	vsel vm15, $0xFFFFFFFF, v19;
	v32 =	vld.idx.msk [tilespmem:v7+s20+$0x0], $0xffff  }
0x36e: {  	vm9 =	vlt.s32 v8, v36;
	v34 =	vsel vm8, $0x1, v19;
	v33 =	vadd.s32 v63, v10;
	v35 =	vld.idx.msk [tilespmem:v15+s20+$0x0], $0xffff  }
0x36f: {  	vm10 =	vlt.s32 v8, $0x0;
	v10 =	vadd.s32 v34, v33;
	v37 =	vsel vm9, v8, v36  }
0x370: {  	v8 =	vsel vm10, v36, v37;
	vm11 =	vlt.s32 v10, v36;
	vm12 =	vgt.f32 v16, v6  }
0x371: {  	vm13 =	vlt.s32 v10, $0x0;
	v48 =	vsel vm11, v10, v36;
	v55 =	vsel vm12, $0xFFFFFFFF, v19  }
0x372: {  	vm14 =	vle.f32 v13, v6;
	v63 =	vadd.s32 v55, v9;
	vm15 =	vgt.f32 v32, v5  }
0x373: {  	v13 =	vsel vm14, $0x1, v19;
	v15 =	vsel vm15, $0xFFFFFFFF, v19;
	vm8 =	vle.f32 v35, v5  }
0x374: {  	v6 =	vadd.s32 v13, v63;
	v7 =	vadd.s32 v15, v7;
	v32 =	vsel vm8, $0x1, v19  }
0x375: {  	v33 =	vsel vm13, v36, v48;
	vm9 =	vlt.s32 v6, v36;
	v7 =	vadd.s32 v32, v7  }
0x376: {  	vm10 =	vlt.s32 v6, $0x0;
	v6 =	vsel vm9, v6, v36;
	vm11 =	vlt.s32 v7, v36  }
0x377: {  	v6 =	vsel vm10, v36, v6;
	vm12 =	vlt.s32 v7, $0x0;
	v7 =	vsel vm11, v7, v36  }
0x378: {  	v7 =	vsel vm12, v36, v7;
	_ =	sdelay $0x1  }
0x379: {  	v8 =	vld.idx.msk [tilespmem:v8+s28+$0x0], $0xffff  }
0x37a: {  	v9 =	vld.idx.msk [tilespmem:v33+s28+$0x0], $0xffff  }
0x37b: {  	v6 =	vld.idx.msk [tilespmem:v6+s28+$0x0], $0xffff  }
0x37c: {  	v7 =	vld.idx.msk [tilespmem:v7+s28+$0x0], $0xffff  }
0x37d: {  	(erf) = vrcp.f32 v0  }
0x37e: {  	(erf) = vrcp.f32 v8  }
0x37f: {  	(erf) = vrcp.f32 v9  }
0x380: {  	(erf) = vrcp.f32 v6  }
0x381: {  	(erf) = vrcp.f32 v7  }
0x382: {  	(erf) = vrcp.f32 v39;
	_ =	sdelay $0x1  }
0x383: {  	v63 =	vpop (erf);
	(erf) = vrcp.f32 v40;
	_ =	sdelay $0x1  }
0x384: {  	v40 =	vpop (erf);
	(erf) = vrcp.f32 v41  }
0x385: {  	v39 =	vpop (erf)  }
0x386: {  	v37 =	vpop (erf);
	(erf) = vrcp.f32 v42  }
0x387: {  	v36 =	vpop (erf)  }
0x388: {  	(erf) = vrcp.f32 v43;
	v35 =	vpop (erf)  }
0x389: {  	v34 =	vpop (erf)  }
0x38a: {  	(erf) = vrcp.f32 v44;
	v10 =	vmul.f32 v54, v34  }
0x38b: {  	v41 =	vpop (erf)  }
0x38c: {  	(erf) = vrcp.f32 v46;
	v11 =	vmul.f32 v53, v41;
	v10 =	vadd.f32 $0.0e+00, v10  }
0x38d: {  	vm13 =	vgt.f32 v54, $0.0e+00;
	vm14 =	vgt.f32 v53, $0.0e+00;
	v42 =	vpop (erf);
	(erf) = vrcp.f32 v3  }
0x38e: {  	v12 =	vmul.f32 v52, v42;
	v11 =	vnsel vm14, $0x0, v11;
	v10 =	vnsel vm13, $0x0, v10  }
0x38f: {  	vm15 =	vgt.f32 v52, $0.0e+00;
	v3 =	vpop (erf);
	v10 =	vadd.f32 v11, v10  }
0x390: {  	v3 =	vmul.f32 v51, v3;
	v43 =	vnsel vm15, $0x0, v12  }
0x391: {  	vm8 =	vgt.f32 v51, $0.0e+00;
	v44 =	vpop (erf);
	v10 =	vadd.f32 v43, v10  }
0x392: {  	v46 =	vmul.f32 v50, v44;
	v3 =	vnsel vm8, $0x0, v3  }
0x393: {  	vm9 =	vgt.f32 v50, $0.0e+00;
	v48 =	vpop (erf);
	v3 =	vadd.f32 v3, v10  }
0x394: {  	v51 =	vmul.f32 v49, v48;
	v50 =	vnsel vm9, $0x0, v46  }
0x395: {  	vm10 =	vgt.f32 v49, $0.0e+00;
	v52 =	vpop (erf);
	v3 =	vadd.f32 v50, v3  }
0x396: {  	v53 =	vnsel vm10, $0x0, v51;
	v54 =	vmul.f32 v1, v52  }
0x397: {  	vm11 =	vgt.f32 v1, $0.0e+00;
	v1 =	vpop (erf);
	v3 =	vadd.f32 v53, v3  }
0x398: {  	v1 =	vmul.f32 v47, v1;
	v11 =	vnsel vm11, $0x0, v54  }
0x399: {  	v55 =	vld [tilespmem:s31+$0x1880];
	vm12 =	vgt.f32 v47, $0.0e+00;
	v3 =	vadd.f32 v11, v3  }
0x39a: {  	v1 =	vnsel vm12, $0x0, v1  }
0x39b: {  	v1 =	vadd.f32 v1, v3  }
0x39c: {  	v2 =	vsel vm3, $0x0, v2  }
0x39d: {  	vm3 =	veq.f32 v60, $0.0e+00;
	v3 =	vmul.f32 v4, v4;
	(v2sf) =	vpush v1, $0x0  }
0x39e: {  	v4 =	vsub.f32 v55, v5;
	v5 =	vmul.f32 v63, v56;
	(v2sf) =	vpush v1, $0x1  }
0x39f: {  	v2 =	vadd.f32 v2, v62;
	vm7 =	veq.f32 v8, $0.0e+00;
	(v2sf) =	vpush v1, $0x2  }
0x3a0: {  	v62 =	vmul.f32 v40, v58;
	v5 =	vsel vm3, $0x0, v5;
	(v2sf) =	vpush v1, $0x3  }
0x3a1: {  	vm8 =	veq.f32 v0, $0.0e+00;
	v2 =	vadd.f32 v5, v2;
	(v2sf) =	vpush v1, $0x4  }
0x3a2: {  	v0 =	vsel vm8, $0x0, v62;
	v5 =	vmul.f32 v39, v59;
	(v2sf) =	vpush v1, $0x5  }
0x3a3: {  	vm13 =	veq.f32 v9, $0.0e+00;
	v0 =	vadd.f32 v0, v2;
	(v2sf) =	vpush v1, $0x6  }
0x3a4: {  	v2 =	vsel vm7, $0x0, v5;
	v5 =	vmul.f32 v37, v57;
	(v2sf) =	vpush v1, $0x7  }
0x3a5: {  	v4 =	vmul.f32 v4, v4;
	v0 =	vadd.f32 v2, v0;
	(v2sf) =	vpush v1, $0x8  }
0x3a6: {  	v2 =	vsel vm13, $0x0, v5;
	v5 =	vmul.f32 v36, v3;
	(v2sf) =	vpush v1, $0x9  }
0x3a7: {  	vm14 =	veq.f32 v6, $0.0e+00;
	v0 =	vadd.f32 v2, v0;
	(v2sf) =	vpush v1, $0xA  }
0x3a8: {  	v2 =	vsel vm14, $0x0, v5;
	v5 =	vmul.f32 v35, v4;
	(v2sf) =	vpush v1, $0xB  }
0x3a9: {  	vm15 =	veq.f32 v7, $0.0e+00;
	v0 =	vadd.f32 v2, v0;
	(v2sf) =	vpush v1, $0xC  }
0x3aa: {  	v2 =	vsel vm15, $0x0, v5;
	(v2sf) =	vpush v1, $0xD  }
0x3ab: {  	v0 =	vadd.f32 v2, v0;
	(v2sf) =	vpush v1, $0xE  }
0x3ac: {  	s0 =	spop (v2sf);
	(v2sf) =	vpush v1, $0xF  }
0x3ad: {  	s4 =	spop (v2sf);
	(v2sf) =	vpush v0, $0x0  }
0x3ae: {  	s2 =	spop (v2sf);
	(v2sf) =	vpush v0, $0x1  }
0x3af: {  	v1 =	vadd.f32 v61, v38;
	s3 =	spop (v2sf);
	(v2sf) =	vpush v0, $0x2  }
0x3b0: {  	v2 =	vnsel vm3, $0x0, v56;
	s0 =	sadd.f32 s4, s0;
	s5 =	spop (v2sf);
	(v2sf) =	vpush v0, $0x3  }
0x3b1: {  	v1 =	vadd.f32 v2, v1;
	s4 =	spop (v2sf);
	(v2sf) =	vpush v0, $0x4  }
0x3b2: {  	v2 =	vnsel vm8, $0x0, v58;
	s0 =	sadd.f32 s0, s2;
	s6 =	spop (v2sf);
	(v2sf) =	vpush v0, $0x5  }
0x3b3: {  	v1 =	vadd.f32 v2, v1;
	s16 =	spop (v2sf);
	(v2sf) =	vpush v0, $0x6  }
0x3b4: {  	v2 =	vnsel vm7, $0x0, v59;
	s0 =	sadd.f32 s0, s3;
	s7 =	spop (v2sf);
	(v2sf) =	vpush v0, $0x7  }
0x3b5: {  	v1 =	vadd.f32 v2, v1;
	s8 =	spop (v2sf);
	(v2sf) =	vpush v0, $0x8  }
0x3b6: {  	v2 =	vnsel vm13, $0x0, v57;
	s0 =	sadd.f32 s0, s5;
	s9 =	spop (v2sf);
	(v2sf) =	vpush v0, $0x9  }
0x3b7: {  	v1 =	vadd.f32 v2, v1;
	s17 =	spop (v2sf);
	(v2sf) =	vpush v0, $0xA  }
0x3b8: {  	v2 =	vnsel vm14, $0x0, v3;
	s0 =	sadd.f32 s0, s4;
	s4 =	spop (v2sf);
	(v2sf) =	vpush v0, $0xB  }
0x3b9: {  	v1 =	vadd.f32 v2, v1;
	s18 =	spop (v2sf);
	(v2sf) =	vpush v0, $0xC  }
0x3ba: {  	v2 =	vnsel vm15, $0x0, v4;
	s0 =	sadd.f32 s0, s6;
	s19 =	spop (v2sf);
	(v2sf) =	vpush v0, $0xD  }
0x3bb: {  	v1 =	vadd.f32 v2, v1;
	s22 =	spop (v2sf);
	(v2sf) =	vpush v0, $0xE  }
0x3bc: {  	s0 =	sadd.f32 s0, s16;
	s23 =	spop (v2sf);
	(v2sf) =	vpush v0, $0xF  }
0x3bd: {  	s25 =	spop (v2sf);
	(v2sf) =	vpush v1, $0x0  }
0x3be: {  	s0 =	sadd.f32 s0, s7;
	s26 =	spop (v2sf);
	(v2sf) =	vpush v1, $0x1  }
0x3bf: {  	s29 =	spop (v2sf)  }
0x3c0: {  	s0 =	sadd.f32 s0, s8;
	(v2sf) =	vpush v1, $0x2;
	s5 =	spop (v2sf)  }
0x3c1: {  	s6 =	spop (v2sf)  }
0x3c2: {  	s0 =	sadd.f32 s0, s9;
	(v2sf) =	vpush v1, $0x3;
	s7 =	spop (v2sf)  }
0x3c3: {  	s8 =	spop (v2sf)  }
0x3c4: {  	(v2sf) =	vpush v1, $0x4;
	s0 =	sadd.f32 s0, s17;
	s17 =	spop (v2sf)  }
0x3c5: {  	s9 =	spop (v2sf)  }
0x3c6: {  	(v2sf) =	vpush v1, $0x5;
	s0 =	sadd.f32 s0, s4;
	s16 =	spop (v2sf)  }
0x3c7: {  	s4 =	spop (v2sf)  }
0x3c8: {  	(v2sf) =	vpush v1, $0x6;
	s0 =	sadd.f32 s0, s18;
	s2 =	spop (v2sf)  }
0x3c9: {  	s1 =	spop (v2sf)  }
0x3ca: {  	s18 =	sadd.f32 s0, s19;
	s0 =	spop (v2sf);
	(v2sf) =	vpush v1, $0x7  }
0x3cb: {  	s3 =	spop (v2sf)  }
0x3cc: {  	s31 =	sadd.f32 s18, s22;
	(v2sf) =	vpush v1, $0x8;
	s22 =	spop (v2sf)  }
0x3cd: {  	s23 =	sadd.f32 s25, s23;
	s25 =	spop (v2sf)  }
0x3ce: {  	v0 =	vmax.f32 v45, v63;
	(v2sf) =	vpush v1, $0x9;
	s18 =	sadd.f32 s25, s22  }
0x3cf: {  	v0 =	vsel vm3, v45, v0;
	s19 =	sadd.f32 s23, s26;
	s26 =	spop (v2sf)  }
0x3d0: {  	v2 =	vmax.f32 v0, v40;
	(v2sf) =	vpush v1, $0xA;
	s18 =	sadd.f32 s18, s26  }
0x3d1: {  	v0 =	vsel vm8, v0, v2;
	s19 =	sadd.f32 s19, s29;
	s29 =	spop (v2sf)  }
0x3d2: {  	v2 =	vmax.f32 v0, v39;
	(v2sf) =	vpush v1, $0xB;
	s18 =	sadd.f32 s18, s29  }
0x3d3: {  	v0 =	vsel vm7, v0, v2;
	s5 =	sadd.f32 s19, s5;
	s23 =	spop (v2sf)  }
0x3d4: {  	v2 =	vmax.f32 v0, v37;
	(v2sf) =	vpush v1, $0xC;
	s18 =	sadd.f32 s18, s23  }
0x3d5: {  	v0 =	vsel vm13, v0, v2;
	s5 =	sadd.f32 s5, s6;
	s25 =	spop (v2sf)  }
0x3d6: {  	v2 =	vmax.f32 v0, v36;
	(v2sf) =	vpush v1, $0xD;
	s6 =	sadd.f32 s18, s25  }
0x3d7: {  	v0 =	vsel vm14, v0, v2;
	s5 =	sadd.f32 s5, s7;
	s26 =	spop (v2sf)  }
0x3d8: {  	v2 =	vmax.f32 v0, v35;
	(v2sf) =	vpush v1, $0xE;
	s6 =	sadd.f32 s6, s26  }
0x3d9: {  	v0 =	vsel vm15, v0, v2;
	s5 =	sadd.f32 s5, s8;
	s29 =	spop (v2sf);
	(v2sf) =	vpush v1, $0xF  }
0x3da: {  	s6 =	sadd.f32 s6, s29;
	(v2sf) =	vpush v0, $0x0  }
0x3db: {  	s5 =	sadd.f32 s5, s17;
	s8 =	spop (v2sf);
	(v2sf) =	vpush v0, $0x1  }
0x3dc: {  	s6 =	sadd.f32 s6, s8;
	(v2sf) =	vpush v0, $0x2  }
0x3dd: {  	s5 =	sadd.f32 s5, s9;
	s17 =	spop (v2sf);
	(v2sf) =	vpush v0, $0x3  }
0x3de: {  	s6 =	sadd.f32 s6, s17;
	(v2sf) =	vpush v0, $0x4  }
0x3df: {  	s5 =	sadd.f32 s5, s16;
	s18 =	spop (v2sf);
	(v2sf) =	vpush v0, $0x5  }
0x3e0: {  	s6 =	sadd.f32 s6, s18;
	(v2sf) =	vpush v0, $0x6  }
0x3e1: {  	s4 =	sadd.f32 s5, s4;
	s19 =	spop (v2sf);
	(v2sf) =	vpush v0, $0x7  }
0x3e2: {  	s5 =	sadd.f32 s6, s19;
	(v2sf) =	vpush v0, $0x8  }
0x3e3: {  	s2 =	sadd.f32 s4, s2;
	s22 =	spop (v2sf);
	(v2sf) =	vpush v0, $0x9  }
0x3e4: {  	s4 =	sadd.f32 s5, s22;
	(v2sf) =	vpush v0, $0xA  }
0x3e5: {  	s1 =	sadd.f32 s2, s1;
	s23 =	spop (v2sf);
	(v2sf) =	vpush v0, $0xB  }
0x3e6: {  	s2 =	sadd.f32 s4, s23;
	(v2sf) =	vpush v0, $0xC  }
0x3e7: {  	s0 =	sadd.f32 s1, s0;
	s25 =	spop (v2sf);
	(v2sf) =	vpush v0, $0xD  }
0x3e8: {  	s1 =	sadd.f32 s2, s25;
	s26 =	spop (v2sf);
	(v2sf) =	vpush v0, $0xE  }
0x3e9: {  	s0 =	sadd.f32 s0, s3;
	s29 =	spop (v2sf);
	(v2sf) =	vpush v0, $0xF  }
0x3ea: {  	v0 =	vmov s31;
	s1 =	sadd.f32 s1, s26;
	s31 =	spop (v2sf)  }
0x3eb: {  	(erf) = vrcp.f32 v0;
	s2 =	smax.f32 s29, s31;
	s4 =	spop (v2sf)  }
0x3ec: {  	s2 =	smax.f32 s2, s4;
	s5 =	spop (v2sf)  }
0x3ed: {  	s2 =	smax.f32 s2, s5;
	s6 =	spop (v2sf)  }
0x3ee: {  	s2 =	smax.f32 s2, s6;
	s7 =	spop (v2sf)  }
0x3ef: {  	s2 =	smax.f32 s2, s7;
	s8 =	spop (v2sf)  }
0x3f0: {  	s2 =	smax.f32 s2, s8;
	s9 =	spop (v2sf)  }
0x3f1: {  	s2 =	smax.f32 s2, s9;
	s16 =	spop (v2sf)  }
0x3f2: {  	s2 =	smax.f32 s2, s16;
	s17 =	spop (v2sf)  }
0x3f3: {  	s2 =	smax.f32 s2, s17;
	s18 =	spop (v2sf)  }
0x3f4: {  	v0 =	vpop (erf);
	s2 =	smax.f32 s2, s18;
	s19 =	spop (v2sf)  }
0x3f5: {  	v0 =	vmul.f32 $1.000000000e+05, v0;
	s2 =	smax.f32 s2, s19;
	s22 =	spop (v2sf)  }
0x3f6: {  	s2 =	smax.f32 s2, s22;
	s23 =	spop (v2sf)  }
0x3f7: {  	vm3 =	veq.s32 v21, $0x0;
	v0 =	vsel vm2, $0x0, v0;
	s2 =	smax.f32 s2, s23;
	s25 =	spop (v2sf)  }
0x3f8: {  	v0 =	vsel vm3, s0, v0;
	vm3 =	veq.s32 v21, $0x1;
	s2 =	smax.f32 s2, s25;
	s26 =	spop (v2sf)  }
0x3f9: {  	s30 =	sadd.s32 $0x1, s30;
	v0 =	vsel vm3, s1, v0;
	vm3 =	veq.s32 v21, $0x2;
	s29 =	smax.f32 s2, s26  }
0x3fa: {  	p1 =	sne.s32 s30, s13;
	v0 =	vsel vm3, s29, v0  }
.Ltmp4:
0x3fb: {  	s31 =	simm.s32 $0x4080;
	s16 =	simm.s32 $0x0;
	[tilespmem:$0x4080] =	vst v0;
	(pc) =	sbr.rel @p1 .LBB2_1-.Ltmp4, $4  }
0x3fc: {  	[hbm4b:s12+s16] =	stream.linear.scatter [tilespmem:s31], [sflag:$0x1], $0x80, $0x38;
	[tilespmem:$0x41A0] =	vst v63  }
0x3fd: {  	_ =	swait.ge [sflag:s15], $0x80  }
0x3fe: {  	[sflag:s15] =	ssyncset.done $0x0  }
0x3ff: {  	v3 =	vimm.f32 $1.000000000e+00;
	[sflag:s15] =	ssyncadd.s32 $0xFFFFFF80  }
0x400: {  	_ =	sfence.sel $0x180000  }
0x401: {  	[bflag:$0x0] =	sbarrier.arrive $0xFFFF  }
0x402: {  	_ =	strace $0x90000047  }
0x403: {  	s0 =	stileid.u32;
	[bflag:$0x2] =	sbarrier.arrive $0xFFFF  }
0x404: {  	p0 =	sne.s32 s0, $0x0;
	s0 =	rddreg [dreg:$0x7]  }
0x405: {  	s0 =	sadd.s32 @!p0 $0x100000, s0  }
0x406: {  	[sflag:s0] =	ssyncadd.tile.s32 @!p0 $0x1;
	_ =	shalt  }
.Lfunc_end2:
_tile_overlayer_lowered:
.L_overlay_start_2:
0x407: {  	(tag) =	ssettag $0x2  }
0x408: {  	s0 =	rddreg [dreg:$0x0];
	s2 =	stileid.u32  }
0x409: {  	s1 =	rddreg [dreg:$0x1];
	p0 =	sne.s32 s2, $0x0  }
0x40a: {  	s3 =	rddreg [dreg:$0x2];
	[bflag:$0x3] =	sbarrier.arrive $0xFFFF;
	s2 =	simm.s32 @!p0 $0x1C01  }
0x40b: {  	[timem:s3], [sflag:s2] =	dma.local @!p0 [hbm:s0], s1  }
0x40c: {  	s0 =	simm.s32 @!p0 $0x1  }
0x40d: {  	_ =	swait.ge @!p0 [sflag:s0], s1  }
0x40e: {  	s1 =	ssub.s32 @!p0 $0x0, s1;
	[sflag:s0] =	ssyncset.done @!p0 $0x0  }
0x40f: {  	[sflag:s0] =	ssyncadd.s32 @!p0 s1  }
0x410: {  	[bflag:$0x3] =	sbarrier.arrive $0xFFFF  }
0x411: {  	_ =	shalt  }

</sc_bundles>
